<compile_context>
chip_gen: v7x
topology: tpu7x:2x2x1
jax: 0.10.2.dev20260603
libtpu: 0.0.44.dev20260713+nightly
codegen_flags: <defaults>
</compile_context>

<pallas_src>
import functools

import jax
import jax.numpy as jnp
from jax import lax
from jax.experimental import pallas as pl
from jax.experimental.pallas import tpu as pltpu
from jax.experimental.pallas import tpu_sc as plsc

N = 10000
E = 320000
D = 128
MSG = 16
PPAD = 16
MROW = 32

NC = 2
NS = 16
NW = NC * NS
NCHUNK = 2
EC = E // NCHUNK
PER_W = EC // NW
G_CH = 200
NIT = PER_W // G_CH
S_CH = 1000

def _silu(v):
    half = jnp.asarray(0.5, v.dtype)
    return v * (half * jnp.tanh(v * half) + half)


@functools.lru_cache(maxsize=None)
def _get_gather_kernel():
    mesh = plsc.VectorSubcoreMesh(core_axis_name="c", subcore_axis_name="s")

    @functools.partial(
        pl.kernel,
        out_type=(
            jax.ShapeDtypeStruct((EC, D), jnp.int32),
            jax.ShapeDtypeStruct((EC, PPAD), jnp.float32),
            jax.ShapeDtypeStruct((EC, PPAD), jnp.float32),
        ),
        mesh=mesh,
        scratch_types=[
            pltpu.VMEM((2, G_CH), jnp.int32),
            pltpu.VMEM((2, G_CH), jnp.int32),
            pltpu.VMEM((2, G_CH, D // 2), jnp.int32),
            pltpu.VMEM((2, G_CH, D // 2), jnp.int32),
            pltpu.VMEM((G_CH, PPAD), jnp.float32),
            pltpu.VMEM((G_CH, PPAD), jnp.float32),
            pltpu.SemaphoreType.DMA,
            pltpu.SemaphoreType.DMA,
            pltpu.SemaphoreType.DMA,
            pltpu.SemaphoreType.DMA,
        ],
        compiler_params=pltpu.CompilerParams(use_tc_tiling_on_sc=False),
    )
    def _gather_kernel(tx, tp, dst, src, gx, gpd, gps,
                       idx_d, idx_s, xb_d, xb_s, pb_d, pb_s,
                       sem_a, sem_b, sem_i, sem_p):
        w = lax.axis_index("s") * NC + lax.axis_index("c")
        base = w * PER_W
        gsem = (sem_a, sem_b)

        def load_idx(i, buf):
            e0 = base + i * G_CH
            pltpu.async_copy(dst.at[pl.ds(e0, G_CH)], idx_d.at[buf], sem_i)
            pltpu.async_copy(src.at[pl.ds(e0, G_CH)], idx_s.at[buf], sem_i)

        def wait_idx(buf):
            pltpu.make_async_copy(dst.at[pl.ds(0, G_CH)], idx_d.at[buf],
                                  sem_i).wait()
            pltpu.make_async_copy(src.at[pl.ds(0, G_CH)], idx_s.at[buf],
                                  sem_i).wait()

        def fire_x(buf):
            pltpu.async_copy(tx.at[idx_d.at[buf]], xb_d.at[buf], gsem[buf])
            pltpu.async_copy(tx.at[idx_s.at[buf]], xb_s.at[buf], gsem[buf])

        def wait_x(buf):
            pltpu.make_async_copy(tx.at[idx_d.at[buf]], xb_d.at[buf],
                                  gsem[buf]).wait()
            pltpu.make_async_copy(tx.at[idx_s.at[buf]], xb_s.at[buf],
                                  gsem[buf]).wait()

        def fire_pos(buf):
            pltpu.async_copy(tp.at[idx_d.at[buf]], pb_d, sem_p)
            pltpu.async_copy(tp.at[idx_s.at[buf]], pb_s, sem_p)

        def wait_pos():
            pltpu.make_async_copy(tp.at[idx_d.at[0]], pb_d, sem_p).wait()
            pltpu.make_async_copy(tp.at[idx_s.at[0]], pb_s, sem_p).wait()

        def wb_x(i, buf):
            e0 = base + i * G_CH
            pltpu.sync_copy(xb_d.at[buf],
                            gx.at[pl.ds(e0, G_CH), pl.ds(0, D // 2)])
            pltpu.sync_copy(xb_s.at[buf],
                            gx.at[pl.ds(e0, G_CH), pl.ds(D // 2, D // 2)])

        def wb_pos(i):
            e0 = base + i * G_CH
            pltpu.sync_copy(pb_d, gpd.at[pl.ds(e0, G_CH)])
            pltpu.sync_copy(pb_s, gps.at[pl.ds(e0, G_CH)])

        load_idx(0, 0)
        wait_idx(0)
        fire_x(0)
        fire_pos(0)
        load_idx(1, 1)

        @pl.loop(0, (NIT - 1) // 2)
        def _(k):
            i1 = 2 * k + 1
            wait_idx(1)
            fire_x(1)
            wait_x(0)
            wb_x(i1 - 1, 0)
            wait_pos()
            wb_pos(i1 - 1)
            fire_pos(1)

            @pl.when(i1 + 1 < NIT)
            def _():
                load_idx(i1 + 1, 0)
                wait_idx(0)
                fire_x(0)

            wait_x(1)
            wb_x(i1, 1)
            wait_pos()
            wb_pos(i1)

            @pl.when(i1 + 1 < NIT)
            def _():
                fire_pos(0)

            @pl.when(i1 + 2 < NIT)
            def _():
                load_idx(i1 + 2, 1)

        wait_x(0)
        wb_x(NIT - 1, 0)
        wait_pos()
        wb_pos(NIT - 1)

    return _gather_kernel


EB = 4000


def _edge_body(gx, gpd, gps, w1ab, w1c16, b1, w2, b2, w5, b5, w6, b6, out):
    rel = gpd[...] - gps[...]
    rel2 = rel * rel
    w = gx[...]
    xlo = lax.bitcast_convert_type(w << 16, jnp.float32)
    xhi = lax.bitcast_convert_type(w & jnp.int32(-65536), jnp.float32)
    xcat = jnp.concatenate([xlo, xhi], axis=1)
    acc = lax.dot_general(xcat, w1ab[...], (((1,), (0,)), ((), ())),
                          preferred_element_type=jnp.float32)
    accd = lax.dot_general(rel2, w1c16[...], (((1,), (0,)), ((), ())),
                           preferred_element_type=jnp.float32)
    hpre = (acc + accd + b1[...]).astype(jnp.bfloat16)
    h = _silu(hpre)
    mpre = lax.dot_general(h, w2[...], (((1,), (0,)), ((), ())),
                           preferred_element_type=jnp.float32) + b2[...]
    msg = _silu(mpre)
    t = _silu(jnp.dot(msg, w5[...], preferred_element_type=jnp.float32)
              + b5[...])
    cw = jnp.dot(t, w6[...], preferred_element_type=jnp.float32) + b6[...]
    out[:, 0:MSG] = msg
    out[:, MSG:MROW] = rel * cw


def _edge_mlp(gx, gpd, gps, w1ab, w1c16, b1, w2, b2, w5, b5, w6, b6):
    ein = 2 * D + 1
    const = lambda shape: pl.BlockSpec(shape, lambda i: (0, 0))
    return pl.pallas_call(
        _edge_body,
        grid=(EC // EB,),
        in_specs=[
            pl.BlockSpec((EB, D), lambda i: (i, 0)),
            pl.BlockSpec((EB, PPAD), lambda i: (i, 0)),
            pl.BlockSpec((EB, PPAD), lambda i: (i, 0)),
            const((2 * D, ein)),
            const((PPAD, ein)),
            const((1, ein)),
            const((ein, MSG)),
            const((1, MSG)),
            const((MSG, 2 * MSG)),
            const((1, 2 * MSG)),
            const((2 * MSG, 1)),
            const((1, 1)),
        ],
        out_specs=pl.BlockSpec((EB, MROW), lambda i: (i, 0)),
        out_shape=jax.ShapeDtypeStruct((EC, MROW), jnp.float32),
    )(gx, gpd, gps, w1ab, w1c16, b1, w2, b2, w5, b5, w6, b6)


@functools.lru_cache(maxsize=None)
def _get_scatter_kernel():
    mesh = plsc.VectorSubcoreMesh(core_axis_name="c", subcore_axis_name="s")

    @functools.partial(
        pl.kernel,
        out_type=jax.ShapeDtypeStruct((NC, N, MROW), jnp.float32),
        mesh=mesh,
        scratch_types=[
            pltpu.VMEM((S_CH,), jnp.int32),
            pltpu.VMEM((S_CH, MROW), jnp.float32),
            pltpu.VMEM_SHARED((N, MROW), jnp.float32),
            pltpu.SemaphoreType.DMA,
        ],
        compiler_params=pltpu.CompilerParams(use_tc_tiling_on_sc=False),
    )
    def _scatter_kernel(m, dst, zeros, out, idx_v, rows_v, accum, sem):
        c = lax.axis_index("c")
        s = lax.axis_index("s")
        w = s * NC + c
        base = w * PER_W

        @pl.when(s == 0)
        def _():
            pltpu.sync_copy(zeros, accum)

        plsc.subcore_barrier()

        @pl.loop(0, PER_W, step=S_CH)
        def _(off):
            e0 = base + off
            pltpu.sync_copy(dst.at[pl.ds(e0, S_CH)], idx_v)
            pltpu.sync_copy(m.at[pl.ds(e0, S_CH)], rows_v)
            pltpu.sync_copy(rows_v, accum.at[idx_v], add=True)

        plsc.subcore_barrier()

        @pl.when(s == 0)
        def _():
            pltpu.sync_copy(accum, out.at[c])

    return _scatter_kernel


NB = 2000


def _node_body(x, pos, p0, p1, p2, p3, w3a, w3b, b3, w4, b4, out_x, out_pos):
    agg = (p0[...] + p1[...]) + (p2[...] + p3[...])
    am = agg[:, 0:MSG]
    ap = agg[:, MSG:MSG + 3]
    h1 = (jnp.dot(x[...], w3a[...], preferred_element_type=jnp.float32)
          + jnp.dot(am, w3b[...], preferred_element_type=jnp.float32)
          + b3[...])
    out_x[...] = (jnp.dot(_silu(h1), w4[...],
                          preferred_element_type=jnp.float32) + b4[...])
    out_pos[...] = pos[...] + ap


def _node_mlp(x, pos, p0, p1, p2, p3, w3a, w3b, b3, w4, b4):
    const = lambda shape: pl.BlockSpec(shape, lambda i: (0, 0))
    return pl.pallas_call(
        _node_body,
        grid=(N // NB,),
        in_specs=[
            pl.BlockSpec((NB, D), lambda i: (i, 0)),
            pl.BlockSpec((NB, 3), lambda i: (i, 0)),
            pl.BlockSpec((NB, MROW), lambda i: (i, 0)),
            pl.BlockSpec((NB, MROW), lambda i: (i, 0)),
            pl.BlockSpec((NB, MROW), lambda i: (i, 0)),
            pl.BlockSpec((NB, MROW), lambda i: (i, 0)),
            const((D, D)),
            const((MSG, D)),
            const((1, D)),
            const((D, D)),
            const((1, D)),
        ],
        out_specs=[
            pl.BlockSpec((NB, D), lambda i: (i, 0)),
            pl.BlockSpec((NB, 3), lambda i: (i, 0)),
        ],
        out_shape=[
            jax.ShapeDtypeStruct((N, D), jnp.float32),
            jax.ShapeDtypeStruct((N, 3), jnp.float32),
        ],
    )(x, pos, p0, p1, p2, p3, w3a, w3b, b3, w4, b4)


def kernel(x, pos, edge_index, W1, b1, W2, b2, W3, b3, W4, b4, W5, b5, W6, b6):
    src = edge_index[0].astype(jnp.int32)
    dst = edge_index[1].astype(jnp.int32)

    tp = jnp.pad(pos, ((0, 0), (0, PPAD - 3)))
    xu = jax.lax.bitcast_convert_type(
        x.astype(jnp.bfloat16), jnp.uint16).astype(jnp.uint32)
    txp = jax.lax.bitcast_convert_type(
        xu[:, :D // 2] | (xu[:, D // 2:] << 16), jnp.int32)

    H = D // 2
    w1ab = jnp.concatenate(
        [W1[0:H], W1[D:D + H], W1[H:D], W1[D + H:2 * D]])
    w1c16 = jnp.tile(W1[2 * D:], (PPAD, 1))
    w2b = W2.astype(jnp.bfloat16)
    zeros = jnp.zeros((N, MROW), jnp.float32)

    partials = []
    for c in range(NCHUNK):
        dst_c = dst[c * EC:(c + 1) * EC]
        src_c = src[c * EC:(c + 1) * EC]
        gxp, gpd, gps = _get_gather_kernel()(txp, tp, dst_c, src_c)
        m = _edge_mlp(gxp, gpd, gps, w1ab, w1c16, b1[None, :],
                      w2b, b2[None, :], W5, b5[None, :], W6, b6[None, :])
        partials.append(_get_scatter_kernel()(m, dst_c, zeros))

    out_x, out_pos = _node_mlp(x, pos,
                               partials[0][0], partials[0][1],
                               partials[1][0], partials[1][1],
                               W3[:D], W3[D:], b3[None, :], W4, b4[None, :])
    return (out_x, out_pos)

# --- scband reference (transcript-rebuilt; emitter-appended) ---
"""Pipeline reference for scband-prot-egnn-28166395527436 (READ-ONLY COPY).

The authoritative reference and input builder live on the scoring server;
editing this copy changes nothing except your own understanding.
"""

import jax, jax.numpy as jnp
import numpy as np

N = 10000
E = 320000
D = 128
MSG = 16

def _silu(x):
    return x * jax.nn.sigmoid(x)

def setup_inputs(seed: int = 0):
    key = jax.random.key(seed)
    ks = jax.random.split(key, 12)
    std = 0.001
    ein = 2 * D + 1
    inp = {}
    inp["x"] = jax.random.normal(ks[0], (N, D), dtype=jnp.float32)
    inp["pos"] = jax.random.normal(ks[1], (N, 3), dtype=jnp.float32)
    inp["edge_index"] = jax.random.randint(ks[2], (2, E), 0, N)
    inp["W1"] = jax.random.normal(ks[3], (ein, ein), dtype=jnp.float32) * std
    inp["b1"] = jnp.zeros((ein,), dtype=jnp.float32)
    inp["W2"] = jax.random.normal(ks[4], (ein, MSG), dtype=jnp.float32) * std
    inp["b2"] = jnp.zeros((MSG,), dtype=jnp.float32)
    inp["W3"] = jax.random.normal(ks[5], (D + MSG, D), dtype=jnp.float32) * std
    inp["b3"] = jnp.zeros((D,), dtype=jnp.float32)
    inp["W4"] = jax.random.normal(ks[6], (D, D), dtype=jnp.float32) * std
    inp["b4"] = jnp.zeros((D,), dtype=jnp.float32)
    inp["W5"] = jax.random.normal(ks[7], (MSG, 2 * MSG), dtype=jnp.float32) * std
    inp["b5"] = jnp.zeros((2 * MSG,), dtype=jnp.float32)
    inp["W6"] = jax.random.normal(ks[8], (2 * MSG, 1), dtype=jnp.float32) * std
    inp["b6"] = jnp.zeros((1,), dtype=jnp.float32)
    return inp

def reference(x, pos, edge_index, W1, b1, W2, b2, W3, b3, W4, b4, W5, b5, W6, b6):
    # E_GCL forward with use_fc=False, vel=None, edge_attr=None, no attention/norms
    src = edge_index[0]
    dst = edge_index[1]
    # message(): x_i/pos_i are target (dst), x_j/pos_j are source (src)
    x_i = jnp.take(x, dst, axis=0)
    x_j = jnp.take(x, src, axis=0)
    pos_i = jnp.take(pos, dst, axis=0)
    pos_j = jnp.take(pos, src, axis=0)
    rel = pos_i - pos_j
    d2 = jnp.sum(rel * rel, axis=1, keepdims=True)
    m = jnp.concatenate([x_i, x_j, d2], axis=1)
    h = _silu(m @ W1 + b1)
    msg = _silu(h @ W2 + b2)
    cw = _silu(msg @ W5 + b5) @ W6 + b6
    pos_msg = rel * cw
    # aggregate(): scatter-add by dst index (orig_index == edge_index[1] when use_fc=False)
    agg_msg = jax.ops.segment_sum(msg, dst, num_segments=N)
    agg_pos = jax.ops.segment_sum(pos_msg, dst, num_segments=N)
    # update / node MLP
    hx = jnp.concatenate([x, agg_msg], axis=1)
    out_x = _silu(hx @ W3 + b3) @ W4 + b4
    out_pos = agg_pos + pos
    return (out_x, out_pos)

if __name__ == "__main__":
    import jax
    _d = setup_inputs()
    print(jax.jit(kernel)(*tuple(_d.values())))

</pallas_src>

<mosaic_0001>
#map = affine_map<(d0, d1) -> (0, 0)>
#map1 = affine_map<(d0, d1) -> (0)>
#map2 = affine_map<(d0, d1) -> (0, 0, 0)>
module attributes {stable_mosaic.version = 14 : i64} {
  func.func @_scatter_kernel(%arg0: i32, %arg1: i32, %arg2: memref<160000x32xf32, #tpu.memory_space<hbm>>, %arg3: memref<160000xi32, #tpu.memory_space<hbm>>, %arg4: memref<10000x32xf32, #tpu.memory_space<hbm>>, %arg5: memref<2x10000x32xf32, #tpu.memory_space<hbm>>, %arg6: memref<1000xi32, #tpu.memory_space<vmem>>, %arg7: memref<1000x32xf32, #tpu.memory_space<vmem>>, %arg8: memref<10000x32xf32, #tpu.memory_space<vmem_shared>>, %arg9: memref<!tpu.dma_semaphore, #tpu.memory_space<semaphore_mem>>) attributes {dimension_semantics = [#tpu.dimension_semantics<core_parallel>, #tpu.dimension_semantics<subcore_parallel>], iteration_bounds = array<i64: 2, 16>, scalar_prefetch = 0 : i64, scratch_operands = 4 : i64, tpu.core_type = #tpu.core_type<sc_vector_subcore>, window_params = [{transform_indices = #map}, {transform_indices = #map1}, {transform_indices = #map}, {transform_indices = #map2}]} {
    %mul3A = arith.constant 2 : i32
    %mul3A_0 = arith.muli %arg1, %mul3A : i32
    %add3A = arith.addi %mul3A_0, %arg0 : i32
    %mul3A_1 = arith.constant 5000 : i32
    %mul3A_2 = arith.muli %add3A, %mul3A_1 : i32
    %eq3A = arith.constant 0 : i32
    %eq3A_3 = arith.cmpi eq, %arg1, %eq3A : i32
    %convert_element_type3A = arith.extui %eq3A_3 : i1 to i32
    %cond3A = arith.constant 0 : i32
    %cond3A_4 = arith.cmpi ne, %convert_element_type3A, %cond3A : i32
    scf.if %cond3A_4 {
      "tpu.region"() ({
        %run_scoped3A = tpu.sem_alloc : memref<!tpu.dma_semaphore, #tpu.memory_space<semaphore_mem>>
        tpu.enqueue_dma source(%arg4 : memref<10000x32xf32, #tpu.memory_space<hbm>>) target(%arg8 : memref<10000x32xf32, #tpu.memory_space<vmem_shared>>) target_semaphore(%run_scoped3A : memref<!tpu.dma_semaphore, #tpu.memory_space<semaphore_mem>>)
        tpu.wait_dma2 semaphore(%run_scoped3A : memref<!tpu.dma_semaphore, #tpu.memory_space<semaphore_mem>>) src(%arg4 : memref<10000x32xf32, #tpu.memory_space<hbm>>) dst(%arg8 : memref<10000x32xf32, #tpu.memory_space<vmem_shared>>)
        tpu.yield
      }) : () -> ()
    } else {
    }
    %barrier3A = arith.constant 0 : index
    tpu.barrier barrier_id(%barrier3A)
    %scan3A = arith.constant 0 : i32
    %scan3A_5 = arith.constant 5 : i32
    %scan3A_6 = arith.addi %scan3A, %scan3A_5 : i32
    %scan3A_7 = arith.constant 1 : i32
    scf.for %scan3A_15 = %scan3A to %scan3A_6 step %scan3A_7  : i32 {
      %mul3A_16 = arith.constant 1000 : i32
      %mul3A_17 = arith.muli %scan3A_15, %mul3A_16 : i32
      %add3A_18 = arith.constant 0 : i32
      %add3A_19 = arith.addi %add3A_18, %mul3A_17 : i32
      %add3A_20 = arith.addi %mul3A_2, %add3A_19 : i32
      "tpu.region"() ({
        %run_scoped3A = tpu.sem_alloc : memref<!tpu.dma_semaphore, #tpu.memory_space<semaphore_mem>>
        %dma_start3A = tpu.memref_slice %arg3[%add3A_20] : memref<160000xi32, #tpu.memory_space<hbm>> -> memref<1000xi32, #tpu.memory_space<hbm>>
        %dma_start3A_21 = tpu.memref_slice %arg3[%add3A_20] : memref<160000xi32, #tpu.memory_space<hbm>> -> memref<1000xi32, #tpu.memory_space<hbm>>
        tpu.enqueue_dma source(%dma_start3A_21 : memref<1000xi32, #tpu.memory_space<hbm>>) target(%arg6 : memref<1000xi32, #tpu.memory_space<vmem>>) target_semaphore(%run_scoped3A : memref<!tpu.dma_semaphore, #tpu.memory_space<semaphore_mem>>)
        %dma_wait3A = tpu.memref_slice %arg3[%add3A_20] : memref<160000xi32, #tpu.memory_space<hbm>> -> memref<1000xi32, #tpu.memory_space<hbm>>
        %dma_wait3A_22 = tpu.memref_slice %arg3[%add3A_20] : memref<160000xi32, #tpu.memory_space<hbm>> -> memref<1000xi32, #tpu.memory_space<hbm>>
        tpu.wait_dma2 semaphore(%run_scoped3A : memref<!tpu.dma_semaphore, #tpu.memory_space<semaphore_mem>>) src(%dma_wait3A_22 : memref<1000xi32, #tpu.memory_space<hbm>>) dst(%arg6 : memref<1000xi32, #tpu.memory_space<vmem>>)
        tpu.yield
      }) : () -> ()
      "tpu.region"() ({
        %run_scoped3A = tpu.sem_alloc : memref<!tpu.dma_semaphore, #tpu.memory_space<semaphore_mem>>
        %dma_start3A = arith.constant 0 : i32
        %dma_start3A_21 = tpu.memref_slice %arg2[%add3A_20, %dma_start3A] : memref<160000x32xf32, #tpu.memory_space<hbm>> -> memref<1000x32xf32, #tpu.memory_space<hbm>>
        %dma_start3A_22 = arith.constant 0 : i32
        %dma_start3A_23 = tpu.memref_slice %arg2[%add3A_20, %dma_start3A_22] : memref<160000x32xf32, #tpu.memory_space<hbm>> -> memref<1000x32xf32, #tpu.memory_space<hbm>>
        tpu.enqueue_dma source(%dma_start3A_23 : memref<1000x32xf32, #tpu.memory_space<hbm>>) target(%arg7 : memref<1000x32xf32, #tpu.memory_space<vmem>>) target_semaphore(%run_scoped3A : memref<!tpu.dma_semaphore, #tpu.memory_space<semaphore_mem>>)
        %dma_wait3A = arith.constant 0 : i32
        %dma_wait3A_24 = tpu.memref_slice %arg2[%add3A_20, %dma_wait3A] : memref<160000x32xf32, #tpu.memory_space<hbm>> -> memref<1000x32xf32, #tpu.memory_space<hbm>>
        %dma_wait3A_25 = arith.constant 0 : i32
        %dma_wait3A_26 = tpu.memref_slice %arg2[%add3A_20, %dma_wait3A_25] : memref<160000x32xf32, #tpu.memory_space<hbm>> -> memref<1000x32xf32, #tpu.memory_space<hbm>>
        tpu.wait_dma2 semaphore(%run_scoped3A : memref<!tpu.dma_semaphore, #tpu.memory_space<semaphore_mem>>) src(%dma_wait3A_26 : memref<1000x32xf32, #tpu.memory_space<hbm>>) dst(%arg7 : memref<1000x32xf32, #tpu.memory_space<vmem>>)
        tpu.yield
      }) : () -> ()
      "tpu.region"() ({
        %run_scoped3A = tpu.sem_alloc : memref<!tpu.dma_semaphore, #tpu.memory_space<semaphore_mem>>
        %dma_start3A = arith.constant 0 : i32
        %dma_start3A_21 = arith.constant 0 : i32
        %dma_start3A_22 = tpu.memref_slice %arg8[%dma_start3A, %dma_start3A_21] : memref<10000x32xf32, #tpu.memory_space<vmem_shared>> -> memref<10000x32xf32, #tpu.memory_space<vmem_shared>>
        tpu.enqueue_indirect_dma source(%arg7 : memref<1000x32xf32, #tpu.memory_space<vmem>>) target(%dma_start3A_22 : memref<10000x32xf32, #tpu.memory_space<vmem_shared>>) offsets(%arg6 : memref<1000xi32, #tpu.memory_space<vmem>>) semaphore(%run_scoped3A : memref<!tpu.dma_semaphore, #tpu.memory_space<semaphore_mem>>) {add = true}
        %dma_wait3A = arith.constant 0 : i32
        %dma_wait3A_23 = arith.constant 0 : i32
        %dma_wait3A_24 = tpu.memref_slice %arg8[%dma_wait3A, %dma_wait3A_23] : memref<10000x32xf32, #tpu.memory_space<vmem_shared>> -> memref<10000x32xf32, #tpu.memory_space<vmem_shared>>
        tpu.wait_indirect_dma semaphore(%run_scoped3A : memref<!tpu.dma_semaphore, #tpu.memory_space<semaphore_mem>>) src(%arg7 : memref<1000x32xf32, #tpu.memory_space<vmem>>) dst(%dma_wait3A_24 : memref<10000x32xf32, #tpu.memory_space<vmem_shared>>)
        tpu.yield
      }) : () -> ()
    }
    %scan3A_8 = arith.constant 5 : i32
    %barrier3A_9 = arith.constant 0 : index
    tpu.barrier barrier_id(%barrier3A_9)
    %eq3A_10 = arith.constant 0 : i32
    %eq3A_11 = arith.cmpi eq, %arg1, %eq3A_10 : i32
    %convert_element_type3A_12 = arith.extui %eq3A_11 : i1 to i32
    %cond3A_13 = arith.constant 0 : i32
    %cond3A_14 = arith.cmpi ne, %convert_element_type3A_12, %cond3A_13 : i32
    scf.if %cond3A_14 {
      "tpu.region"() ({
        %run_scoped3A = tpu.sem_alloc : memref<!tpu.dma_semaphore, #tpu.memory_space<semaphore_mem>>
        %dma_start3A = arith.constant 0 : i32
        %dma_start3A_15 = arith.constant 0 : i32
        %dma_start3A_16 = tpu.memref_slice %arg5[%arg0, %dma_start3A, %dma_start3A_15] : memref<2x10000x32xf32, #tpu.memory_space<hbm>> -> memref<1x10000x32xf32, #tpu.memory_space<hbm>>
        %dma_start3A_17 = tpu.memref_squeeze %dma_start3A_16 : memref<1x10000x32xf32, #tpu.memory_space<hbm>> -> memref<10000x32xf32, #tpu.memory_space<hbm>>
        tpu.enqueue_dma source(%arg8 : memref<10000x32xf32, #tpu.memory_space<vmem_shared>>) target(%dma_start3A_17 : memref<10000x32xf32, #tpu.memory_space<hbm>>) target_semaphore(%run_scoped3A : memref<!tpu.dma_semaphore, #tpu.memory_space<semaphore_mem>>)
        %dma_wait3A = arith.constant 0 : i32
        %dma_wait3A_18 = arith.constant 0 : i32
        %dma_wait3A_19 = tpu.memref_slice %arg5[%arg0, %dma_wait3A, %dma_wait3A_18] : memref<2x10000x32xf32, #tpu.memory_space<hbm>> -> memref<1x10000x32xf32, #tpu.memory_space<hbm>>
        %dma_wait3A_20 = tpu.memref_squeeze %dma_wait3A_19 : memref<1x10000x32xf32, #tpu.memory_space<hbm>> -> memref<10000x32xf32, #tpu.memory_space<hbm>>
        tpu.wait_dma2 semaphore(%run_scoped3A : memref<!tpu.dma_semaphore, #tpu.memory_space<semaphore_mem>>) src(%arg8 : memref<10000x32xf32, #tpu.memory_space<vmem_shared>>) dst(%dma_wait3A_20 : memref<10000x32xf32, #tpu.memory_space<hbm>>)
        tpu.yield
      }) : () -> ()
    } else {
    }
    return
  }
}

#map = affine_map<(d0, d1) -> (0, 0)>
#map1 = affine_map<(d0, d1) -> (0)>
module attributes {stable_mosaic.version = 14 : i64} {
  func.func @_gather_kernel(%arg0: i32, %arg1: i32, %arg2: memref<10000x64xi32, #tpu.memory_space<hbm>>, %arg3: memref<10000x16xf32, #tpu.memory_space<hbm>>, %arg4: memref<160000xi32, #tpu.memory_space<hbm>>, %arg5: memref<160000xi32, #tpu.memory_space<hbm>>, %arg6: memref<160000x128xi32, #tpu.memory_space<hbm>>, %arg7: memref<160000x16xf32, #tpu.memory_space<hbm>>, %arg8: memref<160000x16xf32, #tpu.memory_space<hbm>>, %arg9: memref<2x200xi32, #tpu.memory_space<vmem>>, %arg10: memref<2x200xi32, #tpu.memory_space<vmem>>, %arg11: memref<2x200x64xi32, #tpu.memory_space<vmem>>, %arg12: memref<2x200x64xi32, #tpu.memory_space<vmem>>, %arg13: memref<200x16xf32, #tpu.memory_space<vmem>>, %arg14: memref<200x16xf32, #tpu.memory_space<vmem>>, %arg15: memref<!tpu.dma_semaphore, #tpu.memory_space<semaphore_mem>>, %arg16: memref<!tpu.dma_semaphore, #tpu.memory_space<semaphore_mem>>, %arg17: memref<!tpu.dma_semaphore, #tpu.memory_space<semaphore_mem>>, %arg18: memref<!tpu.dma_semaphore, #tpu.memory_space<semaphore_mem>>) attributes {dimension_semantics = [#tpu.dimension_semantics<core_parallel>, #tpu.dimension_semantics<subcore_parallel>], iteration_bounds = array<i64: 2, 16>, scalar_prefetch = 0 : i64, scratch_operands = 10 : i64, tpu.core_type = #tpu.core_type<sc_vector_subcore>, window_params = [{transform_indices = #map}, {transform_indices = #map}, {transform_indices = #map1}, {transform_indices = #map1}, {transform_indices = #map}, {transform_indices = #map}, {transform_indices = #map}]} {
    %mul3A = arith.constant 2 : i32
    %mul3A_0 = arith.muli %arg1, %mul3A : i32
    %add3A = arith.addi %mul3A_0, %arg0 : i32
    %mul3A_1 = arith.constant 5000 : i32
    %mul3A_2 = arith.muli %add3A, %mul3A_1 : i32
    %add3A_3 = arith.constant 0 : i32
    %add3A_4 = arith.addi %mul3A_2, %add3A_3 : i32
    %dma_start3A = arith.constant 0 : i32
    %dma_start3A_5 = arith.constant 0 : i32
    %dma_start3A_6 = tpu.memref_slice %arg9[%dma_start3A, %dma_start3A_5] : memref<2x200xi32, #tpu.memory_space<vmem>> -> memref<1x200xi32, #tpu.memory_space<vmem>>
    %dma_start3A_7 = tpu.memref_squeeze %dma_start3A_6 : memref<1x200xi32, #tpu.memory_space<vmem>> -> memref<200xi32, #tpu.memory_space<vmem>>
    %dma_start3A_8 = tpu.memref_slice %arg4[%add3A_4] : memref<160000xi32, #tpu.memory_space<hbm>> -> memref<200xi32, #tpu.memory_space<hbm>>
    %dma_start3A_9 = arith.constant 0 : i32
    %dma_start3A_10 = tpu.memref_slice %arg9[%dma_start3A, %dma_start3A_9] : memref<2x200xi32, #tpu.memory_space<vmem>> -> memref<1x200xi32, #tpu.memory_space<vmem>>
    %dma_start3A_11 = tpu.memref_squeeze %dma_start3A_10 : memref<1x200xi32, #tpu.memory_space<vmem>> -> memref<200xi32, #tpu.memory_space<vmem>>
    %dma_start3A_12 = tpu.memref_slice %arg4[%add3A_4] : memref<160000xi32, #tpu.memory_space<hbm>> -> memref<200xi32, #tpu.memory_space<hbm>>
    tpu.enqueue_dma source(%dma_start3A_12 : memref<200xi32, #tpu.memory_space<hbm>>) target(%dma_start3A_11 : memref<200xi32, #tpu.memory_space<vmem>>) target_semaphore(%arg17 : memref<!tpu.dma_semaphore, #tpu.memory_space<semaphore_mem>>)
    %dma_start3A_13 = arith.constant 0 : i32
    %dma_start3A_14 = arith.constant 0 : i32
    %dma_start3A_15 = tpu.memref_slice %arg10[%dma_start3A_13, %dma_start3A_14] : memref<2x200xi32, #tpu.memory_space<vmem>> -> memref<1x200xi32, #tpu.memory_space<vmem>>
    %dma_start3A_16 = tpu.memref_squeeze %dma_start3A_15 : memref<1x200xi32, #tpu.memory_space<vmem>> -> memref<200xi32, #tpu.memory_space<vmem>>
    %dma_start3A_17 = tpu.memref_slice %arg5[%add3A_4] : memref<160000xi32, #tpu.memory_space<hbm>> -> memref<200xi32, #tpu.memory_space<hbm>>
    %dma_start3A_18 = arith.constant 0 : i32
    %dma_start3A_19 = tpu.memref_slice %arg10[%dma_start3A_13, %dma_start3A_18] : memref<2x200xi32, #tpu.memory_space<vmem>> -> memref<1x200xi32, #tpu.memory_space<vmem>>
    %dma_start3A_20 = tpu.memref_squeeze %dma_start3A_19 : memref<1x200xi32, #tpu.memory_space<vmem>> -> memref<200xi32, #tpu.memory_space<vmem>>
    %dma_start3A_21 = tpu.memref_slice %arg5[%add3A_4] : memref<160000xi32, #tpu.memory_space<hbm>> -> memref<200xi32, #tpu.memory_space<hbm>>
    tpu.enqueue_dma source(%dma_start3A_21 : memref<200xi32, #tpu.memory_space<hbm>>) target(%dma_start3A_20 : memref<200xi32, #tpu.memory_space<vmem>>) target_semaphore(%arg17 : memref<!tpu.dma_semaphore, #tpu.memory_space<semaphore_mem>>)
    %dma_wait3A = arith.constant 0 : i32
    %dma_wait3A_22 = arith.constant 0 : i32
    %dma_wait3A_23 = tpu.memref_slice %arg9[%dma_wait3A, %dma_wait3A_22] : memref<2x200xi32, #tpu.memory_space<vmem>> -> memref<1x200xi32, #tpu.memory_space<vmem>>
    %dma_wait3A_24 = tpu.memref_squeeze %dma_wait3A_23 : memref<1x200xi32, #tpu.memory_space<vmem>> -> memref<200xi32, #tpu.memory_space<vmem>>
    %dma_wait3A_25 = arith.constant 0 : i32
    %dma_wait3A_26 = tpu.memref_slice %arg4[%dma_wait3A_25] : memref<160000xi32, #tpu.memory_space<hbm>> -> memref<200xi32, #tpu.memory_space<hbm>>
    %dma_wait3A_27 = arith.constant 0 : i32
    %dma_wait3A_28 = tpu.memref_slice %arg9[%dma_wait3A, %dma_wait3A_27] : memref<2x200xi32, #tpu.memory_space<vmem>> -> memref<1x200xi32, #tpu.memory_space<vmem>>
    %dma_wait3A_29 = tpu.memref_squeeze %dma_wait3A_28 : memref<1x200xi32, #tpu.memory_space<vmem>> -> memref<200xi32, #tpu.memory_space<vmem>>
    %dma_wait3A_30 = arith.constant 0 : i32
    %dma_wait3A_31 = tpu.memref_slice %arg4[%dma_wait3A_30] : memref<160000xi32, #tpu.memory_space<hbm>> -> memref<200xi32, #tpu.memory_space<hbm>>
    tpu.wait_dma2 semaphore(%arg17 : memref<!tpu.dma_semaphore, #tpu.memory_space<semaphore_mem>>) src(%dma_wait3A_31 : memref<200xi32, #tpu.memory_space<hbm>>) dst(%dma_wait3A_29 : memref<200xi32, #tpu.memory_space<vmem>>)
    %dma_wait3A_32 = arith.constant 0 : i32
    %dma_wait3A_33 = arith.constant 0 : i32
    %dma_wait3A_34 = tpu.memref_slice %arg10[%dma_wait3A_32, %dma_wait3A_33] : memref<2x200xi32, #tpu.memory_space<vmem>> -> memref<1x200xi32, #tpu.memory_space<vmem>>
    %dma_wait3A_35 = tpu.memref_squeeze %dma_wait3A_34 : memref<1x200xi32, #tpu.memory_space<vmem>> -> memref<200xi32, #tpu.memory_space<vmem>>
    %dma_wait3A_36 = arith.constant 0 : i32
    %dma_wait3A_37 = tpu.memref_slice %arg5[%dma_wait3A_36] : memref<160000xi32, #tpu.memory_space<hbm>> -> memref<200xi32, #tpu.memory_space<hbm>>
    %dma_wait3A_38 = arith.constant 0 : i32
    %dma_wait3A_39 = tpu.memref_slice %arg10[%dma_wait3A_32, %dma_wait3A_38] : memref<2x200xi32, #tpu.memory_space<vmem>> -> memref<1x200xi32, #tpu.memory_space<vmem>>
    %dma_wait3A_40 = tpu.memref_squeeze %dma_wait3A_39 : memref<1x200xi32, #tpu.memory_space<vmem>> -> memref<200xi32, #tpu.memory_space<vmem>>
    %dma_wait3A_41 = arith.constant 0 : i32
    %dma_wait3A_42 = tpu.memref_slice %arg5[%dma_wait3A_41] : memref<160000xi32, #tpu.memory_space<hbm>> -> memref<200xi32, #tpu.memory_space<hbm>>
    tpu.wait_dma2 semaphore(%arg17 : memref<!tpu.dma_semaphore, #tpu.memory_space<semaphore_mem>>) src(%dma_wait3A_42 : memref<200xi32, #tpu.memory_space<hbm>>) dst(%dma_wait3A_40 : memref<200xi32, #tpu.memory_space<vmem>>)
    %dma_start3A_43 = arith.constant 0 : i32
    %dma_start3A_44 = arith.constant 0 : i32
    %dma_start3A_45 = arith.constant 0 : i32
    %dma_start3A_46 = arith.constant 0 : i32
    %dma_start3A_47 = tpu.memref_slice %arg11[%dma_start3A_44, %dma_start3A_45, %dma_start3A_46] : memref<2x200x64xi32, #tpu.memory_space<vmem>> -> memref<1x200x64xi32, #tpu.memory_space<vmem>>
    %dma_start3A_48 = tpu.memref_squeeze %dma_start3A_47 : memref<1x200x64xi32, #tpu.memory_space<vmem>> -> memref<200x64xi32, #tpu.memory_space<vmem>>
    %dma_start3A_49 = arith.constant 0 : i32
    %dma_start3A_50 = tpu.memref_slice %arg9[%dma_start3A_43, %dma_start3A_49] : memref<2x200xi32, #tpu.memory_space<vmem>> -> memref<1x200xi32, #tpu.memory_space<vmem>>
    %dma_start3A_51 = tpu.memref_squeeze %dma_start3A_50 : memref<1x200xi32, #tpu.memory_space<vmem>> -> memref<200xi32, #tpu.memory_space<vmem>>
    %dma_start3A_52 = arith.constant 0 : i32
    %dma_start3A_53 = arith.constant 0 : i32
    %dma_start3A_54 = tpu.memref_slice %arg2[%dma_start3A_52, %dma_start3A_53] : memref<10000x64xi32, #tpu.memory_space<hbm>> -> memref<10000x64xi32, #tpu.memory_space<hbm>>
    tpu.enqueue_indirect_dma source(%dma_start3A_54 : memref<10000x64xi32, #tpu.memory_space<hbm>>) target(%dma_start3A_48 : memref<200x64xi32, #tpu.memory_space<vmem>>) offsets(%dma_start3A_51 : memref<200xi32, #tpu.memory_space<vmem>>) semaphore(%arg15 : memref<!tpu.dma_semaphore, #tpu.memory_space<semaphore_mem>>)
    %dma_start3A_55 = arith.constant 0 : i32
    %dma_start3A_56 = arith.constant 0 : i32
    %dma_start3A_57 = arith.constant 0 : i32
    %dma_start3A_58 = arith.constant 0 : i32
    %dma_start3A_59 = tpu.memref_slice %arg12[%dma_start3A_56, %dma_start3A_57, %dma_start3A_58] : memref<2x200x64xi32, #tpu.memory_space<vmem>> -> memref<1x200x64xi32, #tpu.memory_space<vmem>>
    %dma_start3A_60 = tpu.memref_squeeze %dma_start3A_59 : memref<1x200x64xi32, #tpu.memory_space<vmem>> -> memref<200x64xi32, #tpu.memory_space<vmem>>
    %dma_start3A_61 = arith.constant 0 : i32
    %dma_start3A_62 = tpu.memref_slice %arg10[%dma_start3A_55, %dma_start3A_61] : memref<2x200xi32, #tpu.memory_space<vmem>> -> memref<1x200xi32, #tpu.memory_space<vmem>>
    %dma_start3A_63 = tpu.memref_squeeze %dma_start3A_62 : memref<1x200xi32, #tpu.memory_space<vmem>> -> memref<200xi32, #tpu.memory_space<vmem>>
    %dma_start3A_64 = arith.constant 0 : i32
    %dma_start3A_65 = arith.constant 0 : i32
    %dma_start3A_66 = tpu.memref_slice %arg2[%dma_start3A_64, %dma_start3A_65] : memref<10000x64xi32, #tpu.memory_space<hbm>> -> memref<10000x64xi32, #tpu.memory_space<hbm>>
    tpu.enqueue_indirect_dma source(%dma_start3A_66 : memref<10000x64xi32, #tpu.memory_space<hbm>>) target(%dma_start3A_60 : memref<200x64xi32, #tpu.memory_space<vmem>>) offsets(%dma_start3A_63 : memref<200xi32, #tpu.memory_space<vmem>>) semaphore(%arg15 : memref<!tpu.dma_semaphore, #tpu.memory_space<semaphore_mem>>)
    %dma_start3A_67 = arith.constant 0 : i32
    %dma_start3A_68 = arith.constant 0 : i32
    %dma_start3A_69 = tpu.memref_slice %arg9[%dma_start3A_67, %dma_start3A_68] : memref<2x200xi32, #tpu.memory_space<vmem>> -> memref<1x200xi32, #tpu.memory_space<vmem>>
    %dma_start3A_70 = tpu.memref_squeeze %dma_start3A_69 : memref<1x200xi32, #tpu.memory_space<vmem>> -> memref<200xi32, #tpu.memory_space<vmem>>
    %dma_start3A_71 = arith.constant 0 : i32
    %dma_start3A_72 = arith.constant 0 : i32
    %dma_start3A_73 = tpu.memref_slice %arg3[%dma_start3A_71, %dma_start3A_72] : memref<10000x16xf32, #tpu.memory_space<hbm>> -> memref<10000x16xf32, #tpu.memory_space<hbm>>
    tpu.enqueue_indirect_dma source(%dma_start3A_73 : memref<10000x16xf32, #tpu.memory_space<hbm>>) target(%arg13 : memref<200x16xf32, #tpu.memory_space<vmem>>) offsets(%dma_start3A_70 : memref<200xi32, #tpu.memory_space<vmem>>) semaphore(%arg18 : memref<!tpu.dma_semaphore, #tpu.memory_space<semaphore_mem>>)
    %dma_start3A_74 = arith.constant 0 : i32
    %dma_start3A_75 = arith.constant 0 : i32
    %dma_start3A_76 = tpu.memref_slice %arg10[%dma_start3A_74, %dma_start3A_75] : memref<2x200xi32, #tpu.memory_space<vmem>> -> memref<1x200xi32, #tpu.memory_space<vmem>>
    %dma_start3A_77 = tpu.memref_squeeze %dma_start3A_76 : memref<1x200xi32, #tpu.memory_space<vmem>> -> memref<200xi32, #tpu.memory_space<vmem>>
    %dma_start3A_78 = arith.constant 0 : i32
    %dma_start3A_79 = arith.constant 0 : i32
    %dma_start3A_80 = tpu.memref_slice %arg3[%dma_start3A_78, %dma_start3A_79] : memref<10000x16xf32, #tpu.memory_space<hbm>> -> memref<10000x16xf32, #tpu.memory_space<hbm>>
    tpu.enqueue_indirect_dma source(%dma_start3A_80 : memref<10000x16xf32, #tpu.memory_space<hbm>>) target(%arg14 : memref<200x16xf32, #tpu.memory_space<vmem>>) offsets(%dma_start3A_77 : memref<200xi32, #tpu.memory_space<vmem>>) semaphore(%arg18 : memref<!tpu.dma_semaphore, #tpu.memory_space<semaphore_mem>>)
    %add3A_81 = arith.constant 200 : i32
    %add3A_82 = arith.addi %mul3A_2, %add3A_81 : i32
    %dma_start3A_83 = arith.constant 1 : i32
    %dma_start3A_84 = arith.constant 0 : i32
    %dma_start3A_85 = tpu.memref_slice %arg9[%dma_start3A_83, %dma_start3A_84] : memref<2x200xi32, #tpu.memory_space<vmem>> -> memref<1x200xi32, #tpu.memory_space<vmem>>
    %dma_start3A_86 = tpu.memref_squeeze %dma_start3A_85 : memref<1x200xi32, #tpu.memory_space<vmem>> -> memref<200xi32, #tpu.memory_space<vmem>>
    %dma_start3A_87 = tpu.memref_slice %arg4[%add3A_82] : memref<160000xi32, #tpu.memory_space<hbm>> -> memref<200xi32, #tpu.memory_space<hbm>>
    %dma_start3A_88 = arith.constant 0 : i32
    %dma_start3A_89 = tpu.memref_slice %arg9[%dma_start3A_83, %dma_start3A_88] : memref<2x200xi32, #tpu.memory_space<vmem>> -> memref<1x200xi32, #tpu.memory_space<vmem>>
    %dma_start3A_90 = tpu.memref_squeeze %dma_start3A_89 : memref<1x200xi32, #tpu.memory_space<vmem>> -> memref<200xi32, #tpu.memory_space<vmem>>
    %dma_start3A_91 = tpu.memref_slice %arg4[%add3A_82] : memref<160000xi32, #tpu.memory_space<hbm>> -> memref<200xi32, #tpu.memory_space<hbm>>
    tpu.enqueue_dma source(%dma_start3A_91 : memref<200xi32, #tpu.memory_space<hbm>>) target(%dma_start3A_90 : memref<200xi32, #tpu.memory_space<vmem>>) target_semaphore(%arg17 : memref<!tpu.dma_semaphore, #tpu.memory_space<semaphore_mem>>)
    %dma_start3A_92 = arith.constant 1 : i32
    %dma_start3A_93 = arith.constant 0 : i32
    %dma_start3A_94 = tpu.memref_slice %arg10[%dma_start3A_92, %dma_start3A_93] : memref<2x200xi32, #tpu.memory_space<vmem>> -> memref<1x200xi32, #tpu.memory_space<vmem>>
    %dma_start3A_95 = tpu.memref_squeeze %dma_start3A_94 : memref<1x200xi32, #tpu.memory_space<vmem>> -> memref<200xi32, #tpu.memory_space<vmem>>
    %dma_start3A_96 = tpu.memref_slice %arg5[%add3A_82] : memref<160000xi32, #tpu.memory_space<hbm>> -> memref<200xi32, #tpu.memory_space<hbm>>
    %dma_start3A_97 = arith.constant 0 : i32
    %dma_start3A_98 = tpu.memref_slice %arg10[%dma_start3A_92, %dma_start3A_97] : memref<2x200xi32, #tpu.memory_space<vmem>> -> memref<1x200xi32, #tpu.memory_space<vmem>>
    %dma_start3A_99 = tpu.memref_squeeze %dma_start3A_98 : memref<1x200xi32, #tpu.memory_space<vmem>> -> memref<200xi32, #tpu.memory_space<vmem>>
    %dma_start3A_100 = tpu.memref_slice %arg5[%add3A_82] : memref<160000xi32, #tpu.memory_space<hbm>> -> memref<200xi32, #tpu.memory_space<hbm>>
    tpu.enqueue_dma source(%dma_start3A_100 : memref<200xi32, #tpu.memory_space<hbm>>) target(%dma_start3A_99 : memref<200xi32, #tpu.memory_space<vmem>>) target_semaphore(%arg17 : memref<!tpu.dma_semaphore, #tpu.memory_space<semaphore_mem>>)
    %scan3A = arith.constant 0 : i32
    %scan3A_101 = arith.constant 12 : i32
    %scan3A_102 = arith.addi %scan3A, %scan3A_101 : i32
    %scan3A_103 = arith.constant 1 : i32
    scf.for %scan3A_148 = %scan3A to %scan3A_102 step %scan3A_103  : i32 {
      %mul3A_149 = arith.constant 1 : i32
      %mul3A_150 = arith.muli %scan3A_148, %mul3A_149 : i32
      %add3A_151 = arith.constant 0 : i32
      %add3A_152 = arith.addi %add3A_151, %mul3A_150 : i32
      %mul3A_153 = arith.constant 2 : i32
      %mul3A_154 = arith.muli %mul3A_153, %add3A_152 : i32
      %add3A_155 = arith.constant 1 : i32
      %add3A_156 = arith.addi %mul3A_154, %add3A_155 : i32
      %dma_wait3A_157 = arith.constant 1 : i32
      %dma_wait3A_158 = arith.constant 0 : i32
      %dma_wait3A_159 = tpu.memref_slice %arg9[%dma_wait3A_157, %dma_wait3A_158] : memref<2x200xi32, #tpu.memory_space<vmem>> -> memref<1x200xi32, #tpu.memory_space<vmem>>
      %dma_wait3A_160 = tpu.memref_squeeze %dma_wait3A_159 : memref<1x200xi32, #tpu.memory_space<vmem>> -> memref<200xi32, #tpu.memory_space<vmem>>
      %dma_wait3A_161 = arith.constant 0 : i32
      %dma_wait3A_162 = tpu.memref_slice %arg4[%dma_wait3A_161] : memref<160000xi32, #tpu.memory_space<hbm>> -> memref<200xi32, #tpu.memory_space<hbm>>
      %dma_wait3A_163 = arith.constant 0 : i32
      %dma_wait3A_164 = tpu.memref_slice %arg9[%dma_wait3A_157, %dma_wait3A_163] : memref<2x200xi32, #tpu.memory_space<vmem>> -> memref<1x200xi32, #tpu.memory_space<vmem>>
      %dma_wait3A_165 = tpu.memref_squeeze %dma_wait3A_164 : memref<1x200xi32, #tpu.memory_space<vmem>> -> memref<200xi32, #tpu.memory_space<vmem>>
      %dma_wait3A_166 = arith.constant 0 : i32
      %dma_wait3A_167 = tpu.memref_slice %arg4[%dma_wait3A_166] : memref<160000xi32, #tpu.memory_space<hbm>> -> memref<200xi32, #tpu.memory_space<hbm>>
      tpu.wait_dma2 semaphore(%arg17 : memref<!tpu.dma_semaphore, #tpu.memory_space<semaphore_mem>>) src(%dma_wait3A_167 : memref<200xi32, #tpu.memory_space<hbm>>) dst(%dma_wait3A_165 : memref<200xi32, #tpu.memory_space<vmem>>)
      %dma_wait3A_168 = arith.constant 1 : i32
      %dma_wait3A_169 = arith.constant 0 : i32
      %dma_wait3A_170 = tpu.memref_slice %arg10[%dma_wait3A_168, %dma_wait3A_169] : memref<2x200xi32, #tpu.memory_space<vmem>> -> memref<1x200xi32, #tpu.memory_space<vmem>>
      %dma_wait3A_171 = tpu.memref_squeeze %dma_wait3A_170 : memref<1x200xi32, #tpu.memory_space<vmem>> -> memref<200xi32, #tpu.memory_space<vmem>>
      %dma_wait3A_172 = arith.constant 0 : i32
      %dma_wait3A_173 = tpu.memref_slice %arg5[%dma_wait3A_172] : memref<160000xi32, #tpu.memory_space<hbm>> -> memref<200xi32, #tpu.memory_space<hbm>>
      %dma_wait3A_174 = arith.constant 0 : i32
      %dma_wait3A_175 = tpu.memref_slice %arg10[%dma_wait3A_168, %dma_wait3A_174] : memref<2x200xi32, #tpu.memory_space<vmem>> -> memref<1x200xi32, #tpu.memory_space<vmem>>
      %dma_wait3A_176 = tpu.memref_squeeze %dma_wait3A_175 : memref<1x200xi32, #tpu.memory_space<vmem>> -> memref<200xi32, #tpu.memory_space<vmem>>
      %dma_wait3A_177 = arith.constant 0 : i32
      %dma_wait3A_178 = tpu.memref_slice %arg5[%dma_wait3A_177] : memref<160000xi32, #tpu.memory_space<hbm>> -> memref<200xi32, #tpu.memory_space<hbm>>
      tpu.wait_dma2 semaphore(%arg17 : memref<!tpu.dma_semaphore, #tpu.memory_space<semaphore_mem>>) src(%dma_wait3A_178 : memref<200xi32, #tpu.memory_space<hbm>>) dst(%dma_wait3A_176 : memref<200xi32, #tpu.memory_space<vmem>>)
      %dma_start3A_179 = arith.constant 1 : i32
      %dma_start3A_180 = arith.constant 1 : i32
      %dma_start3A_181 = arith.constant 0 : i32
      %dma_start3A_182 = arith.constant 0 : i32
      %dma_start3A_183 = tpu.memref_slice %arg11[%dma_start3A_180, %dma_start3A_181, %dma_start3A_182] : memref<2x200x64xi32, #tpu.memory_space<vmem>> -> memref<1x200x64xi32, #tpu.memory_space<vmem>>
      %dma_start3A_184 = tpu.memref_squeeze %dma_start3A_183 : memref<1x200x64xi32, #tpu.memory_space<vmem>> -> memref<200x64xi32, #tpu.memory_space<vmem>>
      %dma_start3A_185 = arith.constant 0 : i32
      %dma_start3A_186 = tpu.memref_slice %arg9[%dma_start3A_179, %dma_start3A_185] : memref<2x200xi32, #tpu.memory_space<vmem>> -> memref<1x200xi32, #tpu.memory_space<vmem>>
      %dma_start3A_187 = tpu.memref_squeeze %dma_start3A_186 : memref<1x200xi32, #tpu.memory_space<vmem>> -> memref<200xi32, #tpu.memory_space<vmem>>
      %dma_start3A_188 = arith.constant 0 : i32
      %dma_start3A_189 = arith.constant 0 : i32
      %dma_start3A_190 = tpu.memref_slice %arg2[%dma_start3A_188, %dma_start3A_189] : memref<10000x64xi32, #tpu.memory_space<hbm>> -> memref<10000x64xi32, #tpu.memory_space<hbm>>
      tpu.enqueue_indirect_dma source(%dma_start3A_190 : memref<10000x64xi32, #tpu.memory_space<hbm>>) target(%dma_start3A_184 : memref<200x64xi32, #tpu.memory_space<vmem>>) offsets(%dma_start3A_187 : memref<200xi32, #tpu.memory_space<vmem>>) semaphore(%arg16 : memref<!tpu.dma_semaphore, #tpu.memory_space<semaphore_mem>>)
      %dma_start3A_191 = arith.constant 1 : i32
      %dma_start3A_192 = arith.constant 1 : i32
      %dma_start3A_193 = arith.constant 0 : i32
      %dma_start3A_194 = arith.constant 0 : i32
      %dma_start3A_195 = tpu.memref_slice %arg12[%dma_start3A_192, %dma_start3A_193, %dma_start3A_194] : memref<2x200x64xi32, #tpu.memory_space<vmem>> -> memref<1x200x64xi32, #tpu.memory_space<vmem>>
      %dma_start3A_196 = tpu.memref_squeeze %dma_start3A_195 : memref<1x200x64xi32, #tpu.memory_space<vmem>> -> memref<200x64xi32, #tpu.memory_space<vmem>>
      %dma_start3A_197 = arith.constant 0 : i32
      %dma_start3A_198 = tpu.memref_slice %arg10[%dma_start3A_191, %dma_start3A_197] : memref<2x200xi32, #tpu.memory_space<vmem>> -> memref<1x200xi32, #tpu.memory_space<vmem>>
      %dma_start3A_199 = tpu.memref_squeeze %dma_start3A_198 : memref<1x200xi32, #tpu.memory_space<vmem>> -> memref<200xi32, #tpu.memory_space<vmem>>
      %dma_start3A_200 = arith.constant 0 : i32
      %dma_start3A_201 = arith.constant 0 : i32
      %dma_start3A_202 = tpu.memref_slice %arg2[%dma_start3A_200, %dma_start3A_201] : memref<10000x64xi32, #tpu.memory_space<hbm>> -> memref<10000x64xi32, #tpu.memory_space<hbm>>
      tpu.enqueue_indirect_dma source(%dma_start3A_202 : memref<10000x64xi32, #tpu.memory_space<hbm>>) target(%dma_start3A_196 : memref<200x64xi32, #tpu.memory_space<vmem>>) offsets(%dma_start3A_199 : memref<200xi32, #tpu.memory_space<vmem>>) semaphore(%arg16 : memref<!tpu.dma_semaphore, #tpu.memory_space<semaphore_mem>>)
      %dma_wait3A_203 = arith.constant 0 : i32
      %dma_wait3A_204 = arith.constant 0 : i32
      %dma_wait3A_205 = arith.constant 0 : i32
      %dma_wait3A_206 = arith.constant 0 : i32
      %dma_wait3A_207 = tpu.memref_slice %arg11[%dma_wait3A_204, %dma_wait3A_205, %dma_wait3A_206] : memref<2x200x64xi32, #tpu.memory_space<vmem>> -> memref<1x200x64xi32, #tpu.memory_space<vmem>>
      %dma_wait3A_208 = tpu.memref_squeeze %dma_wait3A_207 : memref<1x200x64xi32, #tpu.memory_space<vmem>> -> memref<200x64xi32, #tpu.memory_space<vmem>>
      %dma_wait3A_209 = arith.constant 0 : i32
      %dma_wait3A_210 = tpu.memref_slice %arg9[%dma_wait3A_203, %dma_wait3A_209] : memref<2x200xi32, #tpu.memory_space<vmem>> -> memref<1x200xi32, #tpu.memory_space<vmem>>
      %dma_wait3A_211 = tpu.memref_squeeze %dma_wait3A_210 : memref<1x200xi32, #tpu.memory_space<vmem>> -> memref<200xi32, #tpu.memory_space<vmem>>
      %dma_wait3A_212 = arith.constant 0 : i32
      %dma_wait3A_213 = arith.constant 0 : i32
      %dma_wait3A_214 = tpu.memref_slice %arg2[%dma_wait3A_212, %dma_wait3A_213] : memref<10000x64xi32, #tpu.memory_space<hbm>> -> memref<10000x64xi32, #tpu.memory_space<hbm>>
      tpu.wait_indirect_dma semaphore(%arg15 : memref<!tpu.dma_semaphore, #tpu.memory_space<semaphore_mem>>) src(%dma_wait3A_214 : memref<10000x64xi32, #tpu.memory_space<hbm>>) dst(%dma_wait3A_208 : memref<200x64xi32, #tpu.memory_space<vmem>>)
      %dma_wait3A_215 = arith.constant 0 : i32
      %dma_wait3A_216 = arith.constant 0 : i32
      %dma_wait3A_217 = arith.constant 0 : i32
      %dma_wait3A_218 = arith.constant 0 : i32
      %dma_wait3A_219 = tpu.memref_slice %arg12[%dma_wait3A_216, %dma_wait3A_217, %dma_wait3A_218] : memref<2x200x64xi32, #tpu.memory_space<vmem>> -> memref<1x200x64xi32, #tpu.memory_space<vmem>>
      %dma_wait3A_220 = tpu.memref_squeeze %dma_wait3A_219 : memref<1x200x64xi32, #tpu.memory_space<vmem>> -> memref<200x64xi32, #tpu.memory_space<vmem>>
      %dma_wait3A_221 = arith.constant 0 : i32
      %dma_wait3A_222 = tpu.memref_slice %arg10[%dma_wait3A_215, %dma_wait3A_221] : memref<2x200xi32, #tpu.memory_space<vmem>> -> memref<1x200xi32, #tpu.memory_space<vmem>>
      %dma_wait3A_223 = tpu.memref_squeeze %dma_wait3A_222 : memref<1x200xi32, #tpu.memory_space<vmem>> -> memref<200xi32, #tpu.memory_space<vmem>>
      %dma_wait3A_224 = arith.constant 0 : i32
      %dma_wait3A_225 = arith.constant 0 : i32
      %dma_wait3A_226 = tpu.memref_slice %arg2[%dma_wait3A_224, %dma_wait3A_225] : memref<10000x64xi32, #tpu.memory_space<hbm>> -> memref<10000x64xi32, #tpu.memory_space<hbm>>
      tpu.wait_indirect_dma semaphore(%arg15 : memref<!tpu.dma_semaphore, #tpu.memory_space<semaphore_mem>>) src(%dma_wait3A_226 : memref<10000x64xi32, #tpu.memory_space<hbm>>) dst(%dma_wait3A_220 : memref<200x64xi32, #tpu.memory_space<vmem>>)
      %sub3A = arith.constant 1 : i32
      %sub3A_227 = arith.subi %add3A_156, %sub3A : i32
      %mul3A_228 = arith.constant 200 : i32
      %mul3A_229 = arith.muli %sub3A_227, %mul3A_228 : i32
      %add3A_230 = arith.addi %mul3A_2, %mul3A_229 : i32
      %run_scoped3A_231 = arith.constant 0 : i32
      "tpu.region"() ({
        %run_scoped3A_330 = tpu.sem_alloc : memref<!tpu.dma_semaphore, #tpu.memory_space<semaphore_mem>>
        %dma_start3A_331 = arith.constant 0 : i32
        %dma_start3A_332 = arith.constant 0 : i32
        %dma_start3A_333 = tpu.memref_slice %arg11[%run_scoped3A_231, %dma_start3A_331, %dma_start3A_332] : memref<2x200x64xi32, #tpu.memory_space<vmem>> -> memref<1x200x64xi32, #tpu.memory_space<vmem>>
        %dma_start3A_334 = tpu.memref_squeeze %dma_start3A_333 : memref<1x200x64xi32, #tpu.memory_space<vmem>> -> memref<200x64xi32, #tpu.memory_space<vmem>>
        %dma_start3A_335 = arith.constant 0 : i32
        %dma_start3A_336 = tpu.memref_slice %arg6[%add3A_230, %dma_start3A_335] : memref<160000x128xi32, #tpu.memory_space<hbm>> -> memref<200x64xi32, #tpu.memory_space<hbm>>
        %dma_start3A_337 = arith.constant 0 : i32
        %dma_start3A_338 = tpu.memref_slice %arg6[%add3A_230, %dma_start3A_337] : memref<160000x128xi32, #tpu.memory_space<hbm>> -> memref<200x64xi32, #tpu.memory_space<hbm>>
        %dma_start3A_339 = arith.constant 0 : i32
        %dma_start3A_340 = arith.constant 0 : i32
        %dma_start3A_341 = tpu.memref_slice %arg11[%run_scoped3A_231, %dma_start3A_339, %dma_start3A_340] : memref<2x200x64xi32, #tpu.memory_space<vmem>> -> memref<1x200x64xi32, #tpu.memory_space<vmem>>
        %dma_start3A_342 = tpu.memref_squeeze %dma_start3A_341 : memref<1x200x64xi32, #tpu.memory_space<vmem>> -> memref<200x64xi32, #tpu.memory_space<vmem>>
        tpu.enqueue_dma source(%dma_start3A_342 : memref<200x64xi32, #tpu.memory_space<vmem>>) target(%dma_start3A_338 : memref<200x64xi32, #tpu.memory_space<hbm>>) target_semaphore(%run_scoped3A_330 : memref<!tpu.dma_semaphore, #tpu.memory_space<semaphore_mem>>)
        %dma_wait3A_343 = arith.constant 0 : i32
        %dma_wait3A_344 = arith.constant 0 : i32
        %dma_wait3A_345 = tpu.memref_slice %arg11[%run_scoped3A_231, %dma_wait3A_343, %dma_wait3A_344] : memref<2x200x64xi32, #tpu.memory_space<vmem>> -> memref<1x200x64xi32, #tpu.memory_space<vmem>>
        %dma_wait3A_346 = tpu.memref_squeeze %dma_wait3A_345 : memref<1x200x64xi32, #tpu.memory_space<vmem>> -> memref<200x64xi32, #tpu.memory_space<vmem>>
        %dma_wait3A_347 = arith.constant 0 : i32
        %dma_wait3A_348 = tpu.memref_slice %arg6[%add3A_230, %dma_wait3A_347] : memref<160000x128xi32, #tpu.memory_space<hbm>> -> memref<200x64xi32, #tpu.memory_space<hbm>>
        %dma_wait3A_349 = arith.constant 0 : i32
        %dma_wait3A_350 = tpu.memref_slice %arg6[%add3A_230, %dma_wait3A_349] : memref<160000x128xi32, #tpu.memory_space<hbm>> -> memref<200x64xi32, #tpu.memory_space<hbm>>
        %dma_wait3A_351 = arith.constant 0 : i32
        %dma_wait3A_352 = arith.constant 0 : i32
        %dma_wait3A_353 = tpu.memref_slice %arg11[%run_scoped3A_231, %dma_wait3A_351, %dma_wait3A_352] : memref<2x200x64xi32, #tpu.memory_space<vmem>> -> memref<1x200x64xi32, #tpu.memory_space<vmem>>
        %dma_wait3A_354 = tpu.memref_squeeze %dma_wait3A_353 : memref<1x200x64xi32, #tpu.memory_space<vmem>> -> memref<200x64xi32, #tpu.memory_space<vmem>>
        tpu.wait_dma2 semaphore(%run_scoped3A_330 : memref<!tpu.dma_semaphore, #tpu.memory_space<semaphore_mem>>) src(%dma_wait3A_354 : memref<200x64xi32, #tpu.memory_space<vmem>>) dst(%dma_wait3A_350 : memref<200x64xi32, #tpu.memory_space<hbm>>)
        tpu.yield
      }) : () -> ()
      %run_scoped3A_232 = arith.constant 0 : i32
      "tpu.region"() ({
        %run_scoped3A_330 = tpu.sem_alloc : memref<!tpu.dma_semaphore, #tpu.memory_space<semaphore_mem>>
        %dma_start3A_331 = arith.constant 0 : i32
        %dma_start3A_332 = arith.constant 0 : i32
        %dma_start3A_333 = tpu.memref_slice %arg12[%run_scoped3A_232, %dma_start3A_331, %dma_start3A_332] : memref<2x200x64xi32, #tpu.memory_space<vmem>> -> memref<1x200x64xi32, #tpu.memory_space<vmem>>
        %dma_start3A_334 = tpu.memref_squeeze %dma_start3A_333 : memref<1x200x64xi32, #tpu.memory_space<vmem>> -> memref<200x64xi32, #tpu.memory_space<vmem>>
        %dma_start3A_335 = arith.constant 64 : i32
        %dma_start3A_336 = tpu.memref_slice %arg6[%add3A_230, %dma_start3A_335] : memref<160000x128xi32, #tpu.memory_space<hbm>> -> memref<200x64xi32, #tpu.memory_space<hbm>>
        %dma_start3A_337 = arith.constant 64 : i32
        %dma_start3A_338 = tpu.memref_slice %arg6[%add3A_230, %dma_start3A_337] : memref<160000x128xi32, #tpu.memory_space<hbm>> -> memref<200x64xi32, #tpu.memory_space<hbm>>
        %dma_start3A_339 = arith.constant 0 : i32
        %dma_start3A_340 = arith.constant 0 : i32
        %dma_start3A_341 = tpu.memref_slice %arg12[%run_scoped3A_232, %dma_start3A_339, %dma_start3A_340] : memref<2x200x64xi32, #tpu.memory_space<vmem>> -> memref<1x200x64xi32, #tpu.memory_space<vmem>>
        %dma_start3A_342 = tpu.memref_squeeze %dma_start3A_341 : memref<1x200x64xi32, #tpu.memory_space<vmem>> -> memref<200x64xi32, #tpu.memory_space<vmem>>
        tpu.enqueue_dma source(%dma_start3A_342 : memref<200x64xi32, #tpu.memory_space<vmem>>) target(%dma_start3A_338 : memref<200x64xi32, #tpu.memory_space<hbm>>) target_semaphore(%run_scoped3A_330 : memref<!tpu.dma_semaphore, #tpu.memory_space<semaphore_mem>>)
        %dma_wait3A_343 = arith.constant 0 : i32
        %dma_wait3A_344 = arith.constant 0 : i32
        %dma_wait3A_345 = tpu.memref_slice %arg12[%run_scoped3A_232, %dma_wait3A_343, %dma_wait3A_344] : memref<2x200x64xi32, #tpu.memory_space<vmem>> -> memref<1x200x64xi32, #tpu.memory_space<vmem>>
        %dma_wait3A_346 = tpu.memref_squeeze %dma_wait3A_345 : memref<1x200x64xi32, #tpu.memory_space<vmem>> -> memref<200x64xi32, #tpu.memory_space<vmem>>
        %dma_wait3A_347 = arith.constant 64 : i32
        %dma_wait3A_348 = tpu.memref_slice %arg6[%add3A_230, %dma_wait3A_347] : memref<160000x128xi32, #tpu.memory_space<hbm>> -> memref<200x64xi32, #tpu.memory_space<hbm>>
        %dma_wait3A_349 = arith.constant 64 : i32
        %dma_wait3A_350 = tpu.memref_slice %arg6[%add3A_230, %dma_wait3A_349] : memref<160000x128xi32, #tpu.memory_space<hbm>> -> memref<200x64xi32, #tpu.memory_space<hbm>>
        %dma_wait3A_351 = arith.constant 0 : i32
        %dma_wait3A_352 = arith.constant 0 : i32
        %dma_wait3A_353 = tpu.memref_slice %arg12[%run_scoped3A_232, %dma_wait3A_351, %dma_wait3A_352] : memref<2x200x64xi32, #tpu.memory_space<vmem>> -> memref<1x200x64xi32, #tpu.memory_space<vmem>>
        %dma_wait3A_354 = tpu.memref_squeeze %dma_wait3A_353 : memref<1x200x64xi32, #tpu.memory_space<vmem>> -> memref<200x64xi32, #tpu.memory_space<vmem>>
        tpu.wait_dma2 semaphore(%run_scoped3A_330 : memref<!tpu.dma_semaphore, #tpu.memory_space<semaphore_mem>>) src(%dma_wait3A_354 : memref<200x64xi32, #tpu.memory_space<vmem>>) dst(%dma_wait3A_350 : memref<200x64xi32, #tpu.memory_space<hbm>>)
        tpu.yield
      }) : () -> ()
      %dma_wait3A_233 = arith.constant 0 : i32
      %dma_wait3A_234 = arith.constant 0 : i32
      %dma_wait3A_235 = tpu.memref_slice %arg9[%dma_wait3A_233, %dma_wait3A_234] : memref<2x200xi32, #tpu.memory_space<vmem>> -> memref<1x200xi32, #tpu.memory_space<vmem>>
      %dma_wait3A_236 = tpu.memref_squeeze %dma_wait3A_235 : memref<1x200xi32, #tpu.memory_space<vmem>> -> memref<200xi32, #tpu.memory_space<vmem>>
      %dma_wait3A_237 = arith.constant 0 : i32
      %dma_wait3A_238 = arith.constant 0 : i32
      %dma_wait3A_239 = tpu.memref_slice %arg3[%dma_wait3A_237, %dma_wait3A_238] : memref<10000x16xf32, #tpu.memory_space<hbm>> -> memref<10000x16xf32, #tpu.memory_space<hbm>>
      tpu.wait_indirect_dma semaphore(%arg18 : memref<!tpu.dma_semaphore, #tpu.memory_space<semaphore_mem>>) src(%dma_wait3A_239 : memref<10000x16xf32, #tpu.memory_space<hbm>>) dst(%arg13 : memref<200x16xf32, #tpu.memory_space<vmem>>)
      %dma_wait3A_240 = arith.constant 0 : i32
      %dma_wait3A_241 = arith.constant 0 : i32
      %dma_wait3A_242 = tpu.memref_slice %arg10[%dma_wait3A_240, %dma_wait3A_241] : memref<2x200xi32, #tpu.memory_space<vmem>> -> memref<1x200xi32, #tpu.memory_space<vmem>>
      %dma_wait3A_243 = tpu.memref_squeeze %dma_wait3A_242 : memref<1x200xi32, #tpu.memory_space<vmem>> -> memref<200xi32, #tpu.memory_space<vmem>>
      %dma_wait3A_244 = arith.constant 0 : i32
      %dma_wait3A_245 = arith.constant 0 : i32
      %dma_wait3A_246 = tpu.memref_slice %arg3[%dma_wait3A_244, %dma_wait3A_245] : memref<10000x16xf32, #tpu.memory_space<hbm>> -> memref<10000x16xf32, #tpu.memory_space<hbm>>
      tpu.wait_indirect_dma semaphore(%arg18 : memref<!tpu.dma_semaphore, #tpu.memory_space<semaphore_mem>>) src(%dma_wait3A_246 : memref<10000x16xf32, #tpu.memory_space<hbm>>) dst(%arg14 : memref<200x16xf32, #tpu.memory_space<vmem>>)
      %sub3A_247 = arith.constant 1 : i32
      %sub3A_248 = arith.subi %add3A_156, %sub3A_247 : i32
      %mul3A_249 = arith.constant 200 : i32
      %mul3A_250 = arith.muli %sub3A_248, %mul3A_249 : i32
      %add3A_251 = arith.addi %mul3A_2, %mul3A_250 : i32
      "tpu.region"() ({
        %run_scoped3A_330 = tpu.sem_alloc : memref<!tpu.dma_semaphore, #tpu.memory_space<semaphore_mem>>
        %dma_start3A_331 = arith.constant 0 : i32
        %dma_start3A_332 = tpu.memref_slice %arg7[%add3A_251, %dma_start3A_331] : memref<160000x16xf32, #tpu.memory_space<hbm>> -> memref<200x16xf32, #tpu.memory_space<hbm>>
        %dma_start3A_333 = arith.constant 0 : i32
        %dma_start3A_334 = tpu.memref_slice %arg7[%add3A_251, %dma_start3A_333] : memref<160000x16xf32, #tpu.memory_space<hbm>> -> memref<200x16xf32, #tpu.memory_space<hbm>>
        tpu.enqueue_dma source(%arg13 : memref<200x16xf32, #tpu.memory_space<vmem>>) target(%dma_start3A_334 : memref<200x16xf32, #tpu.memory_space<hbm>>) target_semaphore(%run_scoped3A_330 : memref<!tpu.dma_semaphore, #tpu.memory_space<semaphore_mem>>)
        %dma_wait3A_335 = arith.constant 0 : i32
        %dma_wait3A_336 = tpu.memref_slice %arg7[%add3A_251, %dma_wait3A_335] : memref<160000x16xf32, #tpu.memory_space<hbm>> -> memref<200x16xf32, #tpu.memory_space<hbm>>
        %dma_wait3A_337 = arith.constant 0 : i32
        %dma_wait3A_338 = tpu.memref_slice %arg7[%add3A_251, %dma_wait3A_337] : memref<160000x16xf32, #tpu.memory_space<hbm>> -> memref<200x16xf32, #tpu.memory_space<hbm>>
        tpu.wait_dma2 semaphore(%run_scoped3A_330 : memref<!tpu.dma_semaphore, #tpu.memory_space<semaphore_mem>>) src(%arg13 : memref<200x16xf32, #tpu.memory_space<vmem>>) dst(%dma_wait3A_338 : memref<200x16xf32, #tpu.memory_space<hbm>>)
        tpu.yield
      }) : () -> ()
      "tpu.region"() ({
        %run_scoped3A_330 = tpu.sem_alloc : memref<!tpu.dma_semaphore, #tpu.memory_space<semaphore_mem>>
        %dma_start3A_331 = arith.constant 0 : i32
        %dma_start3A_332 = tpu.memref_slice %arg8[%add3A_251, %dma_start3A_331] : memref<160000x16xf32, #tpu.memory_space<hbm>> -> memref<200x16xf32, #tpu.memory_space<hbm>>
        %dma_start3A_333 = arith.constant 0 : i32
        %dma_start3A_334 = tpu.memref_slice %arg8[%add3A_251, %dma_start3A_333] : memref<160000x16xf32, #tpu.memory_space<hbm>> -> memref<200x16xf32, #tpu.memory_space<hbm>>
        tpu.enqueue_dma source(%arg14 : memref<200x16xf32, #tpu.memory_space<vmem>>) target(%dma_start3A_334 : memref<200x16xf32, #tpu.memory_space<hbm>>) target_semaphore(%run_scoped3A_330 : memref<!tpu.dma_semaphore, #tpu.memory_space<semaphore_mem>>)
        %dma_wait3A_335 = arith.constant 0 : i32
        %dma_wait3A_336 = tpu.memref_slice %arg8[%add3A_251, %dma_wait3A_335] : memref<160000x16xf32, #tpu.memory_space<hbm>> -> memref<200x16xf32, #tpu.memory_space<hbm>>
        %dma_wait3A_337 = arith.constant 0 : i32
        %dma_wait3A_338 = tpu.memref_slice %arg8[%add3A_251, %dma_wait3A_337] : memref<160000x16xf32, #tpu.memory_space<hbm>> -> memref<200x16xf32, #tpu.memory_space<hbm>>
        tpu.wait_dma2 semaphore(%run_scoped3A_330 : memref<!tpu.dma_semaphore, #tpu.memory_space<semaphore_mem>>) src(%arg14 : memref<200x16xf32, #tpu.memory_space<vmem>>) dst(%dma_wait3A_338 : memref<200x16xf32, #tpu.memory_space<hbm>>)
        tpu.yield
      }) : () -> ()
      %dma_start3A_252 = arith.constant 1 : i32
      %dma_start3A_253 = arith.constant 0 : i32
      %dma_start3A_254 = tpu.memref_slice %arg9[%dma_start3A_252, %dma_start3A_253] : memref<2x200xi32, #tpu.memory_space<vmem>> -> memref<1x200xi32, #tpu.memory_space<vmem>>
      %dma_start3A_255 = tpu.memref_squeeze %dma_start3A_254 : memref<1x200xi32, #tpu.memory_space<vmem>> -> memref<200xi32, #tpu.memory_space<vmem>>
      %dma_start3A_256 = arith.constant 0 : i32
      %dma_start3A_257 = arith.constant 0 : i32
      %dma_start3A_258 = tpu.memref_slice %arg3[%dma_start3A_256, %dma_start3A_257] : memref<10000x16xf32, #tpu.memory_space<hbm>> -> memref<10000x16xf32, #tpu.memory_space<hbm>>
      tpu.enqueue_indirect_dma source(%dma_start3A_258 : memref<10000x16xf32, #tpu.memory_space<hbm>>) target(%arg13 : memref<200x16xf32, #tpu.memory_space<vmem>>) offsets(%dma_start3A_255 : memref<200xi32, #tpu.memory_space<vmem>>) semaphore(%arg18 : memref<!tpu.dma_semaphore, #tpu.memory_space<semaphore_mem>>)
      %dma_start3A_259 = arith.constant 1 : i32
      %dma_start3A_260 = arith.constant 0 : i32
      %dma_start3A_261 = tpu.memref_slice %arg10[%dma_start3A_259, %dma_start3A_260] : memref<2x200xi32, #tpu.memory_space<vmem>> -> memref<1x200xi32, #tpu.memory_space<vmem>>
      %dma_start3A_262 = tpu.memref_squeeze %dma_start3A_261 : memref<1x200xi32, #tpu.memory_space<vmem>> -> memref<200xi32, #tpu.memory_space<vmem>>
      %dma_start3A_263 = arith.constant 0 : i32
      %dma_start3A_264 = arith.constant 0 : i32
      %dma_start3A_265 = tpu.memref_slice %arg3[%dma_start3A_263, %dma_start3A_264] : memref<10000x16xf32, #tpu.memory_space<hbm>> -> memref<10000x16xf32, #tpu.memory_space<hbm>>
      tpu.enqueue_indirect_dma source(%dma_start3A_265 : memref<10000x16xf32, #tpu.memory_space<hbm>>) target(%arg14 : memref<200x16xf32, #tpu.memory_space<vmem>>) offsets(%dma_start3A_262 : memref<200xi32, #tpu.memory_space<vmem>>) semaphore(%arg18 : memref<!tpu.dma_semaphore, #tpu.memory_space<semaphore_mem>>)
      %add3A_266 = arith.constant 1 : i32
      %add3A_267 = arith.addi %add3A_156, %add3A_266 : i32
      %lt3A = arith.constant 25 : i32
      %lt3A_268 = arith.cmpi slt, %add3A_267, %lt3A : i32
      %convert_element_type3A = arith.extui %lt3A_268 : i1 to i32
      %cond3A = arith.constant 0 : i32
      %cond3A_269 = arith.cmpi ne, %convert_element_type3A, %cond3A : i32
      scf.if %cond3A_269 {
        %add3A_330 = arith.constant 1 : i32
        %add3A_331 = arith.addi %add3A_156, %add3A_330 : i32
        %mul3A_332 = arith.constant 200 : i32
        %mul3A_333 = arith.muli %add3A_331, %mul3A_332 : i32
        %add3A_334 = arith.addi %mul3A_2, %mul3A_333 : i32
        %dma_start3A_335 = arith.constant 0 : i32
        %dma_start3A_336 = arith.constant 0 : i32
        %dma_start3A_337 = tpu.memref_slice %arg9[%dma_start3A_335, %dma_start3A_336] : memref<2x200xi32, #tpu.memory_space<vmem>> -> memref<1x200xi32, #tpu.memory_space<vmem>>
        %dma_start3A_338 = tpu.memref_squeeze %dma_start3A_337 : memref<1x200xi32, #tpu.memory_space<vmem>> -> memref<200xi32, #tpu.memory_space<vmem>>
        %dma_start3A_339 = tpu.memref_slice %arg4[%add3A_334] : memref<160000xi32, #tpu.memory_space<hbm>> -> memref<200xi32, #tpu.memory_space<hbm>>
        %dma_start3A_340 = arith.constant 0 : i32
        %dma_start3A_341 = tpu.memref_slice %arg9[%dma_start3A_335, %dma_start3A_340] : memref<2x200xi32, #tpu.memory_space<vmem>> -> memref<1x200xi32, #tpu.memory_space<vmem>>
        %dma_start3A_342 = tpu.memref_squeeze %dma_start3A_341 : memref<1x200xi32, #tpu.memory_space<vmem>> -> memref<200xi32, #tpu.memory_space<vmem>>
        %dma_start3A_343 = tpu.memref_slice %arg4[%add3A_334] : memref<160000xi32, #tpu.memory_space<hbm>> -> memref<200xi32, #tpu.memory_space<hbm>>
        tpu.enqueue_dma source(%dma_start3A_343 : memref<200xi32, #tpu.memory_space<hbm>>) target(%dma_start3A_342 : memref<200xi32, #tpu.memory_space<vmem>>) target_semaphore(%arg17 : memref<!tpu.dma_semaphore, #tpu.memory_space<semaphore_mem>>)
        %dma_start3A_344 = arith.constant 0 : i32
        %dma_start3A_345 = arith.constant 0 : i32
        %dma_start3A_346 = tpu.memref_slice %arg10[%dma_start3A_344, %dma_start3A_345] : memref<2x200xi32, #tpu.memory_space<vmem>> -> memref<1x200xi32, #tpu.memory_space<vmem>>
        %dma_start3A_347 = tpu.memref_squeeze %dma_start3A_346 : memref<1x200xi32, #tpu.memory_space<vmem>> -> memref<200xi32, #tpu.memory_space<vmem>>
        %dma_start3A_348 = tpu.memref_slice %arg5[%add3A_334] : memref<160000xi32, #tpu.memory_space<hbm>> -> memref<200xi32, #tpu.memory_space<hbm>>
        %dma_start3A_349 = arith.constant 0 : i32
        %dma_start3A_350 = tpu.memref_slice %arg10[%dma_start3A_344, %dma_start3A_349] : memref<2x200xi32, #tpu.memory_space<vmem>> -> memref<1x200xi32, #tpu.memory_space<vmem>>
        %dma_start3A_351 = tpu.memref_squeeze %dma_start3A_350 : memref<1x200xi32, #tpu.memory_space<vmem>> -> memref<200xi32, #tpu.memory_space<vmem>>
        %dma_start3A_352 = tpu.memref_slice %arg5[%add3A_334] : memref<160000xi32, #tpu.memory_space<hbm>> -> memref<200xi32, #tpu.memory_space<hbm>>
        tpu.enqueue_dma source(%dma_start3A_352 : memref<200xi32, #tpu.memory_space<hbm>>) target(%dma_start3A_351 : memref<200xi32, #tpu.memory_space<vmem>>) target_semaphore(%arg17 : memref<!tpu.dma_semaphore, #tpu.memory_space<semaphore_mem>>)
        %dma_wait3A_353 = arith.constant 0 : i32
        %dma_wait3A_354 = arith.constant 0 : i32
        %dma_wait3A_355 = tpu.memref_slice %arg9[%dma_wait3A_353, %dma_wait3A_354] : memref<2x200xi32, #tpu.memory_space<vmem>> -> memref<1x200xi32, #tpu.memory_space<vmem>>
        %dma_wait3A_356 = tpu.memref_squeeze %dma_wait3A_355 : memref<1x200xi32, #tpu.memory_space<vmem>> -> memref<200xi32, #tpu.memory_space<vmem>>
        %dma_wait3A_357 = arith.constant 0 : i32
        %dma_wait3A_358 = tpu.memref_slice %arg4[%dma_wait3A_357] : memref<160000xi32, #tpu.memory_space<hbm>> -> memref<200xi32, #tpu.memory_space<hbm>>
        %dma_wait3A_359 = arith.constant 0 : i32
        %dma_wait3A_360 = tpu.memref_slice %arg9[%dma_wait3A_353, %dma_wait3A_359] : memref<2x200xi32, #tpu.memory_space<vmem>> -> memref<1x200xi32, #tpu.memory_space<vmem>>
        %dma_wait3A_361 = tpu.memref_squeeze %dma_wait3A_360 : memref<1x200xi32, #tpu.memory_space<vmem>> -> memref<200xi32, #tpu.memory_space<vmem>>
        %dma_wait3A_362 = arith.constant 0 : i32
        %dma_wait3A_363 = tpu.memref_slice %arg4[%dma_wait3A_362] : memref<160000xi32, #tpu.memory_space<hbm>> -> memref<200xi32, #tpu.memory_space<hbm>>
        tpu.wait_dma2 semaphore(%arg17 : memref<!tpu.dma_semaphore, #tpu.memory_space<semaphore_mem>>) src(%dma_wait3A_363 : memref<200xi32, #tpu.memory_space<hbm>>) dst(%dma_wait3A_361 : memref<200xi32, #tpu.memory_space<vmem>>)
        %dma_wait3A_364 = arith.constant 0 : i32
        %dma_wait3A_365 = arith.constant 0 : i32
        %dma_wait3A_366 = tpu.memref_slice %arg10[%dma_wait3A_364, %dma_wait3A_365] : memref<2x200xi32, #tpu.memory_space<vmem>> -> memref<1x200xi32, #tpu.memory_space<vmem>>
        %dma_wait3A_367 = tpu.memref_squeeze %dma_wait3A_366 : memref<1x200xi32, #tpu.memory_space<vmem>> -> memref<200xi32, #tpu.memory_space<vmem>>
        %dma_wait3A_368 = arith.constant 0 : i32
        %dma_wait3A_369 = tpu.memref_slice %arg5[%dma_wait3A_368] : memref<160000xi32, #tpu.memory_space<hbm>> -> memref<200xi32, #tpu.memory_space<hbm>>
        %dma_wait3A_370 = arith.constant 0 : i32
        %dma_wait3A_371 = tpu.memref_slice %arg10[%dma_wait3A_364, %dma_wait3A_370] : memref<2x200xi32, #tpu.memory_space<vmem>> -> memref<1x200xi32, #tpu.memory_space<vmem>>
        %dma_wait3A_372 = tpu.memref_squeeze %dma_wait3A_371 : memref<1x200xi32, #tpu.memory_space<vmem>> -> memref<200xi32, #tpu.memory_space<vmem>>
        %dma_wait3A_373 = arith.constant 0 : i32
        %dma_wait3A_374 = tpu.memref_slice %arg5[%dma_wait3A_373] : memref<160000xi32, #tpu.memory_space<hbm>> -> memref<200xi32, #tpu.memory_space<hbm>>
        tpu.wait_dma2 semaphore(%arg17 : memref<!tpu.dma_semaphore, #tpu.memory_space<semaphore_mem>>) src(%dma_wait3A_374 : memref<200xi32, #tpu.memory_space<hbm>>) dst(%dma_wait3A_372 : memref<200xi32, #tpu.memory_space<vmem>>)
        %dma_start3A_375 = arith.constant 0 : i32
        %dma_start3A_376 = arith.constant 0 : i32
        %dma_start3A_377 = arith.constant 0 : i32
        %dma_start3A_378 = arith.constant 0 : i32
        %dma_start3A_379 = tpu.memref_slice %arg11[%dma_start3A_376, %dma_start3A_377, %dma_start3A_378] : memref<2x200x64xi32, #tpu.memory_space<vmem>> -> memref<1x200x64xi32, #tpu.memory_space<vmem>>
        %dma_start3A_380 = tpu.memref_squeeze %dma_start3A_379 : memref<1x200x64xi32, #tpu.memory_space<vmem>> -> memref<200x64xi32, #tpu.memory_space<vmem>>
        %dma_start3A_381 = arith.constant 0 : i32
        %dma_start3A_382 = tpu.memref_slice %arg9[%dma_start3A_375, %dma_start3A_381] : memref<2x200xi32, #tpu.memory_space<vmem>> -> memref<1x200xi32, #tpu.memory_space<vmem>>
        %dma_start3A_383 = tpu.memref_squeeze %dma_start3A_382 : memref<1x200xi32, #tpu.memory_space<vmem>> -> memref<200xi32, #tpu.memory_space<vmem>>
        %dma_start3A_384 = arith.constant 0 : i32
        %dma_start3A_385 = arith.constant 0 : i32
        %dma_start3A_386 = tpu.memref_slice %arg2[%dma_start3A_384, %dma_start3A_385] : memref<10000x64xi32, #tpu.memory_space<hbm>> -> memref<10000x64xi32, #tpu.memory_space<hbm>>
        tpu.enqueue_indirect_dma source(%dma_start3A_386 : memref<10000x64xi32, #tpu.memory_space<hbm>>) target(%dma_start3A_380 : memref<200x64xi32, #tpu.memory_space<vmem>>) offsets(%dma_start3A_383 : memref<200xi32, #tpu.memory_space<vmem>>) semaphore(%arg15 : memref<!tpu.dma_semaphore, #tpu.memory_space<semaphore_mem>>)
        %dma_start3A_387 = arith.constant 0 : i32
        %dma_start3A_388 = arith.constant 0 : i32
        %dma_start3A_389 = arith.constant 0 : i32
        %dma_start3A_390 = arith.constant 0 : i32
        %dma_start3A_391 = tpu.memref_slice %arg12[%dma_start3A_388, %dma_start3A_389, %dma_start3A_390] : memref<2x200x64xi32, #tpu.memory_space<vmem>> -> memref<1x200x64xi32, #tpu.memory_space<vmem>>
        %dma_start3A_392 = tpu.memref_squeeze %dma_start3A_391 : memref<1x200x64xi32, #tpu.memory_space<vmem>> -> memref<200x64xi32, #tpu.memory_space<vmem>>
        %dma_start3A_393 = arith.constant 0 : i32
        %dma_start3A_394 = tpu.memref_slice %arg10[%dma_start3A_387, %dma_start3A_393] : memref<2x200xi32, #tpu.memory_space<vmem>> -> memref<1x200xi32, #tpu.memory_space<vmem>>
        %dma_start3A_395 = tpu.memref_squeeze %dma_start3A_394 : memref<1x200xi32, #tpu.memory_space<vmem>> -> memref<200xi32, #tpu.memory_space<vmem>>
        %dma_start3A_396 = arith.constant 0 : i32
        %dma_start3A_397 = arith.constant 0 : i32
        %dma_start3A_398 = tpu.memref_slice %arg2[%dma_start3A_396, %dma_start3A_397] : memref<10000x64xi32, #tpu.memory_space<hbm>> -> memref<10000x64xi32, #tpu.memory_space<hbm>>
        tpu.enqueue_indirect_dma source(%dma_start3A_398 : memref<10000x64xi32, #tpu.memory_space<hbm>>) target(%dma_start3A_392 : memref<200x64xi32, #tpu.memory_space<vmem>>) offsets(%dma_start3A_395 : memref<200xi32, #tpu.memory_space<vmem>>) semaphore(%arg15 : memref<!tpu.dma_semaphore, #tpu.memory_space<semaphore_mem>>)
      } else {
      }
      %dma_wait3A_270 = arith.constant 1 : i32
      %dma_wait3A_271 = arith.constant 1 : i32
      %dma_wait3A_272 = arith.constant 0 : i32
      %dma_wait3A_273 = arith.constant 0 : i32
      %dma_wait3A_274 = tpu.memref_slice %arg11[%dma_wait3A_271, %dma_wait3A_272, %dma_wait3A_273] : memref<2x200x64xi32, #tpu.memory_space<vmem>> -> memref<1x200x64xi32, #tpu.memory_space<vmem>>
      %dma_wait3A_275 = tpu.memref_squeeze %dma_wait3A_274 : memref<1x200x64xi32, #tpu.memory_space<vmem>> -> memref<200x64xi32, #tpu.memory_space<vmem>>
      %dma_wait3A_276 = arith.constant 0 : i32
      %dma_wait3A_277 = tpu.memref_slice %arg9[%dma_wait3A_270, %dma_wait3A_276] : memref<2x200xi32, #tpu.memory_space<vmem>> -> memref<1x200xi32, #tpu.memory_space<vmem>>
      %dma_wait3A_278 = tpu.memref_squeeze %dma_wait3A_277 : memref<1x200xi32, #tpu.memory_space<vmem>> -> memref<200xi32, #tpu.memory_space<vmem>>
      %dma_wait3A_279 = arith.constant 0 : i32
      %dma_wait3A_280 = arith.constant 0 : i32
      %dma_wait3A_281 = tpu.memref_slice %arg2[%dma_wait3A_279, %dma_wait3A_280] : memref<10000x64xi32, #tpu.memory_space<hbm>> -> memref<10000x64xi32, #tpu.memory_space<hbm>>
      tpu.wait_indirect_dma semaphore(%arg16 : memref<!tpu.dma_semaphore, #tpu.memory_space<semaphore_mem>>) src(%dma_wait3A_281 : memref<10000x64xi32, #tpu.memory_space<hbm>>) dst(%dma_wait3A_275 : memref<200x64xi32, #tpu.memory_space<vmem>>)
      %dma_wait3A_282 = arith.constant 1 : i32
      %dma_wait3A_283 = arith.constant 1 : i32
      %dma_wait3A_284 = arith.constant 0 : i32
      %dma_wait3A_285 = arith.constant 0 : i32
      %dma_wait3A_286 = tpu.memref_slice %arg12[%dma_wait3A_283, %dma_wait3A_284, %dma_wait3A_285] : memref<2x200x64xi32, #tpu.memory_space<vmem>> -> memref<1x200x64xi32, #tpu.memory_space<vmem>>
      %dma_wait3A_287 = tpu.memref_squeeze %dma_wait3A_286 : memref<1x200x64xi32, #tpu.memory_space<vmem>> -> memref<200x64xi32, #tpu.memory_space<vmem>>
      %dma_wait3A_288 = arith.constant 0 : i32
      %dma_wait3A_289 = tpu.memref_slice %arg10[%dma_wait3A_282, %dma_wait3A_288] : memref<2x200xi32, #tpu.memory_space<vmem>> -> memref<1x200xi32, #tpu.memory_space<vmem>>
      %dma_wait3A_290 = tpu.memref_squeeze %dma_wait3A_289 : memref<1x200xi32, #tpu.memory_space<vmem>> -> memref<200xi32, #tpu.memory_space<vmem>>
      %dma_wait3A_291 = arith.constant 0 : i32
      %dma_wait3A_292 = arith.constant 0 : i32
      %dma_wait3A_293 = tpu.memref_slice %arg2[%dma_wait3A_291, %dma_wait3A_292] : memref<10000x64xi32, #tpu.memory_space<hbm>> -> memref<10000x64xi32, #tpu.memory_space<hbm>>
      tpu.wait_indirect_dma semaphore(%arg16 : memref<!tpu.dma_semaphore, #tpu.memory_space<semaphore_mem>>) src(%dma_wait3A_293 : memref<10000x64xi32, #tpu.memory_space<hbm>>) dst(%dma_wait3A_287 : memref<200x64xi32, #tpu.memory_space<vmem>>)
      %mul3A_294 = arith.constant 200 : i32
      %mul3A_295 = arith.muli %add3A_156, %mul3A_294 : i32
      %add3A_296 = arith.addi %mul3A_2, %mul3A_295 : i32
      %run_scoped3A_297 = arith.constant 1 : i32
      "tpu.region"() ({
        %run_scoped3A_330 = tpu.sem_alloc : memref<!tpu.dma_semaphore, #tpu.memory_space<semaphore_mem>>
        %dma_start3A_331 = arith.constant 0 : i32
        %dma_start3A_332 = arith.constant 0 : i32
        %dma_start3A_333 = tpu.memref_slice %arg11[%run_scoped3A_297, %dma_start3A_331, %dma_start3A_332] : memref<2x200x64xi32, #tpu.memory_space<vmem>> -> memref<1x200x64xi32, #tpu.memory_space<vmem>>
        %dma_start3A_334 = tpu.memref_squeeze %dma_start3A_333 : memref<1x200x64xi32, #tpu.memory_space<vmem>> -> memref<200x64xi32, #tpu.memory_space<vmem>>
        %dma_start3A_335 = arith.constant 0 : i32
        %dma_start3A_336 = tpu.memref_slice %arg6[%add3A_296, %dma_start3A_335] : memref<160000x128xi32, #tpu.memory_space<hbm>> -> memref<200x64xi32, #tpu.memory_space<hbm>>
        %dma_start3A_337 = arith.constant 0 : i32
        %dma_start3A_338 = tpu.memref_slice %arg6[%add3A_296, %dma_start3A_337] : memref<160000x128xi32, #tpu.memory_space<hbm>> -> memref<200x64xi32, #tpu.memory_space<hbm>>
        %dma_start3A_339 = arith.constant 0 : i32
        %dma_start3A_340 = arith.constant 0 : i32
        %dma_start3A_341 = tpu.memref_slice %arg11[%run_scoped3A_297, %dma_start3A_339, %dma_start3A_340] : memref<2x200x64xi32, #tpu.memory_space<vmem>> -> memref<1x200x64xi32, #tpu.memory_space<vmem>>
        %dma_start3A_342 = tpu.memref_squeeze %dma_start3A_341 : memref<1x200x64xi32, #tpu.memory_space<vmem>> -> memref<200x64xi32, #tpu.memory_space<vmem>>
        tpu.enqueue_dma source(%dma_start3A_342 : memref<200x64xi32, #tpu.memory_space<vmem>>) target(%dma_start3A_338 : memref<200x64xi32, #tpu.memory_space<hbm>>) target_semaphore(%run_scoped3A_330 : memref<!tpu.dma_semaphore, #tpu.memory_space<semaphore_mem>>)
        %dma_wait3A_343 = arith.constant 0 : i32
        %dma_wait3A_344 = arith.constant 0 : i32
        %dma_wait3A_345 = tpu.memref_slice %arg11[%run_scoped3A_297, %dma_wait3A_343, %dma_wait3A_344] : memref<2x200x64xi32, #tpu.memory_space<vmem>> -> memref<1x200x64xi32, #tpu.memory_space<vmem>>
        %dma_wait3A_346 = tpu.memref_squeeze %dma_wait3A_345 : memref<1x200x64xi32, #tpu.memory_space<vmem>> -> memref<200x64xi32, #tpu.memory_space<vmem>>
        %dma_wait3A_347 = arith.constant 0 : i32
        %dma_wait3A_348 = tpu.memref_slice %arg6[%add3A_296, %dma_wait3A_347] : memref<160000x128xi32, #tpu.memory_space<hbm>> -> memref<200x64xi32, #tpu.memory_space<hbm>>
        %dma_wait3A_349 = arith.constant 0 : i32
        %dma_wait3A_350 = tpu.memref_slice %arg6[%add3A_296, %dma_wait3A_349] : memref<160000x128xi32, #tpu.memory_space<hbm>> -> memref<200x64xi32, #tpu.memory_space<hbm>>
        %dma_wait3A_351 = arith.constant 0 : i32
        %dma_wait3A_352 = arith.constant 0 : i32
        %dma_wait3A_353 = tpu.memref_slice %arg11[%run_scoped3A_297, %dma_wait3A_351, %dma_wait3A_352] : memref<2x200x64xi32, #tpu.memory_space<vmem>> -> memref<1x200x64xi32, #tpu.memory_space<vmem>>
        %dma_wait3A_354 = tpu.memref_squeeze %dma_wait3A_353 : memref<1x200x64xi32, #tpu.memory_space<vmem>> -> memref<200x64xi32, #tpu.memory_space<vmem>>
        tpu.wait_dma2 semaphore(%run_scoped3A_330 : memref<!tpu.dma_semaphore, #tpu.memory_space<semaphore_mem>>) src(%dma_wait3A_354 : memref<200x64xi32, #tpu.memory_space<vmem>>) dst(%dma_wait3A_350 : memref<200x64xi32, #tpu.memory_space<hbm>>)
        tpu.yield
      }) : () -> ()
      %run_scoped3A_298 = arith.constant 1 : i32
      "tpu.region"() ({
        %run_scoped3A_330 = tpu.sem_alloc : memref<!tpu.dma_semaphore, #tpu.memory_space<semaphore_mem>>
        %dma_start3A_331 = arith.constant 0 : i32
        %dma_start3A_332 = arith.constant 0 : i32
        %dma_start3A_333 = tpu.memref_slice %arg12[%run_scoped3A_298, %dma_start3A_331, %dma_start3A_332] : memref<2x200x64xi32, #tpu.memory_space<vmem>> -> memref<1x200x64xi32, #tpu.memory_space<vmem>>
        %dma_start3A_334 = tpu.memref_squeeze %dma_start3A_333 : memref<1x200x64xi32, #tpu.memory_space<vmem>> -> memref<200x64xi32, #tpu.memory_space<vmem>>
        %dma_start3A_335 = arith.constant 64 : i32
        %dma_start3A_336 = tpu.memref_slice %arg6[%add3A_296, %dma_start3A_335] : memref<160000x128xi32, #tpu.memory_space<hbm>> -> memref<200x64xi32, #tpu.memory_space<hbm>>
        %dma_start3A_337 = arith.constant 64 : i32
        %dma_start3A_338 = tpu.memref_slice %arg6[%add3A_296, %dma_start3A_337] : memref<160000x128xi32, #tpu.memory_space<hbm>> -> memref<200x64xi32, #tpu.memory_space<hbm>>
        %dma_start3A_339 = arith.constant 0 : i32
        %dma_start3A_340 = arith.constant 0 : i32
        %dma_start3A_341 = tpu.memref_slice %arg12[%run_scoped3A_298, %dma_start3A_339, %dma_start3A_340] : memref<2x200x64xi32, #tpu.memory_space<vmem>> -> memref<1x200x64xi32, #tpu.memory_space<vmem>>
        %dma_start3A_342 = tpu.memref_squeeze %dma_start3A_341 : memref<1x200x64xi32, #tpu.memory_space<vmem>> -> memref<200x64xi32, #tpu.memory_space<vmem>>
        tpu.enqueue_dma source(%dma_start3A_342 : memref<200x64xi32, #tpu.memory_space<vmem>>) target(%dma_start3A_338 : memref<200x64xi32, #tpu.memory_space<hbm>>) target_semaphore(%run_scoped3A_330 : memref<!tpu.dma_semaphore, #tpu.memory_space<semaphore_mem>>)
        %dma_wait3A_343 = arith.constant 0 : i32
        %dma_wait3A_344 = arith.constant 0 : i32
        %dma_wait3A_345 = tpu.memref_slice %arg12[%run_scoped3A_298, %dma_wait3A_343, %dma_wait3A_344] : memref<2x200x64xi32, #tpu.memory_space<vmem>> -> memref<1x200x64xi32, #tpu.memory_space<vmem>>
        %dma_wait3A_346 = tpu.memref_squeeze %dma_wait3A_345 : memref<1x200x64xi32, #tpu.memory_space<vmem>> -> memref<200x64xi32, #tpu.memory_space<vmem>>
        %dma_wait3A_347 = arith.constant 64 : i32
        %dma_wait3A_348 = tpu.memref_slice %arg6[%add3A_296, %dma_wait3A_347] : memref<160000x128xi32, #tpu.memory_space<hbm>> -> memref<200x64xi32, #tpu.memory_space<hbm>>
        %dma_wait3A_349 = arith.constant 64 : i32
        %dma_wait3A_350 = tpu.memref_slice %arg6[%add3A_296, %dma_wait3A_349] : memref<160000x128xi32, #tpu.memory_space<hbm>> -> memref<200x64xi32, #tpu.memory_space<hbm>>
        %dma_wait3A_351 = arith.constant 0 : i32
        %dma_wait3A_352 = arith.constant 0 : i32
        %dma_wait3A_353 = tpu.memref_slice %arg12[%run_scoped3A_298, %dma_wait3A_351, %dma_wait3A_352] : memref<2x200x64xi32, #tpu.memory_space<vmem>> -> memref<1x200x64xi32, #tpu.memory_space<vmem>>
        %dma_wait3A_354 = tpu.memref_squeeze %dma_wait3A_353 : memref<1x200x64xi32, #tpu.memory_space<vmem>> -> memref<200x64xi32, #tpu.memory_space<vmem>>
        tpu.wait_dma2 semaphore(%run_scoped3A_330 : memref<!tpu.dma_semaphore, #tpu.memory_space<semaphore_mem>>) src(%dma_wait3A_354 : memref<200x64xi32, #tpu.memory_space<vmem>>) dst(%dma_wait3A_350 : memref<200x64xi32, #tpu.memory_space<hbm>>)
        tpu.yield
      }) : () -> ()
      %dma_wait3A_299 = arith.constant 0 : i32
      %dma_wait3A_300 = arith.constant 0 : i32
      %dma_wait3A_301 = tpu.memref_slice %arg9[%dma_wait3A_299, %dma_wait3A_300] : memref<2x200xi32, #tpu.memory_space<vmem>> -> memref<1x200xi32, #tpu.memory_space<vmem>>
      %dma_wait3A_302 = tpu.memref_squeeze %dma_wait3A_301 : memref<1x200xi32, #tpu.memory_space<vmem>> -> memref<200xi32, #tpu.memory_space<vmem>>
      %dma_wait3A_303 = arith.constant 0 : i32
      %dma_wait3A_304 = arith.constant 0 : i32
      %dma_wait3A_305 = tpu.memref_slice %arg3[%dma_wait3A_303, %dma_wait3A_304] : memref<10000x16xf32, #tpu.memory_space<hbm>> -> memref<10000x16xf32, #tpu.memory_space<hbm>>
      tpu.wait_indirect_dma semaphore(%arg18 : memref<!tpu.dma_semaphore, #tpu.memory_space<semaphore_mem>>) src(%dma_wait3A_305 : memref<10000x16xf32, #tpu.memory_space<hbm>>) dst(%arg13 : memref<200x16xf32, #tpu.memory_space<vmem>>)
      %dma_wait3A_306 = arith.constant 0 : i32
      %dma_wait3A_307 = arith.constant 0 : i32
      %dma_wait3A_308 = tpu.memref_slice %arg10[%dma_wait3A_306, %dma_wait3A_307] : memref<2x200xi32, #tpu.memory_space<vmem>> -> memref<1x200xi32, #tpu.memory_space<vmem>>
      %dma_wait3A_309 = tpu.memref_squeeze %dma_wait3A_308 : memref<1x200xi32, #tpu.memory_space<vmem>> -> memref<200xi32, #tpu.memory_space<vmem>>
      %dma_wait3A_310 = arith.constant 0 : i32
      %dma_wait3A_311 = arith.constant 0 : i32
      %dma_wait3A_312 = tpu.memref_slice %arg3[%dma_wait3A_310, %dma_wait3A_311] : memref<10000x16xf32, #tpu.memory_space<hbm>> -> memref<10000x16xf32, #tpu.memory_space<hbm>>
      tpu.wait_indirect_dma semaphore(%arg18 : memref<!tpu.dma_semaphore, #tpu.memory_space<semaphore_mem>>) src(%dma_wait3A_312 : memref<10000x16xf32, #tpu.memory_space<hbm>>) dst(%arg14 : memref<200x16xf32, #tpu.memory_space<vmem>>)
      %mul3A_313 = arith.constant 200 : i32
      %mul3A_314 = arith.muli %add3A_156, %mul3A_313 : i32
      %add3A_315 = arith.addi %mul3A_2, %mul3A_314 : i32
      "tpu.region"() ({
        %run_scoped3A_330 = tpu.sem_alloc : memref<!tpu.dma_semaphore, #tpu.memory_space<semaphore_mem>>
        %dma_start3A_331 = arith.constant 0 : i32
        %dma_start3A_332 = tpu.memref_slice %arg7[%add3A_315, %dma_start3A_331] : memref<160000x16xf32, #tpu.memory_space<hbm>> -> memref<200x16xf32, #tpu.memory_space<hbm>>
        %dma_start3A_333 = arith.constant 0 : i32
        %dma_start3A_334 = tpu.memref_slice %arg7[%add3A_315, %dma_start3A_333] : memref<160000x16xf32, #tpu.memory_space<hbm>> -> memref<200x16xf32, #tpu.memory_space<hbm>>
        tpu.enqueue_dma source(%arg13 : memref<200x16xf32, #tpu.memory_space<vmem>>) target(%dma_start3A_334 : memref<200x16xf32, #tpu.memory_space<hbm>>) target_semaphore(%run_scoped3A_330 : memref<!tpu.dma_semaphore, #tpu.memory_space<semaphore_mem>>)
        %dma_wait3A_335 = arith.constant 0 : i32
        %dma_wait3A_336 = tpu.memref_slice %arg7[%add3A_315, %dma_wait3A_335] : memref<160000x16xf32, #tpu.memory_space<hbm>> -> memref<200x16xf32, #tpu.memory_space<hbm>>
        %dma_wait3A_337 = arith.constant 0 : i32
        %dma_wait3A_338 = tpu.memref_slice %arg7[%add3A_315, %dma_wait3A_337] : memref<160000x16xf32, #tpu.memory_space<hbm>> -> memref<200x16xf32, #tpu.memory_space<hbm>>
        tpu.wait_dma2 semaphore(%run_scoped3A_330 : memref<!tpu.dma_semaphore, #tpu.memory_space<semaphore_mem>>) src(%arg13 : memref<200x16xf32, #tpu.memory_space<vmem>>) dst(%dma_wait3A_338 : memref<200x16xf32, #tpu.memory_space<hbm>>)
        tpu.yield
      }) : () -> ()
      "tpu.region"() ({
        %run_scoped3A_330 = tpu.sem_alloc : memref<!tpu.dma_semaphore, #tpu.memory_space<semaphore_mem>>
        %dma_start3A_331 = arith.constant 0 : i32
        %dma_start3A_332 = tpu.memref_slice %arg8[%add3A_315, %dma_start3A_331] : memref<160000x16xf32, #tpu.memory_space<hbm>> -> memref<200x16xf32, #tpu.memory_space<hbm>>
        %dma_start3A_333 = arith.constant 0 : i32
        %dma_start3A_334 = tpu.memref_slice %arg8[%add3A_315, %dma_start3A_333] : memref<160000x16xf32, #tpu.memory_space<hbm>> -> memref<200x16xf32, #tpu.memory_space<hbm>>
        tpu.enqueue_dma source(%arg14 : memref<200x16xf32, #tpu.memory_space<vmem>>) target(%dma_start3A_334 : memref<200x16xf32, #tpu.memory_space<hbm>>) target_semaphore(%run_scoped3A_330 : memref<!tpu.dma_semaphore, #tpu.memory_space<semaphore_mem>>)
        %dma_wait3A_335 = arith.constant 0 : i32
        %dma_wait3A_336 = tpu.memref_slice %arg8[%add3A_315, %dma_wait3A_335] : memref<160000x16xf32, #tpu.memory_space<hbm>> -> memref<200x16xf32, #tpu.memory_space<hbm>>
        %dma_wait3A_337 = arith.constant 0 : i32
        %dma_wait3A_338 = tpu.memref_slice %arg8[%add3A_315, %dma_wait3A_337] : memref<160000x16xf32, #tpu.memory_space<hbm>> -> memref<200x16xf32, #tpu.memory_space<hbm>>
        tpu.wait_dma2 semaphore(%run_scoped3A_330 : memref<!tpu.dma_semaphore, #tpu.memory_space<semaphore_mem>>) src(%arg14 : memref<200x16xf32, #tpu.memory_space<vmem>>) dst(%dma_wait3A_338 : memref<200x16xf32, #tpu.memory_space<hbm>>)
        tpu.yield
      }) : () -> ()
      %add3A_316 = arith.constant 1 : i32
      %add3A_317 = arith.addi %add3A_156, %add3A_316 : i32
      %lt3A_318 = arith.constant 25 : i32
      %lt3A_319 = arith.cmpi slt, %add3A_317, %lt3A_318 : i32
      %convert_element_type3A_320 = arith.extui %lt3A_319 : i1 to i32
      %cond3A_321 = arith.constant 0 : i32
      %cond3A_322 = arith.cmpi ne, %convert_element_type3A_320, %cond3A_321 : i32
      scf.if %cond3A_322 {
        %dma_start3A_330 = arith.constant 0 : i32
        %dma_start3A_331 = arith.constant 0 : i32
        %dma_start3A_332 = tpu.memref_slice %arg9[%dma_start3A_330, %dma_start3A_331] : memref<2x200xi32, #tpu.memory_space<vmem>> -> memref<1x200xi32, #tpu.memory_space<vmem>>
        %dma_start3A_333 = tpu.memref_squeeze %dma_start3A_332 : memref<1x200xi32, #tpu.memory_space<vmem>> -> memref<200xi32, #tpu.memory_space<vmem>>
        %dma_start3A_334 = arith.constant 0 : i32
        %dma_start3A_335 = arith.constant 0 : i32
        %dma_start3A_336 = tpu.memref_slice %arg3[%dma_start3A_334, %dma_start3A_335] : memref<10000x16xf32, #tpu.memory_space<hbm>> -> memref<10000x16xf32, #tpu.memory_space<hbm>>
        tpu.enqueue_indirect_dma source(%dma_start3A_336 : memref<10000x16xf32, #tpu.memory_space<hbm>>) target(%arg13 : memref<200x16xf32, #tpu.memory_space<vmem>>) offsets(%dma_start3A_333 : memref<200xi32, #tpu.memory_space<vmem>>) semaphore(%arg18 : memref<!tpu.dma_semaphore, #tpu.memory_space<semaphore_mem>>)
        %dma_start3A_337 = arith.constant 0 : i32
        %dma_start3A_338 = arith.constant 0 : i32
        %dma_start3A_339 = tpu.memref_slice %arg10[%dma_start3A_337, %dma_start3A_338] : memref<2x200xi32, #tpu.memory_space<vmem>> -> memref<1x200xi32, #tpu.memory_space<vmem>>
        %dma_start3A_340 = tpu.memref_squeeze %dma_start3A_339 : memref<1x200xi32, #tpu.memory_space<vmem>> -> memref<200xi32, #tpu.memory_space<vmem>>
        %dma_start3A_341 = arith.constant 0 : i32
        %dma_start3A_342 = arith.constant 0 : i32
        %dma_start3A_343 = tpu.memref_slice %arg3[%dma_start3A_341, %dma_start3A_342] : memref<10000x16xf32, #tpu.memory_space<hbm>> -> memref<10000x16xf32, #tpu.memory_space<hbm>>
        tpu.enqueue_indirect_dma source(%dma_start3A_343 : memref<10000x16xf32, #tpu.memory_space<hbm>>) target(%arg14 : memref<200x16xf32, #tpu.memory_space<vmem>>) offsets(%dma_start3A_340 : memref<200xi32, #tpu.memory_space<vmem>>) semaphore(%arg18 : memref<!tpu.dma_semaphore, #tpu.memory_space<semaphore_mem>>)
      } else {
      }
      %add3A_323 = arith.constant 2 : i32
      %add3A_324 = arith.addi %add3A_156, %add3A_323 : i32
      %lt3A_325 = arith.constant 25 : i32
      %lt3A_326 = arith.cmpi slt, %add3A_324, %lt3A_325 : i32
      %convert_element_type3A_327 = arith.extui %lt3A_326 : i1 to i32
      %cond3A_328 = arith.constant 0 : i32
      %cond3A_329 = arith.cmpi ne, %convert_element_type3A_327, %cond3A_328 : i32
      scf.if %cond3A_329 {
        %add3A_330 = arith.constant 2 : i32
        %add3A_331 = arith.addi %add3A_156, %add3A_330 : i32
        %mul3A_332 = arith.constant 200 : i32
        %mul3A_333 = arith.muli %add3A_331, %mul3A_332 : i32
        %add3A_334 = arith.addi %mul3A_2, %mul3A_333 : i32
        %dma_start3A_335 = arith.constant 1 : i32
        %dma_start3A_336 = arith.constant 0 : i32
        %dma_start3A_337 = tpu.memref_slice %arg9[%dma_start3A_335, %dma_start3A_336] : memref<2x200xi32, #tpu.memory_space<vmem>> -> memref<1x200xi32, #tpu.memory_space<vmem>>
        %dma_start3A_338 = tpu.memref_squeeze %dma_start3A_337 : memref<1x200xi32, #tpu.memory_space<vmem>> -> memref<200xi32, #tpu.memory_space<vmem>>
        %dma_start3A_339 = tpu.memref_slice %arg4[%add3A_334] : memref<160000xi32, #tpu.memory_space<hbm>> -> memref<200xi32, #tpu.memory_space<hbm>>
        %dma_start3A_340 = arith.constant 0 : i32
        %dma_start3A_341 = tpu.memref_slice %arg9[%dma_start3A_335, %dma_start3A_340] : memref<2x200xi32, #tpu.memory_space<vmem>> -> memref<1x200xi32, #tpu.memory_space<vmem>>
        %dma_start3A_342 = tpu.memref_squeeze %dma_start3A_341 : memref<1x200xi32, #tpu.memory_space<vmem>> -> memref<200xi32, #tpu.memory_space<vmem>>
        %dma_start3A_343 = tpu.memref_slice %arg4[%add3A_334] : memref<160000xi32, #tpu.memory_space<hbm>> -> memref<200xi32, #tpu.memory_space<hbm>>
        tpu.enqueue_dma source(%dma_start3A_343 : memref<200xi32, #tpu.memory_space<hbm>>) target(%dma_start3A_342 : memref<200xi32, #tpu.memory_space<vmem>>) target_semaphore(%arg17 : memref<!tpu.dma_semaphore, #tpu.memory_space<semaphore_mem>>)
        %dma_start3A_344 = arith.constant 1 : i32
        %dma_start3A_345 = arith.constant 0 : i32
        %dma_start3A_346 = tpu.memref_slice %arg10[%dma_start3A_344, %dma_start3A_345] : memref<2x200xi32, #tpu.memory_space<vmem>> -> memref<1x200xi32, #tpu.memory_space<vmem>>
        %dma_start3A_347 = tpu.memref_squeeze %dma_start3A_346 : memref<1x200xi32, #tpu.memory_space<vmem>> -> memref<200xi32, #tpu.memory_space<vmem>>
        %dma_start3A_348 = tpu.memref_slice %arg5[%add3A_334] : memref<160000xi32, #tpu.memory_space<hbm>> -> memref<200xi32, #tpu.memory_space<hbm>>
        %dma_start3A_349 = arith.constant 0 : i32
        %dma_start3A_350 = tpu.memref_slice %arg10[%dma_start3A_344, %dma_start3A_349] : memref<2x200xi32, #tpu.memory_space<vmem>> -> memref<1x200xi32, #tpu.memory_space<vmem>>
        %dma_start3A_351 = tpu.memref_squeeze %dma_start3A_350 : memref<1x200xi32, #tpu.memory_space<vmem>> -> memref<200xi32, #tpu.memory_space<vmem>>
        %dma_start3A_352 = tpu.memref_slice %arg5[%add3A_334] : memref<160000xi32, #tpu.memory_space<hbm>> -> memref<200xi32, #tpu.memory_space<hbm>>
        tpu.enqueue_dma source(%dma_start3A_352 : memref<200xi32, #tpu.memory_space<hbm>>) target(%dma_start3A_351 : memref<200xi32, #tpu.memory_space<vmem>>) target_semaphore(%arg17 : memref<!tpu.dma_semaphore, #tpu.memory_space<semaphore_mem>>)
      } else {
      }
    }
    %scan3A_104 = arith.constant 12 : i32
    %dma_wait3A_105 = arith.constant 0 : i32
    %dma_wait3A_106 = arith.constant 0 : i32
    %dma_wait3A_107 = arith.constant 0 : i32
    %dma_wait3A_108 = arith.constant 0 : i32
    %dma_wait3A_109 = tpu.memref_slice %arg11[%dma_wait3A_106, %dma_wait3A_107, %dma_wait3A_108] : memref<2x200x64xi32, #tpu.memory_space<vmem>> -> memref<1x200x64xi32, #tpu.memory_space<vmem>>
    %dma_wait3A_110 = tpu.memref_squeeze %dma_wait3A_109 : memref<1x200x64xi32, #tpu.memory_space<vmem>> -> memref<200x64xi32, #tpu.memory_space<vmem>>
    %dma_wait3A_111 = arith.constant 0 : i32
    %dma_wait3A_112 = tpu.memref_slice %arg9[%dma_wait3A_105, %dma_wait3A_111] : memref<2x200xi32, #tpu.memory_space<vmem>> -> memref<1x200xi32, #tpu.memory_space<vmem>>
    %dma_wait3A_113 = tpu.memref_squeeze %dma_wait3A_112 : memref<1x200xi32, #tpu.memory_space<vmem>> -> memref<200xi32, #tpu.memory_space<vmem>>
    %dma_wait3A_114 = arith.constant 0 : i32
    %dma_wait3A_115 = arith.constant 0 : i32
    %dma_wait3A_116 = tpu.memref_slice %arg2[%dma_wait3A_114, %dma_wait3A_115] : memref<10000x64xi32, #tpu.memory_space<hbm>> -> memref<10000x64xi32, #tpu.memory_space<hbm>>
    tpu.wait_indirect_dma semaphore(%arg15 : memref<!tpu.dma_semaphore, #tpu.memory_space<semaphore_mem>>) src(%dma_wait3A_116 : memref<10000x64xi32, #tpu.memory_space<hbm>>) dst(%dma_wait3A_110 : memref<200x64xi32, #tpu.memory_space<vmem>>)
    %dma_wait3A_117 = arith.constant 0 : i32
    %dma_wait3A_118 = arith.constant 0 : i32
    %dma_wait3A_119 = arith.constant 0 : i32
    %dma_wait3A_120 = arith.constant 0 : i32
    %dma_wait3A_121 = tpu.memref_slice %arg12[%dma_wait3A_118, %dma_wait3A_119, %dma_wait3A_120] : memref<2x200x64xi32, #tpu.memory_space<vmem>> -> memref<1x200x64xi32, #tpu.memory_space<vmem>>
    %dma_wait3A_122 = tpu.memref_squeeze %dma_wait3A_121 : memref<1x200x64xi32, #tpu.memory_space<vmem>> -> memref<200x64xi32, #tpu.memory_space<vmem>>
    %dma_wait3A_123 = arith.constant 0 : i32
    %dma_wait3A_124 = tpu.memref_slice %arg10[%dma_wait3A_117, %dma_wait3A_123] : memref<2x200xi32, #tpu.memory_space<vmem>> -> memref<1x200xi32, #tpu.memory_space<vmem>>
    %dma_wait3A_125 = tpu.memref_squeeze %dma_wait3A_124 : memref<1x200xi32, #tpu.memory_space<vmem>> -> memref<200xi32, #tpu.memory_space<vmem>>
    %dma_wait3A_126 = arith.constant 0 : i32
    %dma_wait3A_127 = arith.constant 0 : i32
    %dma_wait3A_128 = tpu.memref_slice %arg2[%dma_wait3A_126, %dma_wait3A_127] : memref<10000x64xi32, #tpu.memory_space<hbm>> -> memref<10000x64xi32, #tpu.memory_space<hbm>>
    tpu.wait_indirect_dma semaphore(%arg15 : memref<!tpu.dma_semaphore, #tpu.memory_space<semaphore_mem>>) src(%dma_wait3A_128 : memref<10000x64xi32, #tpu.memory_space<hbm>>) dst(%dma_wait3A_122 : memref<200x64xi32, #tpu.memory_space<vmem>>)
    %add3A_129 = arith.constant 4800 : i32
    %add3A_130 = arith.addi %mul3A_2, %add3A_129 : i32
    %run_scoped3A = arith.constant 0 : i32
    "tpu.region"() ({
      %run_scoped3A_148 = tpu.sem_alloc : memref<!tpu.dma_semaphore, #tpu.memory_space<semaphore_mem>>
      %dma_start3A_149 = arith.constant 0 : i32
      %dma_start3A_150 = arith.constant 0 : i32
      %dma_start3A_151 = tpu.memref_slice %arg11[%run_scoped3A, %dma_start3A_149, %dma_start3A_150] : memref<2x200x64xi32, #tpu.memory_space<vmem>> -> memref<1x200x64xi32, #tpu.memory_space<vmem>>
      %dma_start3A_152 = tpu.memref_squeeze %dma_start3A_151 : memref<1x200x64xi32, #tpu.memory_space<vmem>> -> memref<200x64xi32, #tpu.memory_space<vmem>>
      %dma_start3A_153 = arith.constant 0 : i32
      %dma_start3A_154 = tpu.memref_slice %arg6[%add3A_130, %dma_start3A_153] : memref<160000x128xi32, #tpu.memory_space<hbm>> -> memref<200x64xi32, #tpu.memory_space<hbm>>
      %dma_start3A_155 = arith.constant 0 : i32
      %dma_start3A_156 = tpu.memref_slice %arg6[%add3A_130, %dma_start3A_155] : memref<160000x128xi32, #tpu.memory_space<hbm>> -> memref<200x64xi32, #tpu.memory_space<hbm>>
      %dma_start3A_157 = arith.constant 0 : i32
      %dma_start3A_158 = arith.constant 0 : i32
      %dma_start3A_159 = tpu.memref_slice %arg11[%run_scoped3A, %dma_start3A_157, %dma_start3A_158] : memref<2x200x64xi32, #tpu.memory_space<vmem>> -> memref<1x200x64xi32, #tpu.memory_space<vmem>>
      %dma_start3A_160 = tpu.memref_squeeze %dma_start3A_159 : memref<1x200x64xi32, #tpu.memory_space<vmem>> -> memref<200x64xi32, #tpu.memory_space<vmem>>
      tpu.enqueue_dma source(%dma_start3A_160 : memref<200x64xi32, #tpu.memory_space<vmem>>) target(%dma_start3A_156 : memref<200x64xi32, #tpu.memory_space<hbm>>) target_semaphore(%run_scoped3A_148 : memref<!tpu.dma_semaphore, #tpu.memory_space<semaphore_mem>>)
      %dma_wait3A_161 = arith.constant 0 : i32
      %dma_wait3A_162 = arith.constant 0 : i32
      %dma_wait3A_163 = tpu.memref_slice %arg11[%run_scoped3A, %dma_wait3A_161, %dma_wait3A_162] : memref<2x200x64xi32, #tpu.memory_space<vmem>> -> memref<1x200x64xi32, #tpu.memory_space<vmem>>
      %dma_wait3A_164 = tpu.memref_squeeze %dma_wait3A_163 : memref<1x200x64xi32, #tpu.memory_space<vmem>> -> memref<200x64xi32, #tpu.memory_space<vmem>>
      %dma_wait3A_165 = arith.constant 0 : i32
      %dma_wait3A_166 = tpu.memref_slice %arg6[%add3A_130, %dma_wait3A_165] : memref<160000x128xi32, #tpu.memory_space<hbm>> -> memref<200x64xi32, #tpu.memory_space<hbm>>
      %dma_wait3A_167 = arith.constant 0 : i32
      %dma_wait3A_168 = tpu.memref_slice %arg6[%add3A_130, %dma_wait3A_167] : memref<160000x128xi32, #tpu.memory_space<hbm>> -> memref<200x64xi32, #tpu.memory_space<hbm>>
      %dma_wait3A_169 = arith.constant 0 : i32
      %dma_wait3A_170 = arith.constant 0 : i32
      %dma_wait3A_171 = tpu.memref_slice %arg11[%run_scoped3A, %dma_wait3A_169, %dma_wait3A_170] : memref<2x200x64xi32, #tpu.memory_space<vmem>> -> memref<1x200x64xi32, #tpu.memory_space<vmem>>
      %dma_wait3A_172 = tpu.memref_squeeze %dma_wait3A_171 : memref<1x200x64xi32, #tpu.memory_space<vmem>> -> memref<200x64xi32, #tpu.memory_space<vmem>>
      tpu.wait_dma2 semaphore(%run_scoped3A_148 : memref<!tpu.dma_semaphore, #tpu.memory_space<semaphore_mem>>) src(%dma_wait3A_172 : memref<200x64xi32, #tpu.memory_space<vmem>>) dst(%dma_wait3A_168 : memref<200x64xi32, #tpu.memory_space<hbm>>)
      tpu.yield
    }) : () -> ()
    %run_scoped3A_131 = arith.constant 0 : i32
    "tpu.region"() ({
      %run_scoped3A_148 = tpu.sem_alloc : memref<!tpu.dma_semaphore, #tpu.memory_space<semaphore_mem>>
      %dma_start3A_149 = arith.constant 0 : i32
      %dma_start3A_150 = arith.constant 0 : i32
      %dma_start3A_151 = tpu.memref_slice %arg12[%run_scoped3A_131, %dma_start3A_149, %dma_start3A_150] : memref<2x200x64xi32, #tpu.memory_space<vmem>> -> memref<1x200x64xi32, #tpu.memory_space<vmem>>
      %dma_start3A_152 = tpu.memref_squeeze %dma_start3A_151 : memref<1x200x64xi32, #tpu.memory_space<vmem>> -> memref<200x64xi32, #tpu.memory_space<vmem>>
      %dma_start3A_153 = arith.constant 64 : i32
      %dma_start3A_154 = tpu.memref_slice %arg6[%add3A_130, %dma_start3A_153] : memref<160000x128xi32, #tpu.memory_space<hbm>> -> memref<200x64xi32, #tpu.memory_space<hbm>>
      %dma_start3A_155 = arith.constant 64 : i32
      %dma_start3A_156 = tpu.memref_slice %arg6[%add3A_130, %dma_start3A_155] : memref<160000x128xi32, #tpu.memory_space<hbm>> -> memref<200x64xi32, #tpu.memory_space<hbm>>
      %dma_start3A_157 = arith.constant 0 : i32
      %dma_start3A_158 = arith.constant 0 : i32
      %dma_start3A_159 = tpu.memref_slice %arg12[%run_scoped3A_131, %dma_start3A_157, %dma_start3A_158] : memref<2x200x64xi32, #tpu.memory_space<vmem>> -> memref<1x200x64xi32, #tpu.memory_space<vmem>>
      %dma_start3A_160 = tpu.memref_squeeze %dma_start3A_159 : memref<1x200x64xi32, #tpu.memory_space<vmem>> -> memref<200x64xi32, #tpu.memory_space<vmem>>
      tpu.enqueue_dma source(%dma_start3A_160 : memref<200x64xi32, #tpu.memory_space<vmem>>) target(%dma_start3A_156 : memref<200x64xi32, #tpu.memory_space<hbm>>) target_semaphore(%run_scoped3A_148 : memref<!tpu.dma_semaphore, #tpu.memory_space<semaphore_mem>>)
      %dma_wait3A_161 = arith.constant 0 : i32
      %dma_wait3A_162 = arith.constant 0 : i32
      %dma_wait3A_163 = tpu.memref_slice %arg12[%run_scoped3A_131, %dma_wait3A_161, %dma_wait3A_162] : memref<2x200x64xi32, #tpu.memory_space<vmem>> -> memref<1x200x64xi32, #tpu.memory_space<vmem>>
      %dma_wait3A_164 = tpu.memref_squeeze %dma_wait3A_163 : memref<1x200x64xi32, #tpu.memory_space<vmem>> -> memref<200x64xi32, #tpu.memory_space<vmem>>
      %dma_wait3A_165 = arith.constant 64 : i32
      %dma_wait3A_166 = tpu.memref_slice %arg6[%add3A_130, %dma_wait3A_165] : memref<160000x128xi32, #tpu.memory_space<hbm>> -> memref<200x64xi32, #tpu.memory_space<hbm>>
      %dma_wait3A_167 = arith.constant 64 : i32
      %dma_wait3A_168 = tpu.memref_slice %arg6[%add3A_130, %dma_wait3A_167] : memref<160000x128xi32, #tpu.memory_space<hbm>> -> memref<200x64xi32, #tpu.memory_space<hbm>>
      %dma_wait3A_169 = arith.constant 0 : i32
      %dma_wait3A_170 = arith.constant 0 : i32
      %dma_wait3A_171 = tpu.memref_slice %arg12[%run_scoped3A_131, %dma_wait3A_169, %dma_wait3A_170] : memref<2x200x64xi32, #tpu.memory_space<vmem>> -> memref<1x200x64xi32, #tpu.memory_space<vmem>>
      %dma_wait3A_172 = tpu.memref_squeeze %dma_wait3A_171 : memref<1x200x64xi32, #tpu.memory_space<vmem>> -> memref<200x64xi32, #tpu.memory_space<vmem>>
      tpu.wait_dma2 semaphore(%run_scoped3A_148 : memref<!tpu.dma_semaphore, #tpu.memory_space<semaphore_mem>>) src(%dma_wait3A_172 : memref<200x64xi32, #tpu.memory_space<vmem>>) dst(%dma_wait3A_168 : memref<200x64xi32, #tpu.memory_space<hbm>>)
      tpu.yield
    }) : () -> ()
    %dma_wait3A_132 = arith.constant 0 : i32
    %dma_wait3A_133 = arith.constant 0 : i32
    %dma_wait3A_134 = tpu.memref_slice %arg9[%dma_wait3A_132, %dma_wait3A_133] : memref<2x200xi32, #tpu.memory_space<vmem>> -> memref<1x200xi32, #tpu.memory_space<vmem>>
    %dma_wait3A_135 = tpu.memref_squeeze %dma_wait3A_134 : memref<1x200xi32, #tpu.memory_space<vmem>> -> memref<200xi32, #tpu.memory_space<vmem>>
    %dma_wait3A_136 = arith.constant 0 : i32
    %dma_wait3A_137 = arith.constant 0 : i32
    %dma_wait3A_138 = tpu.memref_slice %arg3[%dma_wait3A_136, %dma_wait3A_137] : memref<10000x16xf32, #tpu.memory_space<hbm>> -> memref<10000x16xf32, #tpu.memory_space<hbm>>
    tpu.wait_indirect_dma semaphore(%arg18 : memref<!tpu.dma_semaphore, #tpu.memory_space<semaphore_mem>>) src(%dma_wait3A_138 : memref<10000x16xf32, #tpu.memory_space<hbm>>) dst(%arg13 : memref<200x16xf32, #tpu.memory_space<vmem>>)
    %dma_wait3A_139 = arith.constant 0 : i32
    %dma_wait3A_140 = arith.constant 0 : i32
    %dma_wait3A_141 = tpu.memref_slice %arg10[%dma_wait3A_139, %dma_wait3A_140] : memref<2x200xi32, #tpu.memory_space<vmem>> -> memref<1x200xi32, #tpu.memory_space<vmem>>
    %dma_wait3A_142 = tpu.memref_squeeze %dma_wait3A_141 : memref<1x200xi32, #tpu.memory_space<vmem>> -> memref<200xi32, #tpu.memory_space<vmem>>
    %dma_wait3A_143 = arith.constant 0 : i32
    %dma_wait3A_144 = arith.constant 0 : i32
    %dma_wait3A_145 = tpu.memref_slice %arg3[%dma_wait3A_143, %dma_wait3A_144] : memref<10000x16xf32, #tpu.memory_space<hbm>> -> memref<10000x16xf32, #tpu.memory_space<hbm>>
    tpu.wait_indirect_dma semaphore(%arg18 : memref<!tpu.dma_semaphore, #tpu.memory_space<semaphore_mem>>) src(%dma_wait3A_145 : memref<10000x16xf32, #tpu.memory_space<hbm>>) dst(%arg14 : memref<200x16xf32, #tpu.memory_space<vmem>>)
    %add3A_146 = arith.constant 4800 : i32
    %add3A_147 = arith.addi %mul3A_2, %add3A_146 : i32
    "tpu.region"() ({
      %run_scoped3A_148 = tpu.sem_alloc : memref<!tpu.dma_semaphore, #tpu.memory_space<semaphore_mem>>
      %dma_start3A_149 = arith.constant 0 : i32
      %dma_start3A_150 = tpu.memref_slice %arg7[%add3A_147, %dma_start3A_149] : memref<160000x16xf32, #tpu.memory_space<hbm>> -> memref<200x16xf32, #tpu.memory_space<hbm>>
      %dma_start3A_151 = arith.constant 0 : i32
      %dma_start3A_152 = tpu.memref_slice %arg7[%add3A_147, %dma_start3A_151] : memref<160000x16xf32, #tpu.memory_space<hbm>> -> memref<200x16xf32, #tpu.memory_space<hbm>>
      tpu.enqueue_dma source(%arg13 : memref<200x16xf32, #tpu.memory_space<vmem>>) target(%dma_start3A_152 : memref<200x16xf32, #tpu.memory_space<hbm>>) target_semaphore(%run_scoped3A_148 : memref<!tpu.dma_semaphore, #tpu.memory_space<semaphore_mem>>)
      %dma_wait3A_153 = arith.constant 0 : i32
      %dma_wait3A_154 = tpu.memref_slice %arg7[%add3A_147, %dma_wait3A_153] : memref<160000x16xf32, #tpu.memory_space<hbm>> -> memref<200x16xf32, #tpu.memory_space<hbm>>
      %dma_wait3A_155 = arith.constant 0 : i32
      %dma_wait3A_156 = tpu.memref_slice %arg7[%add3A_147, %dma_wait3A_155] : memref<160000x16xf32, #tpu.memory_space<hbm>> -> memref<200x16xf32, #tpu.memory_space<hbm>>
      tpu.wait_dma2 semaphore(%run_scoped3A_148 : memref<!tpu.dma_semaphore, #tpu.memory_space<semaphore_mem>>) src(%arg13 : memref<200x16xf32, #tpu.memory_space<vmem>>) dst(%dma_wait3A_156 : memref<200x16xf32, #tpu.memory_space<hbm>>)
      tpu.yield
    }) : () -> ()
    "tpu.region"() ({
      %run_scoped3A_148 = tpu.sem_alloc : memref<!tpu.dma_semaphore, #tpu.memory_space<semaphore_mem>>
      %dma_start3A_149 = arith.constant 0 : i32
      %dma_start3A_150 = tpu.memref_slice %arg8[%add3A_147, %dma_start3A_149] : memref<160000x16xf32, #tpu.memory_space<hbm>> -> memref<200x16xf32, #tpu.memory_space<hbm>>
      %dma_start3A_151 = arith.constant 0 : i32
      %dma_start3A_152 = tpu.memref_slice %arg8[%add3A_147, %dma_start3A_151] : memref<160000x16xf32, #tpu.memory_space<hbm>> -> memref<200x16xf32, #tpu.memory_space<hbm>>
      tpu.enqueue_dma source(%arg14 : memref<200x16xf32, #tpu.memory_space<vmem>>) target(%dma_start3A_152 : memref<200x16xf32, #tpu.memory_space<hbm>>) target_semaphore(%run_scoped3A_148 : memref<!tpu.dma_semaphore, #tpu.memory_space<semaphore_mem>>)
      %dma_wait3A_153 = arith.constant 0 : i32
      %dma_wait3A_154 = tpu.memref_slice %arg8[%add3A_147, %dma_wait3A_153] : memref<160000x16xf32, #tpu.memory_space<hbm>> -> memref<200x16xf32, #tpu.memory_space<hbm>>
      %dma_wait3A_155 = arith.constant 0 : i32
      %dma_wait3A_156 = tpu.memref_slice %arg8[%add3A_147, %dma_wait3A_155] : memref<160000x16xf32, #tpu.memory_space<hbm>> -> memref<200x16xf32, #tpu.memory_space<hbm>>
      tpu.wait_dma2 semaphore(%run_scoped3A_148 : memref<!tpu.dma_semaphore, #tpu.memory_space<semaphore_mem>>) src(%arg14 : memref<200x16xf32, #tpu.memory_space<vmem>>) dst(%dma_wait3A_156 : memref<200x16xf32, #tpu.memory_space<hbm>>)
      tpu.yield
    }) : () -> ()
    return
  }
}

#map = affine_map<(d0, d1) -> (0, 0)>
#map1 = affine_map<(d0, d1) -> (0)>
module attributes {stable_mosaic.version = 14 : i64} {
  func.func @_gather_kernel(%arg0: i32, %arg1: i32, %arg2: memref<10000x64xi32, #tpu.memory_space<hbm>>, %arg3: memref<10000x16xf32, #tpu.memory_space<hbm>>, %arg4: memref<160000xi32, #tpu.memory_space<hbm>>, %arg5: memref<160000xi32, #tpu.memory_space<hbm>>, %arg6: memref<160000x128xi32, #tpu.memory_space<hbm>>, %arg7: memref<160000x16xf32, #tpu.memory_space<hbm>>, %arg8: memref<160000x16xf32, #tpu.memory_space<hbm>>, %arg9: memref<2x200xi32, #tpu.memory_space<vmem>>, %arg10: memref<2x200xi32, #tpu.memory_space<vmem>>, %arg11: memref<2x200x64xi32, #tpu.memory_space<vmem>>, %arg12: memref<2x200x64xi32, #tpu.memory_space<vmem>>, %arg13: memref<200x16xf32, #tpu.memory_space<vmem>>, %arg14: memref<200x16xf32, #tpu.memory_space<vmem>>, %arg15: memref<!tpu.dma_semaphore, #tpu.memory_space<semaphore_mem>>, %arg16: memref<!tpu.dma_semaphore, #tpu.memory_space<semaphore_mem>>, %arg17: memref<!tpu.dma_semaphore, #tpu.memory_space<semaphore_mem>>, %arg18: memref<!tpu.dma_semaphore, #tpu.memory_space<semaphore_mem>>) attributes {dimension_semantics = [#tpu.dimension_semantics<core_parallel>, #tpu.dimension_semantics<subcore_parallel>], iteration_bounds = array<i64: 2, 16>, scalar_prefetch = 0 : i64, scratch_operands = 10 : i64, tpu.core_type = #tpu.core_type<sc_vector_subcore>, window_params = [{transform_indices = #map}, {transform_indices = #map}, {transform_indices = #map1}, {transform_indices = #map1}, {transform_indices = #map}, {transform_indices = #map}, {transform_indices = #map}]} {
    %mul3A = arith.constant 2 : i32
    %mul3A_0 = arith.muli %arg1, %mul3A : i32
    %add3A = arith.addi %mul3A_0, %arg0 : i32
    %mul3A_1 = arith.constant 5000 : i32
    %mul3A_2 = arith.muli %add3A, %mul3A_1 : i32
    %add3A_3 = arith.constant 0 : i32
    %add3A_4 = arith.addi %mul3A_2, %add3A_3 : i32
    %dma_start3A = arith.constant 0 : i32
    %dma_start3A_5 = arith.constant 0 : i32
    %dma_start3A_6 = tpu.memref_slice %arg9[%dma_start3A, %dma_start3A_5] : memref<2x200xi32, #tpu.memory_space<vmem>> -> memref<1x200xi32, #tpu.memory_space<vmem>>
    %dma_start3A_7 = tpu.memref_squeeze %dma_start3A_6 : memref<1x200xi32, #tpu.memory_space<vmem>> -> memref<200xi32, #tpu.memory_space<vmem>>
    %dma_start3A_8 = tpu.memref_slice %arg4[%add3A_4] : memref<160000xi32, #tpu.memory_space<hbm>> -> memref<200xi32, #tpu.memory_space<hbm>>
    %dma_start3A_9 = arith.constant 0 : i32
    %dma_start3A_10 = tpu.memref_slice %arg9[%dma_start3A, %dma_start3A_9] : memref<2x200xi32, #tpu.memory_space<vmem>> -> memref<1x200xi32, #tpu.memory_space<vmem>>
    %dma_start3A_11 = tpu.memref_squeeze %dma_start3A_10 : memref<1x200xi32, #tpu.memory_space<vmem>> -> memref<200xi32, #tpu.memory_space<vmem>>
    %dma_start3A_12 = tpu.memref_slice %arg4[%add3A_4] : memref<160000xi32, #tpu.memory_space<hbm>> -> memref<200xi32, #tpu.memory_space<hbm>>
    tpu.enqueue_dma source(%dma_start3A_12 : memref<200xi32, #tpu.memory_space<hbm>>) target(%dma_start3A_11 : memref<200xi32, #tpu.memory_space<vmem>>) target_semaphore(%arg17 : memref<!tpu.dma_semaphore, #tpu.memory_space<semaphore_mem>>)
    %dma_start3A_13 = arith.constant 0 : i32
    %dma_start3A_14 = arith.constant 0 : i32
    %dma_start3A_15 = tpu.memref_slice %arg10[%dma_start3A_13, %dma_start3A_14] : memref<2x200xi32, #tpu.memory_space<vmem>> -> memref<1x200xi32, #tpu.memory_space<vmem>>
    %dma_start3A_16 = tpu.memref_squeeze %dma_start3A_15 : memref<1x200xi32, #tpu.memory_space<vmem>> -> memref<200xi32, #tpu.memory_space<vmem>>
    %dma_start3A_17 = tpu.memref_slice %arg5[%add3A_4] : memref<160000xi32, #tpu.memory_space<hbm>> -> memref<200xi32, #tpu.memory_space<hbm>>
    %dma_start3A_18 = arith.constant 0 : i32
    %dma_start3A_19 = tpu.memref_slice %arg10[%dma_start3A_13, %dma_start3A_18] : memref<2x200xi32, #tpu.memory_space<vmem>> -> memref<1x200xi32, #tpu.memory_space<vmem>>
    %dma_start3A_20 = tpu.memref_squeeze %dma_start3A_19 : memref<1x200xi32, #tpu.memory_space<vmem>> -> memref<200xi32, #tpu.memory_space<vmem>>
    %dma_start3A_21 = tpu.memref_slice %arg5[%add3A_4] : memref<160000xi32, #tpu.memory_space<hbm>> -> memref<200xi32, #tpu.memory_space<hbm>>
    tpu.enqueue_dma source(%dma_start3A_21 : memref<200xi32, #tpu.memory_space<hbm>>) target(%dma_start3A_20 : memref<200xi32, #tpu.memory_space<vmem>>) target_semaphore(%arg17 : memref<!tpu.dma_semaphore, #tpu.memory_space<semaphore_mem>>)
    %dma_wait3A = arith.constant 0 : i32
    %dma_wait3A_22 = arith.constant 0 : i32
    %dma_wait3A_23 = tpu.memref_slice %arg9[%dma_wait3A, %dma_wait3A_22] : memref<2x200xi32, #tpu.memory_space<vmem>> -> memref<1x200xi32, #tpu.memory_space<vmem>>
    %dma_wait3A_24 = tpu.memref_squeeze %dma_wait3A_23 : memref<1x200xi32, #tpu.memory_space<vmem>> -> memref<200xi32, #tpu.memory_space<vmem>>
    %dma_wait3A_25 = arith.constant 0 : i32
    %dma_wait3A_26 = tpu.memref_slice %arg4[%dma_wait3A_25] : memref<160000xi32, #tpu.memory_space<hbm>> -> memref<200xi32, #tpu.memory_space<hbm>>
    %dma_wait3A_27 = arith.constant 0 : i32
    %dma_wait3A_28 = tpu.memref_slice %arg9[%dma_wait3A, %dma_wait3A_27] : memref<2x200xi32, #tpu.memory_space<vmem>> -> memref<1x200xi32, #tpu.memory_space<vmem>>
    %dma_wait3A_29 = tpu.memref_squeeze %dma_wait3A_28 : memref<1x200xi32, #tpu.memory_space<vmem>> -> memref<200xi32, #tpu.memory_space<vmem>>
    %dma_wait3A_30 = arith.constant 0 : i32
    %dma_wait3A_31 = tpu.memref_slice %arg4[%dma_wait3A_30] : memref<160000xi32, #tpu.memory_space<hbm>> -> memref<200xi32, #tpu.memory_space<hbm>>
    tpu.wait_dma2 semaphore(%arg17 : memref<!tpu.dma_semaphore, #tpu.memory_space<semaphore_mem>>) src(%dma_wait3A_31 : memref<200xi32, #tpu.memory_space<hbm>>) dst(%dma_wait3A_29 : memref<200xi32, #tpu.memory_space<vmem>>)
    %dma_wait3A_32 = arith.constant 0 : i32
    %dma_wait3A_33 = arith.constant 0 : i32
    %dma_wait3A_34 = tpu.memref_slice %arg10[%dma_wait3A_32, %dma_wait3A_33] : memref<2x200xi32, #tpu.memory_space<vmem>> -> memref<1x200xi32, #tpu.memory_space<vmem>>
    %dma_wait3A_35 = tpu.memref_squeeze %dma_wait3A_34 : memref<1x200xi32, #tpu.memory_space<vmem>> -> memref<200xi32, #tpu.memory_space<vmem>>
    %dma_wait3A_36 = arith.constant 0 : i32
    %dma_wait3A_37 = tpu.memref_slice %arg5[%dma_wait3A_36] : memref<160000xi32, #tpu.memory_space<hbm>> -> memref<200xi32, #tpu.memory_space<hbm>>
    %dma_wait3A_38 = arith.constant 0 : i32
    %dma_wait3A_39 = tpu.memref_slice %arg10[%dma_wait3A_32, %dma_wait3A_38] : memref<2x200xi32, #tpu.memory_space<vmem>> -> memref<1x200xi32, #tpu.memory_space<vmem>>
    %dma_wait3A_40 = tpu.memref_squeeze %dma_wait3A_39 : memref<1x200xi32, #tpu.memory_space<vmem>> -> memref<200xi32, #tpu.memory_space<vmem>>
    %dma_wait3A_41 = arith.constant 0 : i32
    %dma_wait3A_42 = tpu.memref_slice %arg5[%dma_wait3A_41] : memref<160000xi32, #tpu.memory_space<hbm>> -> memref<200xi32, #tpu.memory_space<hbm>>
    tpu.wait_dma2 semaphore(%arg17 : memref<!tpu.dma_semaphore, #tpu.memory_space<semaphore_mem>>) src(%dma_wait3A_42 : memref<200xi32, #tpu.memory_space<hbm>>) dst(%dma_wait3A_40 : memref<200xi32, #tpu.memory_space<vmem>>)
    %dma_start3A_43 = arith.constant 0 : i32
    %dma_start3A_44 = arith.constant 0 : i32
    %dma_start3A_45 = arith.constant 0 : i32
    %dma_start3A_46 = arith.constant 0 : i32
    %dma_start3A_47 = tpu.memref_slice %arg11[%dma_start3A_44, %dma_start3A_45, %dma_start3A_46] : memref<2x200x64xi32, #tpu.memory_space<vmem>> -> memref<1x200x64xi32, #tpu.memory_space<vmem>>
    %dma_start3A_48 = tpu.memref_squeeze %dma_start3A_47 : memref<1x200x64xi32, #tpu.memory_space<vmem>> -> memref<200x64xi32, #tpu.memory_space<vmem>>
    %dma_start3A_49 = arith.constant 0 : i32
    %dma_start3A_50 = tpu.memref_slice %arg9[%dma_start3A_43, %dma_start3A_49] : memref<2x200xi32, #tpu.memory_space<vmem>> -> memref<1x200xi32, #tpu.memory_space<vmem>>
    %dma_start3A_51 = tpu.memref_squeeze %dma_start3A_50 : memref<1x200xi32, #tpu.memory_space<vmem>> -> memref<200xi32, #tpu.memory_space<vmem>>
    %dma_start3A_52 = arith.constant 0 : i32
    %dma_start3A_53 = arith.constant 0 : i32
    %dma_start3A_54 = tpu.memref_slice %arg2[%dma_start3A_52, %dma_start3A_53] : memref<10000x64xi32, #tpu.memory_space<hbm>> -> memref<10000x64xi32, #tpu.memory_space<hbm>>
    tpu.enqueue_indirect_dma source(%dma_start3A_54 : memref<10000x64xi32, #tpu.memory_space<hbm>>) target(%dma_start3A_48 : memref<200x64xi32, #tpu.memory_space<vmem>>) offsets(%dma_start3A_51 : memref<200xi32, #tpu.memory_space<vmem>>) semaphore(%arg15 : memref<!tpu.dma_semaphore, #tpu.memory_space<semaphore_mem>>)
    %dma_start3A_55 = arith.constant 0 : i32
    %dma_start3A_56 = arith.constant 0 : i32
    %dma_start3A_57 = arith.constant 0 : i32
    %dma_start3A_58 = arith.constant 0 : i32
    %dma_start3A_59 = tpu.memref_slice %arg12[%dma_start3A_56, %dma_start3A_57, %dma_start3A_58] : memref<2x200x64xi32, #tpu.memory_space<vmem>> -> memref<1x200x64xi32, #tpu.memory_space<vmem>>
    %dma_start3A_60 = tpu.memref_squeeze %dma_start3A_59 : memref<1x200x64xi32, #tpu.memory_space<vmem>> -> memref<200x64xi32, #tpu.memory_space<vmem>>
    %dma_start3A_61 = arith.constant 0 : i32
    %dma_start3A_62 = tpu.memref_slice %arg10[%dma_start3A_55, %dma_start3A_61] : memref<2x200xi32, #tpu.memory_space<vmem>> -> memref<1x200xi32, #tpu.memory_space<vmem>>
    %dma_start3A_63 = tpu.memref_squeeze %dma_start3A_62 : memref<1x200xi32, #tpu.memory_space<vmem>> -> memref<200xi32, #tpu.memory_space<vmem>>
    %dma_start3A_64 = arith.constant 0 : i32
    %dma_start3A_65 = arith.constant 0 : i32
    %dma_start3A_66 = tpu.memref_slice %arg2[%dma_start3A_64, %dma_start3A_65] : memref<10000x64xi32, #tpu.memory_space<hbm>> -> memref<10000x64xi32, #tpu.memory_space<hbm>>
    tpu.enqueue_indirect_dma source(%dma_start3A_66 : memref<10000x64xi32, #tpu.memory_space<hbm>>) target(%dma_start3A_60 : memref<200x64xi32, #tpu.memory_space<vmem>>) offsets(%dma_start3A_63 : memref<200xi32, #tpu.memory_space<vmem>>) semaphore(%arg15 : memref<!tpu.dma_semaphore, #tpu.memory_space<semaphore_mem>>)
    %dma_start3A_67 = arith.constant 0 : i32
    %dma_start3A_68 = arith.constant 0 : i32
    %dma_start3A_69 = tpu.memref_slice %arg9[%dma_start3A_67, %dma_start3A_68] : memref<2x200xi32, #tpu.memory_space<vmem>> -> memref<1x200xi32, #tpu.memory_space<vmem>>
    %dma_start3A_70 = tpu.memref_squeeze %dma_start3A_69 : memref<1x200xi32, #tpu.memory_space<vmem>> -> memref<200xi32, #tpu.memory_space<vmem>>
    %dma_start3A_71 = arith.constant 0 : i32
    %dma_start3A_72 = arith.constant 0 : i32
    %dma_start3A_73 = tpu.memref_slice %arg3[%dma_start3A_71, %dma_start3A_72] : memref<10000x16xf32, #tpu.memory_space<hbm>> -> memref<10000x16xf32, #tpu.memory_space<hbm>>
    tpu.enqueue_indirect_dma source(%dma_start3A_73 : memref<10000x16xf32, #tpu.memory_space<hbm>>) target(%arg13 : memref<200x16xf32, #tpu.memory_space<vmem>>) offsets(%dma_start3A_70 : memref<200xi32, #tpu.memory_space<vmem>>) semaphore(%arg18 : memref<!tpu.dma_semaphore, #tpu.memory_space<semaphore_mem>>)
    %dma_start3A_74 = arith.constant 0 : i32
    %dma_start3A_75 = arith.constant 0 : i32
    %dma_start3A_76 = tpu.memref_slice %arg10[%dma_start3A_74, %dma_start3A_75] : memref<2x200xi32, #tpu.memory_space<vmem>> -> memref<1x200xi32, #tpu.memory_space<vmem>>
    %dma_start3A_77 = tpu.memref_squeeze %dma_start3A_76 : memref<1x200xi32, #tpu.memory_space<vmem>> -> memref<200xi32, #tpu.memory_space<vmem>>
    %dma_start3A_78 = arith.constant 0 : i32
    %dma_start3A_79 = arith.constant 0 : i32
    %dma_start3A_80 = tpu.memref_slice %arg3[%dma_start3A_78, %dma_start3A_79] : memref<10000x16xf32, #tpu.memory_space<hbm>> -> memref<10000x16xf32, #tpu.memory_space<hbm>>
    tpu.enqueue_indirect_dma source(%dma_start3A_80 : memref<10000x16xf32, #tpu.memory_space<hbm>>) target(%arg14 : memref<200x16xf32, #tpu.memory_space<vmem>>) offsets(%dma_start3A_77 : memref<200xi32, #tpu.memory_space<vmem>>) semaphore(%arg18 : memref<!tpu.dma_semaphore, #tpu.memory_space<semaphore_mem>>)
    %add3A_81 = arith.constant 200 : i32
    %add3A_82 = arith.addi %mul3A_2, %add3A_81 : i32
    %dma_start3A_83 = arith.constant 1 : i32
    %dma_start3A_84 = arith.constant 0 : i32
    %dma_start3A_85 = tpu.memref_slice %arg9[%dma_start3A_83, %dma_start3A_84] : memref<2x200xi32, #tpu.memory_space<vmem>> -> memref<1x200xi32, #tpu.memory_space<vmem>>
    %dma_start3A_86 = tpu.memref_squeeze %dma_start3A_85 : memref<1x200xi32, #tpu.memory_space<vmem>> -> memref<200xi32, #tpu.memory_space<vmem>>
    %dma_start3A_87 = tpu.memref_slice %arg4[%add3A_82] : memref<160000xi32, #tpu.memory_space<hbm>> -> memref<200xi32, #tpu.memory_space<hbm>>
    %dma_start3A_88 = arith.constant 0 : i32
    %dma_start3A_89 = tpu.memref_slice %arg9[%dma_start3A_83, %dma_start3A_88] : memref<2x200xi32, #tpu.memory_space<vmem>> -> memref<1x200xi32, #tpu.memory_space<vmem>>
    %dma_start3A_90 = tpu.memref_squeeze %dma_start3A_89 : memref<1x200xi32, #tpu.memory_space<vmem>> -> memref<200xi32, #tpu.memory_space<vmem>>
    %dma_start3A_91 = tpu.memref_slice %arg4[%add3A_82] : memref<160000xi32, #tpu.memory_space<hbm>> -> memref<200xi32, #tpu.memory_space<hbm>>
    tpu.enqueue_dma source(%dma_start3A_91 : memref<200xi32, #tpu.memory_space<hbm>>) target(%dma_start3A_90 : memref<200xi32, #tpu.memory_space<vmem>>) target_semaphore(%arg17 : memref<!tpu.dma_semaphore, #tpu.memory_space<semaphore_mem>>)
    %dma_start3A_92 = arith.constant 1 : i32
    %dma_start3A_93 = arith.constant 0 : i32
    %dma_start3A_94 = tpu.memref_slice %arg10[%dma_start3A_92, %dma_start3A_93] : memref<2x200xi32, #tpu.memory_space<vmem>> -> memref<1x200xi32, #tpu.memory_space<vmem>>
    %dma_start3A_95 = tpu.memref_squeeze %dma_start3A_94 : memref<1x200xi32, #tpu.memory_space<vmem>> -> memref<200xi32, #tpu.memory_space<vmem>>
    %dma_start3A_96 = tpu.memref_slice %arg5[%add3A_82] : memref<160000xi32, #tpu.memory_space<hbm>> -> memref<200xi32, #tpu.memory_space<hbm>>
    %dma_start3A_97 = arith.constant 0 : i32
    %dma_start3A_98 = tpu.memref_slice %arg10[%dma_start3A_92, %dma_start3A_97] : memref<2x200xi32, #tpu.memory_space<vmem>> -> memref<1x200xi32, #tpu.memory_space<vmem>>
    %dma_start3A_99 = tpu.memref_squeeze %dma_start3A_98 : memref<1x200xi32, #tpu.memory_space<vmem>> -> memref<200xi32, #tpu.memory_space<vmem>>
    %dma_start3A_100 = tpu.memref_slice %arg5[%add3A_82] : memref<160000xi32, #tpu.memory_space<hbm>> -> memref<200xi32, #tpu.memory_space<hbm>>
    tpu.enqueue_dma source(%dma_start3A_100 : memref<200xi32, #tpu.memory_space<hbm>>) target(%dma_start3A_99 : memref<200xi32, #tpu.memory_space<vmem>>) target_semaphore(%arg17 : memref<!tpu.dma_semaphore, #tpu.memory_space<semaphore_mem>>)
    %scan3A = arith.constant 0 : i32
    %scan3A_101 = arith.constant 12 : i32
    %scan3A_102 = arith.addi %scan3A, %scan3A_101 : i32
    %scan3A_103 = arith.constant 1 : i32
    scf.for %scan3A_148 = %scan3A to %scan3A_102 step %scan3A_103  : i32 {
      %mul3A_149 = arith.constant 1 : i32
      %mul3A_150 = arith.muli %scan3A_148, %mul3A_149 : i32
      %add3A_151 = arith.constant 0 : i32
      %add3A_152 = arith.addi %add3A_151, %mul3A_150 : i32
      %mul3A_153 = arith.constant 2 : i32
      %mul3A_154 = arith.muli %mul3A_153, %add3A_152 : i32
      %add3A_155 = arith.constant 1 : i32
      %add3A_156 = arith.addi %mul3A_154, %add3A_155 : i32
      %dma_wait3A_157 = arith.constant 1 : i32
      %dma_wait3A_158 = arith.constant 0 : i32
      %dma_wait3A_159 = tpu.memref_slice %arg9[%dma_wait3A_157, %dma_wait3A_158] : memref<2x200xi32, #tpu.memory_space<vmem>> -> memref<1x200xi32, #tpu.memory_space<vmem>>
      %dma_wait3A_160 = tpu.memref_squeeze %dma_wait3A_159 : memref<1x200xi32, #tpu.memory_space<vmem>> -> memref<200xi32, #tpu.memory_space<vmem>>
      %dma_wait3A_161 = arith.constant 0 : i32
      %dma_wait3A_162 = tpu.memref_slice %arg4[%dma_wait3A_161] : memref<160000xi32, #tpu.memory_space<hbm>> -> memref<200xi32, #tpu.memory_space<hbm>>
      %dma_wait3A_163 = arith.constant 0 : i32
      %dma_wait3A_164 = tpu.memref_slice %arg9[%dma_wait3A_157, %dma_wait3A_163] : memref<2x200xi32, #tpu.memory_space<vmem>> -> memref<1x200xi32, #tpu.memory_space<vmem>>
      %dma_wait3A_165 = tpu.memref_squeeze %dma_wait3A_164 : memref<1x200xi32, #tpu.memory_space<vmem>> -> memref<200xi32, #tpu.memory_space<vmem>>
      %dma_wait3A_166 = arith.constant 0 : i32
      %dma_wait3A_167 = tpu.memref_slice %arg4[%dma_wait3A_166] : memref<160000xi32, #tpu.memory_space<hbm>> -> memref<200xi32, #tpu.memory_space<hbm>>
      tpu.wait_dma2 semaphore(%arg17 : memref<!tpu.dma_semaphore, #tpu.memory_space<semaphore_mem>>) src(%dma_wait3A_167 : memref<200xi32, #tpu.memory_space<hbm>>) dst(%dma_wait3A_165 : memref<200xi32, #tpu.memory_space<vmem>>)
      %dma_wait3A_168 = arith.constant 1 : i32
      %dma_wait3A_169 = arith.constant 0 : i32
      %dma_wait3A_170 = tpu.memref_slice %arg10[%dma_wait3A_168, %dma_wait3A_169] : memref<2x200xi32, #tpu.memory_space<vmem>> -> memref<1x200xi32, #tpu.memory_space<vmem>>
      %dma_wait3A_171 = tpu.memref_squeeze %dma_wait3A_170 : memref<1x200xi32, #tpu.memory_space<vmem>> -> memref<200xi32, #tpu.memory_space<vmem>>
      %dma_wait3A_172 = arith.constant 0 : i32
      %dma_wait3A_173 = tpu.memref_slice %arg5[%dma_wait3A_172] : memref<160000xi32, #tpu.memory_space<hbm>> -> memref<200xi32, #tpu.memory_space<hbm>>
      %dma_wait3A_174 = arith.constant 0 : i32
      %dma_wait3A_175 = tpu.memref_slice %arg10[%dma_wait3A_168, %dma_wait3A_174] : memref<2x200xi32, #tpu.memory_space<vmem>> -> memref<1x200xi32, #tpu.memory_space<vmem>>
      %dma_wait3A_176 = tpu.memref_squeeze %dma_wait3A_175 : memref<1x200xi32, #tpu.memory_space<vmem>> -> memref<200xi32, #tpu.memory_space<vmem>>
      %dma_wait3A_177 = arith.constant 0 : i32
      %dma_wait3A_178 = tpu.memref_slice %arg5[%dma_wait3A_177] : memref<160000xi32, #tpu.memory_space<hbm>> -> memref<200xi32, #tpu.memory_space<hbm>>
      tpu.wait_dma2 semaphore(%arg17 : memref<!tpu.dma_semaphore, #tpu.memory_space<semaphore_mem>>) src(%dma_wait3A_178 : memref<200xi32, #tpu.memory_space<hbm>>) dst(%dma_wait3A_176 : memref<200xi32, #tpu.memory_space<vmem>>)
      %dma_start3A_179 = arith.constant 1 : i32
      %dma_start3A_180 = arith.constant 1 : i32
      %dma_start3A_181 = arith.constant 0 : i32
      %dma_start3A_182 = arith.constant 0 : i32
      %dma_start3A_183 = tpu.memref_slice %arg11[%dma_start3A_180, %dma_start3A_181, %dma_start3A_182] : memref<2x200x64xi32, #tpu.memory_space<vmem>> -> memref<1x200x64xi32, #tpu.memory_space<vmem>>
      %dma_start3A_184 = tpu.memref_squeeze %dma_start3A_183 : memref<1x200x64xi32, #tpu.memory_space<vmem>> -> memref<200x64xi32, #tpu.memory_space<vmem>>
      %dma_start3A_185 = arith.constant 0 : i32
      %dma_start3A_186 = tpu.memref_slice %arg9[%dma_start3A_179, %dma_start3A_185] : memref<2x200xi32, #tpu.memory_space<vmem>> -> memref<1x200xi32, #tpu.memory_space<vmem>>
      %dma_start3A_187 = tpu.memref_squeeze %dma_start3A_186 : memref<1x200xi32, #tpu.memory_space<vmem>> -> memref<200xi32, #tpu.memory_space<vmem>>
      %dma_start3A_188 = arith.constant 0 : i32
      %dma_start3A_189 = arith.constant 0 : i32
      %dma_start3A_190 = tpu.memref_slice %arg2[%dma_start3A_188, %dma_start3A_189] : memref<10000x64xi32, #tpu.memory_space<hbm>> -> memref<10000x64xi32, #tpu.memory_space<hbm>>
      tpu.enqueue_indirect_dma source(%dma_start3A_190 : memref<10000x64xi32, #tpu.memory_space<hbm>>) target(%dma_start3A_184 : memref<200x64xi32, #tpu.memory_space<vmem>>) offsets(%dma_start3A_187 : memref<200xi32, #tpu.memory_space<vmem>>) semaphore(%arg16 : memref<!tpu.dma_semaphore, #tpu.memory_space<semaphore_mem>>)
      %dma_start3A_191 = arith.constant 1 : i32
      %dma_start3A_192 = arith.constant 1 : i32
      %dma_start3A_193 = arith.constant 0 : i32
      %dma_start3A_194 = arith.constant 0 : i32
      %dma_start3A_195 = tpu.memref_slice %arg12[%dma_start3A_192, %dma_start3A_193, %dma_start3A_194] : memref<2x200x64xi32, #tpu.memory_space<vmem>> -> memref<1x200x64xi32, #tpu.memory_space<vmem>>
      %dma_start3A_196 = tpu.memref_squeeze %dma_start3A_195 : memref<1x200x64xi32, #tpu.memory_space<vmem>> -> memref<200x64xi32, #tpu.memory_space<vmem>>
      %dma_start3A_197 = arith.constant 0 : i32
      %dma_start3A_198 = tpu.memref_slice %arg10[%dma_start3A_191, %dma_start3A_197] : memref<2x200xi32, #tpu.memory_space<vmem>> -> memref<1x200xi32, #tpu.memory_space<vmem>>
      %dma_start3A_199 = tpu.memref_squeeze %dma_start3A_198 : memref<1x200xi32, #tpu.memory_space<vmem>> -> memref<200xi32, #tpu.memory_space<vmem>>
      %dma_start3A_200 = arith.constant 0 : i32
      %dma_start3A_201 = arith.constant 0 : i32
      %dma_start3A_202 = tpu.memref_slice %arg2[%dma_start3A_200, %dma_start3A_201] : memref<10000x64xi32, #tpu.memory_space<hbm>> -> memref<10000x64xi32, #tpu.memory_space<hbm>>
      tpu.enqueue_indirect_dma source(%dma_start3A_202 : memref<10000x64xi32, #tpu.memory_space<hbm>>) target(%dma_start3A_196 : memref<200x64xi32, #tpu.memory_space<vmem>>) offsets(%dma_start3A_199 : memref<200xi32, #tpu.memory_space<vmem>>) semaphore(%arg16 : memref<!tpu.dma_semaphore, #tpu.memory_space<semaphore_mem>>)
      %dma_wait3A_203 = arith.constant 0 : i32
      %dma_wait3A_204 = arith.constant 0 : i32
      %dma_wait3A_205 = arith.constant 0 : i32
      %dma_wait3A_206 = arith.constant 0 : i32
      %dma_wait3A_207 = tpu.memref_slice %arg11[%dma_wait3A_204, %dma_wait3A_205, %dma_wait3A_206] : memref<2x200x64xi32, #tpu.memory_space<vmem>> -> memref<1x200x64xi32, #tpu.memory_space<vmem>>
      %dma_wait3A_208 = tpu.memref_squeeze %dma_wait3A_207 : memref<1x200x64xi32, #tpu.memory_space<vmem>> -> memref<200x64xi32, #tpu.memory_space<vmem>>
      %dma_wait3A_209 = arith.constant 0 : i32
      %dma_wait3A_210 = tpu.memref_slice %arg9[%dma_wait3A_203, %dma_wait3A_209] : memref<2x200xi32, #tpu.memory_space<vmem>> -> memref<1x200xi32, #tpu.memory_space<vmem>>
      %dma_wait3A_211 = tpu.memref_squeeze %dma_wait3A_210 : memref<1x200xi32, #tpu.memory_space<vmem>> -> memref<200xi32, #tpu.memory_space<vmem>>
      %dma_wait3A_212 = arith.constant 0 : i32
      %dma_wait3A_213 = arith.constant 0 : i32
      %dma_wait3A_214 = tpu.memref_slice %arg2[%dma_wait3A_212, %dma_wait3A_213] : memref<10000x64xi32, #tpu.memory_space<hbm>> -> memref<10000x64xi32, #tpu.memory_space<hbm>>
      tpu.wait_indirect_dma semaphore(%arg15 : memref<!tpu.dma_semaphore, #tpu.memory_space<semaphore_mem>>) src(%dma_wait3A_214 : memref<10000x64xi32, #tpu.memory_space<hbm>>) dst(%dma_wait3A_208 : memref<200x64xi32, #tpu.memory_space<vmem>>)
      %dma_wait3A_215 = arith.constant 0 : i32
      %dma_wait3A_216 = arith.constant 0 : i32
      %dma_wait3A_217 = arith.constant 0 : i32
      %dma_wait3A_218 = arith.constant 0 : i32
      %dma_wait3A_219 = tpu.memref_slice %arg12[%dma_wait3A_216, %dma_wait3A_217, %dma_wait3A_218] : memref<2x200x64xi32, #tpu.memory_space<vmem>> -> memref<1x200x64xi32, #tpu.memory_space<vmem>>
      %dma_wait3A_220 = tpu.memref_squeeze %dma_wait3A_219 : memref<1x200x64xi32, #tpu.memory_space<vmem>> -> memref<200x64xi32, #tpu.memory_space<vmem>>
      %dma_wait3A_221 = arith.constant 0 : i32
      %dma_wait3A_222 = tpu.memref_slice %arg10[%dma_wait3A_215, %dma_wait3A_221] : memref<2x200xi32, #tpu.memory_space<vmem>> -> memref<1x200xi32, #tpu.memory_space<vmem>>
      %dma_wait3A_223 = tpu.memref_squeeze %dma_wait3A_222 : memref<1x200xi32, #tpu.memory_space<vmem>> -> memref<200xi32, #tpu.memory_space<vmem>>
      %dma_wait3A_224 = arith.constant 0 : i32
      %dma_wait3A_225 = arith.constant 0 : i32
      %dma_wait3A_226 = tpu.memref_slice %arg2[%dma_wait3A_224, %dma_wait3A_225] : memref<10000x64xi32, #tpu.memory_space<hbm>> -> memref<10000x64xi32, #tpu.memory_space<hbm>>
      tpu.wait_indirect_dma semaphore(%arg15 : memref<!tpu.dma_semaphore, #tpu.memory_space<semaphore_mem>>) src(%dma_wait3A_226 : memref<10000x64xi32, #tpu.memory_space<hbm>>) dst(%dma_wait3A_220 : memref<200x64xi32, #tpu.memory_space<vmem>>)
      %sub3A = arith.constant 1 : i32
      %sub3A_227 = arith.subi %add3A_156, %sub3A : i32
      %mul3A_228 = arith.constant 200 : i32
      %mul3A_229 = arith.muli %sub3A_227, %mul3A_228 : i32
      %add3A_230 = arith.addi %mul3A_2, %mul3A_229 : i32
      %run_scoped3A_231 = arith.constant 0 : i32
      "tpu.region"() ({
        %run_scoped3A_330 = tpu.sem_alloc : memref<!tpu.dma_semaphore, #tpu.memory_space<semaphore_mem>>
        %dma_start3A_331 = arith.constant 0 : i32
        %dma_start3A_332 = arith.constant 0 : i32
        %dma_start3A_333 = tpu.memref_slice %arg11[%run_scoped3A_231, %dma_start3A_331, %dma_start3A_332] : memref<2x200x64xi32, #tpu.memory_space<vmem>> -> memref<1x200x64xi32, #tpu.memory_space<vmem>>
        %dma_start3A_334 = tpu.memref_squeeze %dma_start3A_333 : memref<1x200x64xi32, #tpu.memory_space<vmem>> -> memref<200x64xi32, #tpu.memory_space<vmem>>
        %dma_start3A_335 = arith.constant 0 : i32
        %dma_start3A_336 = tpu.memref_slice %arg6[%add3A_230, %dma_start3A_335] : memref<160000x128xi32, #tpu.memory_space<hbm>> -> memref<200x64xi32, #tpu.memory_space<hbm>>
        %dma_start3A_337 = arith.constant 0 : i32
        %dma_start3A_338 = tpu.memref_slice %arg6[%add3A_230, %dma_start3A_337] : memref<160000x128xi32, #tpu.memory_space<hbm>> -> memref<200x64xi32, #tpu.memory_space<hbm>>
        %dma_start3A_339 = arith.constant 0 : i32
        %dma_start3A_340 = arith.constant 0 : i32
        %dma_start3A_341 = tpu.memref_slice %arg11[%run_scoped3A_231, %dma_start3A_339, %dma_start3A_340] : memref<2x200x64xi32, #tpu.memory_space<vmem>> -> memref<1x200x64xi32, #tpu.memory_space<vmem>>
        %dma_start3A_342 = tpu.memref_squeeze %dma_start3A_341 : memref<1x200x64xi32, #tpu.memory_space<vmem>> -> memref<200x64xi32, #tpu.memory_space<vmem>>
        tpu.enqueue_dma source(%dma_start3A_342 : memref<200x64xi32, #tpu.memory_space<vmem>>) target(%dma_start3A_338 : memref<200x64xi32, #tpu.memory_space<hbm>>) target_semaphore(%run_scoped3A_330 : memref<!tpu.dma_semaphore, #tpu.memory_space<semaphore_mem>>)
        %dma_wait3A_343 = arith.constant 0 : i32
        %dma_wait3A_344 = arith.constant 0 : i32
        %dma_wait3A_345 = tpu.memref_slice %arg11[%run_scoped3A_231, %dma_wait3A_343, %dma_wait3A_344] : memref<2x200x64xi32, #tpu.memory_space<vmem>> -> memref<1x200x64xi32, #tpu.memory_space<vmem>>
        %dma_wait3A_346 = tpu.memref_squeeze %dma_wait3A_345 : memref<1x200x64xi32, #tpu.memory_space<vmem>> -> memref<200x64xi32, #tpu.memory_space<vmem>>
        %dma_wait3A_347 = arith.constant 0 : i32
        %dma_wait3A_348 = tpu.memref_slice %arg6[%add3A_230, %dma_wait3A_347] : memref<160000x128xi32, #tpu.memory_space<hbm>> -> memref<200x64xi32, #tpu.memory_space<hbm>>
        %dma_wait3A_349 = arith.constant 0 : i32
        %dma_wait3A_350 = tpu.memref_slice %arg6[%add3A_230, %dma_wait3A_349] : memref<160000x128xi32, #tpu.memory_space<hbm>> -> memref<200x64xi32, #tpu.memory_space<hbm>>
        %dma_wait3A_351 = arith.constant 0 : i32
        %dma_wait3A_352 = arith.constant 0 : i32
        %dma_wait3A_353 = tpu.memref_slice %arg11[%run_scoped3A_231, %dma_wait3A_351, %dma_wait3A_352] : memref<2x200x64xi32, #tpu.memory_space<vmem>> -> memref<1x200x64xi32, #tpu.memory_space<vmem>>
        %dma_wait3A_354 = tpu.memref_squeeze %dma_wait3A_353 : memref<1x200x64xi32, #tpu.memory_space<vmem>> -> memref<200x64xi32, #tpu.memory_space<vmem>>
        tpu.wait_dma2 semaphore(%run_scoped3A_330 : memref<!tpu.dma_semaphore, #tpu.memory_space<semaphore_mem>>) src(%dma_wait3A_354 : memref<200x64xi32, #tpu.memory_space<vmem>>) dst(%dma_wait3A_350 : memref<200x64xi32, #tpu.memory_space<hbm>>)
        tpu.yield
      }) : () -> ()
      %run_scoped3A_232 = arith.constant 0 : i32
      "tpu.region"() ({
        %run_scoped3A_330 = tpu.sem_alloc : memref<!tpu.dma_semaphore, #tpu.memory_space<semaphore_mem>>
        %dma_start3A_331 = arith.constant 0 : i32
        %dma_start3A_332 = arith.constant 0 : i32
        %dma_start3A_333 = tpu.memref_slice %arg12[%run_scoped3A_232, %dma_start3A_331, %dma_start3A_332] : memref<2x200x64xi32, #tpu.memory_space<vmem>> -> memref<1x200x64xi32, #tpu.memory_space<vmem>>
        %dma_start3A_334 = tpu.memref_squeeze %dma_start3A_333 : memref<1x200x64xi32, #tpu.memory_space<vmem>> -> memref<200x64xi32, #tpu.memory_space<vmem>>
        %dma_start3A_335 = arith.constant 64 : i32
        %dma_start3A_336 = tpu.memref_slice %arg6[%add3A_230, %dma_start3A_335] : memref<160000x128xi32, #tpu.memory_space<hbm>> -> memref<200x64xi32, #tpu.memory_space<hbm>>
        %dma_start3A_337 = arith.constant 64 : i32
        %dma_start3A_338 = tpu.memref_slice %arg6[%add3A_230, %dma_start3A_337] : memref<160000x128xi32, #tpu.memory_space<hbm>> -> memref<200x64xi32, #tpu.memory_space<hbm>>
        %dma_start3A_339 = arith.constant 0 : i32
        %dma_start3A_340 = arith.constant 0 : i32
        %dma_start3A_341 = tpu.memref_slice %arg12[%run_scoped3A_232, %dma_start3A_339, %dma_start3A_340] : memref<2x200x64xi32, #tpu.memory_space<vmem>> -> memref<1x200x64xi32, #tpu.memory_space<vmem>>
        %dma_start3A_342 = tpu.memref_squeeze %dma_start3A_341 : memref<1x200x64xi32, #tpu.memory_space<vmem>> -> memref<200x64xi32, #tpu.memory_space<vmem>>
        tpu.enqueue_dma source(%dma_start3A_342 : memref<200x64xi32, #tpu.memory_space<vmem>>) target(%dma_start3A_338 : memref<200x64xi32, #tpu.memory_space<hbm>>) target_semaphore(%run_scoped3A_330 : memref<!tpu.dma_semaphore, #tpu.memory_space<semaphore_mem>>)
        %dma_wait3A_343 = arith.constant 0 : i32
        %dma_wait3A_344 = arith.constant 0 : i32
        %dma_wait3A_345 = tpu.memref_slice %arg12[%run_scoped3A_232, %dma_wait3A_343, %dma_wait3A_344] : memref<2x200x64xi32, #tpu.memory_space<vmem>> -> memref<1x200x64xi32, #tpu.memory_space<vmem>>
        %dma_wait3A_346 = tpu.memref_squeeze %dma_wait3A_345 : memref<1x200x64xi32, #tpu.memory_space<vmem>> -> memref<200x64xi32, #tpu.memory_space<vmem>>
        %dma_wait3A_347 = arith.constant 64 : i32
        %dma_wait3A_348 = tpu.memref_slice %arg6[%add3A_230, %dma_wait3A_347] : memref<160000x128xi32, #tpu.memory_space<hbm>> -> memref<200x64xi32, #tpu.memory_space<hbm>>
        %dma_wait3A_349 = arith.constant 64 : i32
        %dma_wait3A_350 = tpu.memref_slice %arg6[%add3A_230, %dma_wait3A_349] : memref<160000x128xi32, #tpu.memory_space<hbm>> -> memref<200x64xi32, #tpu.memory_space<hbm>>
        %dma_wait3A_351 = arith.constant 0 : i32
        %dma_wait3A_352 = arith.constant 0 : i32
        %dma_wait3A_353 = tpu.memref_slice %arg12[%run_scoped3A_232, %dma_wait3A_351, %dma_wait3A_352] : memref<2x200x64xi32, #tpu.memory_space<vmem>> -> memref<1x200x64xi32, #tpu.memory_space<vmem>>
        %dma_wait3A_354 = tpu.memref_squeeze %dma_wait3A_353 : memref<1x200x64xi32, #tpu.memory_space<vmem>> -> memref<200x64xi32, #tpu.memory_space<vmem>>
        tpu.wait_dma2 semaphore(%run_scoped3A_330 : memref<!tpu.dma_semaphore, #tpu.memory_space<semaphore_mem>>) src(%dma_wait3A_354 : memref<200x64xi32, #tpu.memory_space<vmem>>) dst(%dma_wait3A_350 : memref<200x64xi32, #tpu.memory_space<hbm>>)
        tpu.yield
      }) : () -> ()
      %dma_wait3A_233 = arith.constant 0 : i32
      %dma_wait3A_234 = arith.constant 0 : i32
      %dma_wait3A_235 = tpu.memref_slice %arg9[%dma_wait3A_233, %dma_wait3A_234] : memref<2x200xi32, #tpu.memory_space<vmem>> -> memref<1x200xi32, #tpu.memory_space<vmem>>
      %dma_wait3A_236 = tpu.memref_squeeze %dma_wait3A_235 : memref<1x200xi32, #tpu.memory_space<vmem>> -> memref<200xi32, #tpu.memory_space<vmem>>
      %dma_wait3A_237 = arith.constant 0 : i32
      %dma_wait3A_238 = arith.constant 0 : i32
      %dma_wait3A_239 = tpu.memref_slice %arg3[%dma_wait3A_237, %dma_wait3A_238] : memref<10000x16xf32, #tpu.memory_space<hbm>> -> memref<10000x16xf32, #tpu.memory_space<hbm>>
      tpu.wait_indirect_dma semaphore(%arg18 : memref<!tpu.dma_semaphore, #tpu.memory_space<semaphore_mem>>) src(%dma_wait3A_239 : memref<10000x16xf32, #tpu.memory_space<hbm>>) dst(%arg13 : memref<200x16xf32, #tpu.memory_space<vmem>>)
      %dma_wait3A_240 = arith.constant 0 : i32
      %dma_wait3A_241 = arith.constant 0 : i32
      %dma_wait3A_242 = tpu.memref_slice %arg10[%dma_wait3A_240, %dma_wait3A_241] : memref<2x200xi32, #tpu.memory_space<vmem>> -> memref<1x200xi32, #tpu.memory_space<vmem>>
      %dma_wait3A_243 = tpu.memref_squeeze %dma_wait3A_242 : memref<1x200xi32, #tpu.memory_space<vmem>> -> memref<200xi32, #tpu.memory_space<vmem>>
      %dma_wait3A_244 = arith.constant 0 : i32
      %dma_wait3A_245 = arith.constant 0 : i32
      %dma_wait3A_246 = tpu.memref_slice %arg3[%dma_wait3A_244, %dma_wait3A_245] : memref<10000x16xf32, #tpu.memory_space<hbm>> -> memref<10000x16xf32, #tpu.memory_space<hbm>>
      tpu.wait_indirect_dma semaphore(%arg18 : memref<!tpu.dma_semaphore, #tpu.memory_space<semaphore_mem>>) src(%dma_wait3A_246 : memref<10000x16xf32, #tpu.memory_space<hbm>>) dst(%arg14 : memref<200x16xf32, #tpu.memory_space<vmem>>)
      %sub3A_247 = arith.constant 1 : i32
      %sub3A_248 = arith.subi %add3A_156, %sub3A_247 : i32
      %mul3A_249 = arith.constant 200 : i32
      %mul3A_250 = arith.muli %sub3A_248, %mul3A_249 : i32
      %add3A_251 = arith.addi %mul3A_2, %mul3A_250 : i32
      "tpu.region"() ({
        %run_scoped3A_330 = tpu.sem_alloc : memref<!tpu.dma_semaphore, #tpu.memory_space<semaphore_mem>>
        %dma_start3A_331 = arith.constant 0 : i32
        %dma_start3A_332 = tpu.memref_slice %arg7[%add3A_251, %dma_start3A_331] : memref<160000x16xf32, #tpu.memory_space<hbm>> -> memref<200x16xf32, #tpu.memory_space<hbm>>
        %dma_start3A_333 = arith.constant 0 : i32
        %dma_start3A_334 = tpu.memref_slice %arg7[%add3A_251, %dma_start3A_333] : memref<160000x16xf32, #tpu.memory_space<hbm>> -> memref<200x16xf32, #tpu.memory_space<hbm>>
        tpu.enqueue_dma source(%arg13 : memref<200x16xf32, #tpu.memory_space<vmem>>) target(%dma_start3A_334 : memref<200x16xf32, #tpu.memory_space<hbm>>) target_semaphore(%run_scoped3A_330 : memref<!tpu.dma_semaphore, #tpu.memory_space<semaphore_mem>>)
        %dma_wait3A_335 = arith.constant 0 : i32
        %dma_wait3A_336 = tpu.memref_slice %arg7[%add3A_251, %dma_wait3A_335] : memref<160000x16xf32, #tpu.memory_space<hbm>> -> memref<200x16xf32, #tpu.memory_space<hbm>>
        %dma_wait3A_337 = arith.constant 0 : i32
        %dma_wait3A_338 = tpu.memref_slice %arg7[%add3A_251, %dma_wait3A_337] : memref<160000x16xf32, #tpu.memory_space<hbm>> -> memref<200x16xf32, #tpu.memory_space<hbm>>
        tpu.wait_dma2 semaphore(%run_scoped3A_330 : memref<!tpu.dma_semaphore, #tpu.memory_space<semaphore_mem>>) src(%arg13 : memref<200x16xf32, #tpu.memory_space<vmem>>) dst(%dma_wait3A_338 : memref<200x16xf32, #tpu.memory_space<hbm>>)
        tpu.yield
      }) : () -> ()
      "tpu.region"() ({
        %run_scoped3A_330 = tpu.sem_alloc : memref<!tpu.dma_semaphore, #tpu.memory_space<semaphore_mem>>
        %dma_start3A_331 = arith.constant 0 : i32
        %dma_start3A_332 = tpu.memref_slice %arg8[%add3A_251, %dma_start3A_331] : memref<160000x16xf32, #tpu.memory_space<hbm>> -> memref<200x16xf32, #tpu.memory_space<hbm>>
        %dma_start3A_333 = arith.constant 0 : i32
        %dma_start3A_334 = tpu.memref_slice %arg8[%add3A_251, %dma_start3A_333] : memref<160000x16xf32, #tpu.memory_space<hbm>> -> memref<200x16xf32, #tpu.memory_space<hbm>>
        tpu.enqueue_dma source(%arg14 : memref<200x16xf32, #tpu.memory_space<vmem>>) target(%dma_start3A_334 : memref<200x16xf32, #tpu.memory_space<hbm>>) target_semaphore(%run_scoped3A_330 : memref<!tpu.dma_semaphore, #tpu.memory_space<semaphore_mem>>)
        %dma_wait3A_335 = arith.constant 0 : i32
        %dma_wait3A_336 = tpu.memref_slice %arg8[%add3A_251, %dma_wait3A_335] : memref<160000x16xf32, #tpu.memory_space<hbm>> -> memref<200x16xf32, #tpu.memory_space<hbm>>
        %dma_wait3A_337 = arith.constant 0 : i32
        %dma_wait3A_338 = tpu.memref_slice %arg8[%add3A_251, %dma_wait3A_337] : memref<160000x16xf32, #tpu.memory_space<hbm>> -> memref<200x16xf32, #tpu.memory_space<hbm>>
        tpu.wait_dma2 semaphore(%run_scoped3A_330 : memref<!tpu.dma_semaphore, #tpu.memory_space<semaphore_mem>>) src(%arg14 : memref<200x16xf32, #tpu.memory_space<vmem>>) dst(%dma_wait3A_338 : memref<200x16xf32, #tpu.memory_space<hbm>>)
        tpu.yield
      }) : () -> ()
      %dma_start3A_252 = arith.constant 1 : i32
      %dma_start3A_253 = arith.constant 0 : i32
      %dma_start3A_254 = tpu.memref_slice %arg9[%dma_start3A_252, %dma_start3A_253] : memref<2x200xi32, #tpu.memory_space<vmem>> -> memref<1x200xi32, #tpu.memory_space<vmem>>
      %dma_start3A_255 = tpu.memref_squeeze %dma_start3A_254 : memref<1x200xi32, #tpu.memory_space<vmem>> -> memref<200xi32, #tpu.memory_space<vmem>>
      %dma_start3A_256 = arith.constant 0 : i32
      %dma_start3A_257 = arith.constant 0 : i32
      %dma_start3A_258 = tpu.memref_slice %arg3[%dma_start3A_256, %dma_start3A_257] : memref<10000x16xf32, #tpu.memory_space<hbm>> -> memref<10000x16xf32, #tpu.memory_space<hbm>>
      tpu.enqueue_indirect_dma source(%dma_start3A_258 : memref<10000x16xf32, #tpu.memory_space<hbm>>) target(%arg13 : memref<200x16xf32, #tpu.memory_space<vmem>>) offsets(%dma_start3A_255 : memref<200xi32, #tpu.memory_space<vmem>>) semaphore(%arg18 : memref<!tpu.dma_semaphore, #tpu.memory_space<semaphore_mem>>)
      %dma_start3A_259 = arith.constant 1 : i32
      %dma_start3A_260 = arith.constant 0 : i32
      %dma_start3A_261 = tpu.memref_slice %arg10[%dma_start3A_259, %dma_start3A_260] : memref<2x200xi32, #tpu.memory_space<vmem>> -> memref<1x200xi32, #tpu.memory_space<vmem>>
      %dma_start3A_262 = tpu.memref_squeeze %dma_start3A_261 : memref<1x200xi32, #tpu.memory_space<vmem>> -> memref<200xi32, #tpu.memory_space<vmem>>
      %dma_start3A_263 = arith.constant 0 : i32
      %dma_start3A_264 = arith.constant 0 : i32
      %dma_start3A_265 = tpu.memref_slice %arg3[%dma_start3A_263, %dma_start3A_264] : memref<10000x16xf32, #tpu.memory_space<hbm>> -> memref<10000x16xf32, #tpu.memory_space<hbm>>
      tpu.enqueue_indirect_dma source(%dma_start3A_265 : memref<10000x16xf32, #tpu.memory_space<hbm>>) target(%arg14 : memref<200x16xf32, #tpu.memory_space<vmem>>) offsets(%dma_start3A_262 : memref<200xi32, #tpu.memory_space<vmem>>) semaphore(%arg18 : memref<!tpu.dma_semaphore, #tpu.memory_space<semaphore_mem>>)
      %add3A_266 = arith.constant 1 : i32
      %add3A_267 = arith.addi %add3A_156, %add3A_266 : i32
      %lt3A = arith.constant 25 : i32
      %lt3A_268 = arith.cmpi slt, %add3A_267, %lt3A : i32
      %convert_element_type3A = arith.extui %lt3A_268 : i1 to i32
      %cond3A = arith.constant 0 : i32
      %cond3A_269 = arith.cmpi ne, %convert_element_type3A, %cond3A : i32
      scf.if %cond3A_269 {
        %add3A_330 = arith.constant 1 : i32
        %add3A_331 = arith.addi %add3A_156, %add3A_330 : i32
        %mul3A_332 = arith.constant 200 : i32
        %mul3A_333 = arith.muli %add3A_331, %mul3A_332 : i32
        %add3A_334 = arith.addi %mul3A_2, %mul3A_333 : i32
        %dma_start3A_335 = arith.constant 0 : i32
        %dma_start3A_336 = arith.constant 0 : i32
        %dma_start3A_337 = tpu.memref_slice %arg9[%dma_start3A_335, %dma_start3A_336] : memref<2x200xi32, #tpu.memory_space<vmem>> -> memref<1x200xi32, #tpu.memory_space<vmem>>
        %dma_start3A_338 = tpu.memref_squeeze %dma_start3A_337 : memref<1x200xi32, #tpu.memory_space<vmem>> -> memref<200xi32, #tpu.memory_space<vmem>>
        %dma_start3A_339 = tpu.memref_slice %arg4[%add3A_334] : memref<160000xi32, #tpu.memory_space<hbm>> -> memref<200xi32, #tpu.memory_space<hbm>>
        %dma_start3A_340 = arith.constant 0 : i32
        %dma_start3A_341 = tpu.memref_slice %arg9[%dma_start3A_335, %dma_start3A_340] : memref<2x200xi32, #tpu.memory_space<vmem>> -> memref<1x200xi32, #tpu.memory_space<vmem>>
        %dma_start3A_342 = tpu.memref_squeeze %dma_start3A_341 : memref<1x200xi32, #tpu.memory_space<vmem>> -> memref<200xi32, #tpu.memory_space<vmem>>
        %dma_start3A_343 = tpu.memref_slice %arg4[%add3A_334] : memref<160000xi32, #tpu.memory_space<hbm>> -> memref<200xi32, #tpu.memory_space<hbm>>
        tpu.enqueue_dma source(%dma_start3A_343 : memref<200xi32, #tpu.memory_space<hbm>>) target(%dma_start3A_342 : memref<200xi32, #tpu.memory_space<vmem>>) target_semaphore(%arg17 : memref<!tpu.dma_semaphore, #tpu.memory_space<semaphore_mem>>)
        %dma_start3A_344 = arith.constant 0 : i32
        %dma_start3A_345 = arith.constant 0 : i32
        %dma_start3A_346 = tpu.memref_slice %arg10[%dma_start3A_344, %dma_start3A_345] : memref<2x200xi32, #tpu.memory_space<vmem>> -> memref<1x200xi32, #tpu.memory_space<vmem>>
        %dma_start3A_347 = tpu.memref_squeeze %dma_start3A_346 : memref<1x200xi32, #tpu.memory_space<vmem>> -> memref<200xi32, #tpu.memory_space<vmem>>
        %dma_start3A_348 = tpu.memref_slice %arg5[%add3A_334] : memref<160000xi32, #tpu.memory_space<hbm>> -> memref<200xi32, #tpu.memory_space<hbm>>
        %dma_start3A_349 = arith.constant 0 : i32
        %dma_start3A_350 = tpu.memref_slice %arg10[%dma_start3A_344, %dma_start3A_349] : memref<2x200xi32, #tpu.memory_space<vmem>> -> memref<1x200xi32, #tpu.memory_space<vmem>>
        %dma_start3A_351 = tpu.memref_squeeze %dma_start3A_350 : memref<1x200xi32, #tpu.memory_space<vmem>> -> memref<200xi32, #tpu.memory_space<vmem>>
        %dma_start3A_352 = tpu.memref_slice %arg5[%add3A_334] : memref<160000xi32, #tpu.memory_space<hbm>> -> memref<200xi32, #tpu.memory_space<hbm>>
        tpu.enqueue_dma source(%dma_start3A_352 : memref<200xi32, #tpu.memory_space<hbm>>) target(%dma_start3A_351 : memref<200xi32, #tpu.memory_space<vmem>>) target_semaphore(%arg17 : memref<!tpu.dma_semaphore, #tpu.memory_space<semaphore_mem>>)
        %dma_wait3A_353 = arith.constant 0 : i32
        %dma_wait3A_354 = arith.constant 0 : i32
        %dma_wait3A_355 = tpu.memref_slice %arg9[%dma_wait3A_353, %dma_wait3A_354] : memref<2x200xi32, #tpu.memory_space<vmem>> -> memref<1x200xi32, #tpu.memory_space<vmem>>
        %dma_wait3A_356 = tpu.memref_squeeze %dma_wait3A_355 : memref<1x200xi32, #tpu.memory_space<vmem>> -> memref<200xi32, #tpu.memory_space<vmem>>
        %dma_wait3A_357 = arith.constant 0 : i32
        %dma_wait3A_358 = tpu.memref_slice %arg4[%dma_wait3A_357] : memref<160000xi32, #tpu.memory_space<hbm>> -> memref<200xi32, #tpu.memory_space<hbm>>
        %dma_wait3A_359 = arith.constant 0 : i32
        %dma_wait3A_360 = tpu.memref_slice %arg9[%dma_wait3A_353, %dma_wait3A_359] : memref<2x200xi32, #tpu.memory_space<vmem>> -> memref<1x200xi32, #tpu.memory_space<vmem>>
        %dma_wait3A_361 = tpu.memref_squeeze %dma_wait3A_360 : memref<1x200xi32, #tpu.memory_space<vmem>> -> memref<200xi32, #tpu.memory_space<vmem>>
        %dma_wait3A_362 = arith.constant 0 : i32
        %dma_wait3A_363 = tpu.memref_slice %arg4[%dma_wait3A_362] : memref<160000xi32, #tpu.memory_space<hbm>> -> memref<200xi32, #tpu.memory_space<hbm>>
        tpu.wait_dma2 semaphore(%arg17 : memref<!tpu.dma_semaphore, #tpu.memory_space<semaphore_mem>>) src(%dma_wait3A_363 : memref<200xi32, #tpu.memory_space<hbm>>) dst(%dma_wait3A_361 : memref<200xi32, #tpu.memory_space<vmem>>)
        %dma_wait3A_364 = arith.constant 0 : i32
        %dma_wait3A_365 = arith.constant 0 : i32
        %dma_wait3A_366 = tpu.memref_slice %arg10[%dma_wait3A_364, %dma_wait3A_365] : memref<2x200xi32, #tpu.memory_space<vmem>> -> memref<1x200xi32, #tpu.memory_space<vmem>>
        %dma_wait3A_367 = tpu.memref_squeeze %dma_wait3A_366 : memref<1x200xi32, #tpu.memory_space<vmem>> -> memref<200xi32, #tpu.memory_space<vmem>>
        %dma_wait3A_368 = arith.constant 0 : i32
        %dma_wait3A_369 = tpu.memref_slice %arg5[%dma_wait3A_368] : memref<160000xi32, #tpu.memory_space<hbm>> -> memref<200xi32, #tpu.memory_space<hbm>>
        %dma_wait3A_370 = arith.constant 0 : i32
        %dma_wait3A_371 = tpu.memref_slice %arg10[%dma_wait3A_364, %dma_wait3A_370] : memref<2x200xi32, #tpu.memory_space<vmem>> -> memref<1x200xi32, #tpu.memory_space<vmem>>
        %dma_wait3A_372 = tpu.memref_squeeze %dma_wait3A_371 : memref<1x200xi32, #tpu.memory_space<vmem>> -> memref<200xi32, #tpu.memory_space<vmem>>
        %dma_wait3A_373 = arith.constant 0 : i32
        %dma_wait3A_374 = tpu.memref_slice %arg5[%dma_wait3A_373] : memref<160000xi32, #tpu.memory_space<hbm>> -> memref<200xi32, #tpu.memory_space<hbm>>
        tpu.wait_dma2 semaphore(%arg17 : memref<!tpu.dma_semaphore, #tpu.memory_space<semaphore_mem>>) src(%dma_wait3A_374 : memref<200xi32, #tpu.memory_space<hbm>>) dst(%dma_wait3A_372 : memref<200xi32, #tpu.memory_space<vmem>>)
        %dma_start3A_375 = arith.constant 0 : i32
        %dma_start3A_376 = arith.constant 0 : i32
        %dma_start3A_377 = arith.constant 0 : i32
        %dma_start3A_378 = arith.constant 0 : i32
        %dma_start3A_379 = tpu.memref_slice %arg11[%dma_start3A_376, %dma_start3A_377, %dma_start3A_378] : memref<2x200x64xi32, #tpu.memory_space<vmem>> -> memref<1x200x64xi32, #tpu.memory_space<vmem>>
        %dma_start3A_380 = tpu.memref_squeeze %dma_start3A_379 : memref<1x200x64xi32, #tpu.memory_space<vmem>> -> memref<200x64xi32, #tpu.memory_space<vmem>>
        %dma_start3A_381 = arith.constant 0 : i32
        %dma_start3A_382 = tpu.memref_slice %arg9[%dma_start3A_375, %dma_start3A_381] : memref<2x200xi32, #tpu.memory_space<vmem>> -> memref<1x200xi32, #tpu.memory_space<vmem>>
        %dma_start3A_383 = tpu.memref_squeeze %dma_start3A_382 : memref<1x200xi32, #tpu.memory_space<vmem>> -> memref<200xi32, #tpu.memory_space<vmem>>
        %dma_start3A_384 = arith.constant 0 : i32
        %dma_start3A_385 = arith.constant 0 : i32
        %dma_start3A_386 = tpu.memref_slice %arg2[%dma_start3A_384, %dma_start3A_385] : memref<10000x64xi32, #tpu.memory_space<hbm>> -> memref<10000x64xi32, #tpu.memory_space<hbm>>
        tpu.enqueue_indirect_dma source(%dma_start3A_386 : memref<10000x64xi32, #tpu.memory_space<hbm>>) target(%dma_start3A_380 : memref<200x64xi32, #tpu.memory_space<vmem>>) offsets(%dma_start3A_383 : memref<200xi32, #tpu.memory_space<vmem>>) semaphore(%arg15 : memref<!tpu.dma_semaphore, #tpu.memory_space<semaphore_mem>>)
        %dma_start3A_387 = arith.constant 0 : i32
        %dma_start3A_388 = arith.constant 0 : i32
        %dma_start3A_389 = arith.constant 0 : i32
        %dma_start3A_390 = arith.constant 0 : i32
        %dma_start3A_391 = tpu.memref_slice %arg12[%dma_start3A_388, %dma_start3A_389, %dma_start3A_390] : memref<2x200x64xi32, #tpu.memory_space<vmem>> -> memref<1x200x64xi32, #tpu.memory_space<vmem>>
        %dma_start3A_392 = tpu.memref_squeeze %dma_start3A_391 : memref<1x200x64xi32, #tpu.memory_space<vmem>> -> memref<200x64xi32, #tpu.memory_space<vmem>>
        %dma_start3A_393 = arith.constant 0 : i32
        %dma_start3A_394 = tpu.memref_slice %arg10[%dma_start3A_387, %dma_start3A_393] : memref<2x200xi32, #tpu.memory_space<vmem>> -> memref<1x200xi32, #tpu.memory_space<vmem>>
        %dma_start3A_395 = tpu.memref_squeeze %dma_start3A_394 : memref<1x200xi32, #tpu.memory_space<vmem>> -> memref<200xi32, #tpu.memory_space<vmem>>
        %dma_start3A_396 = arith.constant 0 : i32
        %dma_start3A_397 = arith.constant 0 : i32
        %dma_start3A_398 = tpu.memref_slice %arg2[%dma_start3A_396, %dma_start3A_397] : memref<10000x64xi32, #tpu.memory_space<hbm>> -> memref<10000x64xi32, #tpu.memory_space<hbm>>
        tpu.enqueue_indirect_dma source(%dma_start3A_398 : memref<10000x64xi32, #tpu.memory_space<hbm>>) target(%dma_start3A_392 : memref<200x64xi32, #tpu.memory_space<vmem>>) offsets(%dma_start3A_395 : memref<200xi32, #tpu.memory_space<vmem>>) semaphore(%arg15 : memref<!tpu.dma_semaphore, #tpu.memory_space<semaphore_mem>>)
      } else {
      }
      %dma_wait3A_270 = arith.constant 1 : i32
      %dma_wait3A_271 = arith.constant 1 : i32
      %dma_wait3A_272 = arith.constant 0 : i32
      %dma_wait3A_273 = arith.constant 0 : i32
      %dma_wait3A_274 = tpu.memref_slice %arg11[%dma_wait3A_271, %dma_wait3A_272, %dma_wait3A_273] : memref<2x200x64xi32, #tpu.memory_space<vmem>> -> memref<1x200x64xi32, #tpu.memory_space<vmem>>
      %dma_wait3A_275 = tpu.memref_squeeze %dma_wait3A_274 : memref<1x200x64xi32, #tpu.memory_space<vmem>> -> memref<200x64xi32, #tpu.memory_space<vmem>>
      %dma_wait3A_276 = arith.constant 0 : i32
      %dma_wait3A_277 = tpu.memref_slice %arg9[%dma_wait3A_270, %dma_wait3A_276] : memref<2x200xi32, #tpu.memory_space<vmem>> -> memref<1x200xi32, #tpu.memory_space<vmem>>
      %dma_wait3A_278 = tpu.memref_squeeze %dma_wait3A_277 : memref<1x200xi32, #tpu.memory_space<vmem>> -> memref<200xi32, #tpu.memory_space<vmem>>
      %dma_wait3A_279 = arith.constant 0 : i32
      %dma_wait3A_280 = arith.constant 0 : i32
      %dma_wait3A_281 = tpu.memref_slice %arg2[%dma_wait3A_279, %dma_wait3A_280] : memref<10000x64xi32, #tpu.memory_space<hbm>> -> memref<10000x64xi32, #tpu.memory_space<hbm>>
      tpu.wait_indirect_dma semaphore(%arg16 : memref<!tpu.dma_semaphore, #tpu.memory_space<semaphore_mem>>) src(%dma_wait3A_281 : memref<10000x64xi32, #tpu.memory_space<hbm>>) dst(%dma_wait3A_275 : memref<200x64xi32, #tpu.memory_space<vmem>>)
      %dma_wait3A_282 = arith.constant 1 : i32
      %dma_wait3A_283 = arith.constant 1 : i32
      %dma_wait3A_284 = arith.constant 0 : i32
      %dma_wait3A_285 = arith.constant 0 : i32
      %dma_wait3A_286 = tpu.memref_slice %arg12[%dma_wait3A_283, %dma_wait3A_284, %dma_wait3A_285] : memref<2x200x64xi32, #tpu.memory_space<vmem>> -> memref<1x200x64xi32, #tpu.memory_space<vmem>>
      %dma_wait3A_287 = tpu.memref_squeeze %dma_wait3A_286 : memref<1x200x64xi32, #tpu.memory_space<vmem>> -> memref<200x64xi32, #tpu.memory_space<vmem>>
      %dma_wait3A_288 = arith.constant 0 : i32
      %dma_wait3A_289 = tpu.memref_slice %arg10[%dma_wait3A_282, %dma_wait3A_288] : memref<2x200xi32, #tpu.memory_space<vmem>> -> memref<1x200xi32, #tpu.memory_space<vmem>>
      %dma_wait3A_290 = tpu.memref_squeeze %dma_wait3A_289 : memref<1x200xi32, #tpu.memory_space<vmem>> -> memref<200xi32, #tpu.memory_space<vmem>>
      %dma_wait3A_291 = arith.constant 0 : i32
      %dma_wait3A_292 = arith.constant 0 : i32
      %dma_wait3A_293 = tpu.memref_slice %arg2[%dma_wait3A_291, %dma_wait3A_292] : memref<10000x64xi32, #tpu.memory_space<hbm>> -> memref<10000x64xi32, #tpu.memory_space<hbm>>
      tpu.wait_indirect_dma semaphore(%arg16 : memref<!tpu.dma_semaphore, #tpu.memory_space<semaphore_mem>>) src(%dma_wait3A_293 : memref<10000x64xi32, #tpu.memory_space<hbm>>) dst(%dma_wait3A_287 : memref<200x64xi32, #tpu.memory_space<vmem>>)
      %mul3A_294 = arith.constant 200 : i32
      %mul3A_295 = arith.muli %add3A_156, %mul3A_294 : i32
      %add3A_296 = arith.addi %mul3A_2, %mul3A_295 : i32
      %run_scoped3A_297 = arith.constant 1 : i32
      "tpu.region"() ({
        %run_scoped3A_330 = tpu.sem_alloc : memref<!tpu.dma_semaphore, #tpu.memory_space<semaphore_mem>>
        %dma_start3A_331 = arith.constant 0 : i32
        %dma_start3A_332 = arith.constant 0 : i32
        %dma_start3A_333 = tpu.memref_slice %arg11[%run_scoped3A_297, %dma_start3A_331, %dma_start3A_332] : memref<2x200x64xi32, #tpu.memory_space<vmem>> -> memref<1x200x64xi32, #tpu.memory_space<vmem>>
        %dma_start3A_334 = tpu.memref_squeeze %dma_start3A_333 : memref<1x200x64xi32, #tpu.memory_space<vmem>> -> memref<200x64xi32, #tpu.memory_space<vmem>>
        %dma_start3A_335 = arith.constant 0 : i32
        %dma_start3A_336 = tpu.memref_slice %arg6[%add3A_296, %dma_start3A_335] : memref<160000x128xi32, #tpu.memory_space<hbm>> -> memref<200x64xi32, #tpu.memory_space<hbm>>
        %dma_start3A_337 = arith.constant 0 : i32
        %dma_start3A_338 = tpu.memref_slice %arg6[%add3A_296, %dma_start3A_337] : memref<160000x128xi32, #tpu.memory_space<hbm>> -> memref<200x64xi32, #tpu.memory_space<hbm>>
        %dma_start3A_339 = arith.constant 0 : i32
        %dma_start3A_340 = arith.constant 0 : i32
        %dma_start3A_341 = tpu.memref_slice %arg11[%run_scoped3A_297, %dma_start3A_339, %dma_start3A_340] : memref<2x200x64xi32, #tpu.memory_space<vmem>> -> memref<1x200x64xi32, #tpu.memory_space<vmem>>
        %dma_start3A_342 = tpu.memref_squeeze %dma_start3A_341 : memref<1x200x64xi32, #tpu.memory_space<vmem>> -> memref<200x64xi32, #tpu.memory_space<vmem>>
        tpu.enqueue_dma source(%dma_start3A_342 : memref<200x64xi32, #tpu.memory_space<vmem>>) target(%dma_start3A_338 : memref<200x64xi32, #tpu.memory_space<hbm>>) target_semaphore(%run_scoped3A_330 : memref<!tpu.dma_semaphore, #tpu.memory_space<semaphore_mem>>)
        %dma_wait3A_343 = arith.constant 0 : i32
        %dma_wait3A_344 = arith.constant 0 : i32
        %dma_wait3A_345 = tpu.memref_slice %arg11[%run_scoped3A_297, %dma_wait3A_343, %dma_wait3A_344] : memref<2x200x64xi32, #tpu.memory_space<vmem>> -> memref<1x200x64xi32, #tpu.memory_space<vmem>>
        %dma_wait3A_346 = tpu.memref_squeeze %dma_wait3A_345 : memref<1x200x64xi32, #tpu.memory_space<vmem>> -> memref<200x64xi32, #tpu.memory_space<vmem>>
        %dma_wait3A_347 = arith.constant 0 : i32
        %dma_wait3A_348 = tpu.memref_slice %arg6[%add3A_296, %dma_wait3A_347] : memref<160000x128xi32, #tpu.memory_space<hbm>> -> memref<200x64xi32, #tpu.memory_space<hbm>>
        %dma_wait3A_349 = arith.constant 0 : i32
        %dma_wait3A_350 = tpu.memref_slice %arg6[%add3A_296, %dma_wait3A_349] : memref<160000x128xi32, #tpu.memory_space<hbm>> -> memref<200x64xi32, #tpu.memory_space<hbm>>
        %dma_wait3A_351 = arith.constant 0 : i32
        %dma_wait3A_352 = arith.constant 0 : i32
        %dma_wait3A_353 = tpu.memref_slice %arg11[%run_scoped3A_297, %dma_wait3A_351, %dma_wait3A_352] : memref<2x200x64xi32, #tpu.memory_space<vmem>> -> memref<1x200x64xi32, #tpu.memory_space<vmem>>
        %dma_wait3A_354 = tpu.memref_squeeze %dma_wait3A_353 : memref<1x200x64xi32, #tpu.memory_space<vmem>> -> memref<200x64xi32, #tpu.memory_space<vmem>>
        tpu.wait_dma2 semaphore(%run_scoped3A_330 : memref<!tpu.dma_semaphore, #tpu.memory_space<semaphore_mem>>) src(%dma_wait3A_354 : memref<200x64xi32, #tpu.memory_space<vmem>>) dst(%dma_wait3A_350 : memref<200x64xi32, #tpu.memory_space<hbm>>)
        tpu.yield
      }) : () -> ()
      %run_scoped3A_298 = arith.constant 1 : i32
      "tpu.region"() ({
        %run_scoped3A_330 = tpu.sem_alloc : memref<!tpu.dma_semaphore, #tpu.memory_space<semaphore_mem>>
        %dma_start3A_331 = arith.constant 0 : i32
        %dma_start3A_332 = arith.constant 0 : i32
        %dma_start3A_333 = tpu.memref_slice %arg12[%run_scoped3A_298, %dma_start3A_331, %dma_start3A_332] : memref<2x200x64xi32, #tpu.memory_space<vmem>> -> memref<1x200x64xi32, #tpu.memory_space<vmem>>
        %dma_start3A_334 = tpu.memref_squeeze %dma_start3A_333 : memref<1x200x64xi32, #tpu.memory_space<vmem>> -> memref<200x64xi32, #tpu.memory_space<vmem>>
        %dma_start3A_335 = arith.constant 64 : i32
        %dma_start3A_336 = tpu.memref_slice %arg6[%add3A_296, %dma_start3A_335] : memref<160000x128xi32, #tpu.memory_space<hbm>> -> memref<200x64xi32, #tpu.memory_space<hbm>>
        %dma_start3A_337 = arith.constant 64 : i32
        %dma_start3A_338 = tpu.memref_slice %arg6[%add3A_296, %dma_start3A_337] : memref<160000x128xi32, #tpu.memory_space<hbm>> -> memref<200x64xi32, #tpu.memory_space<hbm>>
        %dma_start3A_339 = arith.constant 0 : i32
        %dma_start3A_340 = arith.constant 0 : i32
        %dma_start3A_341 = tpu.memref_slice %arg12[%run_scoped3A_298, %dma_start3A_339, %dma_start3A_340] : memref<2x200x64xi32, #tpu.memory_space<vmem>> -> memref<1x200x64xi32, #tpu.memory_space<vmem>>
        %dma_start3A_342 = tpu.memref_squeeze %dma_start3A_341 : memref<1x200x64xi32, #tpu.memory_space<vmem>> -> memref<200x64xi32, #tpu.memory_space<vmem>>
        tpu.enqueue_dma source(%dma_start3A_342 : memref<200x64xi32, #tpu.memory_space<vmem>>) target(%dma_start3A_338 : memref<200x64xi32, #tpu.memory_space<hbm>>) target_semaphore(%run_scoped3A_330 : memref<!tpu.dma_semaphore, #tpu.memory_space<semaphore_mem>>)
        %dma_wait3A_343 = arith.constant 0 : i32
        %dma_wait3A_344 = arith.constant 0 : i32
        %dma_wait3A_345 = tpu.memref_slice %arg12[%run_scoped3A_298, %dma_wait3A_343, %dma_wait3A_344] : memref<2x200x64xi32, #tpu.memory_space<vmem>> -> memref<1x200x64xi32, #tpu.memory_space<vmem>>
        %dma_wait3A_346 = tpu.memref_squeeze %dma_wait3A_345 : memref<1x200x64xi32, #tpu.memory_space<vmem>> -> memref<200x64xi32, #tpu.memory_space<vmem>>
        %dma_wait3A_347 = arith.constant 64 : i32
        %dma_wait3A_348 = tpu.memref_slice %arg6[%add3A_296, %dma_wait3A_347] : memref<160000x128xi32, #tpu.memory_space<hbm>> -> memref<200x64xi32, #tpu.memory_space<hbm>>
        %dma_wait3A_349 = arith.constant 64 : i32
        %dma_wait3A_350 = tpu.memref_slice %arg6[%add3A_296, %dma_wait3A_349] : memref<160000x128xi32, #tpu.memory_space<hbm>> -> memref<200x64xi32, #tpu.memory_space<hbm>>
        %dma_wait3A_351 = arith.constant 0 : i32
        %dma_wait3A_352 = arith.constant 0 : i32
        %dma_wait3A_353 = tpu.memref_slice %arg12[%run_scoped3A_298, %dma_wait3A_351, %dma_wait3A_352] : memref<2x200x64xi32, #tpu.memory_space<vmem>> -> memref<1x200x64xi32, #tpu.memory_space<vmem>>
        %dma_wait3A_354 = tpu.memref_squeeze %dma_wait3A_353 : memref<1x200x64xi32, #tpu.memory_space<vmem>> -> memref<200x64xi32, #tpu.memory_space<vmem>>
        tpu.wait_dma2 semaphore(%run_scoped3A_330 : memref<!tpu.dma_semaphore, #tpu.memory_space<semaphore_mem>>) src(%dma_wait3A_354 : memref<200x64xi32, #tpu.memory_space<vmem>>) dst(%dma_wait3A_350 : memref<200x64xi32, #tpu.memory_space<hbm>>)
        tpu.yield
      }) : () -> ()
      %dma_wait3A_299 = arith.constant 0 : i32
      %dma_wait3A_300 = arith.constant 0 : i32
      %dma_wait3A_301 = tpu.memref_slice %arg9[%dma_wait3A_299, %dma_wait3A_300] : memref<2x200xi32, #tpu.memory_space<vmem>> -> memref<1x200xi32, #tpu.memory_space<vmem>>
      %dma_wait3A_302 = tpu.memref_squeeze %dma_wait3A_301 : memref<1x200xi32, #tpu.memory_space<vmem>> -> memref<200xi32, #tpu.memory_space<vmem>>
      %dma_wait3A_303 = arith.constant 0 : i32
      %dma_wait3A_304 = arith.constant 0 : i32
      %dma_wait3A_305 = tpu.memref_slice %arg3[%dma_wait3A_303, %dma_wait3A_304] : memref<10000x16xf32, #tpu.memory_space<hbm>> -> memref<10000x16xf32, #tpu.memory_space<hbm>>
      tpu.wait_indirect_dma semaphore(%arg18 : memref<!tpu.dma_semaphore, #tpu.memory_space<semaphore_mem>>) src(%dma_wait3A_305 : memref<10000x16xf32, #tpu.memory_space<hbm>>) dst(%arg13 : memref<200x16xf32, #tpu.memory_space<vmem>>)
      %dma_wait3A_306 = arith.constant 0 : i32
      %dma_wait3A_307 = arith.constant 0 : i32
      %dma_wait3A_308 = tpu.memref_slice %arg10[%dma_wait3A_306, %dma_wait3A_307] : memref<2x200xi32, #tpu.memory_space<vmem>> -> memref<1x200xi32, #tpu.memory_space<vmem>>
      %dma_wait3A_309 = tpu.memref_squeeze %dma_wait3A_308 : memref<1x200xi32, #tpu.memory_space<vmem>> -> memref<200xi32, #tpu.memory_space<vmem>>
      %dma_wait3A_310 = arith.constant 0 : i32
      %dma_wait3A_311 = arith.constant 0 : i32
      %dma_wait3A_312 = tpu.memref_slice %arg3[%dma_wait3A_310, %dma_wait3A_311] : memref<10000x16xf32, #tpu.memory_space<hbm>> -> memref<10000x16xf32, #tpu.memory_space<hbm>>
      tpu.wait_indirect_dma semaphore(%arg18 : memref<!tpu.dma_semaphore, #tpu.memory_space<semaphore_mem>>) src(%dma_wait3A_312 : memref<10000x16xf32, #tpu.memory_space<hbm>>) dst(%arg14 : memref<200x16xf32, #tpu.memory_space<vmem>>)
      %mul3A_313 = arith.constant 200 : i32
      %mul3A_314 = arith.muli %add3A_156, %mul3A_313 : i32
      %add3A_315 = arith.addi %mul3A_2, %mul3A_314 : i32
      "tpu.region"() ({
        %run_scoped3A_330 = tpu.sem_alloc : memref<!tpu.dma_semaphore, #tpu.memory_space<semaphore_mem>>
        %dma_start3A_331 = arith.constant 0 : i32
        %dma_start3A_332 = tpu.memref_slice %arg7[%add3A_315, %dma_start3A_331] : memref<160000x16xf32, #tpu.memory_space<hbm>> -> memref<200x16xf32, #tpu.memory_space<hbm>>
        %dma_start3A_333 = arith.constant 0 : i32
        %dma_start3A_334 = tpu.memref_slice %arg7[%add3A_315, %dma_start3A_333] : memref<160000x16xf32, #tpu.memory_space<hbm>> -> memref<200x16xf32, #tpu.memory_space<hbm>>
        tpu.enqueue_dma source(%arg13 : memref<200x16xf32, #tpu.memory_space<vmem>>) target(%dma_start3A_334 : memref<200x16xf32, #tpu.memory_space<hbm>>) target_semaphore(%run_scoped3A_330 : memref<!tpu.dma_semaphore, #tpu.memory_space<semaphore_mem>>)
        %dma_wait3A_335 = arith.constant 0 : i32
        %dma_wait3A_336 = tpu.memref_slice %arg7[%add3A_315, %dma_wait3A_335] : memref<160000x16xf32, #tpu.memory_space<hbm>> -> memref<200x16xf32, #tpu.memory_space<hbm>>
        %dma_wait3A_337 = arith.constant 0 : i32
        %dma_wait3A_338 = tpu.memref_slice %arg7[%add3A_315, %dma_wait3A_337] : memref<160000x16xf32, #tpu.memory_space<hbm>> -> memref<200x16xf32, #tpu.memory_space<hbm>>
        tpu.wait_dma2 semaphore(%run_scoped3A_330 : memref<!tpu.dma_semaphore, #tpu.memory_space<semaphore_mem>>) src(%arg13 : memref<200x16xf32, #tpu.memory_space<vmem>>) dst(%dma_wait3A_338 : memref<200x16xf32, #tpu.memory_space<hbm>>)
        tpu.yield
      }) : () -> ()
      "tpu.region"() ({
        %run_scoped3A_330 = tpu.sem_alloc : memref<!tpu.dma_semaphore, #tpu.memory_space<semaphore_mem>>
        %dma_start3A_331 = arith.constant 0 : i32
        %dma_start3A_332 = tpu.memref_slice %arg8[%add3A_315, %dma_start3A_331] : memref<160000x16xf32, #tpu.memory_space<hbm>> -> memref<200x16xf32, #tpu.memory_space<hbm>>
        %dma_start3A_333 = arith.constant 0 : i32
        %dma_start3A_334 = tpu.memref_slice %arg8[%add3A_315, %dma_start3A_333] : memref<160000x16xf32, #tpu.memory_space<hbm>> -> memref<200x16xf32, #tpu.memory_space<hbm>>
        tpu.enqueue_dma source(%arg14 : memref<200x16xf32, #tpu.memory_space<vmem>>) target(%dma_start3A_334 : memref<200x16xf32, #tpu.memory_space<hbm>>) target_semaphore(%run_scoped3A_330 : memref<!tpu.dma_semaphore, #tpu.memory_space<semaphore_mem>>)
        %dma_wait3A_335 = arith.constant 0 : i32
        %dma_wait3A_336 = tpu.memref_slice %arg8[%add3A_315, %dma_wait3A_335] : memref<160000x16xf32, #tpu.memory_space<hbm>> -> memref<200x16xf32, #tpu.memory_space<hbm>>
        %dma_wait3A_337 = arith.constant 0 : i32
        %dma_wait3A_338 = tpu.memref_slice %arg8[%add3A_315, %dma_wait3A_337] : memref<160000x16xf32, #tpu.memory_space<hbm>> -> memref<200x16xf32, #tpu.memory_space<hbm>>
        tpu.wait_dma2 semaphore(%run_scoped3A_330 : memref<!tpu.dma_semaphore, #tpu.memory_space<semaphore_mem>>) src(%arg14 : memref<200x16xf32, #tpu.memory_space<vmem>>) dst(%dma_wait3A_338 : memref<200x16xf32, #tpu.memory_space<hbm>>)
        tpu.yield
      }) : () -> ()
      %add3A_316 = arith.constant 1 : i32
      %add3A_317 = arith.addi %add3A_156, %add3A_316 : i32
      %lt3A_318 = arith.constant 25 : i32
      %lt3A_319 = arith.cmpi slt, %add3A_317, %lt3A_318 : i32
      %convert_element_type3A_320 = arith.extui %lt3A_319 : i1 to i32
      %cond3A_321 = arith.constant 0 : i32
      %cond3A_322 = arith.cmpi ne, %convert_element_type3A_320, %cond3A_321 : i32
      scf.if %cond3A_322 {
        %dma_start3A_330 = arith.constant 0 : i32
        %dma_start3A_331 = arith.constant 0 : i32
        %dma_start3A_332 = tpu.memref_slice %arg9[%dma_start3A_330, %dma_start3A_331] : memref<2x200xi32, #tpu.memory_space<vmem>> -> memref<1x200xi32, #tpu.memory_space<vmem>>
        %dma_start3A_333 = tpu.memref_squeeze %dma_start3A_332 : memref<1x200xi32, #tpu.memory_space<vmem>> -> memref<200xi32, #tpu.memory_space<vmem>>
        %dma_start3A_334 = arith.constant 0 : i32
        %dma_start3A_335 = arith.constant 0 : i32
        %dma_start3A_336 = tpu.memref_slice %arg3[%dma_start3A_334, %dma_start3A_335] : memref<10000x16xf32, #tpu.memory_space<hbm>> -> memref<10000x16xf32, #tpu.memory_space<hbm>>
        tpu.enqueue_indirect_dma source(%dma_start3A_336 : memref<10000x16xf32, #tpu.memory_space<hbm>>) target(%arg13 : memref<200x16xf32, #tpu.memory_space<vmem>>) offsets(%dma_start3A_333 : memref<200xi32, #tpu.memory_space<vmem>>) semaphore(%arg18 : memref<!tpu.dma_semaphore, #tpu.memory_space<semaphore_mem>>)
        %dma_start3A_337 = arith.constant 0 : i32
        %dma_start3A_338 = arith.constant 0 : i32
        %dma_start3A_339 = tpu.memref_slice %arg10[%dma_start3A_337, %dma_start3A_338] : memref<2x200xi32, #tpu.memory_space<vmem>> -> memref<1x200xi32, #tpu.memory_space<vmem>>
        %dma_start3A_340 = tpu.memref_squeeze %dma_start3A_339 : memref<1x200xi32, #tpu.memory_space<vmem>> -> memref<200xi32, #tpu.memory_space<vmem>>
        %dma_start3A_341 = arith.constant 0 : i32
        %dma_start3A_342 = arith.constant 0 : i32
        %dma_start3A_343 = tpu.memref_slice %arg3[%dma_start3A_341, %dma_start3A_342] : memref<10000x16xf32, #tpu.memory_space<hbm>> -> memref<10000x16xf32, #tpu.memory_space<hbm>>
        tpu.enqueue_indirect_dma source(%dma_start3A_343 : memref<10000x16xf32, #tpu.memory_space<hbm>>) target(%arg14 : memref<200x16xf32, #tpu.memory_space<vmem>>) offsets(%dma_start3A_340 : memref<200xi32, #tpu.memory_space<vmem>>) semaphore(%arg18 : memref<!tpu.dma_semaphore, #tpu.memory_space<semaphore_mem>>)
      } else {
      }
      %add3A_323 = arith.constant 2 : i32
      %add3A_324 = arith.addi %add3A_156, %add3A_323 : i32
      %lt3A_325 = arith.constant 25 : i32
      %lt3A_326 = arith.cmpi slt, %add3A_324, %lt3A_325 : i32
      %convert_element_type3A_327 = arith.extui %lt3A_326 : i1 to i32
      %cond3A_328 = arith.constant 0 : i32
      %cond3A_329 = arith.cmpi ne, %convert_element_type3A_327, %cond3A_328 : i32
      scf.if %cond3A_329 {
        %add3A_330 = arith.constant 2 : i32
        %add3A_331 = arith.addi %add3A_156, %add3A_330 : i32
        %mul3A_332 = arith.constant 200 : i32
        %mul3A_333 = arith.muli %add3A_331, %mul3A_332 : i32
        %add3A_334 = arith.addi %mul3A_2, %mul3A_333 : i32
        %dma_start3A_335 = arith.constant 1 : i32
        %dma_start3A_336 = arith.constant 0 : i32
        %dma_start3A_337 = tpu.memref_slice %arg9[%dma_start3A_335, %dma_start3A_336] : memref<2x200xi32, #tpu.memory_space<vmem>> -> memref<1x200xi32, #tpu.memory_space<vmem>>
        %dma_start3A_338 = tpu.memref_squeeze %dma_start3A_337 : memref<1x200xi32, #tpu.memory_space<vmem>> -> memref<200xi32, #tpu.memory_space<vmem>>
        %dma_start3A_339 = tpu.memref_slice %arg4[%add3A_334] : memref<160000xi32, #tpu.memory_space<hbm>> -> memref<200xi32, #tpu.memory_space<hbm>>
        %dma_start3A_340 = arith.constant 0 : i32
        %dma_start3A_341 = tpu.memref_slice %arg9[%dma_start3A_335, %dma_start3A_340] : memref<2x200xi32, #tpu.memory_space<vmem>> -> memref<1x200xi32, #tpu.memory_space<vmem>>
        %dma_start3A_342 = tpu.memref_squeeze %dma_start3A_341 : memref<1x200xi32, #tpu.memory_space<vmem>> -> memref<200xi32, #tpu.memory_space<vmem>>
        %dma_start3A_343 = tpu.memref_slice %arg4[%add3A_334] : memref<160000xi32, #tpu.memory_space<hbm>> -> memref<200xi32, #tpu.memory_space<hbm>>
        tpu.enqueue_dma source(%dma_start3A_343 : memref<200xi32, #tpu.memory_space<hbm>>) target(%dma_start3A_342 : memref<200xi32, #tpu.memory_space<vmem>>) target_semaphore(%arg17 : memref<!tpu.dma_semaphore, #tpu.memory_space<semaphore_mem>>)
        %dma_start3A_344 = arith.constant 1 : i32
        %dma_start3A_345 = arith.constant 0 : i32
        %dma_start3A_346 = tpu.memref_slice %arg10[%dma_start3A_344, %dma_start3A_345] : memref<2x200xi32, #tpu.memory_space<vmem>> -> memref<1x200xi32, #tpu.memory_space<vmem>>
        %dma_start3A_347 = tpu.memref_squeeze %dma_start3A_346 : memref<1x200xi32, #tpu.memory_space<vmem>> -> memref<200xi32, #tpu.memory_space<vmem>>
        %dma_start3A_348 = tpu.memref_slice %arg5[%add3A_334] : memref<160000xi32, #tpu.memory_space<hbm>> -> memref<200xi32, #tpu.memory_space<hbm>>
        %dma_start3A_349 = arith.constant 0 : i32
        %dma_start3A_350 = tpu.memref_slice %arg10[%dma_start3A_344, %dma_start3A_349] : memref<2x200xi32, #tpu.memory_space<vmem>> -> memref<1x200xi32, #tpu.memory_space<vmem>>
        %dma_start3A_351 = tpu.memref_squeeze %dma_start3A_350 : memref<1x200xi32, #tpu.memory_space<vmem>> -> memref<200xi32, #tpu.memory_space<vmem>>
        %dma_start3A_352 = tpu.memref_slice %arg5[%add3A_334] : memref<160000xi32, #tpu.memory_space<hbm>> -> memref<200xi32, #tpu.memory_space<hbm>>
        tpu.enqueue_dma source(%dma_start3A_352 : memref<200xi32, #tpu.memory_space<hbm>>) target(%dma_start3A_351 : memref<200xi32, #tpu.memory_space<vmem>>) target_semaphore(%arg17 : memref<!tpu.dma_semaphore, #tpu.memory_space<semaphore_mem>>)
      } else {
      }
    }
    %scan3A_104 = arith.constant 12 : i32
    %dma_wait3A_105 = arith.constant 0 : i32
    %dma_wait3A_106 = arith.constant 0 : i32
    %dma_wait3A_107 = arith.constant 0 : i32
    %dma_wait3A_108 = arith.constant 0 : i32
    %dma_wait3A_109 = tpu.memref_slice %arg11[%dma_wait3A_106, %dma_wait3A_107, %dma_wait3A_108] : memref<2x200x64xi32, #tpu.memory_space<vmem>> -> memref<1x200x64xi32, #tpu.memory_space<vmem>>
    %dma_wait3A_110 = tpu.memref_squeeze %dma_wait3A_109 : memref<1x200x64xi32, #tpu.memory_space<vmem>> -> memref<200x64xi32, #tpu.memory_space<vmem>>
    %dma_wait3A_111 = arith.constant 0 : i32
    %dma_wait3A_112 = tpu.memref_slice %arg9[%dma_wait3A_105, %dma_wait3A_111] : memref<2x200xi32, #tpu.memory_space<vmem>> -> memref<1x200xi32, #tpu.memory_space<vmem>>
    %dma_wait3A_113 = tpu.memref_squeeze %dma_wait3A_112 : memref<1x200xi32, #tpu.memory_space<vmem>> -> memref<200xi32, #tpu.memory_space<vmem>>
    %dma_wait3A_114 = arith.constant 0 : i32
    %dma_wait3A_115 = arith.constant 0 : i32
    %dma_wait3A_116 = tpu.memref_slice %arg2[%dma_wait3A_114, %dma_wait3A_115] : memref<10000x64xi32, #tpu.memory_space<hbm>> -> memref<10000x64xi32, #tpu.memory_space<hbm>>
    tpu.wait_indirect_dma semaphore(%arg15 : memref<!tpu.dma_semaphore, #tpu.memory_space<semaphore_mem>>) src(%dma_wait3A_116 : memref<10000x64xi32, #tpu.memory_space<hbm>>) dst(%dma_wait3A_110 : memref<200x64xi32, #tpu.memory_space<vmem>>)
    %dma_wait3A_117 = arith.constant 0 : i32
    %dma_wait3A_118 = arith.constant 0 : i32
    %dma_wait3A_119 = arith.constant 0 : i32
    %dma_wait3A_120 = arith.constant 0 : i32
    %dma_wait3A_121 = tpu.memref_slice %arg12[%dma_wait3A_118, %dma_wait3A_119, %dma_wait3A_120] : memref<2x200x64xi32, #tpu.memory_space<vmem>> -> memref<1x200x64xi32, #tpu.memory_space<vmem>>
    %dma_wait3A_122 = tpu.memref_squeeze %dma_wait3A_121 : memref<1x200x64xi32, #tpu.memory_space<vmem>> -> memref<200x64xi32, #tpu.memory_space<vmem>>
    %dma_wait3A_123 = arith.constant 0 : i32
    %dma_wait3A_124 = tpu.memref_slice %arg10[%dma_wait3A_117, %dma_wait3A_123] : memref<2x200xi32, #tpu.memory_space<vmem>> -> memref<1x200xi32, #tpu.memory_space<vmem>>
    %dma_wait3A_125 = tpu.memref_squeeze %dma_wait3A_124 : memref<1x200xi32, #tpu.memory_space<vmem>> -> memref<200xi32, #tpu.memory_space<vmem>>
    %dma_wait3A_126 = arith.constant 0 : i32
    %dma_wait3A_127 = arith.constant 0 : i32
    %dma_wait3A_128 = tpu.memref_slice %arg2[%dma_wait3A_126, %dma_wait3A_127] : memref<10000x64xi32, #tpu.memory_space<hbm>> -> memref<10000x64xi32, #tpu.memory_space<hbm>>
    tpu.wait_indirect_dma semaphore(%arg15 : memref<!tpu.dma_semaphore, #tpu.memory_space<semaphore_mem>>) src(%dma_wait3A_128 : memref<10000x64xi32, #tpu.memory_space<hbm>>) dst(%dma_wait3A_122 : memref<200x64xi32, #tpu.memory_space<vmem>>)
    %add3A_129 = arith.constant 4800 : i32
    %add3A_130 = arith.addi %mul3A_2, %add3A_129 : i32
    %run_scoped3A = arith.constant 0 : i32
    "tpu.region"() ({
      %run_scoped3A_148 = tpu.sem_alloc : memref<!tpu.dma_semaphore, #tpu.memory_space<semaphore_mem>>
      %dma_start3A_149 = arith.constant 0 : i32
      %dma_start3A_150 = arith.constant 0 : i32
      %dma_start3A_151 = tpu.memref_slice %arg11[%run_scoped3A, %dma_start3A_149, %dma_start3A_150] : memref<2x200x64xi32, #tpu.memory_space<vmem>> -> memref<1x200x64xi32, #tpu.memory_space<vmem>>
      %dma_start3A_152 = tpu.memref_squeeze %dma_start3A_151 : memref<1x200x64xi32, #tpu.memory_space<vmem>> -> memref<200x64xi32, #tpu.memory_space<vmem>>
      %dma_start3A_153 = arith.constant 0 : i32
      %dma_start3A_154 = tpu.memref_slice %arg6[%add3A_130, %dma_start3A_153] : memref<160000x128xi32, #tpu.memory_space<hbm>> -> memref<200x64xi32, #tpu.memory_space<hbm>>
      %dma_start3A_155 = arith.constant 0 : i32
      %dma_start3A_156 = tpu.memref_slice %arg6[%add3A_130, %dma_start3A_155] : memref<160000x128xi32, #tpu.memory_space<hbm>> -> memref<200x64xi32, #tpu.memory_space<hbm>>
      %dma_start3A_157 = arith.constant 0 : i32
      %dma_start3A_158 = arith.constant 0 : i32
      %dma_start3A_159 = tpu.memref_slice %arg11[%run_scoped3A, %dma_start3A_157, %dma_start3A_158] : memref<2x200x64xi32, #tpu.memory_space<vmem>> -> memref<1x200x64xi32, #tpu.memory_space<vmem>>
      %dma_start3A_160 = tpu.memref_squeeze %dma_start3A_159 : memref<1x200x64xi32, #tpu.memory_space<vmem>> -> memref<200x64xi32, #tpu.memory_space<vmem>>
      tpu.enqueue_dma source(%dma_start3A_160 : memref<200x64xi32, #tpu.memory_space<vmem>>) target(%dma_start3A_156 : memref<200x64xi32, #tpu.memory_space<hbm>>) target_semaphore(%run_scoped3A_148 : memref<!tpu.dma_semaphore, #tpu.memory_space<semaphore_mem>>)
      %dma_wait3A_161 = arith.constant 0 : i32
      %dma_wait3A_162 = arith.constant 0 : i32
      %dma_wait3A_163 = tpu.memref_slice %arg11[%run_scoped3A, %dma_wait3A_161, %dma_wait3A_162] : memref<2x200x64xi32, #tpu.memory_space<vmem>> -> memref<1x200x64xi32, #tpu.memory_space<vmem>>
      %dma_wait3A_164 = tpu.memref_squeeze %dma_wait3A_163 : memref<1x200x64xi32, #tpu.memory_space<vmem>> -> memref<200x64xi32, #tpu.memory_space<vmem>>
      %dma_wait3A_165 = arith.constant 0 : i32
      %dma_wait3A_166 = tpu.memref_slice %arg6[%add3A_130, %dma_wait3A_165] : memref<160000x128xi32, #tpu.memory_space<hbm>> -> memref<200x64xi32, #tpu.memory_space<hbm>>
      %dma_wait3A_167 = arith.constant 0 : i32
      %dma_wait3A_168 = tpu.memref_slice %arg6[%add3A_130, %dma_wait3A_167] : memref<160000x128xi32, #tpu.memory_space<hbm>> -> memref<200x64xi32, #tpu.memory_space<hbm>>
      %dma_wait3A_169 = arith.constant 0 : i32
      %dma_wait3A_170 = arith.constant 0 : i32
      %dma_wait3A_171 = tpu.memref_slice %arg11[%run_scoped3A, %dma_wait3A_169, %dma_wait3A_170] : memref<2x200x64xi32, #tpu.memory_space<vmem>> -> memref<1x200x64xi32, #tpu.memory_space<vmem>>
      %dma_wait3A_172 = tpu.memref_squeeze %dma_wait3A_171 : memref<1x200x64xi32, #tpu.memory_space<vmem>> -> memref<200x64xi32, #tpu.memory_space<vmem>>
      tpu.wait_dma2 semaphore(%run_scoped3A_148 : memref<!tpu.dma_semaphore, #tpu.memory_space<semaphore_mem>>) src(%dma_wait3A_172 : memref<200x64xi32, #tpu.memory_space<vmem>>) dst(%dma_wait3A_168 : memref<200x64xi32, #tpu.memory_space<hbm>>)
      tpu.yield
    }) : () -> ()
    %run_scoped3A_131 = arith.constant 0 : i32
    "tpu.region"() ({
      %run_scoped3A_148 = tpu.sem_alloc : memref<!tpu.dma_semaphore, #tpu.memory_space<semaphore_mem>>
      %dma_start3A_149 = arith.constant 0 : i32
      %dma_start3A_150 = arith.constant 0 : i32
      %dma_start3A_151 = tpu.memref_slice %arg12[%run_scoped3A_131, %dma_start3A_149, %dma_start3A_150] : memref<2x200x64xi32, #tpu.memory_space<vmem>> -> memref<1x200x64xi32, #tpu.memory_space<vmem>>
      %dma_start3A_152 = tpu.memref_squeeze %dma_start3A_151 : memref<1x200x64xi32, #tpu.memory_space<vmem>> -> memref<200x64xi32, #tpu.memory_space<vmem>>
      %dma_start3A_153 = arith.constant 64 : i32
      %dma_start3A_154 = tpu.memref_slice %arg6[%add3A_130, %dma_start3A_153] : memref<160000x128xi32, #tpu.memory_space<hbm>> -> memref<200x64xi32, #tpu.memory_space<hbm>>
      %dma_start3A_155 = arith.constant 64 : i32
      %dma_start3A_156 = tpu.memref_slice %arg6[%add3A_130, %dma_start3A_155] : memref<160000x128xi32, #tpu.memory_space<hbm>> -> memref<200x64xi32, #tpu.memory_space<hbm>>
      %dma_start3A_157 = arith.constant 0 : i32
      %dma_start3A_158 = arith.constant 0 : i32
      %dma_start3A_159 = tpu.memref_slice %arg12[%run_scoped3A_131, %dma_start3A_157, %dma_start3A_158] : memref<2x200x64xi32, #tpu.memory_space<vmem>> -> memref<1x200x64xi32, #tpu.memory_space<vmem>>
      %dma_start3A_160 = tpu.memref_squeeze %dma_start3A_159 : memref<1x200x64xi32, #tpu.memory_space<vmem>> -> memref<200x64xi32, #tpu.memory_space<vmem>>
      tpu.enqueue_dma source(%dma_start3A_160 : memref<200x64xi32, #tpu.memory_space<vmem>>) target(%dma_start3A_156 : memref<200x64xi32, #tpu.memory_space<hbm>>) target_semaphore(%run_scoped3A_148 : memref<!tpu.dma_semaphore, #tpu.memory_space<semaphore_mem>>)
      %dma_wait3A_161 = arith.constant 0 : i32
      %dma_wait3A_162 = arith.constant 0 : i32
      %dma_wait3A_163 = tpu.memref_slice %arg12[%run_scoped3A_131, %dma_wait3A_161, %dma_wait3A_162] : memref<2x200x64xi32, #tpu.memory_space<vmem>> -> memref<1x200x64xi32, #tpu.memory_space<vmem>>
      %dma_wait3A_164 = tpu.memref_squeeze %dma_wait3A_163 : memref<1x200x64xi32, #tpu.memory_space<vmem>> -> memref<200x64xi32, #tpu.memory_space<vmem>>
      %dma_wait3A_165 = arith.constant 64 : i32
      %dma_wait3A_166 = tpu.memref_slice %arg6[%add3A_130, %dma_wait3A_165] : memref<160000x128xi32, #tpu.memory_space<hbm>> -> memref<200x64xi32, #tpu.memory_space<hbm>>
      %dma_wait3A_167 = arith.constant 64 : i32
      %dma_wait3A_168 = tpu.memref_slice %arg6[%add3A_130, %dma_wait3A_167] : memref<160000x128xi32, #tpu.memory_space<hbm>> -> memref<200x64xi32, #tpu.memory_space<hbm>>
      %dma_wait3A_169 = arith.constant 0 : i32
      %dma_wait3A_170 = arith.constant 0 : i32
      %dma_wait3A_171 = tpu.memref_slice %arg12[%run_scoped3A_131, %dma_wait3A_169, %dma_wait3A_170] : memref<2x200x64xi32, #tpu.memory_space<vmem>> -> memref<1x200x64xi32, #tpu.memory_space<vmem>>
      %dma_wait3A_172 = tpu.memref_squeeze %dma_wait3A_171 : memref<1x200x64xi32, #tpu.memory_space<vmem>> -> memref<200x64xi32, #tpu.memory_space<vmem>>
      tpu.wait_dma2 semaphore(%run_scoped3A_148 : memref<!tpu.dma_semaphore, #tpu.memory_space<semaphore_mem>>) src(%dma_wait3A_172 : memref<200x64xi32, #tpu.memory_space<vmem>>) dst(%dma_wait3A_168 : memref<200x64xi32, #tpu.memory_space<hbm>>)
      tpu.yield
    }) : () -> ()
    %dma_wait3A_132 = arith.constant 0 : i32
    %dma_wait3A_133 = arith.constant 0 : i32
    %dma_wait3A_134 = tpu.memref_slice %arg9[%dma_wait3A_132, %dma_wait3A_133] : memref<2x200xi32, #tpu.memory_space<vmem>> -> memref<1x200xi32, #tpu.memory_space<vmem>>
    %dma_wait3A_135 = tpu.memref_squeeze %dma_wait3A_134 : memref<1x200xi32, #tpu.memory_space<vmem>> -> memref<200xi32, #tpu.memory_space<vmem>>
    %dma_wait3A_136 = arith.constant 0 : i32
    %dma_wait3A_137 = arith.constant 0 : i32
    %dma_wait3A_138 = tpu.memref_slice %arg3[%dma_wait3A_136, %dma_wait3A_137] : memref<10000x16xf32, #tpu.memory_space<hbm>> -> memref<10000x16xf32, #tpu.memory_space<hbm>>
    tpu.wait_indirect_dma semaphore(%arg18 : memref<!tpu.dma_semaphore, #tpu.memory_space<semaphore_mem>>) src(%dma_wait3A_138 : memref<10000x16xf32, #tpu.memory_space<hbm>>) dst(%arg13 : memref<200x16xf32, #tpu.memory_space<vmem>>)
    %dma_wait3A_139 = arith.constant 0 : i32
    %dma_wait3A_140 = arith.constant 0 : i32
    %dma_wait3A_141 = tpu.memref_slice %arg10[%dma_wait3A_139, %dma_wait3A_140] : memref<2x200xi32, #tpu.memory_space<vmem>> -> memref<1x200xi32, #tpu.memory_space<vmem>>
    %dma_wait3A_142 = tpu.memref_squeeze %dma_wait3A_141 : memref<1x200xi32, #tpu.memory_space<vmem>> -> memref<200xi32, #tpu.memory_space<vmem>>
    %dma_wait3A_143 = arith.constant 0 : i32
    %dma_wait3A_144 = arith.constant 0 : i32
    %dma_wait3A_145 = tpu.memref_slice %arg3[%dma_wait3A_143, %dma_wait3A_144] : memref<10000x16xf32, #tpu.memory_space<hbm>> -> memref<10000x16xf32, #tpu.memory_space<hbm>>
    tpu.wait_indirect_dma semaphore(%arg18 : memref<!tpu.dma_semaphore, #tpu.memory_space<semaphore_mem>>) src(%dma_wait3A_145 : memref<10000x16xf32, #tpu.memory_space<hbm>>) dst(%arg14 : memref<200x16xf32, #tpu.memory_space<vmem>>)
    %add3A_146 = arith.constant 4800 : i32
    %add3A_147 = arith.addi %mul3A_2, %add3A_146 : i32
    "tpu.region"() ({
      %run_scoped3A_148 = tpu.sem_alloc : memref<!tpu.dma_semaphore, #tpu.memory_space<semaphore_mem>>
      %dma_start3A_149 = arith.constant 0 : i32
      %dma_start3A_150 = tpu.memref_slice %arg7[%add3A_147, %dma_start3A_149] : memref<160000x16xf32, #tpu.memory_space<hbm>> -> memref<200x16xf32, #tpu.memory_space<hbm>>
      %dma_start3A_151 = arith.constant 0 : i32
      %dma_start3A_152 = tpu.memref_slice %arg7[%add3A_147, %dma_start3A_151] : memref<160000x16xf32, #tpu.memory_space<hbm>> -> memref<200x16xf32, #tpu.memory_space<hbm>>
      tpu.enqueue_dma source(%arg13 : memref<200x16xf32, #tpu.memory_space<vmem>>) target(%dma_start3A_152 : memref<200x16xf32, #tpu.memory_space<hbm>>) target_semaphore(%run_scoped3A_148 : memref<!tpu.dma_semaphore, #tpu.memory_space<semaphore_mem>>)
      %dma_wait3A_153 = arith.constant 0 : i32
      %dma_wait3A_154 = tpu.memref_slice %arg7[%add3A_147, %dma_wait3A_153] : memref<160000x16xf32, #tpu.memory_space<hbm>> -> memref<200x16xf32, #tpu.memory_space<hbm>>
      %dma_wait3A_155 = arith.constant 0 : i32
      %dma_wait3A_156 = tpu.memref_slice %arg7[%add3A_147, %dma_wait3A_155] : memref<160000x16xf32, #tpu.memory_space<hbm>> -> memref<200x16xf32, #tpu.memory_space<hbm>>
      tpu.wait_dma2 semaphore(%run_scoped3A_148 : memref<!tpu.dma_semaphore, #tpu.memory_space<semaphore_mem>>) src(%arg13 : memref<200x16xf32, #tpu.memory_space<vmem>>) dst(%dma_wait3A_156 : memref<200x16xf32, #tpu.memory_space<hbm>>)
      tpu.yield
    }) : () -> ()
    "tpu.region"() ({
      %run_scoped3A_148 = tpu.sem_alloc : memref<!tpu.dma_semaphore, #tpu.memory_space<semaphore_mem>>
      %dma_start3A_149 = arith.constant 0 : i32
      %dma_start3A_150 = tpu.memref_slice %arg8[%add3A_147, %dma_start3A_149] : memref<160000x16xf32, #tpu.memory_space<hbm>> -> memref<200x16xf32, #tpu.memory_space<hbm>>
      %dma_start3A_151 = arith.constant 0 : i32
      %dma_start3A_152 = tpu.memref_slice %arg8[%add3A_147, %dma_start3A_151] : memref<160000x16xf32, #tpu.memory_space<hbm>> -> memref<200x16xf32, #tpu.memory_space<hbm>>
      tpu.enqueue_dma source(%arg14 : memref<200x16xf32, #tpu.memory_space<vmem>>) target(%dma_start3A_152 : memref<200x16xf32, #tpu.memory_space<hbm>>) target_semaphore(%run_scoped3A_148 : memref<!tpu.dma_semaphore, #tpu.memory_space<semaphore_mem>>)
      %dma_wait3A_153 = arith.constant 0 : i32
      %dma_wait3A_154 = tpu.memref_slice %arg8[%add3A_147, %dma_wait3A_153] : memref<160000x16xf32, #tpu.memory_space<hbm>> -> memref<200x16xf32, #tpu.memory_space<hbm>>
      %dma_wait3A_155 = arith.constant 0 : i32
      %dma_wait3A_156 = tpu.memref_slice %arg8[%add3A_147, %dma_wait3A_155] : memref<160000x16xf32, #tpu.memory_space<hbm>> -> memref<200x16xf32, #tpu.memory_space<hbm>>
      tpu.wait_dma2 semaphore(%run_scoped3A_148 : memref<!tpu.dma_semaphore, #tpu.memory_space<semaphore_mem>>) src(%arg14 : memref<200x16xf32, #tpu.memory_space<vmem>>) dst(%dma_wait3A_156 : memref<200x16xf32, #tpu.memory_space<hbm>>)
      tpu.yield
    }) : () -> ()
    return
  }
}

#map = affine_map<(d0, d1) -> (0, 0)>
#map1 = affine_map<(d0, d1) -> (0)>
#map2 = affine_map<(d0, d1) -> (0, 0, 0)>
module attributes {stable_mosaic.version = 14 : i64} {
  func.func @_scatter_kernel(%arg0: i32, %arg1: i32, %arg2: memref<160000x32xf32, #tpu.memory_space<hbm>>, %arg3: memref<160000xi32, #tpu.memory_space<hbm>>, %arg4: memref<10000x32xf32, #tpu.memory_space<hbm>>, %arg5: memref<2x10000x32xf32, #tpu.memory_space<hbm>>, %arg6: memref<1000xi32, #tpu.memory_space<vmem>>, %arg7: memref<1000x32xf32, #tpu.memory_space<vmem>>, %arg8: memref<10000x32xf32, #tpu.memory_space<vmem_shared>>, %arg9: memref<!tpu.dma_semaphore, #tpu.memory_space<semaphore_mem>>) attributes {dimension_semantics = [#tpu.dimension_semantics<core_parallel>, #tpu.dimension_semantics<subcore_parallel>], iteration_bounds = array<i64: 2, 16>, scalar_prefetch = 0 : i64, scratch_operands = 4 : i64, tpu.core_type = #tpu.core_type<sc_vector_subcore>, window_params = [{transform_indices = #map}, {transform_indices = #map1}, {transform_indices = #map}, {transform_indices = #map2}]} {
    %mul3A = arith.constant 2 : i32
    %mul3A_0 = arith.muli %arg1, %mul3A : i32
    %add3A = arith.addi %mul3A_0, %arg0 : i32
    %mul3A_1 = arith.constant 5000 : i32
    %mul3A_2 = arith.muli %add3A, %mul3A_1 : i32
    %eq3A = arith.constant 0 : i32
    %eq3A_3 = arith.cmpi eq, %arg1, %eq3A : i32
    %convert_element_type3A = arith.extui %eq3A_3 : i1 to i32
    %cond3A = arith.constant 0 : i32
    %cond3A_4 = arith.cmpi ne, %convert_element_type3A, %cond3A : i32
    scf.if %cond3A_4 {
      "tpu.region"() ({
        %run_scoped3A = tpu.sem_alloc : memref<!tpu.dma_semaphore, #tpu.memory_space<semaphore_mem>>
        tpu.enqueue_dma source(%arg4 : memref<10000x32xf32, #tpu.memory_space<hbm>>) target(%arg8 : memref<10000x32xf32, #tpu.memory_space<vmem_shared>>) target_semaphore(%run_scoped3A : memref<!tpu.dma_semaphore, #tpu.memory_space<semaphore_mem>>)
        tpu.wait_dma2 semaphore(%run_scoped3A : memref<!tpu.dma_semaphore, #tpu.memory_space<semaphore_mem>>) src(%arg4 : memref<10000x32xf32, #tpu.memory_space<hbm>>) dst(%arg8 : memref<10000x32xf32, #tpu.memory_space<vmem_shared>>)
        tpu.yield
      }) : () -> ()
    } else {
    }
    %barrier3A = arith.constant 0 : index
    tpu.barrier barrier_id(%barrier3A)
    %scan3A = arith.constant 0 : i32
    %scan3A_5 = arith.constant 5 : i32
    %scan3A_6 = arith.addi %scan3A, %scan3A_5 : i32
    %scan3A_7 = arith.constant 1 : i32
    scf.for %scan3A_15 = %scan3A to %scan3A_6 step %scan3A_7  : i32 {
      %mul3A_16 = arith.constant 1000 : i32
      %mul3A_17 = arith.muli %scan3A_15, %mul3A_16 : i32
      %add3A_18 = arith.constant 0 : i32
      %add3A_19 = arith.addi %add3A_18, %mul3A_17 : i32
      %add3A_20 = arith.addi %mul3A_2, %add3A_19 : i32
      "tpu.region"() ({
        %run_scoped3A = tpu.sem_alloc : memref<!tpu.dma_semaphore, #tpu.memory_space<semaphore_mem>>
        %dma_start3A = tpu.memref_slice %arg3[%add3A_20] : memref<160000xi32, #tpu.memory_space<hbm>> -> memref<1000xi32, #tpu.memory_space<hbm>>
        %dma_start3A_21 = tpu.memref_slice %arg3[%add3A_20] : memref<160000xi32, #tpu.memory_space<hbm>> -> memref<1000xi32, #tpu.memory_space<hbm>>
        tpu.enqueue_dma source(%dma_start3A_21 : memref<1000xi32, #tpu.memory_space<hbm>>) target(%arg6 : memref<1000xi32, #tpu.memory_space<vmem>>) target_semaphore(%run_scoped3A : memref<!tpu.dma_semaphore, #tpu.memory_space<semaphore_mem>>)
        %dma_wait3A = tpu.memref_slice %arg3[%add3A_20] : memref<160000xi32, #tpu.memory_space<hbm>> -> memref<1000xi32, #tpu.memory_space<hbm>>
        %dma_wait3A_22 = tpu.memref_slice %arg3[%add3A_20] : memref<160000xi32, #tpu.memory_space<hbm>> -> memref<1000xi32, #tpu.memory_space<hbm>>
        tpu.wait_dma2 semaphore(%run_scoped3A : memref<!tpu.dma_semaphore, #tpu.memory_space<semaphore_mem>>) src(%dma_wait3A_22 : memref<1000xi32, #tpu.memory_space<hbm>>) dst(%arg6 : memref<1000xi32, #tpu.memory_space<vmem>>)
        tpu.yield
      }) : () -> ()
      "tpu.region"() ({
        %run_scoped3A = tpu.sem_alloc : memref<!tpu.dma_semaphore, #tpu.memory_space<semaphore_mem>>
        %dma_start3A = arith.constant 0 : i32
        %dma_start3A_21 = tpu.memref_slice %arg2[%add3A_20, %dma_start3A] : memref<160000x32xf32, #tpu.memory_space<hbm>> -> memref<1000x32xf32, #tpu.memory_space<hbm>>
        %dma_start3A_22 = arith.constant 0 : i32
        %dma_start3A_23 = tpu.memref_slice %arg2[%add3A_20, %dma_start3A_22] : memref<160000x32xf32, #tpu.memory_space<hbm>> -> memref<1000x32xf32, #tpu.memory_space<hbm>>
        tpu.enqueue_dma source(%dma_start3A_23 : memref<1000x32xf32, #tpu.memory_space<hbm>>) target(%arg7 : memref<1000x32xf32, #tpu.memory_space<vmem>>) target_semaphore(%run_scoped3A : memref<!tpu.dma_semaphore, #tpu.memory_space<semaphore_mem>>)
        %dma_wait3A = arith.constant 0 : i32
        %dma_wait3A_24 = tpu.memref_slice %arg2[%add3A_20, %dma_wait3A] : memref<160000x32xf32, #tpu.memory_space<hbm>> -> memref<1000x32xf32, #tpu.memory_space<hbm>>
        %dma_wait3A_25 = arith.constant 0 : i32
        %dma_wait3A_26 = tpu.memref_slice %arg2[%add3A_20, %dma_wait3A_25] : memref<160000x32xf32, #tpu.memory_space<hbm>> -> memref<1000x32xf32, #tpu.memory_space<hbm>>
        tpu.wait_dma2 semaphore(%run_scoped3A : memref<!tpu.dma_semaphore, #tpu.memory_space<semaphore_mem>>) src(%dma_wait3A_26 : memref<1000x32xf32, #tpu.memory_space<hbm>>) dst(%arg7 : memref<1000x32xf32, #tpu.memory_space<vmem>>)
        tpu.yield
      }) : () -> ()
      "tpu.region"() ({
        %run_scoped3A = tpu.sem_alloc : memref<!tpu.dma_semaphore, #tpu.memory_space<semaphore_mem>>
        %dma_start3A = arith.constant 0 : i32
        %dma_start3A_21 = arith.constant 0 : i32
        %dma_start3A_22 = tpu.memref_slice %arg8[%dma_start3A, %dma_start3A_21] : memref<10000x32xf32, #tpu.memory_space<vmem_shared>> -> memref<10000x32xf32, #tpu.memory_space<vmem_shared>>
        tpu.enqueue_indirect_dma source(%arg7 : memref<1000x32xf32, #tpu.memory_space<vmem>>) target(%dma_start3A_22 : memref<10000x32xf32, #tpu.memory_space<vmem_shared>>) offsets(%arg6 : memref<1000xi32, #tpu.memory_space<vmem>>) semaphore(%run_scoped3A : memref<!tpu.dma_semaphore, #tpu.memory_space<semaphore_mem>>) {add = true}
        %dma_wait3A = arith.constant 0 : i32
        %dma_wait3A_23 = arith.constant 0 : i32
        %dma_wait3A_24 = tpu.memref_slice %arg8[%dma_wait3A, %dma_wait3A_23] : memref<10000x32xf32, #tpu.memory_space<vmem_shared>> -> memref<10000x32xf32, #tpu.memory_space<vmem_shared>>
        tpu.wait_indirect_dma semaphore(%run_scoped3A : memref<!tpu.dma_semaphore, #tpu.memory_space<semaphore_mem>>) src(%arg7 : memref<1000x32xf32, #tpu.memory_space<vmem>>) dst(%dma_wait3A_24 : memref<10000x32xf32, #tpu.memory_space<vmem_shared>>)
        tpu.yield
      }) : () -> ()
    }
    %scan3A_8 = arith.constant 5 : i32
    %barrier3A_9 = arith.constant 0 : index
    tpu.barrier barrier_id(%barrier3A_9)
    %eq3A_10 = arith.constant 0 : i32
    %eq3A_11 = arith.cmpi eq, %arg1, %eq3A_10 : i32
    %convert_element_type3A_12 = arith.extui %eq3A_11 : i1 to i32
    %cond3A_13 = arith.constant 0 : i32
    %cond3A_14 = arith.cmpi ne, %convert_element_type3A_12, %cond3A_13 : i32
    scf.if %cond3A_14 {
      "tpu.region"() ({
        %run_scoped3A = tpu.sem_alloc : memref<!tpu.dma_semaphore, #tpu.memory_space<semaphore_mem>>
        %dma_start3A = arith.constant 0 : i32
        %dma_start3A_15 = arith.constant 0 : i32
        %dma_start3A_16 = tpu.memref_slice %arg5[%arg0, %dma_start3A, %dma_start3A_15] : memref<2x10000x32xf32, #tpu.memory_space<hbm>> -> memref<1x10000x32xf32, #tpu.memory_space<hbm>>
        %dma_start3A_17 = tpu.memref_squeeze %dma_start3A_16 : memref<1x10000x32xf32, #tpu.memory_space<hbm>> -> memref<10000x32xf32, #tpu.memory_space<hbm>>
        tpu.enqueue_dma source(%arg8 : memref<10000x32xf32, #tpu.memory_space<vmem_shared>>) target(%dma_start3A_17 : memref<10000x32xf32, #tpu.memory_space<hbm>>) target_semaphore(%run_scoped3A : memref<!tpu.dma_semaphore, #tpu.memory_space<semaphore_mem>>)
        %dma_wait3A = arith.constant 0 : i32
        %dma_wait3A_18 = arith.constant 0 : i32
        %dma_wait3A_19 = tpu.memref_slice %arg5[%arg0, %dma_wait3A, %dma_wait3A_18] : memref<2x10000x32xf32, #tpu.memory_space<hbm>> -> memref<1x10000x32xf32, #tpu.memory_space<hbm>>
        %dma_wait3A_20 = tpu.memref_squeeze %dma_wait3A_19 : memref<1x10000x32xf32, #tpu.memory_space<hbm>> -> memref<10000x32xf32, #tpu.memory_space<hbm>>
        tpu.wait_dma2 semaphore(%run_scoped3A : memref<!tpu.dma_semaphore, #tpu.memory_space<semaphore_mem>>) src(%arg8 : memref<10000x32xf32, #tpu.memory_space<vmem_shared>>) dst(%dma_wait3A_20 : memref<10000x32xf32, #tpu.memory_space<hbm>>)
        tpu.yield
      }) : () -> ()
    } else {
    }
    return
  }
}

module attributes {stable_mosaic.version = 14 : i64} {
  func.func @_edge_body(%arg0: i32, %arg1: memref<4000x128xi32, #tpu.memory_space<vmem>>, %arg2: memref<4000x16xf32, #tpu.memory_space<vmem>>, %arg3: memref<4000x16xf32, #tpu.memory_space<vmem>>, %arg4: memref<256x257xf32, #tpu.memory_space<vmem>>, %arg5: memref<16x257xf32, #tpu.memory_space<vmem>>, %arg6: memref<1x257xf32, #tpu.memory_space<vmem>>, %arg7: memref<257x16xbf16, #tpu.memory_space<vmem>>, %arg8: memref<1x16xf32, #tpu.memory_space<vmem>>, %arg9: memref<16x32xf32, #tpu.memory_space<vmem>>, %arg10: memref<1x32xf32, #tpu.memory_space<vmem>>, %arg11: memref<32x1xf32, #tpu.memory_space<vmem>>, %arg12: memref<1x1xf32, #tpu.memory_space<vmem>>, %arg13: memref<4000x32xf32, #tpu.memory_space<vmem>>) attributes {dimension_semantics = [#tpu.dimension_semantics<arbitrary>], iteration_bounds = array<i64: 40>, scalar_prefetch = 0 : i64, scratch_operands = 0 : i64, tpu.core_type = #tpu.core_type<tc>, window_params = [{transform_indices = @transform_0, window_bounds = array<i64: 4000, 128>}, {transform_indices = @transform_1, window_bounds = array<i64: 4000, 16>}, {transform_indices = @transform_2, window_bounds = array<i64: 4000, 16>}, {pipeline_mode = #tpu.pipeline_mode<synchronous>, transform_indices = @transform_3, window_bounds = array<i64: 256, 257>}, {pipeline_mode = #tpu.pipeline_mode<synchronous>, transform_indices = @transform_4, window_bounds = array<i64: 16, 257>}, {pipeline_mode = #tpu.pipeline_mode<synchronous>, transform_indices = @transform_5, window_bounds = array<i64: 1, 257>}, {pipeline_mode = #tpu.pipeline_mode<synchronous>, transform_indices = @transform_6, window_bounds = array<i64: 257, 16>}, {pipeline_mode = #tpu.pipeline_mode<synchronous>, transform_indices = @transform_7, window_bounds = array<i64: 1, 16>}, {pipeline_mode = #tpu.pipeline_mode<synchronous>, transform_indices = @transform_8, window_bounds = array<i64: 16, 32>}, {pipeline_mode = #tpu.pipeline_mode<synchronous>, transform_indices = @transform_9, window_bounds = array<i64: 1, 32>}, {pipeline_mode = #tpu.pipeline_mode<synchronous>, transform_indices = @transform_10, window_bounds = array<i64: 32, 1>}, {pipeline_mode = #tpu.pipeline_mode<synchronous>, transform_indices = @transform_11, window_bounds = array<i64: 1, 1>}, {transform_indices = @transform_12, window_bounds = array<i64: 4000, 32>}]} {
    %get3A = arith.constant 0 : index
    %get3A_0 = arith.constant 0 : index
    %get3A_1 = vector.load %arg2[%get3A, %get3A_0] : memref<4000x16xf32, #tpu.memory_space<vmem>>, vector<4000x16xf32>
    %get3A_2 = arith.constant 0 : index
    %get3A_3 = arith.constant 0 : index
    %get3A_4 = vector.load %arg3[%get3A_2, %get3A_3] : memref<4000x16xf32, #tpu.memory_space<vmem>>, vector<4000x16xf32>
    %sub3A = arith.subf %get3A_1, %get3A_4 : vector<4000x16xf32>
    %mul3A = arith.mulf %sub3A, %sub3A : vector<4000x16xf32>
    %get3A_5 = arith.constant 0 : index
    %get3A_6 = arith.constant 0 : index
    %get3A_7 = vector.load %arg1[%get3A_5, %get3A_6] : memref<4000x128xi32, #tpu.memory_space<vmem>>, vector<4000x128xi32>
    %shift_left3A = arith.constant 16 : i32
    %shift_left3A_8 = vector.broadcast %shift_left3A : i32 to vector<4000x128xi32>
    %shift_left3A_9 = arith.shli %get3A_7, %shift_left3A_8 : vector<4000x128xi32>
    %bitcast_convert_type3A = tpu.bitcast %shift_left3A_9 : vector<4000x128xi32> -> vector<4000x128xf32>
    %and3A = arith.constant -65536 : i32
    %and3A_10 = vector.broadcast %and3A : i32 to vector<4000x128xi32>
    %and3A_11 = arith.andi %get3A_7, %and3A_10 : vector<4000x128xi32>
    %bitcast_convert_type3A_12 = tpu.bitcast %and3A_11 : vector<4000x128xi32> -> vector<4000x128xf32>
    %concatenate3A = tpu.concatenate %bitcast_convert_type3A, %bitcast_convert_type3A_12 in 1 : vector<4000x128xf32>, vector<4000x128xf32> -> vector<4000x256xf32>
    %get3A_13 = arith.constant 0 : index
    %get3A_14 = arith.constant 0 : index
    %get3A_15 = vector.load %arg4[%get3A_13, %get3A_14] : memref<256x257xf32, #tpu.memory_space<vmem>>, vector<256x257xf32>
    %dot_general3A = arith.constant dense<0.000000e+00> : vector<4000x257xf32>
    %dot_general3A_16 = tpu.matmul %concatenate3A, %get3A_15, %dot_general3A {dimension_numbers = #tpu.dot_dimension_numbers<[1], [0], [0], [1], [0, 0, 1, 1], [], []>, transpose_lhs_hint = false} : vector<4000x256xf32>, vector<256x257xf32>, vector<4000x257xf32> -> vector<4000x257xf32>
    %get3A_17 = arith.constant 0 : index
    %get3A_18 = arith.constant 0 : index
    %get3A_19 = vector.load %arg5[%get3A_17, %get3A_18] : memref<16x257xf32, #tpu.memory_space<vmem>>, vector<16x257xf32>
    %dot_general3A_20 = arith.constant dense<0.000000e+00> : vector<4000x257xf32>
    %dot_general3A_21 = tpu.matmul %mul3A, %get3A_19, %dot_general3A_20 {dimension_numbers = #tpu.dot_dimension_numbers<[1], [0], [0], [1], [0, 0, 1, 1], [], []>, transpose_lhs_hint = false} : vector<4000x16xf32>, vector<16x257xf32>, vector<4000x257xf32> -> vector<4000x257xf32>
    %add3A = arith.addf %dot_general3A_16, %dot_general3A_21 : vector<4000x257xf32>
    %get3A_22 = arith.constant 0 : index
    %get3A_23 = arith.constant 0 : index
    %get3A_24 = vector.load %arg6[%get3A_22, %get3A_23] : memref<1x257xf32, #tpu.memory_space<vmem>>, vector<1x257xf32>
    %add3A_25 = vector.broadcast %get3A_24 : vector<1x257xf32> to vector<4000x257xf32>
    %add3A_26 = arith.addf %add3A, %add3A_25 : vector<4000x257xf32>
    %convert_element_type3A = arith.truncf %add3A_26 : vector<4000x257xf32> to vector<4000x257xbf16>
    %logistic3A = arith.negf %convert_element_type3A : vector<4000x257xbf16>
    %logistic3A_27 = math.exp %logistic3A : vector<4000x257xbf16>
    %logistic3A_28 = arith.constant 1.000000e+00 : bf16
    %logistic3A_29 = vector.broadcast %logistic3A_28 : bf16 to vector<4000x257xbf16>
    %logistic3A_30 = arith.addf %logistic3A_29, %logistic3A_27 : vector<4000x257xbf16>
    %logistic3A_31 = arith.divf %logistic3A_29, %logistic3A_30 : vector<4000x257xbf16>
    %mul3A_32 = arith.mulf %convert_element_type3A, %logistic3A_31 : vector<4000x257xbf16>
    %get3A_33 = arith.constant 0 : index
    %get3A_34 = arith.constant 0 : index
    %get3A_35 = vector.load %arg7[%get3A_33, %get3A_34] : memref<257x16xbf16, #tpu.memory_space<vmem>>, vector<257x16xbf16>
    %dot_general3A_36 = arith.constant dense<0.000000e+00> : vector<4000x16xf32>
    %dot_general3A_37 = tpu.matmul %mul3A_32, %get3A_35, %dot_general3A_36 {dimension_numbers = #tpu.dot_dimension_numbers<[1], [0], [0], [1], [0, 0, 1, 1], [], []>, transpose_lhs_hint = false} : vector<4000x257xbf16>, vector<257x16xbf16>, vector<4000x16xf32> -> vector<4000x16xf32>
    %get3A_38 = arith.constant 0 : index
    %get3A_39 = arith.constant 0 : index
    %get3A_40 = vector.load %arg8[%get3A_38, %get3A_39] : memref<1x16xf32, #tpu.memory_space<vmem>>, vector<1x16xf32>
    %add3A_41 = vector.broadcast %get3A_40 : vector<1x16xf32> to vector<4000x16xf32>
    %add3A_42 = arith.addf %dot_general3A_37, %add3A_41 : vector<4000x16xf32>
    %logistic3A_43 = arith.negf %add3A_42 : vector<4000x16xf32>
    %logistic3A_44 = math.exp %logistic3A_43 : vector<4000x16xf32>
    %logistic3A_45 = arith.constant 1.000000e+00 : f32
    %logistic3A_46 = vector.broadcast %logistic3A_45 : f32 to vector<4000x16xf32>
    %logistic3A_47 = arith.addf %logistic3A_46, %logistic3A_44 : vector<4000x16xf32>
    %logistic3A_48 = arith.divf %logistic3A_46, %logistic3A_47 : vector<4000x16xf32>
    %mul3A_49 = arith.mulf %add3A_42, %logistic3A_48 : vector<4000x16xf32>
    %get3A_50 = arith.constant 0 : index
    %get3A_51 = arith.constant 0 : index
    %get3A_52 = vector.load %arg9[%get3A_50, %get3A_51] : memref<16x32xf32, #tpu.memory_space<vmem>>, vector<16x32xf32>
    %dot_general3A_53 = arith.constant dense<0.000000e+00> : vector<4000x32xf32>
    %dot_general3A_54 = tpu.matmul %mul3A_49, %get3A_52, %dot_general3A_53 {dimension_numbers = #tpu.dot_dimension_numbers<[1], [0], [0], [1], [0, 0, 1, 1], [], []>, transpose_lhs_hint = false} : vector<4000x16xf32>, vector<16x32xf32>, vector<4000x32xf32> -> vector<4000x32xf32>
    %get3A_55 = arith.constant 0 : index
    %get3A_56 = arith.constant 0 : index
    %get3A_57 = vector.load %arg10[%get3A_55, %get3A_56] : memref<1x32xf32, #tpu.memory_space<vmem>>, vector<1x32xf32>
    %add3A_58 = vector.broadcast %get3A_57 : vector<1x32xf32> to vector<4000x32xf32>
    %add3A_59 = arith.addf %dot_general3A_54, %add3A_58 : vector<4000x32xf32>
    %logistic3A_60 = arith.negf %add3A_59 : vector<4000x32xf32>
    %logistic3A_61 = math.exp %logistic3A_60 : vector<4000x32xf32>
    %logistic3A_62 = arith.constant 1.000000e+00 : f32
    %logistic3A_63 = vector.broadcast %logistic3A_62 : f32 to vector<4000x32xf32>
    %logistic3A_64 = arith.addf %logistic3A_63, %logistic3A_61 : vector<4000x32xf32>
    %logistic3A_65 = arith.divf %logistic3A_63, %logistic3A_64 : vector<4000x32xf32>
    %mul3A_66 = arith.mulf %add3A_59, %logistic3A_65 : vector<4000x32xf32>
    %get3A_67 = arith.constant 0 : index
    %get3A_68 = arith.constant 0 : index
    %get3A_69 = vector.load %arg11[%get3A_67, %get3A_68] : memref<32x1xf32, #tpu.memory_space<vmem>>, vector<32x1xf32>
    %dot_general3A_70 = arith.constant dense<0.000000e+00> : vector<4000x1xf32>
    %dot_general3A_71 = tpu.matmul %mul3A_66, %get3A_69, %dot_general3A_70 {dimension_numbers = #tpu.dot_dimension_numbers<[1], [0], [0], [1], [0, 0, 1, 1], [], []>, transpose_lhs_hint = false} : vector<4000x32xf32>, vector<32x1xf32>, vector<4000x1xf32> -> vector<4000x1xf32>
    %get3A_72 = arith.constant 0 : index
    %get3A_73 = arith.constant 0 : index
    %get3A_74 = vector.load %arg12[%get3A_72, %get3A_73] : memref<1x1xf32, #tpu.memory_space<vmem>>, vector<1x1xf32>
    %add3A_75 = vector.broadcast %get3A_74 : vector<1x1xf32> to vector<4000x1xf32>
    %add3A_76 = arith.addf %dot_general3A_71, %add3A_75 : vector<4000x1xf32>
    %swap3A = arith.constant 0 : index
    %swap3A_77 = arith.constant 0 : index
    %swap3A_78 = vector.load %arg13[%swap3A, %swap3A_77] : memref<4000x32xf32, #tpu.memory_space<vmem>>, vector<4000x16xf32>
    tpu.vector_store %arg13[%swap3A, %swap3A_77], %mul3A_49 {strides = array<i32>} : memref<4000x32xf32, #tpu.memory_space<vmem>>, vector<4000x16xf32>,
    %mul3A_79 = vector.broadcast %add3A_76 : vector<4000x1xf32> to vector<4000x16xf32>
    %mul3A_80 = arith.mulf %sub3A, %mul3A_79 : vector<4000x16xf32>
    %swap3A_81 = arith.constant 0 : index
    %swap3A_82 = arith.constant 16 : index
    %swap3A_83 = vector.load %arg13[%swap3A_81, %swap3A_82] : memref<4000x32xf32, #tpu.memory_space<vmem>>, vector<4000x16xf32>
    tpu.vector_store %arg13[%swap3A_81, %swap3A_82], %mul3A_80 {strides = array<i32>} : memref<4000x32xf32, #tpu.memory_space<vmem>>, vector<4000x16xf32>,
    return
  }
  func.func @transform_0(%arg0: i32) -> (i32, i32) {
    %c0_i32 = arith.constant 0 : i32
    %c0_i32_0 = arith.constant 0 : i32
    return %arg0, %c0_i32 : i32, i32
  }
  func.func @transform_1(%arg0: i32) -> (i32, i32) {
    %c0_i32 = arith.constant 0 : i32
    %c0_i32_0 = arith.constant 0 : i32
    return %arg0, %c0_i32 : i32, i32
  }
  func.func @transform_2(%arg0: i32) -> (i32, i32) {
    %c0_i32 = arith.constant 0 : i32
    %c0_i32_0 = arith.constant 0 : i32
    return %arg0, %c0_i32 : i32, i32
  }
  func.func @transform_3(%arg0: i32) -> (i32, i32) {
    %c0_i32 = arith.constant 0 : i32
    %c0_i32_0 = arith.constant 0 : i32
    %c0_i32_1 = arith.constant 0 : i32
    return %c0_i32, %c0_i32_0 : i32, i32
  }
  func.func @transform_4(%arg0: i32) -> (i32, i32) {
    %c0_i32 = arith.constant 0 : i32
    %c0_i32_0 = arith.constant 0 : i32
    %c0_i32_1 = arith.constant 0 : i32
    return %c0_i32, %c0_i32_0 : i32, i32
  }
  func.func @transform_5(%arg0: i32) -> (i32, i32) {
    %c0_i32 = arith.constant 0 : i32
    %c0_i32_0 = arith.constant 0 : i32
    %c0_i32_1 = arith.constant 0 : i32
    return %c0_i32, %c0_i32_0 : i32, i32
  }
  func.func @transform_6(%arg0: i32) -> (i32, i32) {
    %c0_i32 = arith.constant 0 : i32
    %c0_i32_0 = arith.constant 0 : i32
    %c0_i32_1 = arith.constant 0 : i32
    return %c0_i32, %c0_i32_0 : i32, i32
  }
  func.func @transform_7(%arg0: i32) -> (i32, i32) {
    %c0_i32 = arith.constant 0 : i32
    %c0_i32_0 = arith.constant 0 : i32
    %c0_i32_1 = arith.constant 0 : i32
    return %c0_i32, %c0_i32_0 : i32, i32
  }
  func.func @transform_8(%arg0: i32) -> (i32, i32) {
    %c0_i32 = arith.constant 0 : i32
    %c0_i32_0 = arith.constant 0 : i32
    %c0_i32_1 = arith.constant 0 : i32
    return %c0_i32, %c0_i32_0 : i32, i32
  }
  func.func @transform_9(%arg0: i32) -> (i32, i32) {
    %c0_i32 = arith.constant 0 : i32
    %c0_i32_0 = arith.constant 0 : i32
    %c0_i32_1 = arith.constant 0 : i32
    return %c0_i32, %c0_i32_0 : i32, i32
  }
  func.func @transform_10(%arg0: i32) -> (i32, i32) {
    %c0_i32 = arith.constant 0 : i32
    %c0_i32_0 = arith.constant 0 : i32
    %c0_i32_1 = arith.constant 0 : i32
    return %c0_i32, %c0_i32_0 : i32, i32
  }
  func.func @transform_11(%arg0: i32) -> (i32, i32) {
    %c0_i32 = arith.constant 0 : i32
    %c0_i32_0 = arith.constant 0 : i32
    %c0_i32_1 = arith.constant 0 : i32
    return %c0_i32, %c0_i32_0 : i32, i32
  }
  func.func @transform_12(%arg0: i32) -> (i32, i32) {
    %c0_i32 = arith.constant 0 : i32
    %c0_i32_0 = arith.constant 0 : i32
    return %arg0, %c0_i32 : i32, i32
  }
}

module attributes {stable_mosaic.version = 14 : i64} {
  func.func @_node_body(%arg0: i32, %arg1: memref<2000x128xf32, #tpu.memory_space<vmem>>, %arg2: memref<2000x3xf32, #tpu.memory_space<vmem>>, %arg3: memref<2000x32xf32, #tpu.memory_space<vmem>>, %arg4: memref<2000x32xf32, #tpu.memory_space<vmem>>, %arg5: memref<2000x32xf32, #tpu.memory_space<vmem>>, %arg6: memref<2000x32xf32, #tpu.memory_space<vmem>>, %arg7: memref<128x128xf32, #tpu.memory_space<vmem>>, %arg8: memref<16x128xf32, #tpu.memory_space<vmem>>, %arg9: memref<1x128xf32, #tpu.memory_space<vmem>>, %arg10: memref<128x128xf32, #tpu.memory_space<vmem>>, %arg11: memref<1x128xf32, #tpu.memory_space<vmem>>, %arg12: memref<2000x128xf32, #tpu.memory_space<vmem>>, %arg13: memref<2000x3xf32, #tpu.memory_space<vmem>>) attributes {dimension_semantics = [#tpu.dimension_semantics<arbitrary>], iteration_bounds = array<i64: 5>, scalar_prefetch = 0 : i64, scratch_operands = 0 : i64, tpu.core_type = #tpu.core_type<tc>, window_params = [{transform_indices = @transform_0, window_bounds = array<i64: 2000, 128>}, {transform_indices = @transform_1, window_bounds = array<i64: 2000, 3>}, {transform_indices = @transform_2, window_bounds = array<i64: 2000, 32>}, {transform_indices = @transform_3, window_bounds = array<i64: 2000, 32>}, {transform_indices = @transform_4, window_bounds = array<i64: 2000, 32>}, {transform_indices = @transform_5, window_bounds = array<i64: 2000, 32>}, {pipeline_mode = #tpu.pipeline_mode<synchronous>, transform_indices = @transform_6, window_bounds = array<i64: 128, 128>}, {pipeline_mode = #tpu.pipeline_mode<synchronous>, transform_indices = @transform_7, window_bounds = array<i64: 16, 128>}, {pipeline_mode = #tpu.pipeline_mode<synchronous>, transform_indices = @transform_8, window_bounds = array<i64: 1, 128>}, {pipeline_mode = #tpu.pipeline_mode<synchronous>, transform_indices = @transform_9, window_bounds = array<i64: 128, 128>}, {pipeline_mode = #tpu.pipeline_mode<synchronous>, transform_indices = @transform_10, window_bounds = array<i64: 1, 128>}, {transform_indices = @transform_11, window_bounds = array<i64: 2000, 128>}, {transform_indices = @transform_12, window_bounds = array<i64: 2000, 3>}]} {
    %get3A = arith.constant 0 : index
    %get3A_0 = arith.constant 0 : index
    %get3A_1 = vector.load %arg3[%get3A, %get3A_0] : memref<2000x32xf32, #tpu.memory_space<vmem>>, vector<2000x32xf32>
    %get3A_2 = arith.constant 0 : index
    %get3A_3 = arith.constant 0 : index
    %get3A_4 = vector.load %arg4[%get3A_2, %get3A_3] : memref<2000x32xf32, #tpu.memory_space<vmem>>, vector<2000x32xf32>
    %add3A = arith.addf %get3A_1, %get3A_4 : vector<2000x32xf32>
    %get3A_5 = arith.constant 0 : index
    %get3A_6 = arith.constant 0 : index
    %get3A_7 = vector.load %arg5[%get3A_5, %get3A_6] : memref<2000x32xf32, #tpu.memory_space<vmem>>, vector<2000x32xf32>
    %get3A_8 = arith.constant 0 : index
    %get3A_9 = arith.constant 0 : index
    %get3A_10 = vector.load %arg6[%get3A_8, %get3A_9] : memref<2000x32xf32, #tpu.memory_space<vmem>>, vector<2000x32xf32>
    %add3A_11 = arith.addf %get3A_7, %get3A_10 : vector<2000x32xf32>
    %add3A_12 = arith.addf %add3A, %add3A_11 : vector<2000x32xf32>
    %slice3A = vector.extract_strided_slice %add3A_12 {offsets = [0, 0], sizes = [2000, 16], strides = [1, 1]} : vector<2000x32xf32> to vector<2000x16xf32>
    %slice3A_13 = vector.extract_strided_slice %add3A_12 {offsets = [0, 16], sizes = [2000, 3], strides = [1, 1]} : vector<2000x32xf32> to vector<2000x3xf32>
    %get3A_14 = arith.constant 0 : index
    %get3A_15 = arith.constant 0 : index
    %get3A_16 = vector.load %arg1[%get3A_14, %get3A_15] : memref<2000x128xf32, #tpu.memory_space<vmem>>, vector<2000x128xf32>
    %get3A_17 = arith.constant 0 : index
    %get3A_18 = arith.constant 0 : index
    %get3A_19 = vector.load %arg7[%get3A_17, %get3A_18] : memref<128x128xf32, #tpu.memory_space<vmem>>, vector<128x128xf32>
    %dot_general3A = arith.constant dense<0.000000e+00> : vector<2000x128xf32>
    %dot_general3A_20 = tpu.matmul %get3A_16, %get3A_19, %dot_general3A {dimension_numbers = #tpu.dot_dimension_numbers<[1], [0], [0], [1], [0, 0, 1, 1], [], []>, transpose_lhs_hint = false} : vector<2000x128xf32>, vector<128x128xf32>, vector<2000x128xf32> -> vector<2000x128xf32>
    %get3A_21 = arith.constant 0 : index
    %get3A_22 = arith.constant 0 : index
    %get3A_23 = vector.load %arg8[%get3A_21, %get3A_22] : memref<16x128xf32, #tpu.memory_space<vmem>>, vector<16x128xf32>
    %dot_general3A_24 = arith.constant dense<0.000000e+00> : vector<2000x128xf32>
    %dot_general3A_25 = tpu.matmul %slice3A, %get3A_23, %dot_general3A_24 {dimension_numbers = #tpu.dot_dimension_numbers<[1], [0], [0], [1], [0, 0, 1, 1], [], []>, transpose_lhs_hint = false} : vector<2000x16xf32>, vector<16x128xf32>, vector<2000x128xf32> -> vector<2000x128xf32>
    %add3A_26 = arith.addf %dot_general3A_20, %dot_general3A_25 : vector<2000x128xf32>
    %get3A_27 = arith.constant 0 : index
    %get3A_28 = arith.constant 0 : index
    %get3A_29 = vector.load %arg9[%get3A_27, %get3A_28] : memref<1x128xf32, #tpu.memory_space<vmem>>, vector<1x128xf32>
    %add3A_30 = vector.broadcast %get3A_29 : vector<1x128xf32> to vector<2000x128xf32>
    %add3A_31 = arith.addf %add3A_26, %add3A_30 : vector<2000x128xf32>
    %logistic3A = arith.negf %add3A_31 : vector<2000x128xf32>
    %logistic3A_32 = math.exp %logistic3A : vector<2000x128xf32>
    %logistic3A_33 = arith.constant 1.000000e+00 : f32
    %logistic3A_34 = vector.broadcast %logistic3A_33 : f32 to vector<2000x128xf32>
    %logistic3A_35 = arith.addf %logistic3A_34, %logistic3A_32 : vector<2000x128xf32>
    %logistic3A_36 = arith.divf %logistic3A_34, %logistic3A_35 : vector<2000x128xf32>
    %mul3A = arith.mulf %add3A_31, %logistic3A_36 : vector<2000x128xf32>
    %get3A_37 = arith.constant 0 : index
    %get3A_38 = arith.constant 0 : index
    %get3A_39 = vector.load %arg10[%get3A_37, %get3A_38] : memref<128x128xf32, #tpu.memory_space<vmem>>, vector<128x128xf32>
    %dot_general3A_40 = arith.constant dense<0.000000e+00> : vector<2000x128xf32>
    %dot_general3A_41 = tpu.matmul %mul3A, %get3A_39, %dot_general3A_40 {dimension_numbers = #tpu.dot_dimension_numbers<[1], [0], [0], [1], [0, 0, 1, 1], [], []>, transpose_lhs_hint = false} : vector<2000x128xf32>, vector<128x128xf32>, vector<2000x128xf32> -> vector<2000x128xf32>
    %get3A_42 = arith.constant 0 : index
    %get3A_43 = arith.constant 0 : index
    %get3A_44 = vector.load %arg11[%get3A_42, %get3A_43] : memref<1x128xf32, #tpu.memory_space<vmem>>, vector<1x128xf32>
    %add3A_45 = vector.broadcast %get3A_44 : vector<1x128xf32> to vector<2000x128xf32>
    %add3A_46 = arith.addf %dot_general3A_41, %add3A_45 : vector<2000x128xf32>
    %swap3A = arith.constant 0 : index
    %swap3A_47 = arith.constant 0 : index
    %swap3A_48 = vector.load %arg12[%swap3A, %swap3A_47] : memref<2000x128xf32, #tpu.memory_space<vmem>>, vector<2000x128xf32>
    tpu.vector_store %arg12[%swap3A, %swap3A_47], %add3A_46 {strides = array<i32>} : memref<2000x128xf32, #tpu.memory_space<vmem>>, vector<2000x128xf32>,
    %get3A_49 = arith.constant 0 : index
    %get3A_50 = arith.constant 0 : index
    %get3A_51 = vector.load %arg2[%get3A_49, %get3A_50] : memref<2000x3xf32, #tpu.memory_space<vmem>>, vector<2000x3xf32>
    %add3A_52 = arith.addf %get3A_51, %slice3A_13 : vector<2000x3xf32>
    %swap3A_53 = arith.constant 0 : index
    %swap3A_54 = arith.constant 0 : index
    %swap3A_55 = vector.load %arg13[%swap3A_53, %swap3A_54] : memref<2000x3xf32, #tpu.memory_space<vmem>>, vector<2000x3xf32>
    tpu.vector_store %arg13[%swap3A_53, %swap3A_54], %add3A_52 {strides = array<i32>} : memref<2000x3xf32, #tpu.memory_space<vmem>>, vector<2000x3xf32>,
    return
  }
  func.func @transform_0(%arg0: i32) -> (i32, i32) {
    %c0_i32 = arith.constant 0 : i32
    %c0_i32_0 = arith.constant 0 : i32
    return %arg0, %c0_i32 : i32, i32
  }
  func.func @transform_1(%arg0: i32) -> (i32, i32) {
    %c0_i32 = arith.constant 0 : i32
    %c0_i32_0 = arith.constant 0 : i32
    return %arg0, %c0_i32 : i32, i32
  }
  func.func @transform_2(%arg0: i32) -> (i32, i32) {
    %c0_i32 = arith.constant 0 : i32
    %c0_i32_0 = arith.constant 0 : i32
    return %arg0, %c0_i32 : i32, i32
  }
  func.func @transform_3(%arg0: i32) -> (i32, i32) {
    %c0_i32 = arith.constant 0 : i32
    %c0_i32_0 = arith.constant 0 : i32
    return %arg0, %c0_i32 : i32, i32
  }
  func.func @transform_4(%arg0: i32) -> (i32, i32) {
    %c0_i32 = arith.constant 0 : i32
    %c0_i32_0 = arith.constant 0 : i32
    return %arg0, %c0_i32 : i32, i32
  }
  func.func @transform_5(%arg0: i32) -> (i32, i32) {
    %c0_i32 = arith.constant 0 : i32
    %c0_i32_0 = arith.constant 0 : i32
    return %arg0, %c0_i32 : i32, i32
  }
  func.func @transform_6(%arg0: i32) -> (i32, i32) {
    %c0_i32 = arith.constant 0 : i32
    %c0_i32_0 = arith.constant 0 : i32
    %c0_i32_1 = arith.constant 0 : i32
    return %c0_i32, %c0_i32_0 : i32, i32
  }
  func.func @transform_7(%arg0: i32) -> (i32, i32) {
    %c0_i32 = arith.constant 0 : i32
    %c0_i32_0 = arith.constant 0 : i32
    %c0_i32_1 = arith.constant 0 : i32
    return %c0_i32, %c0_i32_0 : i32, i32
  }
  func.func @transform_8(%arg0: i32) -> (i32, i32) {
    %c0_i32 = arith.constant 0 : i32
    %c0_i32_0 = arith.constant 0 : i32
    %c0_i32_1 = arith.constant 0 : i32
    return %c0_i32, %c0_i32_0 : i32, i32
  }
  func.func @transform_9(%arg0: i32) -> (i32, i32) {
    %c0_i32 = arith.constant 0 : i32
    %c0_i32_0 = arith.constant 0 : i32
    %c0_i32_1 = arith.constant 0 : i32
    return %c0_i32, %c0_i32_0 : i32, i32
  }
  func.func @transform_10(%arg0: i32) -> (i32, i32) {
    %c0_i32 = arith.constant 0 : i32
    %c0_i32_0 = arith.constant 0 : i32
    %c0_i32_1 = arith.constant 0 : i32
    return %c0_i32, %c0_i32_0 : i32, i32
  }
  func.func @transform_11(%arg0: i32) -> (i32, i32) {
    %c0_i32 = arith.constant 0 : i32
    %c0_i32_0 = arith.constant 0 : i32
    return %arg0, %c0_i32 : i32, i32
  }
  func.func @transform_12(%arg0: i32) -> (i32, i32) {
    %c0_i32 = arith.constant 0 : i32
    %c0_i32_0 = arith.constant 0 : i32
    return %arg0, %c0_i32 : i32, i32
  }
}

</mosaic_0001>

<sc_bundles>
// kernel: kernel.12.cloned.1.call-start
scs
__scs_entry_jumppad:
0x0: {  	(pc) =	sbr.rel $0x88, $3  }
0x1: {  	(tag) =	ssettag $0x0;
	lr =	simm.s32 $0x1  }
0x2: {  	[smem:$0x3F92] =	sst lr;
	_ =	strace $0xD0000000  }
0x3: {  	_ = 	snop  }
0x4: {  	_ = 	snop  }
0x5: {  	_ = 	snop  }
0x6: {  	_ = 	snop  }
0x7: {  	_ = 	snop  }
__scs_overlays_trampoline_lowered:
0x8: {  	[smem:$0x3FA1] =	sst s0  }
0x9: {  	[smem:$0x3FA2] =	sst s1  }
0xa: {  	[smem:$0x3FA3] =	sst s2  }
0xb: {  	[smem:$0x3FA4] =	sst s3  }
0xc: {  	[smem:$0x3FA5] =	sst s4  }
0xd: {  	[smem:$0x3FA6] =	sst s5  }
0xe: {  	[smem:$0x3FA7] =	sst s6  }
0xf: {  	[smem:$0x3FA8] =	sst s7  }
0x10: {  	[smem:$0x3FA9] =	sst s8  }
0x11: {  	[smem:$0x3FAA] =	sst s9;
	s0 =	simm.s32 @!p0 $0x0  }
0x12: {  	s1 =	sld [smem:$0x3F90];
	s0 =	simm.s32 @p0 $0x1  }
0x13: {  	[smem:$0x3FAB] =	sst s0;
	s0 =	simm.s32 @!p1 $0x0  }
0x14: {  	s2 =	sld [smem:$0x3F8F];
	s0 =	simm.s32 @p1 $0x1  }
0x15: {  	[smem:$0x3FAC] =	sst s0;
	s0 =	simm.s32 @!p2 $0x0  }
0x16: {  	s3 =	sld [smem:$0x3FDB];
	s0 =	simm.s32 @p2 $0x1  }
0x17: {  	s4 =	simm.s32 $0x1BF5;
	[smem:$0x3FAE] =	sst s0  }
0x18: {  	s0 =	sld [smem:$0x3F91];
	_ =	swait.ge [sflag:s4], $0x0  }
0x19: {  	s7 =	sld [smem:$0x3F92]  }
0x1a: {  	s8 =	sadd.s32 $0xFFFFE003, lr  }
0x1b: {  	s9 =	sadd.s32 $0xFFFFFEF7, lr;
	s5 =	simm.s32 $0xFFFFFFFF;
	p2 =	slt.u32 s8, $0xFFFFF086  }
0x1c: {  	p1 =	slt.u32 s9, $0xF7A;
	s5 =	simm.s32 @!p2 $0x0  }
0x1d: {  	s5 =	simm.s32 @p1 $0x1;
	p0 =	seq.s32 s7, s2  }
0x1e: {  	s7 =	smul.u32 @!p0 $0xF7A, s2;
	p2 =	seq.s32 @!p0 s5, $0x0  }
0x1f: {  	s9 =	smul.u32 $0xF7A, s1;
	s8 =	simm.s32 @!p0 $0x1BF5;
	p2 =	por !p2, p0  }
0x20: {  	[sflag:s8] =	ssyncset.s32 @!p0 $0xFFFFF086;
	s6 =	sadd.s32 @!p0 s3, s7;
	s7 =	simm.s32 @!p0 $0x108  }
0x21: {  	s3 =	sadd.s32 s3, s9;
	s6 =	sadd.s32 @!p0 $0x88, s6;
	s7 =	simm.s32 @p2 $0x1082  }
0x22: {  	[simem:s7], [sflag:s8] =	dma.local @!p0 [hbm:s6], $0xF7A  }
0x23: {  	s9 =	sor.u32 $0xD0000000, s2;
	s6 =	simm.s32 $0x108;
	_ =	swait.ge @!p0 [sflag:s8], $0x0  }
0x24: {  	s3 =	sadd.s32 $0x88, s3;
	s6 =	simm.s32 @!p1 $0x1082;
	[sflag:s4] =	ssyncset.s32 $0xFFFFF086  }
0x25: {  	[simem:s6], [sflag:s4] =	dma.local [hbm:s3], $0xF7A  }
0x26: {  	[smem:$0x3F92] =	sst s1;
	(tag) =	ssettag s2;
	_ =	strace s9  }
0x27: {  	s1 =	sld [smem:$0x3FA2]  }
0x28: {  	s2 =	sld [smem:$0x3FA3]  }
0x29: {  	s4 =	sld [smem:$0x3FA5]  }
0x2a: {  	p0 =	seq.s32 s5, $0x0;
	s5 =	sld [smem:$0x3FA6]  }
0x2b: {  	s6 =	sld [smem:$0x3FA7]  }
0x2c: {  	s7 =	sld [smem:$0x3FA8]  }
0x2d: {  	s3 =	simm.s32 $0x108;
	s8 =	sld [smem:$0x3FA9]  }
0x2e: {  	s3 =	simm.s32 @!p0 $0x1082;
	s9 =	sld [smem:$0x3FAA]  }
0x2f: {  	lr =	sadd.s32 s0, s3;
	s0 =	sld [smem:$0x3FA1]  }
0x30: {  	s3 =	sld [smem:$0x3FA4]  }
0x31: {  	[smem:$0x3FAD] =	sst s10  }
0x32: {  	s10 =	sld [smem:$0x3FAB];
	_ =	sdelay $0x3  }
0x33: {  	p0 =	seq.s32 s10, $0x1;
	s10 =	sld [smem:$0x3FAD];
	_ =	sdelay $0x3  }
0x34: {  	[smem:$0x3FAD] =	sst s10  }
0x35: {  	s10 =	sld [smem:$0x3FAC];
	_ =	sdelay $0x3  }
0x36: {  	p1 =	seq.s32 s10, $0x1;
	s10 =	sld [smem:$0x3FAD];
	_ =	sdelay $0x3  }
0x37: {  	[smem:$0x3FAD] =	sst s10  }
0x38: {  	s10 =	sld [smem:$0x3FAE]  }
0x39: {  	_ = 	snop;
	(pc) =	sbr.ind lr, $3  }
0x3a: {  	_ = 	snop  }
0x3b: {  	_ = 	snop  }
0x3c: {  	p2 =	seq.s32 s10, $0x1;
	s10 =	sld [smem:$0x3FAD]  }
0x3d: {  	_ =	shalt  }
0x3e: {  	_ =	shalt  }
0x3f: {  	_ =	shalt  }
0x40: {  	_ =	shalt  }
0x41: {  	_ =	shalt  }
0x42: {  	_ =	shalt  }
0x43: {  	_ =	shalt  }
0x44: {  	_ =	shalt  }
0x45: {  	_ =	shalt  }
0x46: {  	_ =	shalt  }
0x47: {  	_ =	shalt  }
0x48: {  	_ =	shalt  }
0x49: {  	_ =	shalt  }
0x4a: {  	_ =	shalt  }
0x4b: {  	_ =	shalt  }
0x4c: {  	_ =	shalt  }
0x4d: {  	_ =	shalt  }
0x4e: {  	_ =	shalt  }
0x4f: {  	_ =	shalt  }
0x50: {  	_ =	shalt  }
0x51: {  	_ =	shalt  }
0x52: {  	_ =	shalt  }
0x53: {  	_ =	shalt  }
0x54: {  	_ =	shalt  }
0x55: {  	_ =	shalt  }
0x56: {  	_ =	shalt  }
0x57: {  	_ =	shalt  }
0x58: {  	_ =	shalt  }
0x59: {  	_ =	shalt  }
0x5a: {  	_ =	shalt  }
0x5b: {  	_ =	shalt  }
0x5c: {  	_ =	shalt  }
0x5d: {  	_ =	shalt  }
0x5e: {  	_ =	shalt  }
0x5f: {  	_ =	shalt  }
0x60: {  	_ =	shalt  }
0x61: {  	_ =	shalt  }
0x62: {  	_ =	shalt  }
0x63: {  	_ =	shalt  }
0x64: {  	_ =	shalt  }
0x65: {  	_ =	shalt  }
0x66: {  	_ =	shalt  }
0x67: {  	_ =	shalt  }
0x68: {  	_ =	shalt  }
0x69: {  	_ =	shalt  }
0x6a: {  	_ =	shalt  }
0x6b: {  	_ =	shalt  }
0x6c: {  	_ =	shalt  }
0x6d: {  	_ =	shalt  }
0x6e: {  	_ =	shalt  }
0x6f: {  	_ =	shalt  }
0x70: {  	_ =	shalt  }
0x71: {  	_ =	shalt  }
0x72: {  	_ =	shalt  }
0x73: {  	_ =	shalt  }
0x74: {  	_ =	shalt  }
0x75: {  	_ =	shalt  }
0x76: {  	_ =	shalt  }
0x77: {  	_ =	shalt  }
0x78: {  	_ =	shalt  }
0x79: {  	_ =	shalt  }
0x7a: {  	_ =	shalt  }
0x7b: {  	_ =	shalt  }
0x7c: {  	_ =	shalt  }
0x7d: {  	_ =	shalt  }
0x7e: {  	_ =	shalt  }
0x7f: {  	_ =	shalt  }
0x80: {  	_ =	shalt  }
0x81: {  	_ =	shalt  }
0x82: {  	_ =	shalt  }
0x83: {  	_ =	shalt  }
0x84: {  	_ =	shalt  }
0x85: {  	_ =	shalt  }
0x86: {  	_ =	shalt  }
0x87: {  	_ =	shalt  }
.Lfunc_end0:
.L_simem_size_0:
called_computation.1_lowered:
.L_overlay_start_0:
0x88: {  	s2 =	sld [smem:$0x3FD9]  }
0x89: {  	s3 =	sld [smem:$0x3FFE];
	_ =	sdelay $0x1  }
0x8a: {  	s1 =	srdreg.scid  }
0x8b: {  	s0 =	sand.u32 $0x1, s1  }
0x8c: {  	s17 =	sshll.u32 s0, $0xA;
	s2 =	sadd.s32 s3, s2  }
0x8d: {  	s2 =	sadd.s32 s2, s17  }
0x8e: {  	[smem:$0x3FB9] =	sst s2  }
0x8f: {  	_ = 	snop  }
0x90: {  	(tm) =	ssettm $0x1  }
0x91: {  	s18 =	sld [smem:$0x3FFB];
	_ =	sdelay $0x3  }
0x92: {  	_ =	strace s18  }
0x93: {  	s2 =	sld [smem:$0x3FFC];
	_ =	sdelay $0x3  }
0x94: {  	_ =	strace s2  }
0x95: {  	s2 =	sld [smem:$0x3FFD];
	_ =	sdelay $0x3  }
0x96: {  	_ =	strace s2  }
0x97: {  	_ =	strace $0x8FFFFFFF  }
0x98: {  	s19 =	sld [smem:$0x3FDB];
	_ =	sdelay $0x1  }
0x99: {  	s20 =	simm.s32 $_scs_section_size  }
0x9a: {  	s4 =	simm.s32 $_size__tile_overlayer_lowered;
	s5 =	simm.s32 $_tile_overlayer_lowered  }
0x9b: {  	s6 =	simm.s32 $0x1BFF;
	s21 =	sshll.u32 s5, $0x1;
	s3 =	sadd.s32 s20, s19  }
0x9c: {  	s22 =	simm.s32 $0x0;
	s4 =	sshll.u32 s4, $0x1;
	s5 =	sadd.s32 s21, s3  }
0x9d: {  	[timem:s22], [sflag:s6] =	dma.local [hbm:s5], s4  }
0x9e: {  	_ =	swait.ge [sflag:s6], s4  }
0x9f: {  	s4 =	ssub.s32 $0x0, s4;
	[sflag:s6] =	ssyncset.done $0x0  }
0xa0: {  	[sflag:s6] =	ssyncadd.s32 s4;
	_ =	sdelay $0x1  }
0xa1: {  	s23 =	simm.s32 $0x1B8B  }
0xa2: {  	_ =	swait.ge [sflag:s23], $0x1  }
0xa3: {  	[sflag:s23] =	ssyncset.done $0x0  }
0xa4: {  	[sflag:s23] =	ssyncadd.s32 $0xFFFFFFFF  }
0xa5: {  	s4 =	sld [smem:$0x0]  }
0xa6: {  	s5 =	sand.u32 $0xFFFFFFFE, s1  }
0xa7: {  	p0 =	sne.s32 s1, s5  }
0xa8: {  	s5 =	sshll.u32 @p0 s5, $0xE  }
0xa9: {  	s5 =	sadd.s32 @p0 $0x11B8D, s5;
	s6 =	sshll.u32 @p0 s4, $0x11  }
0xaa: {  	s5 =	sor.u32 @p0 s6, s5  }
0xab: {  	[sflag:s5] =	ssyncadd.remote.s32 @p0 $0x1;
	_ =	sdelay $0x1  }
0xac: {  	s5 =	simm.s32 @p0 $0x1B8D  }
0xad: {  	_ =	swait.eq @p0 [sflag:s5], $0x1  }
0xae: {  	[sflag:s5] =	ssyncadd.s32 @p0 $0xFFFFFFFF  }
0xaf: {  	s6 =	sshll.u32 @!p0 s1, $0xE  }
0xb0: {  	s6 =	sor.u32 @!p0 $0x4000, s6;
	s5 =	simm.s32 @!p0 $0x1B8D  }
0xb1: {  	s4 =	sshll.u32 @!p0 s4, $0x11;
	s6 =	sadd.s32 @!p0 $0x11B8D, s6;
	_ =	swait.eq @!p0 [sflag:s5], $0x1  }
0xb2: {  	s4 =	sor.u32 @!p0 s4, s6;
	[sflag:s5] =	ssyncadd.s32 @!p0 $0xFFFFFFFF  }
0xb3: {  	s25 =	simm.s32 $0x1B8E;
	s24 =	sld [smem:$0x3FFE];
	[sflag:s4] =	ssyncadd.remote.s32 @!p0 $0x1  }
0xb4: {  	s26 =	simm.s32 $execute0_lowered;
	[smem:$0x3FD2] =	sst s25  }
0xb5: {  	s5 =	sshll.u32 s26, $0x1;
	_ =	strace $0x8000004C;
	[dreg:$0x1] =	wrdreg $0xFFFFFFFF  }
0xb6: {  	s28 =	simm.s32 $_size_execute0_lowered;
	s3 =	sadd.s32 s3, s5;
	[dreg:$0x0] =	wrdreg $0x0  }
0xb7: {  	s5 =	sshll.u32 s28, $0x1;
	[dreg:$0x2] =	wrdreg s3  }
0xb8: {  	[dreg:$0x3] =	wrdreg s5  }
0xb9: {  	[dreg:$0x4] =	wrdreg $0xC0  }
0xba: {  	_ =	task [dreg:s22], $0x5FFFF  }
0xbb: {  	[dreg:$0x1] =	wrdreg $0xFFFFFFFF  }
0xbc: {  	[dreg:$0x0] =	wrdreg $0x60  }
0xbd: {  	[dreg:$0x2] =	wrdreg s24  }
0xbe: {  	[dreg:$0x3] =	wrdreg $0x80E80  }
0xbf: {  	[dreg:$0x4] =	wrdreg $0x9  }
0xc0: {  	_ =	task.clear_ibuf [dreg:s22], $0x5FFFF;
	_ =	strace $0x9000004C  }
0xc1: {  	s29 =	simm.s32 $0x9;
	_ =	strace $0x8000004E  }
0xc2: {  	_ =	swait.ge [sflag:s29], $0x1  }
0xc3: {  	[sflag:s29] =	ssyncadd.s32 $0xFFFFFFFF  }
0xc4: {  	_ =	strace $0x9000004E  }
0xc5: {  	_ =	sfence  }
0xc6: {  	s30 =	sld [smem:$0x0];
	_ =	sdelay $0x2  }
0xc7: {  	s31 =	sshll.u32 s1, $0xD;
	s1 =	sshrl.u32 s1, $0x2  }
0xc8: {  	s4 =	sand.u32 $0x4000, s31;
	s1 =	sadd.s32 s1, s30  }
0xc9: {  	s0 =	sor.u32 s4, s0;
	s1 =	sshll.u32 s1, $0x11  }
0xca: {  	s0 =	sor.u32 s1, s0  }
0xcb: {  	s0 =	sadd.s32 $0x8F2B, s0  }
0xcc: {  	[sflag:s0] =	ssyncadd.remote.s32 $0x1  }
0xcd: {  	_ =	sfence.sel $0xFFFF  }
0xce: {  	[dreg:$0x0] =	wrdreg $0xFFFFFFFF;
	(pc) =	sbr.abs _section_cstart, $3  }
0xcf: {  	[dreg:$0x1] =	wrdreg $0xFFFFFFFF  }
0xd0: {  	_ =	task.clear_ibuf [dreg:s22], $0x2FFFF;
	_ =	strace $0x9FFFFFFF  }
0xd1: {  	(tm) =	ssettm $0x7FFFFFFF  }
tec
execute0_lowered:
.L_overlay_start_1:
0x0: {  	(tag) =	ssettag $0x1  }
0x1: {  	s3 =	rddreg [dreg:$0x0]  }
0x2: {  	s1 =	rddreg [dreg:$0x1]  }
0x3: {  	s0 =	rddreg [dreg:$0x2]  }
0x4: {  	s2 =	simm.s32 $0x0;
	s4 =	srdreg.scid;
	s5 =	stileid.u32  }
0x5: {  	p1 =	por $0x0, $0x0;
	[smem:$0x7FF] =	sst s2;
	s7 =	sadd.s32 $0x26600, s3  }
0x6: {  	s4 =	sand.u32 $0x1, s4;
	s6 =	sshll.u32 s5, $0x1;
	s31 =	sadd.s32 $0xDC00, s3  }
0x7: {  	s15 =	sadd.s32 $0xC2A00, s3;
	p0 =	sne.s32 s5, $0x0;
	s5 =	simm.s32 $0x1  }
0x8: {  	s8 =	smul.u32 $0x9C40, s4;
	s9 =	ssub.s32 $0x2, s4;
	s4 =	sor.u32 s4, s6  }
0x9: {  	_ =	strace $0x8000004D;
	s10 =	sshrl.u32 s9, $0x1;
	s18 =	smul.u32 $0x1388, s4  }
0xa: {  	s4 =	smul.u32 $0x4E20, s4;
	s3 =	sadd.s32 s8, s3;
	s20 =	ssub.s32 s9, s10  }
0xb: {  	s3 =	sadd.s32 $0xCC800, s3;
	s21 =	sshrl.u32 s18, $0x3;
	s8 =	smax.u32 s20, $0x1  }
0xc: {  	s22 =	sadd.s32 $0x3E8, s18;
	s16 =	sadd.s32 s7, s4;
	s24 =	sadd.s32 $0x7D0, s18  }
0xd: {  	s29 =	sadd.s32 $0xBB8, s18;
	s18 =	sadd.s32 $0xFA0, s18;
	s17 =	sadd.s32 s31, s21  }
0xe: {  	s23 =	sshrl.u32 s22, $0x3;
	s25 =	sshll.u32 s22, $0x2;
	s20 =	sadd.s32 $0xFFFFFFFF, s8  }
0xf: {  	s26 =	sshrl.u32 s24, $0x3;
	s28 =	sshll.u32 s24, $0x2;
	p2 =	sne.s32 s20, $0x0  }
.Ltmp0:
0x10: {  	s30 =	sshrl.u32 s29, $0x3;
	s4 =	sshll.u32 s29, $0x2;
	(pc) =	sbr.rel @!p2 .LBB2_3-.Ltmp0, $4  }
0x11: {  	s19 =	sshrl.u32 s18, $0x3;
	s8 =	simm.s32 $0x3E8;
	s14 =	sadd.s32 s31, s23  }
0x12: {  	s13 =	sadd.s32 s7, s25;
	s12 =	sadd.s32 s31, s26;
	s11 =	sadd.s32 s7, s28  }
0x13: {  	s10 =	sadd.s32 s31, s30;
	s6 =	sadd.s32 s31, s19;
	s31 =	sshll.u32 s18, $0x2  }
0x14: {  	s9 =	sadd.s32 s7, s4;
	s4 =	sshrl.u32 @!p0 s1, $0x3;
	s7 =	sadd.s32 s7, s31  }
0x15: {  	s19 =	simm.s32 @!p0 $0x1C01;
	s18 =	simm.s32 @!p0 $0x1  }
0x16: {  	[spmem:s4], [sflag:s19] =	dma.local @!p0 [hbm:s15], $0x9C40  }
0x17: {  	_ =	swait.ge @!p0 [sflag:s18], $0x9C40  }
0x18: {  	[sflag:s18] =	ssyncset.done @!p0 $0x0  }
0x19: {  	[sflag:s18] =	ssyncadd.s32 @!p0 $0xFFFF63C0  }
0x1a: {  	[bflag:$0x0] =	sbarrier.arrive $0xFFFF  }
0x1b: {  	[tilespmem:s2], [sflag:$0x1] =	stream.linear.gather [hbm4b:s17+s2], $0x3E8, $0x38;
	[tilespmem:$0xCF08] =	vst v63  }
0x1c: {  	_ =	swait.ge [sflag:s5], $0x3E8  }
0x1d: {  	[sflag:s5] =	ssyncset.done $0x0  }
0x1e: {  	[sflag:s5] =	ssyncadd.s32 $0xFFFFFC18  }
0x1f: {  	[tilespmem:s8], [sflag:$0x1] =	stream.linear.gather [hbm4b:s16+s2], $0x7D00, $0x38;
	[tilespmem:$0xCF08] =	vst v63  }
0x20: {  	_ =	swait.ge [sflag:s5], $0x7D00  }
0x21: {  	[sflag:s5] =	ssyncset.done $0x0  }
0x22: {  	[sflag:s5] =	ssyncadd.s32 $0xFFFF8300  }
0x23: {  	[spmem:s1] =	stream.indirect.scatter.add.f32 [tilespmem:s8], [sflag:$0x1], $0x20, s2, s8, $0xb8;
	[tilespmem:$0xCF08] =	vst v63  }
0x24: {  	_ =	swait.ge [sflag:s5], $0x7D00  }
0x25: {  	[sflag:s5] =	ssyncset.done $0x0  }
0x26: {  	[sflag:s5] =	ssyncadd.s32 $0xFFFF8300  }
0x27: {  	[tilespmem:s2], [sflag:$0x1] =	stream.linear.gather [hbm4b:s14+s2], $0x3E8, $0x38;
	[tilespmem:$0xCF08] =	vst v63  }
0x28: {  	_ =	swait.ge [sflag:s5], $0x3E8  }
0x29: {  	[sflag:s5] =	ssyncset.done $0x0  }
0x2a: {  	[sflag:s5] =	ssyncadd.s32 $0xFFFFFC18  }
0x2b: {  	[tilespmem:s8], [sflag:$0x1] =	stream.linear.gather [hbm4b:s13+s2], $0x7D00, $0x38;
	[tilespmem:$0xCF08] =	vst v63  }
0x2c: {  	_ =	swait.ge [sflag:s5], $0x7D00  }
0x2d: {  	[sflag:s5] =	ssyncset.done $0x0  }
0x2e: {  	[sflag:s5] =	ssyncadd.s32 $0xFFFF8300  }
0x2f: {  	[spmem:s1] =	stream.indirect.scatter.add.f32 [tilespmem:s8], [sflag:$0x1], $0x20, s2, s8, $0xb8;
	[tilespmem:$0xCF08] =	vst v63  }
0x30: {  	_ =	swait.ge [sflag:s5], $0x7D00  }
0x31: {  	[sflag:s5] =	ssyncset.done $0x0  }
0x32: {  	[sflag:s5] =	ssyncadd.s32 $0xFFFF8300  }
0x33: {  	[tilespmem:s2], [sflag:$0x1] =	stream.linear.gather [hbm4b:s12+s2], $0x3E8, $0x38;
	[tilespmem:$0xCF08] =	vst v63  }
0x34: {  	_ =	swait.ge [sflag:s5], $0x3E8  }
0x35: {  	[sflag:s5] =	ssyncset.done $0x0  }
0x36: {  	[sflag:s5] =	ssyncadd.s32 $0xFFFFFC18  }
0x37: {  	[tilespmem:s8], [sflag:$0x1] =	stream.linear.gather [hbm4b:s11+s2], $0x7D00, $0x38;
	[tilespmem:$0xCF08] =	vst v63  }
0x38: {  	_ =	swait.ge [sflag:s5], $0x7D00  }
0x39: {  	[sflag:s5] =	ssyncset.done $0x0  }
0x3a: {  	[sflag:s5] =	ssyncadd.s32 $0xFFFF8300  }
0x3b: {  	[spmem:s1] =	stream.indirect.scatter.add.f32 [tilespmem:s8], [sflag:$0x1], $0x20, s2, s8, $0xb8;
	[tilespmem:$0xCF08] =	vst v63  }
0x3c: {  	_ =	swait.ge [sflag:s5], $0x7D00  }
0x3d: {  	[sflag:s5] =	ssyncset.done $0x0  }
0x3e: {  	[sflag:s5] =	ssyncadd.s32 $0xFFFF8300  }
0x3f: {  	[tilespmem:s2], [sflag:$0x1] =	stream.linear.gather [hbm4b:s10+s2], $0x3E8, $0x38;
	[tilespmem:$0xCF08] =	vst v63  }
0x40: {  	_ =	swait.ge [sflag:s5], $0x3E8  }
0x41: {  	[sflag:s5] =	ssyncset.done $0x0  }
0x42: {  	[sflag:s5] =	ssyncadd.s32 $0xFFFFFC18  }
0x43: {  	[tilespmem:s8], [sflag:$0x1] =	stream.linear.gather [hbm4b:s9+s2], $0x7D00, $0x38;
	[tilespmem:$0xCF08] =	vst v63  }
0x44: {  	_ =	swait.ge [sflag:s5], $0x7D00  }
0x45: {  	[sflag:s5] =	ssyncset.done $0x0  }
0x46: {  	[sflag:s5] =	ssyncadd.s32 $0xFFFF8300  }
0x47: {  	[spmem:s1] =	stream.indirect.scatter.add.f32 [tilespmem:s8], [sflag:$0x1], $0x20, s2, s8, $0xb8;
	[tilespmem:$0xCF08] =	vst v63  }
0x48: {  	_ =	swait.ge [sflag:s5], $0x7D00  }
0x49: {  	[sflag:s5] =	ssyncset.done $0x0  }
0x4a: {  	[sflag:s5] =	ssyncadd.s32 $0xFFFF8300  }
0x4b: {  	[tilespmem:s2], [sflag:$0x1] =	stream.linear.gather [hbm4b:s6+s2], $0x3E8, $0x38;
	[tilespmem:$0xCF08] =	vst v63  }
0x4c: {  	_ =	swait.ge [sflag:s5], $0x3E8  }
0x4d: {  	[sflag:s5] =	ssyncset.done $0x0  }
0x4e: {  	[sflag:s5] =	ssyncadd.s32 $0xFFFFFC18  }
0x4f: {  	[tilespmem:s8], [sflag:$0x1] =	stream.linear.gather [hbm4b:s7+s2], $0x7D00, $0x38;
	[tilespmem:$0xCF08] =	vst v63  }
0x50: {  	_ =	swait.ge [sflag:s5], $0x7D00  }
0x51: {  	[sflag:s5] =	ssyncset.done $0x0  }
0x52: {  	[sflag:s5] =	ssyncadd.s32 $0xFFFF8300  }
0x53: {  	[spmem:s1] =	stream.indirect.scatter.add.f32 [tilespmem:s8], [sflag:$0x1], $0x20, s2, s8, $0xb8;
	[tilespmem:$0xCF08] =	vst v63  }
0x54: {  	s20 =	sadd.s32 $0xFFFFFFFF, s20;
	_ =	swait.ge [sflag:s5], $0x7D00  }
0x55: {  	p2 =	sne.s32 s20, $0x0;
	[sflag:s5] =	ssyncset.done $0x0  }
.Ltmp1:
0x56: {  	[sflag:s5] =	ssyncadd.s32 $0xFFFF8300;
	(pc) =	sbr.rel @!p2 .LBB2_3-.Ltmp1, $4  }
0x57: {  	[bflag:$0x0] =	sbarrier.arrive $0xFFFF  }
0x58: {  	[hbm:s3], [sflag:s19] =	dma.local @!p0 [spmem:s4], $0x9C40  }
0x59: {  	_ =	swait.ge @!p0 [sflag:s18], $0x9C40  }
0x5a: {  	p1 =	por $0x1, $0x1;
	[sflag:s18] =	ssyncset.done @!p0 $0x0  }
.LBB2_2:
0x5b: {  	[sflag:s18] =	ssyncadd.s32 @!p0 $0xFFFF63C0  }
0x5c: {  	[spmem:s4], [sflag:s19] =	dma.local @!p0 [hbm:s15], $0x9C40  }
0x5d: {  	s20 =	sadd.s32 $0xFFFFFFFF, s20;
	_ =	swait.ge @!p0 [sflag:s18], $0x9C40  }
0x5e: {  	p2 =	sne.s32 s20, $0x0;
	[sflag:s18] =	ssyncset.done @!p0 $0x0  }
0x5f: {  	[sflag:s18] =	ssyncadd.s32 @!p0 $0xFFFF63C0  }
0x60: {  	[bflag:$0x0] =	sbarrier.arrive $0xFFFF  }
0x61: {  	[tilespmem:s2], [sflag:$0x1] =	stream.linear.gather [hbm4b:s17+s2], $0x3E8, $0x38;
	[tilespmem:$0xCF08] =	vst v63  }
0x62: {  	_ =	swait.ge [sflag:s5], $0x3E8  }
0x63: {  	[sflag:s5] =	ssyncset.done $0x0  }
0x64: {  	[sflag:s5] =	ssyncadd.s32 $0xFFFFFC18  }
0x65: {  	[tilespmem:s8], [sflag:$0x1] =	stream.linear.gather [hbm4b:s16+s2], $0x7D00, $0x38;
	[tilespmem:$0xCF08] =	vst v63  }
0x66: {  	_ =	swait.ge [sflag:s5], $0x7D00  }
0x67: {  	[sflag:s5] =	ssyncset.done $0x0  }
0x68: {  	[sflag:s5] =	ssyncadd.s32 $0xFFFF8300  }
0x69: {  	[spmem:s1] =	stream.indirect.scatter.add.f32 [tilespmem:s8], [sflag:$0x1], $0x20, s2, s8, $0xb8;
	[tilespmem:$0xCF08] =	vst v63  }
0x6a: {  	_ =	swait.ge [sflag:s5], $0x7D00  }
0x6b: {  	[sflag:s5] =	ssyncset.done $0x0  }
0x6c: {  	[sflag:s5] =	ssyncadd.s32 $0xFFFF8300  }
0x6d: {  	[tilespmem:s2], [sflag:$0x1] =	stream.linear.gather [hbm4b:s14+s2], $0x3E8, $0x38;
	[tilespmem:$0xCF08] =	vst v63  }
0x6e: {  	_ =	swait.ge [sflag:s5], $0x3E8  }
0x6f: {  	[sflag:s5] =	ssyncset.done $0x0  }
0x70: {  	[sflag:s5] =	ssyncadd.s32 $0xFFFFFC18  }
0x71: {  	[tilespmem:s8], [sflag:$0x1] =	stream.linear.gather [hbm4b:s13+s2], $0x7D00, $0x38;
	[tilespmem:$0xCF08] =	vst v63  }
0x72: {  	_ =	swait.ge [sflag:s5], $0x7D00  }
0x73: {  	[sflag:s5] =	ssyncset.done $0x0  }
0x74: {  	[sflag:s5] =	ssyncadd.s32 $0xFFFF8300  }
0x75: {  	[spmem:s1] =	stream.indirect.scatter.add.f32 [tilespmem:s8], [sflag:$0x1], $0x20, s2, s8, $0xb8;
	[tilespmem:$0xCF08] =	vst v63  }
0x76: {  	_ =	swait.ge [sflag:s5], $0x7D00  }
0x77: {  	[sflag:s5] =	ssyncset.done $0x0  }
0x78: {  	[sflag:s5] =	ssyncadd.s32 $0xFFFF8300  }
0x79: {  	[tilespmem:s2], [sflag:$0x1] =	stream.linear.gather [hbm4b:s12+s2], $0x3E8, $0x38;
	[tilespmem:$0xCF08] =	vst v63  }
0x7a: {  	_ =	swait.ge [sflag:s5], $0x3E8  }
0x7b: {  	[sflag:s5] =	ssyncset.done $0x0  }
0x7c: {  	[sflag:s5] =	ssyncadd.s32 $0xFFFFFC18  }
0x7d: {  	[tilespmem:s8], [sflag:$0x1] =	stream.linear.gather [hbm4b:s11+s2], $0x7D00, $0x38;
	[tilespmem:$0xCF08] =	vst v63  }
0x7e: {  	_ =	swait.ge [sflag:s5], $0x7D00  }
0x7f: {  	[sflag:s5] =	ssyncset.done $0x0  }
0x80: {  	[sflag:s5] =	ssyncadd.s32 $0xFFFF8300  }
0x81: {  	[spmem:s1] =	stream.indirect.scatter.add.f32 [tilespmem:s8], [sflag:$0x1], $0x20, s2, s8, $0xb8;
	[tilespmem:$0xCF08] =	vst v63  }
0x82: {  	_ =	swait.ge [sflag:s5], $0x7D00  }
0x83: {  	[sflag:s5] =	ssyncset.done $0x0  }
0x84: {  	[sflag:s5] =	ssyncadd.s32 $0xFFFF8300  }
0x85: {  	[tilespmem:s2], [sflag:$0x1] =	stream.linear.gather [hbm4b:s10+s2], $0x3E8, $0x38;
	[tilespmem:$0xCF08] =	vst v63  }
0x86: {  	_ =	swait.ge [sflag:s5], $0x3E8  }
0x87: {  	[sflag:s5] =	ssyncset.done $0x0  }
0x88: {  	[sflag:s5] =	ssyncadd.s32 $0xFFFFFC18  }
0x89: {  	[tilespmem:s8], [sflag:$0x1] =	stream.linear.gather [hbm4b:s9+s2], $0x7D00, $0x38;
	[tilespmem:$0xCF08] =	vst v63  }
0x8a: {  	_ =	swait.ge [sflag:s5], $0x7D00  }
0x8b: {  	[sflag:s5] =	ssyncset.done $0x0  }
0x8c: {  	[sflag:s5] =	ssyncadd.s32 $0xFFFF8300  }
0x8d: {  	[spmem:s1] =	stream.indirect.scatter.add.f32 [tilespmem:s8], [sflag:$0x1], $0x20, s2, s8, $0xb8;
	[tilespmem:$0xCF08] =	vst v63  }
0x8e: {  	_ =	swait.ge [sflag:s5], $0x7D00  }
0x8f: {  	[sflag:s5] =	ssyncset.done $0x0  }
0x90: {  	[sflag:s5] =	ssyncadd.s32 $0xFFFF8300  }
0x91: {  	[tilespmem:s2], [sflag:$0x1] =	stream.linear.gather [hbm4b:s6+s2], $0x3E8, $0x38;
	[tilespmem:$0xCF08] =	vst v63  }
0x92: {  	_ =	swait.ge [sflag:s5], $0x3E8  }
0x93: {  	[sflag:s5] =	ssyncset.done $0x0  }
0x94: {  	[sflag:s5] =	ssyncadd.s32 $0xFFFFFC18  }
0x95: {  	[tilespmem:s8], [sflag:$0x1] =	stream.linear.gather [hbm4b:s7+s2], $0x7D00, $0x38;
	[tilespmem:$0xCF08] =	vst v63  }
0x96: {  	_ =	swait.ge [sflag:s5], $0x7D00  }
0x97: {  	[sflag:s5] =	ssyncset.done $0x0  }
0x98: {  	[sflag:s5] =	ssyncadd.s32 $0xFFFF8300  }
0x99: {  	[spmem:s1] =	stream.indirect.scatter.add.f32 [tilespmem:s8], [sflag:$0x1], $0x20, s2, s8, $0xb8;
	[tilespmem:$0xCF08] =	vst v63  }
0x9a: {  	_ =	swait.ge [sflag:s5], $0x7D00  }
0x9b: {  	[sflag:s5] =	ssyncset.done $0x0  }
.Ltmp2:
0x9c: {  	[sflag:s5] =	ssyncadd.s32 $0xFFFF8300;
	(pc) =	sbr.rel @p2 .LBB2_2-.Ltmp2, $4  }
0x9d: {  	[bflag:$0x0] =	sbarrier.arrive $0xFFFF  }
0x9e: {  	[hbm:s3], [sflag:s19] =	dma.local @!p0 [spmem:s4], $0x9C40  }
0x9f: {  	_ =	swait.ge @!p0 [sflag:s18], $0x9C40  }
0xa0: {  	[sflag:s18] =	ssyncset.done @!p0 $0x0  }
.LBB2_3:
0xa1: {  	p1 =	por p0, !p1  }
0xa2: {  	s20 =	simm.s32 @!p0 $0x1C01;
	s19 =	simm.s32 @!p0 $0x1;
	[sflag:s18] =	ssyncadd.s32 @!p1 $0xFFFF63C0  }
0xa3: {  	[spmem:s4], [sflag:s20] =	dma.local @!p0 [hbm:s15], $0x9C40  }
0xa4: {  	_ =	swait.ge @!p0 [sflag:s19], $0x9C40  }
0xa5: {  	[sflag:s19] =	ssyncset.done @!p0 $0x0  }
0xa6: {  	[sflag:s19] =	ssyncadd.s32 @!p0 $0xFFFF63C0  }
0xa7: {  	[bflag:$0x0] =	sbarrier.arrive $0xFFFF  }
0xa8: {  	[tilespmem:s2], [sflag:$0x1] =	stream.linear.gather [hbm4b:s17+s2], $0x3E8, $0x38;
	[tilespmem:$0xCF08] =	vst v63  }
0xa9: {  	_ =	swait.ge [sflag:s5], $0x3E8  }
0xaa: {  	[sflag:s5] =	ssyncset.done $0x0  }
0xab: {  	[sflag:s5] =	ssyncadd.s32 $0xFFFFFC18  }
0xac: {  	[tilespmem:s8], [sflag:$0x1] =	stream.linear.gather [hbm4b:s16+s2], $0x7D00, $0x38;
	[tilespmem:$0xCF08] =	vst v63  }
0xad: {  	_ =	swait.ge [sflag:s5], $0x7D00  }
0xae: {  	[sflag:s5] =	ssyncset.done $0x0  }
0xaf: {  	[sflag:s5] =	ssyncadd.s32 $0xFFFF8300  }
0xb0: {  	[spmem:s1] =	stream.indirect.scatter.add.f32 [tilespmem:s8], [sflag:$0x1], $0x20, s2, s8, $0xb8;
	[tilespmem:$0xCF08] =	vst v63  }
0xb1: {  	_ =	swait.ge [sflag:s5], $0x7D00  }
0xb2: {  	[sflag:s5] =	ssyncset.done $0x0  }
0xb3: {  	[sflag:s5] =	ssyncadd.s32 $0xFFFF8300  }
0xb4: {  	[tilespmem:s2], [sflag:$0x1] =	stream.linear.gather [hbm4b:s14+s2], $0x3E8, $0x38;
	[tilespmem:$0xCF08] =	vst v63  }
0xb5: {  	_ =	swait.ge [sflag:s5], $0x3E8  }
0xb6: {  	[sflag:s5] =	ssyncset.done $0x0  }
0xb7: {  	[sflag:s5] =	ssyncadd.s32 $0xFFFFFC18  }
0xb8: {  	[tilespmem:s8], [sflag:$0x1] =	stream.linear.gather [hbm4b:s13+s2], $0x7D00, $0x38;
	[tilespmem:$0xCF08] =	vst v63  }
0xb9: {  	_ =	swait.ge [sflag:s5], $0x7D00  }
0xba: {  	[sflag:s5] =	ssyncset.done $0x0  }
0xbb: {  	[sflag:s5] =	ssyncadd.s32 $0xFFFF8300  }
0xbc: {  	[spmem:s1] =	stream.indirect.scatter.add.f32 [tilespmem:s8], [sflag:$0x1], $0x20, s2, s8, $0xb8;
	[tilespmem:$0xCF08] =	vst v63  }
0xbd: {  	_ =	swait.ge [sflag:s5], $0x7D00  }
0xbe: {  	[sflag:s5] =	ssyncset.done $0x0  }
0xbf: {  	[sflag:s5] =	ssyncadd.s32 $0xFFFF8300  }
0xc0: {  	[tilespmem:s2], [sflag:$0x1] =	stream.linear.gather [hbm4b:s12+s2], $0x3E8, $0x38;
	[tilespmem:$0xCF08] =	vst v63  }
0xc1: {  	_ =	swait.ge [sflag:s5], $0x3E8  }
0xc2: {  	[sflag:s5] =	ssyncset.done $0x0  }
0xc3: {  	[sflag:s5] =	ssyncadd.s32 $0xFFFFFC18  }
0xc4: {  	[tilespmem:s8], [sflag:$0x1] =	stream.linear.gather [hbm4b:s11+s2], $0x7D00, $0x38;
	[tilespmem:$0xCF08] =	vst v63  }
0xc5: {  	_ =	swait.ge [sflag:s5], $0x7D00  }
0xc6: {  	[sflag:s5] =	ssyncset.done $0x0  }
0xc7: {  	[sflag:s5] =	ssyncadd.s32 $0xFFFF8300  }
0xc8: {  	[spmem:s1] =	stream.indirect.scatter.add.f32 [tilespmem:s8], [sflag:$0x1], $0x20, s2, s8, $0xb8;
	[tilespmem:$0xCF08] =	vst v63  }
0xc9: {  	_ =	swait.ge [sflag:s5], $0x7D00  }
0xca: {  	[sflag:s5] =	ssyncset.done $0x0  }
0xcb: {  	[sflag:s5] =	ssyncadd.s32 $0xFFFF8300  }
0xcc: {  	[tilespmem:s2], [sflag:$0x1] =	stream.linear.gather [hbm4b:s10+s2], $0x3E8, $0x38;
	[tilespmem:$0xCF08] =	vst v63  }
0xcd: {  	_ =	swait.ge [sflag:s5], $0x3E8  }
0xce: {  	[sflag:s5] =	ssyncset.done $0x0  }
0xcf: {  	[sflag:s5] =	ssyncadd.s32 $0xFFFFFC18  }
0xd0: {  	[tilespmem:s8], [sflag:$0x1] =	stream.linear.gather [hbm4b:s9+s2], $0x7D00, $0x38;
	[tilespmem:$0xCF08] =	vst v63  }
0xd1: {  	_ =	swait.ge [sflag:s5], $0x7D00  }
0xd2: {  	[sflag:s5] =	ssyncset.done $0x0  }
0xd3: {  	[sflag:s5] =	ssyncadd.s32 $0xFFFF8300  }
0xd4: {  	[spmem:s1] =	stream.indirect.scatter.add.f32 [tilespmem:s8], [sflag:$0x1], $0x20, s2, s8, $0xb8;
	[tilespmem:$0xCF08] =	vst v63  }
0xd5: {  	_ =	swait.ge [sflag:s5], $0x7D00  }
0xd6: {  	[sflag:s5] =	ssyncset.done $0x0  }
0xd7: {  	[sflag:s5] =	ssyncadd.s32 $0xFFFF8300  }
0xd8: {  	[tilespmem:s2], [sflag:$0x1] =	stream.linear.gather [hbm4b:s6+s2], $0x3E8, $0x38;
	[tilespmem:$0xCF08] =	vst v63  }
0xd9: {  	_ =	swait.ge [sflag:s5], $0x3E8  }
0xda: {  	[sflag:s5] =	ssyncset.done $0x0  }
0xdb: {  	[sflag:s5] =	ssyncadd.s32 $0xFFFFFC18  }
0xdc: {  	[tilespmem:s8], [sflag:$0x1] =	stream.linear.gather [hbm4b:s7+s2], $0x7D00, $0x38;
	[tilespmem:$0xCF08] =	vst v63  }
0xdd: {  	_ =	swait.ge [sflag:s5], $0x7D00  }
0xde: {  	[sflag:s5] =	ssyncset.done $0x0  }
0xdf: {  	[sflag:s5] =	ssyncadd.s32 $0xFFFF8300  }
0xe0: {  	[spmem:s1] =	stream.indirect.scatter.add.f32 [tilespmem:s8], [sflag:$0x1], $0x20, s2, s8, $0xb8;
	[tilespmem:$0xCF08] =	vst v63  }
0xe1: {  	_ =	swait.ge [sflag:s5], $0x7D00  }
0xe2: {  	[sflag:s5] =	ssyncset.done $0x0  }
0xe3: {  	[sflag:s5] =	ssyncadd.s32 $0xFFFF8300  }
0xe4: {  	[bflag:$0x0] =	sbarrier.arrive $0xFFFF  }
0xe5: {  	[hbm:s3], [sflag:s20] =	dma.local @!p0 [spmem:s4], $0x9C40  }
0xe6: {  	_ =	swait.ge @!p0 [sflag:s19], $0x9C40  }
0xe7: {  	[sflag:s19] =	ssyncset.done @!p0 $0x0  }
0xe8: {  	[sflag:s19] =	ssyncadd.s32 @!p0 $0xFFFF63C0  }
0xe9: {  	_ =	sfence.sel $0x180000  }
0xea: {  	[bflag:$0x0] =	sbarrier.arrive $0xFFFF  }
0xeb: {  	_ =	strace $0x9000004D  }
0xec: {  	s0 =	sadd.s32 @!p0 $0x100000, s0;
	[bflag:$0x2] =	sbarrier.arrive $0xFFFF  }
0xed: {  	[sflag:s0] =	ssyncadd.tile.s32 @!p0 $0x1;
	_ =	shalt  }
.Lfunc_end2:
_tile_overlayer_lowered:
.L_overlay_start_2:
0xee: {  	(tag) =	ssettag $0x2  }
0xef: {  	s0 =	rddreg [dreg:$0x0];
	s2 =	stileid.u32  }
0xf0: {  	s1 =	rddreg [dreg:$0x1];
	p0 =	sne.s32 s2, $0x0  }
0xf1: {  	s3 =	rddreg [dreg:$0x2];
	[bflag:$0x3] =	sbarrier.arrive $0xFFFF;
	s2 =	simm.s32 @!p0 $0x1C01  }
0xf2: {  	[timem:s3], [sflag:s2] =	dma.local @!p0 [hbm:s0], s1  }
0xf3: {  	s0 =	simm.s32 @!p0 $0x1  }
0xf4: {  	_ =	swait.ge @!p0 [sflag:s0], s1  }
0xf5: {  	s1 =	ssub.s32 @!p0 $0x0, s1;
	[sflag:s0] =	ssyncset.done @!p0 $0x0  }
0xf6: {  	[sflag:s0] =	ssyncadd.s32 @!p0 s1  }
0xf7: {  	[bflag:$0x3] =	sbarrier.arrive $0xFFFF  }
0xf8: {  	_ =	shalt  }

// kernel: kernel.15.cloned.1.call-start
scs
__scs_entry_jumppad:
0x0: {  	(pc) =	sbr.rel $0x88, $3  }
0x1: {  	(tag) =	ssettag $0x0;
	lr =	simm.s32 $0x1  }
0x2: {  	[smem:$0x3F92] =	sst lr;
	_ =	strace $0xD0000000  }
0x3: {  	_ = 	snop  }
0x4: {  	_ = 	snop  }
0x5: {  	_ = 	snop  }
0x6: {  	_ = 	snop  }
0x7: {  	_ = 	snop  }
__scs_overlays_trampoline_lowered:
0x8: {  	[smem:$0x3FA1] =	sst s0  }
0x9: {  	[smem:$0x3FA2] =	sst s1  }
0xa: {  	[smem:$0x3FA3] =	sst s2  }
0xb: {  	[smem:$0x3FA4] =	sst s3  }
0xc: {  	[smem:$0x3FA5] =	sst s4  }
0xd: {  	[smem:$0x3FA6] =	sst s5  }
0xe: {  	[smem:$0x3FA7] =	sst s6  }
0xf: {  	[smem:$0x3FA8] =	sst s7  }
0x10: {  	[smem:$0x3FA9] =	sst s8  }
0x11: {  	[smem:$0x3FAA] =	sst s9;
	s0 =	simm.s32 @!p0 $0x0  }
0x12: {  	s1 =	sld [smem:$0x3F90];
	s0 =	simm.s32 @p0 $0x1  }
0x13: {  	[smem:$0x3FAB] =	sst s0;
	s0 =	simm.s32 @!p1 $0x0  }
0x14: {  	s2 =	sld [smem:$0x3F8F];
	s0 =	simm.s32 @p1 $0x1  }
0x15: {  	[smem:$0x3FAC] =	sst s0;
	s0 =	simm.s32 @!p2 $0x0  }
0x16: {  	s3 =	sld [smem:$0x3FDB];
	s0 =	simm.s32 @p2 $0x1  }
0x17: {  	s4 =	simm.s32 $0x1BF5;
	[smem:$0x3FAE] =	sst s0  }
0x18: {  	s0 =	sld [smem:$0x3F91];
	_ =	swait.ge [sflag:s4], $0x0  }
0x19: {  	s7 =	sld [smem:$0x3F92]  }
0x1a: {  	s8 =	sadd.s32 $0xFFFFE003, lr  }
0x1b: {  	s9 =	sadd.s32 $0xFFFFFEF7, lr;
	s5 =	simm.s32 $0xFFFFFFFF;
	p2 =	slt.u32 s8, $0xFFFFF086  }
0x1c: {  	p1 =	slt.u32 s9, $0xF7A;
	s5 =	simm.s32 @!p2 $0x0  }
0x1d: {  	s5 =	simm.s32 @p1 $0x1;
	p0 =	seq.s32 s7, s2  }
0x1e: {  	s7 =	smul.u32 @!p0 $0xF7A, s2;
	p2 =	seq.s32 @!p0 s5, $0x0  }
0x1f: {  	s9 =	smul.u32 $0xF7A, s1;
	s8 =	simm.s32 @!p0 $0x1BF5;
	p2 =	por !p2, p0  }
0x20: {  	[sflag:s8] =	ssyncset.s32 @!p0 $0xFFFFF086;
	s6 =	sadd.s32 @!p0 s3, s7;
	s7 =	simm.s32 @!p0 $0x108  }
0x21: {  	s3 =	sadd.s32 s3, s9;
	s6 =	sadd.s32 @!p0 $0x88, s6;
	s7 =	simm.s32 @p2 $0x1082  }
0x22: {  	[simem:s7], [sflag:s8] =	dma.local @!p0 [hbm:s6], $0xF7A  }
0x23: {  	s9 =	sor.u32 $0xD0000000, s2;
	s6 =	simm.s32 $0x108;
	_ =	swait.ge @!p0 [sflag:s8], $0x0  }
0x24: {  	s3 =	sadd.s32 $0x88, s3;
	s6 =	simm.s32 @!p1 $0x1082;
	[sflag:s4] =	ssyncset.s32 $0xFFFFF086  }
0x25: {  	[simem:s6], [sflag:s4] =	dma.local [hbm:s3], $0xF7A  }
0x26: {  	[smem:$0x3F92] =	sst s1;
	(tag) =	ssettag s2;
	_ =	strace s9  }
0x27: {  	s1 =	sld [smem:$0x3FA2]  }
0x28: {  	s2 =	sld [smem:$0x3FA3]  }
0x29: {  	s4 =	sld [smem:$0x3FA5]  }
0x2a: {  	p0 =	seq.s32 s5, $0x0;
	s5 =	sld [smem:$0x3FA6]  }
0x2b: {  	s6 =	sld [smem:$0x3FA7]  }
0x2c: {  	s7 =	sld [smem:$0x3FA8]  }
0x2d: {  	s3 =	simm.s32 $0x108;
	s8 =	sld [smem:$0x3FA9]  }
0x2e: {  	s3 =	simm.s32 @!p0 $0x1082;
	s9 =	sld [smem:$0x3FAA]  }
0x2f: {  	lr =	sadd.s32 s0, s3;
	s0 =	sld [smem:$0x3FA1]  }
0x30: {  	s3 =	sld [smem:$0x3FA4]  }
0x31: {  	[smem:$0x3FAD] =	sst s10  }
0x32: {  	s10 =	sld [smem:$0x3FAB];
	_ =	sdelay $0x3  }
0x33: {  	p0 =	seq.s32 s10, $0x1;
	s10 =	sld [smem:$0x3FAD];
	_ =	sdelay $0x3  }
0x34: {  	[smem:$0x3FAD] =	sst s10  }
0x35: {  	s10 =	sld [smem:$0x3FAC];
	_ =	sdelay $0x3  }
0x36: {  	p1 =	seq.s32 s10, $0x1;
	s10 =	sld [smem:$0x3FAD];
	_ =	sdelay $0x3  }
0x37: {  	[smem:$0x3FAD] =	sst s10  }
0x38: {  	s10 =	sld [smem:$0x3FAE]  }
0x39: {  	_ = 	snop;
	(pc) =	sbr.ind lr, $3  }
0x3a: {  	_ = 	snop  }
0x3b: {  	_ = 	snop  }
0x3c: {  	p2 =	seq.s32 s10, $0x1;
	s10 =	sld [smem:$0x3FAD]  }
0x3d: {  	_ =	shalt  }
0x3e: {  	_ =	shalt  }
0x3f: {  	_ =	shalt  }
0x40: {  	_ =	shalt  }
0x41: {  	_ =	shalt  }
0x42: {  	_ =	shalt  }
0x43: {  	_ =	shalt  }
0x44: {  	_ =	shalt  }
0x45: {  	_ =	shalt  }
0x46: {  	_ =	shalt  }
0x47: {  	_ =	shalt  }
0x48: {  	_ =	shalt  }
0x49: {  	_ =	shalt  }
0x4a: {  	_ =	shalt  }
0x4b: {  	_ =	shalt  }
0x4c: {  	_ =	shalt  }
0x4d: {  	_ =	shalt  }
0x4e: {  	_ =	shalt  }
0x4f: {  	_ =	shalt  }
0x50: {  	_ =	shalt  }
0x51: {  	_ =	shalt  }
0x52: {  	_ =	shalt  }
0x53: {  	_ =	shalt  }
0x54: {  	_ =	shalt  }
0x55: {  	_ =	shalt  }
0x56: {  	_ =	shalt  }
0x57: {  	_ =	shalt  }
0x58: {  	_ =	shalt  }
0x59: {  	_ =	shalt  }
0x5a: {  	_ =	shalt  }
0x5b: {  	_ =	shalt  }
0x5c: {  	_ =	shalt  }
0x5d: {  	_ =	shalt  }
0x5e: {  	_ =	shalt  }
0x5f: {  	_ =	shalt  }
0x60: {  	_ =	shalt  }
0x61: {  	_ =	shalt  }
0x62: {  	_ =	shalt  }
0x63: {  	_ =	shalt  }
0x64: {  	_ =	shalt  }
0x65: {  	_ =	shalt  }
0x66: {  	_ =	shalt  }
0x67: {  	_ =	shalt  }
0x68: {  	_ =	shalt  }
0x69: {  	_ =	shalt  }
0x6a: {  	_ =	shalt  }
0x6b: {  	_ =	shalt  }
0x6c: {  	_ =	shalt  }
0x6d: {  	_ =	shalt  }
0x6e: {  	_ =	shalt  }
0x6f: {  	_ =	shalt  }
0x70: {  	_ =	shalt  }
0x71: {  	_ =	shalt  }
0x72: {  	_ =	shalt  }
0x73: {  	_ =	shalt  }
0x74: {  	_ =	shalt  }
0x75: {  	_ =	shalt  }
0x76: {  	_ =	shalt  }
0x77: {  	_ =	shalt  }
0x78: {  	_ =	shalt  }
0x79: {  	_ =	shalt  }
0x7a: {  	_ =	shalt  }
0x7b: {  	_ =	shalt  }
0x7c: {  	_ =	shalt  }
0x7d: {  	_ =	shalt  }
0x7e: {  	_ =	shalt  }
0x7f: {  	_ =	shalt  }
0x80: {  	_ =	shalt  }
0x81: {  	_ =	shalt  }
0x82: {  	_ =	shalt  }
0x83: {  	_ =	shalt  }
0x84: {  	_ =	shalt  }
0x85: {  	_ =	shalt  }
0x86: {  	_ =	shalt  }
0x87: {  	_ =	shalt  }
.Lfunc_end0:
.L_simem_size_0:
called_computation.2_lowered:
.L_overlay_start_0:
0x88: {  	s2 =	sld [smem:$0x3FD9]  }
0x89: {  	s3 =	sld [smem:$0x3FFE];
	_ =	sdelay $0x1  }
0x8a: {  	s1 =	srdreg.scid  }
0x8b: {  	s0 =	sand.u32 $0x1, s1  }
0x8c: {  	s17 =	sshll.u32 s0, $0xA;
	s2 =	sadd.s32 s3, s2  }
0x8d: {  	s2 =	sadd.s32 s2, s17  }
0x8e: {  	[smem:$0x3FB9] =	sst s2  }
0x8f: {  	_ = 	snop  }
0x90: {  	(tm) =	ssettm $0x1  }
0x91: {  	s18 =	sld [smem:$0x3FFB];
	_ =	sdelay $0x3  }
0x92: {  	_ =	strace s18  }
0x93: {  	s2 =	sld [smem:$0x3FFC];
	_ =	sdelay $0x3  }
0x94: {  	_ =	strace s2  }
0x95: {  	s2 =	sld [smem:$0x3FFD];
	_ =	sdelay $0x3  }
0x96: {  	_ =	strace s2  }
0x97: {  	_ =	strace $0x8FFFFFFF  }
0x98: {  	s19 =	sld [smem:$0x3FDB];
	_ =	sdelay $0x1  }
0x99: {  	s20 =	simm.s32 $_scs_section_size  }
0x9a: {  	s4 =	simm.s32 $_size__tile_overlayer_lowered;
	s5 =	simm.s32 $_tile_overlayer_lowered  }
0x9b: {  	s6 =	simm.s32 $0x1BFF;
	s21 =	sshll.u32 s5, $0x1;
	s3 =	sadd.s32 s20, s19  }
0x9c: {  	s22 =	simm.s32 $0x0;
	s4 =	sshll.u32 s4, $0x1;
	s5 =	sadd.s32 s21, s3  }
0x9d: {  	[timem:s22], [sflag:s6] =	dma.local [hbm:s5], s4  }
0x9e: {  	_ =	swait.ge [sflag:s6], s4  }
0x9f: {  	s4 =	ssub.s32 $0x0, s4;
	[sflag:s6] =	ssyncset.done $0x0  }
0xa0: {  	[sflag:s6] =	ssyncadd.s32 s4;
	_ =	sdelay $0x1  }
0xa1: {  	s23 =	simm.s32 $0x1B8B  }
0xa2: {  	_ =	swait.ge [sflag:s23], $0x1  }
0xa3: {  	[sflag:s23] =	ssyncset.done $0x0  }
0xa4: {  	[sflag:s23] =	ssyncadd.s32 $0xFFFFFFFF  }
0xa5: {  	s4 =	sld [smem:$0x0]  }
0xa6: {  	s5 =	sand.u32 $0xFFFFFFFE, s1  }
0xa7: {  	p0 =	sne.s32 s1, s5  }
0xa8: {  	s5 =	sshll.u32 @p0 s5, $0xE  }
0xa9: {  	s5 =	sadd.s32 @p0 $0x11B8D, s5;
	s6 =	sshll.u32 @p0 s4, $0x11  }
0xaa: {  	s5 =	sor.u32 @p0 s6, s5  }
0xab: {  	[sflag:s5] =	ssyncadd.remote.s32 @p0 $0x1;
	_ =	sdelay $0x1  }
0xac: {  	s5 =	simm.s32 @p0 $0x1B8D  }
0xad: {  	_ =	swait.eq @p0 [sflag:s5], $0x1  }
0xae: {  	[sflag:s5] =	ssyncadd.s32 @p0 $0xFFFFFFFF  }
0xaf: {  	s6 =	sshll.u32 @!p0 s1, $0xE  }
0xb0: {  	s6 =	sor.u32 @!p0 $0x4000, s6;
	s5 =	simm.s32 @!p0 $0x1B8D  }
0xb1: {  	s4 =	sshll.u32 @!p0 s4, $0x11;
	s6 =	sadd.s32 @!p0 $0x11B8D, s6;
	_ =	swait.eq @!p0 [sflag:s5], $0x1  }
0xb2: {  	s4 =	sor.u32 @!p0 s4, s6;
	[sflag:s5] =	ssyncadd.s32 @!p0 $0xFFFFFFFF  }
0xb3: {  	s25 =	simm.s32 $0x1B8E;
	s24 =	sld [smem:$0x3FFE];
	[sflag:s4] =	ssyncadd.remote.s32 @!p0 $0x1  }
0xb4: {  	s26 =	simm.s32 $execute0_lowered;
	[smem:$0x3FD2] =	sst s25  }
0xb5: {  	s5 =	sshll.u32 s26, $0x1;
	_ =	strace $0x80000049;
	[dreg:$0x1] =	wrdreg $0xFFFFFFFF  }
0xb6: {  	s28 =	simm.s32 $_size_execute0_lowered;
	s3 =	sadd.s32 s3, s5;
	[dreg:$0x0] =	wrdreg $0x0  }
0xb7: {  	s5 =	sshll.u32 s28, $0x1;
	[dreg:$0x2] =	wrdreg s3  }
0xb8: {  	[dreg:$0x3] =	wrdreg s5  }
0xb9: {  	[dreg:$0x4] =	wrdreg $0xC0  }
0xba: {  	_ =	task [dreg:s22], $0x5FFFF  }
0xbb: {  	[dreg:$0x1] =	wrdreg $0xFFFFFFFF  }
0xbc: {  	[dreg:$0x0] =	wrdreg $0x60  }
0xbd: {  	[dreg:$0x2] =	wrdreg s24  }
0xbe: {  	[dreg:$0x3] =	wrdreg $0xA  }
0xbf: {  	_ =	task.clear_ibuf [dreg:s22], $0x4FFFF;
	_ =	strace $0x90000049  }
0xc0: {  	s29 =	simm.s32 $0xA;
	_ =	strace $0x8000004B  }
0xc1: {  	_ =	swait.ge [sflag:s29], $0x1  }
0xc2: {  	[sflag:s29] =	ssyncadd.s32 $0xFFFFFFFF  }
0xc3: {  	_ =	strace $0x9000004B  }
0xc4: {  	_ =	sfence  }
0xc5: {  	s30 =	sld [smem:$0x0];
	_ =	sdelay $0x2  }
0xc6: {  	s31 =	sshll.u32 s1, $0xD;
	s1 =	sshrl.u32 s1, $0x2  }
0xc7: {  	s4 =	sand.u32 $0x4000, s31;
	s1 =	sadd.s32 s1, s30  }
0xc8: {  	s0 =	sor.u32 s4, s0;
	s1 =	sshll.u32 s1, $0x11  }
0xc9: {  	s0 =	sor.u32 s1, s0  }
0xca: {  	s0 =	sadd.s32 $0x8F2B, s0  }
0xcb: {  	[sflag:s0] =	ssyncadd.remote.s32 $0x1  }
0xcc: {  	_ =	sfence.sel $0xFFFF  }
0xcd: {  	[dreg:$0x0] =	wrdreg $0xFFFFFFFF;
	(pc) =	sbr.abs _section_cstart, $3  }
0xce: {  	[dreg:$0x1] =	wrdreg $0xFFFFFFFF  }
0xcf: {  	_ =	task.clear_ibuf [dreg:s22], $0x2FFFF;
	_ =	strace $0x9FFFFFFF  }
0xd0: {  	(tm) =	ssettm $0x7FFFFFFF  }
0xd1: {  	_ =	shalt  }
tec
execute0_lowered:
.L_overlay_start_1:
0x0: {  	(tag) =	ssettag $0x1  }
0x1: {  	s0 =	rddreg [dreg:$0x0]  }
0x2: {  	s2 =	simm.s32 $0x0;
	s1 =	srdreg.scid;
	s5 =	stileid.u32  }
0x3: {  	s28 =	simm.s32 $0x320;
	s29 =	simm.s32 $0x6720;
	s30 =	simm.s32 $0xCB20  }
0x4: {  	s31 =	simm.s32 $0xD7A0;
	[smem:$0x7FF] =	sst s2;
	s3 =	sadd.s32 $0x12C00, s0  }
0x5: {  	s1 =	sand.u32 $0x1, s1;
	s15 =	sadd.s32 $0x333A00, s0;
	s22 =	sadd.s32 $0x338A00, s0  }
0x6: {  	s6 =	sshll.u32 s5, $0x1;
	s9 =	sadd.s32 $0x3D9E00, s0;
	s10 =	sadd.s32 $0x33DA00, s0  }
0x7: {  	s4 =	sadd.s32 $0x3C00, s0;
	s0 =	sadd.s32 $0x38BC00, s0;
	s13 =	smul.u32 $0x2710, s5  }
0x8: {  	s20 =	smul.u32 $0x27100, s5;
	_ =	strace $0x8000004A;
	s8 =	ssub.s32 $0x2, s1  }
0x9: {  	s7 =	sor.u32 s1, s6;
	s14 =	smul.u32 $0x1388, s1;
	s11 =	sshrl.u32 s8, $0x1  }
0xa: {  	[dreg:$0x2] =	wrdreg s22;
	s7 =	smul.u32 $0x1388, s7;
	s8 =	ssub.s32 s8, s11  }
0xb: {  	s16 =	sadd.s32 s14, s13;
	s13 =	simm.s32 $0x4;
	s14 =	simm.s32 $0x2  }
0xc: {  	s23 =	sshrl.u32 s7, $0x3;
	s24 =	sadd.s32 $0xC8, s7;
	s7 =	sadd.s32 $0x12C0, s7  }
0xd: {  	s17 =	sadd.s32 $0x258, s16;
	s8 =	smax.u32 s8, $0x1;
	s21 =	sshll.u32 s16, $0x1  }
0xe: {  	s12 =	sadd.s32 s15, s23;
	s11 =	sadd.s32 s22, s23;
	s26 =	sshll.u32 s7, $0x4  }
0xf: {  	s7 =	sshll.u32 s7, $0x1;
	s19 =	sshrl.u32 s17, $0x3;
	[dreg:$0xb] =	wrdreg s8  }
0x10: {  	s8 =	sadd.s32 s20, s9;
	s23 =	smul.u32 $0x4E20, s5;
	[dreg:$0x3] =	wrdreg s12  }
0x11: {  	s12 =	sshrl.u32 s24, $0x3;
	[dreg:$0x4] =	wrdreg s11;
	s11 =	sadd.s32 s9, s26  }
0x12: {  	s18 =	sadd.s32 s10, s7;
	s7 =	sadd.s32 s0, s7;
	[dreg:$0x7] =	wrdreg s11  }
0x13: {  	s6 =	sadd.s32 s19, s22;
	s9 =	simm.s32 $0x40;
	[dreg:$0x9] =	wrdreg s18  }
0x14: {  	s25 =	sadd.s32 s15, s12;
	s12 =	sadd.s32 s22, s12;
	[dreg:$0xa] =	wrdreg s7  }
0x15: {  	[dreg:$0xc] =	wrdreg s6;
	s6 =	smov.u32 s15;
	s22 =	smul.u32 $0x13880, s1  }
0x16: {  	s7 =	sadd.s32 s19, s15;
	s1 =	smul.u32 $0x2710, s1;
	[dreg:$0x5] =	wrdreg s25  }
0x17: {  	s26 =	sadd.s32 s23, s10;
	[dreg:$0x6] =	wrdreg s12;
	s12 =	sadd.s32 $0x8, s11  }
0x18: {  	[dreg:$0xd] =	wrdreg s7;
	s7 =	sadd.s32 $0x190, s21;
	s25 =	sadd.s32 $0x190, s16  }
0x19: {  	s11 =	simm.s32 $0x0;
	[dreg:$0x8] =	wrdreg s12;
	s8 =	sadd.s32 s22, s8  }
0x1a: {  	s18 =	sadd.s32 s7, s10;
	s19 =	sadd.s32 s7, s0;
	s0 =	sadd.s32 s23, s0  }
.Ltmp0:
0x1b: {  	[dreg:$0xf] =	wrdreg s25;
	s23 =	sadd.s32 s1, s26;
	(pc) =	sbr.rel .LBB2_1-.Ltmp0, $4  }
0x1c: {  	s25 =	simm.s32 $0x3;
	s26 =	simm.s32 $0xC8;
	s7 =	simm.s32 $0x9920  }
0x1d: {  	s10 =	simm.s32 $0x80;
	s12 =	simm.s32 $0x5;
	s24 =	sadd.s32 $0xC88, s8  }
0x1e: {  	s22 =	sadd.s32 s1, s0;
	s0 =	simm.s32 $0x258;
	s1 =	simm.s32 $0x3520  }
0x1f: {  	s8 =	simm.s32 $0x1;
	[dreg:$0xe] =	wrdreg s24;
	s24 =	simm.s32 $0x190  }
.LBB2_4:
0x20: {  	_ =	swait.ge [sflag:s8], $0x3200  }
0x21: {  	[sflag:s8] =	ssyncset.done $0x0  }
0x22: {  	[sflag:s8] =	ssyncadd.s32 $0xFFFFCE00  }
0x23: {  	_ =	swait.ge [sflag:s8], $0x3200  }
0x24: {  	[sflag:s8] =	ssyncset.done $0x0  }
0x25: {  	s5 =	rddreg [dreg:$0x7];
	[sflag:s8] =	ssyncadd.s32 $0xFFFFCE00  }
0x26: {  	[hbm4b:s5+s9] =	stream.strided.scatter [tilespmem:s28], [sflag:$0x5], $0x3200, s10, s9, $0x38;
	[tilespmem:$0xE420] =	vst v63  }
0x27: {  	_ =	swait.ge [sflag:s12], $0x3200  }
0x28: {  	[sflag:s12] =	ssyncset.done $0x0  }
0x29: {  	s16 =	rddreg [dreg:$0x8];
	[sflag:s12] =	ssyncadd.s32 $0xFFFFCE00  }
0x2a: {  	[hbm4b:s16+s9] =	stream.strided.scatter [tilespmem:s29], [sflag:$0x5], $0x3200, s10, s9, $0x38;
	[tilespmem:$0xE420] =	vst v63  }
0x2b: {  	_ =	swait.ge [sflag:s12], $0x3200  }
0x2c: {  	[sflag:s12] =	ssyncset.done $0x0  }
0x2d: {  	[sflag:s12] =	ssyncadd.s32 $0xFFFFCE00  }
0x2e: {  	_ =	swait.ge [sflag:s13], $0xC80  }
0x2f: {  	[sflag:s13] =	ssyncset.done $0x0  }
0x30: {  	[sflag:s13] =	ssyncadd.s32 $0xFFFFF380  }
0x31: {  	_ =	swait.ge [sflag:s13], $0xC80  }
0x32: {  	[sflag:s13] =	ssyncset.done $0x0  }
0x33: {  	s17 =	rddreg [dreg:$0x9];
	[sflag:s13] =	ssyncadd.s32 $0xFFFFF380  }
0x34: {  	[hbm4b:s17+s2] =	stream.linear.scatter [tilespmem:s30], [sflag:$0x5], $0xC80, $0x38;
	[tilespmem:$0xE420] =	vst v63  }
0x35: {  	_ =	swait.ge [sflag:s12], $0xC80  }
0x36: {  	[sflag:s12] =	ssyncset.done $0x0  }
0x37: {  	s20 =	rddreg [dreg:$0xa];
	[sflag:s12] =	ssyncadd.s32 $0xFFFFF380  }
0x38: {  	[hbm4b:s20+s2] =	stream.linear.scatter [tilespmem:s31], [sflag:$0x5], $0xC80, $0x38;
	[tilespmem:$0xE420] =	vst v63  }
0x39: {  	_ =	swait.ge [sflag:s12], $0xC80  }
0x3a: {  	s11 =	rddreg [dreg:$0x10]  }
0x3b: {  	s21 =	rddreg [dreg:$0xb];
	s11 =	sadd.s32 $0x1, s11  }
0x3c: {  	p0 =	sne.s32 s11, s21  }
.Ltmp1:
0x3d: {  	_ = 	snop;
	(pc) =	sbr.rel @!p0 .LBB2_5-.Ltmp1, $3  }
0x3e: {  	_ =	sdelay $0x1  }
0x3f: {  	[sflag:s12] =	ssyncset.done $0x0  }
0x40: {  	[sflag:s12] =	ssyncadd.s32 $0xFFFFF380  }
.LBB2_1:
0x41: {  	[dreg:$0x10] =	wrdreg s11  }
0x42: {  	s5 =	rddreg [dreg:$0x3]  }
0x43: {  	[tilespmem:s2], [sflag:$0x3] =	stream.linear.gather [hbm4b:s5+s2], $0xC8, $0x38;
	[tilespmem:$0xE420] =	vst v63  }
0x44: {  	s17 =	rddreg [dreg:$0x4]  }
0x45: {  	[tilespmem:s24], [sflag:$0x3] =	stream.linear.gather [hbm4b:s17+s2], $0xC8, $0x38;
	[tilespmem:$0xE420] =	vst v63  }
0x46: {  	_ =	swait.ge [sflag:s25], $0xC8  }
0x47: {  	[sflag:s25] =	ssyncset.done $0x0  }
0x48: {  	[sflag:s25] =	ssyncadd.s32 $0xFFFFFF38  }
0x49: {  	_ =	swait.ge [sflag:s25], $0xC8  }
0x4a: {  	[sflag:s25] =	ssyncset.done $0x0  }
0x4b: {  	[sflag:s25] =	ssyncadd.s32 $0xFFFFFF38  }
0x4c: {  	[tilespmem:s28], [sflag:$0x1] =	stream.indirect.gather [hbm4b:s3+s26], $0x40, s2, s26, $0xb8;
	[tilespmem:$0xE420] =	vst v63  }
0x4d: {  	s20 =	rddreg [dreg:$0x5]  }
0x4e: {  	[tilespmem:s29], [sflag:$0x1] =	stream.indirect.gather [hbm4b:s3+s26], $0x40, s24, s26, $0xb8;
	[tilespmem:$0xE420] =	vst v63  }
0x4f: {  	s21 =	rddreg [dreg:$0x6]  }
0x50: {  	[tilespmem:s30], [sflag:$0x4] =	stream.indirect.gather [hbm4b:s4+s26], $0x10, s2, s26, $0xb8;
	[tilespmem:$0xE420] =	vst v63  }
0x51: {  	s16 =	rddreg [dreg:$0xd]  }
0x52: {  	[tilespmem:s31], [sflag:$0x4] =	stream.indirect.gather [hbm4b:s4+s26], $0x10, s24, s26, $0xb8;
	[tilespmem:$0xE420] =	vst v63  }
0x53: {  	s15 =	rddreg [dreg:$0xc]  }
0x54: {  	[tilespmem:s26], [sflag:$0x3] =	stream.linear.gather [hbm4b:s20+s2], $0xC8, $0x38;
	[tilespmem:$0xE420] =	vst v63  }
0x55: {  	s20 =	rddreg [dreg:$0xe]  }
0x56: {  	[tilespmem:s0], [sflag:$0x3] =	stream.linear.gather [hbm4b:s21+s2], $0xC8, $0x38;
	[tilespmem:$0xE420] =	vst v63  }
0x57: {  	s17 =	simm.s32 $0x0;
	s21 =	rddreg [dreg:$0xf]  }
.LBB2_2:
0x58: {  	_ =	swait.ge [sflag:s25], $0xC8  }
0x59: {  	[sflag:s25] =	ssyncset.done $0x0  }
0x5a: {  	[sflag:s25] =	ssyncadd.s32 $0xFFFFFF38  }
0x5b: {  	_ =	swait.ge [sflag:s25], $0xC8  }
0x5c: {  	[sflag:s25] =	ssyncset.done $0x0  }
0x5d: {  	[sflag:s25] =	ssyncadd.s32 $0xFFFFFF38  }
0x5e: {  	[tilespmem:s1], [sflag:$0x2] =	stream.indirect.gather [hbm4b:s3+s26], $0x40, s26, s26, $0xb8;
	[tilespmem:$0xE420] =	vst v63  }
0x5f: {  	_ = 	snop  }
0x60: {  	[tilespmem:s7], [sflag:$0x2] =	stream.indirect.gather [hbm4b:s3+s26], $0x40, s0, s26, $0xb8;
	[tilespmem:$0xE420] =	vst v63  }
0x61: {  	_ =	swait.ge [sflag:s8], $0x3200  }
0x62: {  	[sflag:s8] =	ssyncset.done $0x0  }
0x63: {  	[sflag:s8] =	ssyncadd.s32 $0xFFFFCE00  }
0x64: {  	_ =	swait.ge [sflag:s8], $0x3200  }
0x65: {  	[sflag:s8] =	ssyncset.done $0x0  }
0x66: {  	s11 =	sadd.s32 $0xFFFFF378, s20;
	[sflag:s8] =	ssyncadd.s32 $0xFFFFCE00  }
0x67: {  	[hbm4b:s11+s9] =	stream.strided.scatter [tilespmem:s28], [sflag:$0x5], $0x3200, s10, s9, $0x38;
	[tilespmem:$0xE420] =	vst v63  }
0x68: {  	_ =	swait.ge [sflag:s12], $0x3200  }
0x69: {  	[sflag:s12] =	ssyncset.done $0x0  }
0x6a: {  	s5 =	sadd.s32 $0xFFFFF380, s20;
	[sflag:s12] =	ssyncadd.s32 $0xFFFFCE00  }
0x6b: {  	[hbm4b:s5+s9] =	stream.strided.scatter [tilespmem:s29], [sflag:$0x5], $0x3200, s10, s9, $0x38;
	[tilespmem:$0xE420] =	vst v63  }
0x6c: {  	_ =	swait.ge [sflag:s12], $0x3200  }
0x6d: {  	[sflag:s12] =	ssyncset.done $0x0  }
0x6e: {  	[sflag:s12] =	ssyncadd.s32 $0xFFFFCE00  }
0x6f: {  	_ =	swait.ge [sflag:s13], $0xC80  }
0x70: {  	[sflag:s13] =	ssyncset.done $0x0  }
0x71: {  	[sflag:s13] =	ssyncadd.s32 $0xFFFFF380  }
0x72: {  	_ =	swait.ge [sflag:s13], $0xC80  }
0x73: {  	[sflag:s13] =	ssyncset.done $0x0  }
0x74: {  	s5 =	sadd.s32 s17, s23;
	[sflag:s13] =	ssyncadd.s32 $0xFFFFF380  }
0x75: {  	[hbm4b:s5+s2] =	stream.linear.scatter [tilespmem:s30], [sflag:$0x5], $0xC80, $0x38;
	[tilespmem:$0xE420] =	vst v63  }
0x76: {  	_ =	swait.ge [sflag:s12], $0xC80  }
0x77: {  	[sflag:s12] =	ssyncset.done $0x0  }
0x78: {  	s5 =	sadd.s32 s17, s22;
	[sflag:s12] =	ssyncadd.s32 $0xFFFFF380  }
0x79: {  	[hbm4b:s5+s2] =	stream.linear.scatter [tilespmem:s31], [sflag:$0x5], $0xC80, $0x38;
	[tilespmem:$0xE420] =	vst v63  }
0x7a: {  	_ =	swait.ge [sflag:s12], $0xC80  }
0x7b: {  	[sflag:s12] =	ssyncset.done $0x0  }
0x7c: {  	[sflag:s12] =	ssyncadd.s32 $0xFFFFF380  }
0x7d: {  	[tilespmem:s30], [sflag:$0x4] =	stream.indirect.gather [hbm4b:s4+s26], $0x10, s26, s26, $0xb8;
	[tilespmem:$0xE420] =	vst v63  }
0x7e: {  	s11 =	sshrl.u32 s21, $0x3  }
0x7f: {  	[tilespmem:s31], [sflag:$0x4] =	stream.indirect.gather [hbm4b:s4+s26], $0x10, s0, s26, $0xb8;
	[tilespmem:$0xE420] =	vst v63  }
0x80: {  	s5 =	sadd.s32 s6, s11  }
0x81: {  	[tilespmem:s2], [sflag:$0x3] =	stream.linear.gather [hbm4b:s5+s2], $0xC8, $0x38;
	[tilespmem:$0xE420] =	vst v63  }
0x82: {  	s5 =	rddreg [dreg:$0x2]  }
0x83: {  	s5 =	sadd.s32 s5, s11  }
0x84: {  	[tilespmem:s24], [sflag:$0x3] =	stream.linear.gather [hbm4b:s5+s2], $0xC8, $0x38;
	[tilespmem:$0xE420] =	vst v63  }
0x85: {  	_ =	swait.ge [sflag:s25], $0xC8  }
0x86: {  	[sflag:s25] =	ssyncset.done $0x0  }
0x87: {  	[sflag:s25] =	ssyncadd.s32 $0xFFFFFF38  }
0x88: {  	_ =	swait.ge [sflag:s25], $0xC8  }
0x89: {  	[sflag:s25] =	ssyncset.done $0x0  }
0x8a: {  	[sflag:s25] =	ssyncadd.s32 $0xFFFFFF38  }
0x8b: {  	[tilespmem:s28], [sflag:$0x1] =	stream.indirect.gather [hbm4b:s3+s26], $0x40, s2, s26, $0xb8;
	[tilespmem:$0xE420] =	vst v63  }
0x8c: {  	_ = 	snop  }
0x8d: {  	[tilespmem:s29], [sflag:$0x1] =	stream.indirect.gather [hbm4b:s3+s26], $0x40, s24, s26, $0xb8;
	[tilespmem:$0xE420] =	vst v63  }
0x8e: {  	_ =	swait.ge [sflag:s14], $0x3200  }
0x8f: {  	[sflag:s14] =	ssyncset.done $0x0  }
0x90: {  	[sflag:s14] =	ssyncadd.s32 $0xFFFFCE00  }
0x91: {  	_ =	swait.ge [sflag:s14], $0x3200  }
0x92: {  	[sflag:s14] =	ssyncset.done $0x0  }
0x93: {  	s11 =	sadd.s32 $0xFFFFFFF8, s20;
	[sflag:s14] =	ssyncadd.s32 $0xFFFFCE00  }
0x94: {  	[hbm4b:s11+s9] =	stream.strided.scatter [tilespmem:s1], [sflag:$0x5], $0x3200, s10, s9, $0x38;
	[tilespmem:$0xE420] =	vst v63  }
0x95: {  	_ =	swait.ge [sflag:s12], $0x3200  }
0x96: {  	[sflag:s12] =	ssyncset.done $0x0  }
0x97: {  	[sflag:s12] =	ssyncadd.s32 $0xFFFFCE00  }
0x98: {  	[hbm4b:s20+s9] =	stream.strided.scatter [tilespmem:s7], [sflag:$0x5], $0x3200, s10, s9, $0x38;
	[tilespmem:$0xE420] =	vst v63  }
0x99: {  	_ =	swait.ge [sflag:s12], $0x3200  }
0x9a: {  	[sflag:s12] =	ssyncset.done $0x0  }
0x9b: {  	[sflag:s12] =	ssyncadd.s32 $0xFFFFCE00  }
0x9c: {  	_ =	swait.ge [sflag:s13], $0xC80  }
0x9d: {  	[sflag:s13] =	ssyncset.done $0x0  }
0x9e: {  	[sflag:s13] =	ssyncadd.s32 $0xFFFFF380  }
0x9f: {  	_ =	swait.ge [sflag:s13], $0xC80  }
0xa0: {  	[sflag:s13] =	ssyncset.done $0x0  }
0xa1: {  	s11 =	sadd.s32 s17, s18;
	[sflag:s13] =	ssyncadd.s32 $0xFFFFF380  }
0xa2: {  	[hbm4b:s11+s2] =	stream.linear.scatter [tilespmem:s30], [sflag:$0x5], $0xC80, $0x38;
	[tilespmem:$0xE420] =	vst v63  }
0xa3: {  	_ =	swait.ge [sflag:s12], $0xC80  }
0xa4: {  	[sflag:s12] =	ssyncset.done $0x0  }
0xa5: {  	s11 =	sadd.s32 s17, s19;
	[sflag:s12] =	ssyncadd.s32 $0xFFFFF380  }
0xa6: {  	[hbm4b:s11+s2] =	stream.linear.scatter [tilespmem:s31], [sflag:$0x5], $0xC80, $0x38;
	[tilespmem:$0xE420] =	vst v63  }
0xa7: {  	p0 =	seq.s32 s17, $0x2260;
	_ =	swait.ge [sflag:s12], $0xC80  }
.Ltmp2:
0xa8: {  	[sflag:s12] =	ssyncset.done $0x0;
	(pc) =	sbr.rel @p0 .LBB2_4-.Ltmp2, $4  }
0xa9: {  	[sflag:s12] =	ssyncadd.s32 $0xFFFFF380  }
0xaa: {  	[tilespmem:s30], [sflag:$0x4] =	stream.indirect.gather [hbm4b:s4+s26], $0x10, s2, s26, $0xb8;
	[tilespmem:$0xE420] =	vst v63  }
0xab: {  	_ = 	snop  }
0xac: {  	[tilespmem:s31], [sflag:$0x4] =	stream.indirect.gather [hbm4b:s4+s26], $0x10, s24, s26, $0xb8;
	[tilespmem:$0xE420] =	vst v63  }
.Ltmp3:
0xad: {  	(pc) =	sbr.rel .LBB2_2-.Ltmp3, $4  }
0xae: {  	[tilespmem:s26], [sflag:$0x3] =	stream.linear.gather [hbm4b:s16+s2], $0xC8, $0x38;
	[tilespmem:$0xE420] =	vst v63  }
0xaf: {  	s16 =	sadd.s32 $0x32, s16;
	s17 =	sadd.s32 $0x320, s17  }
0xb0: {  	[tilespmem:s0], [sflag:$0x3] =	stream.linear.gather [hbm4b:s15+s2], $0xC8, $0x38;
	[tilespmem:$0xE420] =	vst v63  }
0xb1: {  	s20 =	sadd.s32 $0x1900, s20;
	s21 =	sadd.s32 $0x190, s21;
	s15 =	sadd.s32 $0x32, s15  }
.LBB2_5:
0xb2: {  	_ =	sfence.sel $0x180000  }
0xb3: {  	[bflag:$0x0] =	sbarrier.arrive $0xFFFF  }
0xb4: {  	_ =	strace $0x9000004A  }
0xb5: {  	s0 =	stileid.u32;
	[bflag:$0x2] =	sbarrier.arrive $0xFFFF  }
0xb6: {  	p0 =	sne.s32 s0, $0x0;
	s0 =	rddreg [dreg:$0x1]  }
0xb7: {  	s0 =	sadd.s32 @!p0 $0x100000, s0  }
0xb8: {  	[sflag:s0] =	ssyncadd.tile.s32 @!p0 $0x1;
	_ =	shalt  }
.Lfunc_end2:
_tile_overlayer_lowered:
.L_overlay_start_2:
0xb9: {  	(tag) =	ssettag $0x2  }
0xba: {  	s0 =	rddreg [dreg:$0x0];
	s2 =	stileid.u32  }
0xbb: {  	s1 =	rddreg [dreg:$0x1];
	p0 =	sne.s32 s2, $0x0  }
0xbc: {  	s3 =	rddreg [dreg:$0x2];
	[bflag:$0x3] =	sbarrier.arrive $0xFFFF;
	s2 =	simm.s32 @!p0 $0x1C05  }
0xbd: {  	[timem:s3], [sflag:s2] =	dma.local @!p0 [hbm:s0], s1  }
0xbe: {  	s0 =	simm.s32 @!p0 $0x5  }
0xbf: {  	_ =	swait.ge @!p0 [sflag:s0], s1  }
0xc0: {  	s1 =	ssub.s32 @!p0 $0x0, s1;
	[sflag:s0] =	ssyncset.done @!p0 $0x0  }
0xc1: {  	[sflag:s0] =	ssyncadd.s32 @!p0 s1  }
0xc2: {  	[bflag:$0x3] =	sbarrier.arrive $0xFFFF  }
0xc3: {  	_ =	shalt  }

// kernel: kernel.18.cloned.1.call-start
scs
__scs_entry_jumppad:
0x0: {  	(pc) =	sbr.rel $0x88, $3  }
0x1: {  	(tag) =	ssettag $0x0;
	lr =	simm.s32 $0x1  }
0x2: {  	[smem:$0x3F92] =	sst lr;
	_ =	strace $0xD0000000  }
0x3: {  	_ = 	snop  }
0x4: {  	_ = 	snop  }
0x5: {  	_ = 	snop  }
0x6: {  	_ = 	snop  }
0x7: {  	_ = 	snop  }
__scs_overlays_trampoline_lowered:
0x8: {  	[smem:$0x3FA1] =	sst s0  }
0x9: {  	[smem:$0x3FA2] =	sst s1  }
0xa: {  	[smem:$0x3FA3] =	sst s2  }
0xb: {  	[smem:$0x3FA4] =	sst s3  }
0xc: {  	[smem:$0x3FA5] =	sst s4  }
0xd: {  	[smem:$0x3FA6] =	sst s5  }
0xe: {  	[smem:$0x3FA7] =	sst s6  }
0xf: {  	[smem:$0x3FA8] =	sst s7  }
0x10: {  	[smem:$0x3FA9] =	sst s8  }
0x11: {  	[smem:$0x3FAA] =	sst s9;
	s0 =	simm.s32 @!p0 $0x0  }
0x12: {  	s1 =	sld [smem:$0x3F90];
	s0 =	simm.s32 @p0 $0x1  }
0x13: {  	[smem:$0x3FAB] =	sst s0;
	s0 =	simm.s32 @!p1 $0x0  }
0x14: {  	s2 =	sld [smem:$0x3F8F];
	s0 =	simm.s32 @p1 $0x1  }
0x15: {  	[smem:$0x3FAC] =	sst s0;
	s0 =	simm.s32 @!p2 $0x0  }
0x16: {  	s3 =	sld [smem:$0x3FDB];
	s0 =	simm.s32 @p2 $0x1  }
0x17: {  	s4 =	simm.s32 $0x1BF5;
	[smem:$0x3FAE] =	sst s0  }
0x18: {  	s0 =	sld [smem:$0x3F91];
	_ =	swait.ge [sflag:s4], $0x0  }
0x19: {  	s7 =	sld [smem:$0x3F92]  }
0x1a: {  	s8 =	sadd.s32 $0xFFFFE003, lr  }
0x1b: {  	s9 =	sadd.s32 $0xFFFFFEF7, lr;
	s5 =	simm.s32 $0xFFFFFFFF;
	p2 =	slt.u32 s8, $0xFFFFF086  }
0x1c: {  	p1 =	slt.u32 s9, $0xF7A;
	s5 =	simm.s32 @!p2 $0x0  }
0x1d: {  	s5 =	simm.s32 @p1 $0x1;
	p0 =	seq.s32 s7, s2  }
0x1e: {  	s7 =	smul.u32 @!p0 $0xF7A, s2;
	p2 =	seq.s32 @!p0 s5, $0x0  }
0x1f: {  	s9 =	smul.u32 $0xF7A, s1;
	s8 =	simm.s32 @!p0 $0x1BF5;
	p2 =	por !p2, p0  }
0x20: {  	[sflag:s8] =	ssyncset.s32 @!p0 $0xFFFFF086;
	s6 =	sadd.s32 @!p0 s3, s7;
	s7 =	simm.s32 @!p0 $0x108  }
0x21: {  	s3 =	sadd.s32 s3, s9;
	s6 =	sadd.s32 @!p0 $0x88, s6;
	s7 =	simm.s32 @p2 $0x1082  }
0x22: {  	[simem:s7], [sflag:s8] =	dma.local @!p0 [hbm:s6], $0xF7A  }
0x23: {  	s9 =	sor.u32 $0xD0000000, s2;
	s6 =	simm.s32 $0x108;
	_ =	swait.ge @!p0 [sflag:s8], $0x0  }
0x24: {  	s3 =	sadd.s32 $0x88, s3;
	s6 =	simm.s32 @!p1 $0x1082;
	[sflag:s4] =	ssyncset.s32 $0xFFFFF086  }
0x25: {  	[simem:s6], [sflag:s4] =	dma.local [hbm:s3], $0xF7A  }
0x26: {  	[smem:$0x3F92] =	sst s1;
	(tag) =	ssettag s2;
	_ =	strace s9  }
0x27: {  	s1 =	sld [smem:$0x3FA2]  }
0x28: {  	s2 =	sld [smem:$0x3FA3]  }
0x29: {  	s4 =	sld [smem:$0x3FA5]  }
0x2a: {  	p0 =	seq.s32 s5, $0x0;
	s5 =	sld [smem:$0x3FA6]  }
0x2b: {  	s6 =	sld [smem:$0x3FA7]  }
0x2c: {  	s7 =	sld [smem:$0x3FA8]  }
0x2d: {  	s3 =	simm.s32 $0x108;
	s8 =	sld [smem:$0x3FA9]  }
0x2e: {  	s3 =	simm.s32 @!p0 $0x1082;
	s9 =	sld [smem:$0x3FAA]  }
0x2f: {  	lr =	sadd.s32 s0, s3;
	s0 =	sld [smem:$0x3FA1]  }
0x30: {  	s3 =	sld [smem:$0x3FA4]  }
0x31: {  	[smem:$0x3FAD] =	sst s10  }
0x32: {  	s10 =	sld [smem:$0x3FAB];
	_ =	sdelay $0x3  }
0x33: {  	p0 =	seq.s32 s10, $0x1;
	s10 =	sld [smem:$0x3FAD];
	_ =	sdelay $0x3  }
0x34: {  	[smem:$0x3FAD] =	sst s10  }
0x35: {  	s10 =	sld [smem:$0x3FAC];
	_ =	sdelay $0x3  }
0x36: {  	p1 =	seq.s32 s10, $0x1;
	s10 =	sld [smem:$0x3FAD];
	_ =	sdelay $0x3  }
0x37: {  	[smem:$0x3FAD] =	sst s10  }
0x38: {  	s10 =	sld [smem:$0x3FAE]  }
0x39: {  	_ = 	snop;
	(pc) =	sbr.ind lr, $3  }
0x3a: {  	_ = 	snop  }
0x3b: {  	_ = 	snop  }
0x3c: {  	p2 =	seq.s32 s10, $0x1;
	s10 =	sld [smem:$0x3FAD]  }
0x3d: {  	_ =	shalt  }
0x3e: {  	_ =	shalt  }
0x3f: {  	_ =	shalt  }
0x40: {  	_ =	shalt  }
0x41: {  	_ =	shalt  }
0x42: {  	_ =	shalt  }
0x43: {  	_ =	shalt  }
0x44: {  	_ =	shalt  }
0x45: {  	_ =	shalt  }
0x46: {  	_ =	shalt  }
0x47: {  	_ =	shalt  }
0x48: {  	_ =	shalt  }
0x49: {  	_ =	shalt  }
0x4a: {  	_ =	shalt  }
0x4b: {  	_ =	shalt  }
0x4c: {  	_ =	shalt  }
0x4d: {  	_ =	shalt  }
0x4e: {  	_ =	shalt  }
0x4f: {  	_ =	shalt  }
0x50: {  	_ =	shalt  }
0x51: {  	_ =	shalt  }
0x52: {  	_ =	shalt  }
0x53: {  	_ =	shalt  }
0x54: {  	_ =	shalt  }
0x55: {  	_ =	shalt  }
0x56: {  	_ =	shalt  }
0x57: {  	_ =	shalt  }
0x58: {  	_ =	shalt  }
0x59: {  	_ =	shalt  }
0x5a: {  	_ =	shalt  }
0x5b: {  	_ =	shalt  }
0x5c: {  	_ =	shalt  }
0x5d: {  	_ =	shalt  }
0x5e: {  	_ =	shalt  }
0x5f: {  	_ =	shalt  }
0x60: {  	_ =	shalt  }
0x61: {  	_ =	shalt  }
0x62: {  	_ =	shalt  }
0x63: {  	_ =	shalt  }
0x64: {  	_ =	shalt  }
0x65: {  	_ =	shalt  }
0x66: {  	_ =	shalt  }
0x67: {  	_ =	shalt  }
0x68: {  	_ =	shalt  }
0x69: {  	_ =	shalt  }
0x6a: {  	_ =	shalt  }
0x6b: {  	_ =	shalt  }
0x6c: {  	_ =	shalt  }
0x6d: {  	_ =	shalt  }
0x6e: {  	_ =	shalt  }
0x6f: {  	_ =	shalt  }
0x70: {  	_ =	shalt  }
0x71: {  	_ =	shalt  }
0x72: {  	_ =	shalt  }
0x73: {  	_ =	shalt  }
0x74: {  	_ =	shalt  }
0x75: {  	_ =	shalt  }
0x76: {  	_ =	shalt  }
0x77: {  	_ =	shalt  }
0x78: {  	_ =	shalt  }
0x79: {  	_ =	shalt  }
0x7a: {  	_ =	shalt  }
0x7b: {  	_ =	shalt  }
0x7c: {  	_ =	shalt  }
0x7d: {  	_ =	shalt  }
0x7e: {  	_ =	shalt  }
0x7f: {  	_ =	shalt  }
0x80: {  	_ =	shalt  }
0x81: {  	_ =	shalt  }
0x82: {  	_ =	shalt  }
0x83: {  	_ =	shalt  }
0x84: {  	_ =	shalt  }
0x85: {  	_ =	shalt  }
0x86: {  	_ =	shalt  }
0x87: {  	_ =	shalt  }
.Lfunc_end0:
.L_simem_size_0:
called_computation.3_lowered:
.L_overlay_start_0:
0x88: {  	s2 =	sld [smem:$0x3FD9]  }
0x89: {  	s3 =	sld [smem:$0x3FFE];
	_ =	sdelay $0x1  }
0x8a: {  	s1 =	srdreg.scid  }
0x8b: {  	s0 =	sand.u32 $0x1, s1  }
0x8c: {  	s17 =	sshll.u32 s0, $0xA;
	s2 =	sadd.s32 s3, s2  }
0x8d: {  	s2 =	sadd.s32 s2, s17  }
0x8e: {  	[smem:$0x3FB9] =	sst s2  }
0x8f: {  	_ = 	snop  }
0x90: {  	(tm) =	ssettm $0x1  }
0x91: {  	s18 =	sld [smem:$0x3FFB];
	_ =	sdelay $0x3  }
0x92: {  	_ =	strace s18  }
0x93: {  	s2 =	sld [smem:$0x3FFC];
	_ =	sdelay $0x3  }
0x94: {  	_ =	strace s2  }
0x95: {  	s2 =	sld [smem:$0x3FFD];
	_ =	sdelay $0x3  }
0x96: {  	_ =	strace s2  }
0x97: {  	_ =	strace $0x8FFFFFFF  }
0x98: {  	s19 =	sld [smem:$0x3FDB];
	_ =	sdelay $0x1  }
0x99: {  	s20 =	simm.s32 $_scs_section_size  }
0x9a: {  	s4 =	simm.s32 $_size__tile_overlayer_lowered;
	s5 =	simm.s32 $_tile_overlayer_lowered  }
0x9b: {  	s6 =	simm.s32 $0x1BFF;
	s21 =	sshll.u32 s5, $0x1;
	s3 =	sadd.s32 s20, s19  }
0x9c: {  	s22 =	simm.s32 $0x0;
	s4 =	sshll.u32 s4, $0x1;
	s5 =	sadd.s32 s21, s3  }
0x9d: {  	[timem:s22], [sflag:s6] =	dma.local [hbm:s5], s4  }
0x9e: {  	_ =	swait.ge [sflag:s6], s4  }
0x9f: {  	s4 =	ssub.s32 $0x0, s4;
	[sflag:s6] =	ssyncset.done $0x0  }
0xa0: {  	[sflag:s6] =	ssyncadd.s32 s4;
	_ =	sdelay $0x1  }
0xa1: {  	s23 =	simm.s32 $0x1B8B  }
0xa2: {  	_ =	swait.ge [sflag:s23], $0x1  }
0xa3: {  	[sflag:s23] =	ssyncset.done $0x0  }
0xa4: {  	[sflag:s23] =	ssyncadd.s32 $0xFFFFFFFF  }
0xa5: {  	s4 =	sld [smem:$0x0]  }
0xa6: {  	s5 =	sand.u32 $0xFFFFFFFE, s1  }
0xa7: {  	p0 =	sne.s32 s1, s5  }
0xa8: {  	s5 =	sshll.u32 @p0 s5, $0xE  }
0xa9: {  	s5 =	sadd.s32 @p0 $0x11B8D, s5;
	s6 =	sshll.u32 @p0 s4, $0x11  }
0xaa: {  	s5 =	sor.u32 @p0 s6, s5  }
0xab: {  	[sflag:s5] =	ssyncadd.remote.s32 @p0 $0x1;
	_ =	sdelay $0x1  }
0xac: {  	s5 =	simm.s32 @p0 $0x1B8D  }
0xad: {  	_ =	swait.eq @p0 [sflag:s5], $0x1  }
0xae: {  	[sflag:s5] =	ssyncadd.s32 @p0 $0xFFFFFFFF  }
0xaf: {  	s6 =	sshll.u32 @!p0 s1, $0xE  }
0xb0: {  	s6 =	sor.u32 @!p0 $0x4000, s6;
	s5 =	simm.s32 @!p0 $0x1B8D  }
0xb1: {  	s4 =	sshll.u32 @!p0 s4, $0x11;
	s6 =	sadd.s32 @!p0 $0x11B8D, s6;
	_ =	swait.eq @!p0 [sflag:s5], $0x1  }
0xb2: {  	s4 =	sor.u32 @!p0 s4, s6;
	[sflag:s5] =	ssyncadd.s32 @!p0 $0xFFFFFFFF  }
0xb3: {  	s25 =	simm.s32 $0x1B8E;
	s24 =	sld [smem:$0x3FFE];
	[sflag:s4] =	ssyncadd.remote.s32 @!p0 $0x1  }
0xb4: {  	s26 =	simm.s32 $execute0_lowered;
	[smem:$0x3FD2] =	sst s25  }
0xb5: {  	s5 =	sshll.u32 s26, $0x1;
	_ =	strace $0x8000004F;
	[dreg:$0x1] =	wrdreg $0xFFFFFFFF  }
0xb6: {  	s28 =	simm.s32 $_size_execute0_lowered;
	s3 =	sadd.s32 s3, s5;
	[dreg:$0x0] =	wrdreg $0x0  }
0xb7: {  	s5 =	sshll.u32 s28, $0x1;
	[dreg:$0x2] =	wrdreg s3  }
0xb8: {  	[dreg:$0x3] =	wrdreg s5  }
0xb9: {  	[dreg:$0x4] =	wrdreg $0xC0  }
0xba: {  	_ =	task [dreg:s22], $0x5FFFF  }
0xbb: {  	[dreg:$0x1] =	wrdreg $0xFFFFFFFF  }
0xbc: {  	[dreg:$0x0] =	wrdreg $0x60  }
0xbd: {  	[dreg:$0x2] =	wrdreg s24  }
0xbe: {  	[dreg:$0x3] =	wrdreg $0x80E80  }
0xbf: {  	[dreg:$0x4] =	wrdreg $0xA  }
0xc0: {  	_ =	task.clear_ibuf [dreg:s22], $0x5FFFF;
	_ =	strace $0x9000004F  }
0xc1: {  	s29 =	simm.s32 $0xA;
	_ =	strace $0x80000051  }
0xc2: {  	_ =	swait.ge [sflag:s29], $0x1  }
0xc3: {  	[sflag:s29] =	ssyncadd.s32 $0xFFFFFFFF  }
0xc4: {  	_ =	strace $0x90000051  }
0xc5: {  	_ =	sfence  }
0xc6: {  	s30 =	sld [smem:$0x0];
	_ =	sdelay $0x2  }
0xc7: {  	s31 =	sshll.u32 s1, $0xD;
	s1 =	sshrl.u32 s1, $0x2  }
0xc8: {  	s4 =	sand.u32 $0x4000, s31;
	s1 =	sadd.s32 s1, s30  }
0xc9: {  	s0 =	sor.u32 s4, s0;
	s1 =	sshll.u32 s1, $0x11  }
0xca: {  	s0 =	sor.u32 s1, s0  }
0xcb: {  	s0 =	sadd.s32 $0x8F2B, s0  }
0xcc: {  	[sflag:s0] =	ssyncadd.remote.s32 $0x1  }
0xcd: {  	_ =	sfence.sel $0xFFFF  }
0xce: {  	[dreg:$0x0] =	wrdreg $0xFFFFFFFF;
	(pc) =	sbr.abs _section_cstart, $3  }
0xcf: {  	[dreg:$0x1] =	wrdreg $0xFFFFFFFF  }
0xd0: {  	_ =	task.clear_ibuf [dreg:s22], $0x2FFFF;
	_ =	strace $0x9FFFFFFF  }
0xd1: {  	(tm) =	ssettm $0x7FFFFFFF  }
tec
execute0_lowered:
.L_overlay_start_1:
0x0: {  	(tag) =	ssettag $0x1  }
0x1: {  	s3 =	rddreg [dreg:$0x0]  }
0x2: {  	s1 =	rddreg [dreg:$0x1]  }
0x3: {  	s0 =	rddreg [dreg:$0x2]  }
0x4: {  	s2 =	simm.s32 $0x0;
	s4 =	srdreg.scid;
	s5 =	stileid.u32  }
0x5: {  	p1 =	por $0x0, $0x0;
	[smem:$0x7FF] =	sst s2;
	s7 =	sadd.s32 $0xE0200, s3  }
0x6: {  	s4 =	sand.u32 $0x1, s4;
	s6 =	sshll.u32 s5, $0x1;
	s31 =	sadd.s32 $0x333A00, s3  }
0x7: {  	s15 =	sadd.s32 $0xC2A00, s3;
	p0 =	sne.s32 s5, $0x0;
	s5 =	simm.s32 $0x1  }
0x8: {  	s8 =	smul.u32 $0x9C40, s4;
	s9 =	ssub.s32 $0x2, s4;
	s4 =	sor.u32 s4, s6  }
0x9: {  	_ =	strace $0x80000050;
	s10 =	sshrl.u32 s9, $0x1;
	s18 =	smul.u32 $0x1388, s4  }
0xa: {  	s4 =	smul.u32 $0x4E20, s4;
	s3 =	sadd.s32 s8, s3;
	s20 =	ssub.s32 s9, s10  }
0xb: {  	s3 =	sadd.s32 $0x12C00, s3;
	s21 =	sshrl.u32 s18, $0x3;
	s8 =	smax.u32 s20, $0x1  }
0xc: {  	s22 =	sadd.s32 $0x3E8, s18;
	s16 =	sadd.s32 s7, s4;
	s24 =	sadd.s32 $0x7D0, s18  }
0xd: {  	s29 =	sadd.s32 $0xBB8, s18;
	s18 =	sadd.s32 $0xFA0, s18;
	s17 =	sadd.s32 s31, s21  }
0xe: {  	s23 =	sshrl.u32 s22, $0x3;
	s25 =	sshll.u32 s22, $0x2;
	s20 =	sadd.s32 $0xFFFFFFFF, s8  }
0xf: {  	s26 =	sshrl.u32 s24, $0x3;
	s28 =	sshll.u32 s24, $0x2;
	p2 =	sne.s32 s20, $0x0  }
.Ltmp0:
0x10: {  	s30 =	sshrl.u32 s29, $0x3;
	s4 =	sshll.u32 s29, $0x2;
	(pc) =	sbr.rel @!p2 .LBB2_3-.Ltmp0, $4  }
0x11: {  	s19 =	sshrl.u32 s18, $0x3;
	s8 =	simm.s32 $0x3E8;
	s14 =	sadd.s32 s31, s23  }
0x12: {  	s13 =	sadd.s32 s7, s25;
	s12 =	sadd.s32 s31, s26;
	s11 =	sadd.s32 s7, s28  }
0x13: {  	s10 =	sadd.s32 s31, s30;
	s6 =	sadd.s32 s31, s19;
	s31 =	sshll.u32 s18, $0x2  }
0x14: {  	s9 =	sadd.s32 s7, s4;
	s4 =	sshrl.u32 @!p0 s1, $0x3;
	s7 =	sadd.s32 s7, s31  }
0x15: {  	s19 =	simm.s32 @!p0 $0x1C01;
	s18 =	simm.s32 @!p0 $0x1  }
0x16: {  	[spmem:s4], [sflag:s19] =	dma.local @!p0 [hbm:s15], $0x9C40  }
0x17: {  	_ =	swait.ge @!p0 [sflag:s18], $0x9C40  }
0x18: {  	[sflag:s18] =	ssyncset.done @!p0 $0x0  }
0x19: {  	[sflag:s18] =	ssyncadd.s32 @!p0 $0xFFFF63C0  }
0x1a: {  	[bflag:$0x0] =	sbarrier.arrive $0xFFFF  }
0x1b: {  	[tilespmem:s2], [sflag:$0x1] =	stream.linear.gather [hbm4b:s17+s2], $0x3E8, $0x38;
	[tilespmem:$0xCF08] =	vst v63  }
0x1c: {  	_ =	swait.ge [sflag:s5], $0x3E8  }
0x1d: {  	[sflag:s5] =	ssyncset.done $0x0  }
0x1e: {  	[sflag:s5] =	ssyncadd.s32 $0xFFFFFC18  }
0x1f: {  	[tilespmem:s8], [sflag:$0x1] =	stream.linear.gather [hbm4b:s16+s2], $0x7D00, $0x38;
	[tilespmem:$0xCF08] =	vst v63  }
0x20: {  	_ =	swait.ge [sflag:s5], $0x7D00  }
0x21: {  	[sflag:s5] =	ssyncset.done $0x0  }
0x22: {  	[sflag:s5] =	ssyncadd.s32 $0xFFFF8300  }
0x23: {  	[spmem:s1] =	stream.indirect.scatter.add.f32 [tilespmem:s8], [sflag:$0x1], $0x20, s2, s8, $0xb8;
	[tilespmem:$0xCF08] =	vst v63  }
0x24: {  	_ =	swait.ge [sflag:s5], $0x7D00  }
0x25: {  	[sflag:s5] =	ssyncset.done $0x0  }
0x26: {  	[sflag:s5] =	ssyncadd.s32 $0xFFFF8300  }
0x27: {  	[tilespmem:s2], [sflag:$0x1] =	stream.linear.gather [hbm4b:s14+s2], $0x3E8, $0x38;
	[tilespmem:$0xCF08] =	vst v63  }
0x28: {  	_ =	swait.ge [sflag:s5], $0x3E8  }
0x29: {  	[sflag:s5] =	ssyncset.done $0x0  }
0x2a: {  	[sflag:s5] =	ssyncadd.s32 $0xFFFFFC18  }
0x2b: {  	[tilespmem:s8], [sflag:$0x1] =	stream.linear.gather [hbm4b:s13+s2], $0x7D00, $0x38;
	[tilespmem:$0xCF08] =	vst v63  }
0x2c: {  	_ =	swait.ge [sflag:s5], $0x7D00  }
0x2d: {  	[sflag:s5] =	ssyncset.done $0x0  }
0x2e: {  	[sflag:s5] =	ssyncadd.s32 $0xFFFF8300  }
0x2f: {  	[spmem:s1] =	stream.indirect.scatter.add.f32 [tilespmem:s8], [sflag:$0x1], $0x20, s2, s8, $0xb8;
	[tilespmem:$0xCF08] =	vst v63  }
0x30: {  	_ =	swait.ge [sflag:s5], $0x7D00  }
0x31: {  	[sflag:s5] =	ssyncset.done $0x0  }
0x32: {  	[sflag:s5] =	ssyncadd.s32 $0xFFFF8300  }
0x33: {  	[tilespmem:s2], [sflag:$0x1] =	stream.linear.gather [hbm4b:s12+s2], $0x3E8, $0x38;
	[tilespmem:$0xCF08] =	vst v63  }
0x34: {  	_ =	swait.ge [sflag:s5], $0x3E8  }
0x35: {  	[sflag:s5] =	ssyncset.done $0x0  }
0x36: {  	[sflag:s5] =	ssyncadd.s32 $0xFFFFFC18  }
0x37: {  	[tilespmem:s8], [sflag:$0x1] =	stream.linear.gather [hbm4b:s11+s2], $0x7D00, $0x38;
	[tilespmem:$0xCF08] =	vst v63  }
0x38: {  	_ =	swait.ge [sflag:s5], $0x7D00  }
0x39: {  	[sflag:s5] =	ssyncset.done $0x0  }
0x3a: {  	[sflag:s5] =	ssyncadd.s32 $0xFFFF8300  }
0x3b: {  	[spmem:s1] =	stream.indirect.scatter.add.f32 [tilespmem:s8], [sflag:$0x1], $0x20, s2, s8, $0xb8;
	[tilespmem:$0xCF08] =	vst v63  }
0x3c: {  	_ =	swait.ge [sflag:s5], $0x7D00  }
0x3d: {  	[sflag:s5] =	ssyncset.done $0x0  }
0x3e: {  	[sflag:s5] =	ssyncadd.s32 $0xFFFF8300  }
0x3f: {  	[tilespmem:s2], [sflag:$0x1] =	stream.linear.gather [hbm4b:s10+s2], $0x3E8, $0x38;
	[tilespmem:$0xCF08] =	vst v63  }
0x40: {  	_ =	swait.ge [sflag:s5], $0x3E8  }
0x41: {  	[sflag:s5] =	ssyncset.done $0x0  }
0x42: {  	[sflag:s5] =	ssyncadd.s32 $0xFFFFFC18  }
0x43: {  	[tilespmem:s8], [sflag:$0x1] =	stream.linear.gather [hbm4b:s9+s2], $0x7D00, $0x38;
	[tilespmem:$0xCF08] =	vst v63  }
0x44: {  	_ =	swait.ge [sflag:s5], $0x7D00  }
0x45: {  	[sflag:s5] =	ssyncset.done $0x0  }
0x46: {  	[sflag:s5] =	ssyncadd.s32 $0xFFFF8300  }
0x47: {  	[spmem:s1] =	stream.indirect.scatter.add.f32 [tilespmem:s8], [sflag:$0x1], $0x20, s2, s8, $0xb8;
	[tilespmem:$0xCF08] =	vst v63  }
0x48: {  	_ =	swait.ge [sflag:s5], $0x7D00  }
0x49: {  	[sflag:s5] =	ssyncset.done $0x0  }
0x4a: {  	[sflag:s5] =	ssyncadd.s32 $0xFFFF8300  }
0x4b: {  	[tilespmem:s2], [sflag:$0x1] =	stream.linear.gather [hbm4b:s6+s2], $0x3E8, $0x38;
	[tilespmem:$0xCF08] =	vst v63  }
0x4c: {  	_ =	swait.ge [sflag:s5], $0x3E8  }
0x4d: {  	[sflag:s5] =	ssyncset.done $0x0  }
0x4e: {  	[sflag:s5] =	ssyncadd.s32 $0xFFFFFC18  }
0x4f: {  	[tilespmem:s8], [sflag:$0x1] =	stream.linear.gather [hbm4b:s7+s2], $0x7D00, $0x38;
	[tilespmem:$0xCF08] =	vst v63  }
0x50: {  	_ =	swait.ge [sflag:s5], $0x7D00  }
0x51: {  	[sflag:s5] =	ssyncset.done $0x0  }
0x52: {  	[sflag:s5] =	ssyncadd.s32 $0xFFFF8300  }
0x53: {  	[spmem:s1] =	stream.indirect.scatter.add.f32 [tilespmem:s8], [sflag:$0x1], $0x20, s2, s8, $0xb8;
	[tilespmem:$0xCF08] =	vst v63  }
0x54: {  	s20 =	sadd.s32 $0xFFFFFFFF, s20;
	_ =	swait.ge [sflag:s5], $0x7D00  }
0x55: {  	p2 =	sne.s32 s20, $0x0;
	[sflag:s5] =	ssyncset.done $0x0  }
.Ltmp1:
0x56: {  	[sflag:s5] =	ssyncadd.s32 $0xFFFF8300;
	(pc) =	sbr.rel @!p2 .LBB2_3-.Ltmp1, $4  }
0x57: {  	[bflag:$0x0] =	sbarrier.arrive $0xFFFF  }
0x58: {  	[hbm:s3], [sflag:s19] =	dma.local @!p0 [spmem:s4], $0x9C40  }
0x59: {  	_ =	swait.ge @!p0 [sflag:s18], $0x9C40  }
0x5a: {  	p1 =	por $0x1, $0x1;
	[sflag:s18] =	ssyncset.done @!p0 $0x0  }
.LBB2_2:
0x5b: {  	[sflag:s18] =	ssyncadd.s32 @!p0 $0xFFFF63C0  }
0x5c: {  	[spmem:s4], [sflag:s19] =	dma.local @!p0 [hbm:s15], $0x9C40  }
0x5d: {  	s20 =	sadd.s32 $0xFFFFFFFF, s20;
	_ =	swait.ge @!p0 [sflag:s18], $0x9C40  }
0x5e: {  	p2 =	sne.s32 s20, $0x0;
	[sflag:s18] =	ssyncset.done @!p0 $0x0  }
0x5f: {  	[sflag:s18] =	ssyncadd.s32 @!p0 $0xFFFF63C0  }
0x60: {  	[bflag:$0x0] =	sbarrier.arrive $0xFFFF  }
0x61: {  	[tilespmem:s2], [sflag:$0x1] =	stream.linear.gather [hbm4b:s17+s2], $0x3E8, $0x38;
	[tilespmem:$0xCF08] =	vst v63  }
0x62: {  	_ =	swait.ge [sflag:s5], $0x3E8  }
0x63: {  	[sflag:s5] =	ssyncset.done $0x0  }
0x64: {  	[sflag:s5] =	ssyncadd.s32 $0xFFFFFC18  }
0x65: {  	[tilespmem:s8], [sflag:$0x1] =	stream.linear.gather [hbm4b:s16+s2], $0x7D00, $0x38;
	[tilespmem:$0xCF08] =	vst v63  }
0x66: {  	_ =	swait.ge [sflag:s5], $0x7D00  }
0x67: {  	[sflag:s5] =	ssyncset.done $0x0  }
0x68: {  	[sflag:s5] =	ssyncadd.s32 $0xFFFF8300  }
0x69: {  	[spmem:s1] =	stream.indirect.scatter.add.f32 [tilespmem:s8], [sflag:$0x1], $0x20, s2, s8, $0xb8;
	[tilespmem:$0xCF08] =	vst v63  }
0x6a: {  	_ =	swait.ge [sflag:s5], $0x7D00  }
0x6b: {  	[sflag:s5] =	ssyncset.done $0x0  }
0x6c: {  	[sflag:s5] =	ssyncadd.s32 $0xFFFF8300  }
0x6d: {  	[tilespmem:s2], [sflag:$0x1] =	stream.linear.gather [hbm4b:s14+s2], $0x3E8, $0x38;
	[tilespmem:$0xCF08] =	vst v63  }
0x6e: {  	_ =	swait.ge [sflag:s5], $0x3E8  }
0x6f: {  	[sflag:s5] =	ssyncset.done $0x0  }
0x70: {  	[sflag:s5] =	ssyncadd.s32 $0xFFFFFC18  }
0x71: {  	[tilespmem:s8], [sflag:$0x1] =	stream.linear.gather [hbm4b:s13+s2], $0x7D00, $0x38;
	[tilespmem:$0xCF08] =	vst v63  }
0x72: {  	_ =	swait.ge [sflag:s5], $0x7D00  }
0x73: {  	[sflag:s5] =	ssyncset.done $0x0  }
0x74: {  	[sflag:s5] =	ssyncadd.s32 $0xFFFF8300  }
0x75: {  	[spmem:s1] =	stream.indirect.scatter.add.f32 [tilespmem:s8], [sflag:$0x1], $0x20, s2, s8, $0xb8;
	[tilespmem:$0xCF08] =	vst v63  }
0x76: {  	_ =	swait.ge [sflag:s5], $0x7D00  }
0x77: {  	[sflag:s5] =	ssyncset.done $0x0  }
0x78: {  	[sflag:s5] =	ssyncadd.s32 $0xFFFF8300  }
0x79: {  	[tilespmem:s2], [sflag:$0x1] =	stream.linear.gather [hbm4b:s12+s2], $0x3E8, $0x38;
	[tilespmem:$0xCF08] =	vst v63  }
0x7a: {  	_ =	swait.ge [sflag:s5], $0x3E8  }
0x7b: {  	[sflag:s5] =	ssyncset.done $0x0  }
0x7c: {  	[sflag:s5] =	ssyncadd.s32 $0xFFFFFC18  }
0x7d: {  	[tilespmem:s8], [sflag:$0x1] =	stream.linear.gather [hbm4b:s11+s2], $0x7D00, $0x38;
	[tilespmem:$0xCF08] =	vst v63  }
0x7e: {  	_ =	swait.ge [sflag:s5], $0x7D00  }
0x7f: {  	[sflag:s5] =	ssyncset.done $0x0  }
0x80: {  	[sflag:s5] =	ssyncadd.s32 $0xFFFF8300  }
0x81: {  	[spmem:s1] =	stream.indirect.scatter.add.f32 [tilespmem:s8], [sflag:$0x1], $0x20, s2, s8, $0xb8;
	[tilespmem:$0xCF08] =	vst v63  }
0x82: {  	_ =	swait.ge [sflag:s5], $0x7D00  }
0x83: {  	[sflag:s5] =	ssyncset.done $0x0  }
0x84: {  	[sflag:s5] =	ssyncadd.s32 $0xFFFF8300  }
0x85: {  	[tilespmem:s2], [sflag:$0x1] =	stream.linear.gather [hbm4b:s10+s2], $0x3E8, $0x38;
	[tilespmem:$0xCF08] =	vst v63  }
0x86: {  	_ =	swait.ge [sflag:s5], $0x3E8  }
0x87: {  	[sflag:s5] =	ssyncset.done $0x0  }
0x88: {  	[sflag:s5] =	ssyncadd.s32 $0xFFFFFC18  }
0x89: {  	[tilespmem:s8], [sflag:$0x1] =	stream.linear.gather [hbm4b:s9+s2], $0x7D00, $0x38;
	[tilespmem:$0xCF08] =	vst v63  }
0x8a: {  	_ =	swait.ge [sflag:s5], $0x7D00  }
0x8b: {  	[sflag:s5] =	ssyncset.done $0x0  }
0x8c: {  	[sflag:s5] =	ssyncadd.s32 $0xFFFF8300  }
0x8d: {  	[spmem:s1] =	stream.indirect.scatter.add.f32 [tilespmem:s8], [sflag:$0x1], $0x20, s2, s8, $0xb8;
	[tilespmem:$0xCF08] =	vst v63  }
0x8e: {  	_ =	swait.ge [sflag:s5], $0x7D00  }
0x8f: {  	[sflag:s5] =	ssyncset.done $0x0  }
0x90: {  	[sflag:s5] =	ssyncadd.s32 $0xFFFF8300  }
0x91: {  	[tilespmem:s2], [sflag:$0x1] =	stream.linear.gather [hbm4b:s6+s2], $0x3E8, $0x38;
	[tilespmem:$0xCF08] =	vst v63  }
0x92: {  	_ =	swait.ge [sflag:s5], $0x3E8  }
0x93: {  	[sflag:s5] =	ssyncset.done $0x0  }
0x94: {  	[sflag:s5] =	ssyncadd.s32 $0xFFFFFC18  }
0x95: {  	[tilespmem:s8], [sflag:$0x1] =	stream.linear.gather [hbm4b:s7+s2], $0x7D00, $0x38;
	[tilespmem:$0xCF08] =	vst v63  }
0x96: {  	_ =	swait.ge [sflag:s5], $0x7D00  }
0x97: {  	[sflag:s5] =	ssyncset.done $0x0  }
0x98: {  	[sflag:s5] =	ssyncadd.s32 $0xFFFF8300  }
0x99: {  	[spmem:s1] =	stream.indirect.scatter.add.f32 [tilespmem:s8], [sflag:$0x1], $0x20, s2, s8, $0xb8;
	[tilespmem:$0xCF08] =	vst v63  }
0x9a: {  	_ =	swait.ge [sflag:s5], $0x7D00  }
0x9b: {  	[sflag:s5] =	ssyncset.done $0x0  }
.Ltmp2:
0x9c: {  	[sflag:s5] =	ssyncadd.s32 $0xFFFF8300;
	(pc) =	sbr.rel @p2 .LBB2_2-.Ltmp2, $4  }
0x9d: {  	[bflag:$0x0] =	sbarrier.arrive $0xFFFF  }
0x9e: {  	[hbm:s3], [sflag:s19] =	dma.local @!p0 [spmem:s4], $0x9C40  }
0x9f: {  	_ =	swait.ge @!p0 [sflag:s18], $0x9C40  }
0xa0: {  	[sflag:s18] =	ssyncset.done @!p0 $0x0  }
.LBB2_3:
0xa1: {  	p1 =	por p0, !p1  }
0xa2: {  	s20 =	simm.s32 @!p0 $0x1C01;
	s19 =	simm.s32 @!p0 $0x1;
	[sflag:s18] =	ssyncadd.s32 @!p1 $0xFFFF63C0  }
0xa3: {  	[spmem:s4], [sflag:s20] =	dma.local @!p0 [hbm:s15], $0x9C40  }
0xa4: {  	_ =	swait.ge @!p0 [sflag:s19], $0x9C40  }
0xa5: {  	[sflag:s19] =	ssyncset.done @!p0 $0x0  }
0xa6: {  	[sflag:s19] =	ssyncadd.s32 @!p0 $0xFFFF63C0  }
0xa7: {  	[bflag:$0x0] =	sbarrier.arrive $0xFFFF  }
0xa8: {  	[tilespmem:s2], [sflag:$0x1] =	stream.linear.gather [hbm4b:s17+s2], $0x3E8, $0x38;
	[tilespmem:$0xCF08] =	vst v63  }
0xa9: {  	_ =	swait.ge [sflag:s5], $0x3E8  }
0xaa: {  	[sflag:s5] =	ssyncset.done $0x0  }
0xab: {  	[sflag:s5] =	ssyncadd.s32 $0xFFFFFC18  }
0xac: {  	[tilespmem:s8], [sflag:$0x1] =	stream.linear.gather [hbm4b:s16+s2], $0x7D00, $0x38;
	[tilespmem:$0xCF08] =	vst v63  }
0xad: {  	_ =	swait.ge [sflag:s5], $0x7D00  }
0xae: {  	[sflag:s5] =	ssyncset.done $0x0  }
0xaf: {  	[sflag:s5] =	ssyncadd.s32 $0xFFFF8300  }
0xb0: {  	[spmem:s1] =	stream.indirect.scatter.add.f32 [tilespmem:s8], [sflag:$0x1], $0x20, s2, s8, $0xb8;
	[tilespmem:$0xCF08] =	vst v63  }
0xb1: {  	_ =	swait.ge [sflag:s5], $0x7D00  }
0xb2: {  	[sflag:s5] =	ssyncset.done $0x0  }
0xb3: {  	[sflag:s5] =	ssyncadd.s32 $0xFFFF8300  }
0xb4: {  	[tilespmem:s2], [sflag:$0x1] =	stream.linear.gather [hbm4b:s14+s2], $0x3E8, $0x38;
	[tilespmem:$0xCF08] =	vst v63  }
0xb5: {  	_ =	swait.ge [sflag:s5], $0x3E8  }
0xb6: {  	[sflag:s5] =	ssyncset.done $0x0  }
0xb7: {  	[sflag:s5] =	ssyncadd.s32 $0xFFFFFC18  }
0xb8: {  	[tilespmem:s8], [sflag:$0x1] =	stream.linear.gather [hbm4b:s13+s2], $0x7D00, $0x38;
	[tilespmem:$0xCF08] =	vst v63  }
0xb9: {  	_ =	swait.ge [sflag:s5], $0x7D00  }
0xba: {  	[sflag:s5] =	ssyncset.done $0x0  }
0xbb: {  	[sflag:s5] =	ssyncadd.s32 $0xFFFF8300  }
0xbc: {  	[spmem:s1] =	stream.indirect.scatter.add.f32 [tilespmem:s8], [sflag:$0x1], $0x20, s2, s8, $0xb8;
	[tilespmem:$0xCF08] =	vst v63  }
0xbd: {  	_ =	swait.ge [sflag:s5], $0x7D00  }
0xbe: {  	[sflag:s5] =	ssyncset.done $0x0  }
0xbf: {  	[sflag:s5] =	ssyncadd.s32 $0xFFFF8300  }
0xc0: {  	[tilespmem:s2], [sflag:$0x1] =	stream.linear.gather [hbm4b:s12+s2], $0x3E8, $0x38;
	[tilespmem:$0xCF08] =	vst v63  }
0xc1: {  	_ =	swait.ge [sflag:s5], $0x3E8  }
0xc2: {  	[sflag:s5] =	ssyncset.done $0x0  }
0xc3: {  	[sflag:s5] =	ssyncadd.s32 $0xFFFFFC18  }
0xc4: {  	[tilespmem:s8], [sflag:$0x1] =	stream.linear.gather [hbm4b:s11+s2], $0x7D00, $0x38;
	[tilespmem:$0xCF08] =	vst v63  }
0xc5: {  	_ =	swait.ge [sflag:s5], $0x7D00  }
0xc6: {  	[sflag:s5] =	ssyncset.done $0x0  }
0xc7: {  	[sflag:s5] =	ssyncadd.s32 $0xFFFF8300  }
0xc8: {  	[spmem:s1] =	stream.indirect.scatter.add.f32 [tilespmem:s8], [sflag:$0x1], $0x20, s2, s8, $0xb8;
	[tilespmem:$0xCF08] =	vst v63  }
0xc9: {  	_ =	swait.ge [sflag:s5], $0x7D00  }
0xca: {  	[sflag:s5] =	ssyncset.done $0x0  }
0xcb: {  	[sflag:s5] =	ssyncadd.s32 $0xFFFF8300  }
0xcc: {  	[tilespmem:s2], [sflag:$0x1] =	stream.linear.gather [hbm4b:s10+s2], $0x3E8, $0x38;
	[tilespmem:$0xCF08] =	vst v63  }
0xcd: {  	_ =	swait.ge [sflag:s5], $0x3E8  }
0xce: {  	[sflag:s5] =	ssyncset.done $0x0  }
0xcf: {  	[sflag:s5] =	ssyncadd.s32 $0xFFFFFC18  }
0xd0: {  	[tilespmem:s8], [sflag:$0x1] =	stream.linear.gather [hbm4b:s9+s2], $0x7D00, $0x38;
	[tilespmem:$0xCF08] =	vst v63  }
0xd1: {  	_ =	swait.ge [sflag:s5], $0x7D00  }
0xd2: {  	[sflag:s5] =	ssyncset.done $0x0  }
0xd3: {  	[sflag:s5] =	ssyncadd.s32 $0xFFFF8300  }
0xd4: {  	[spmem:s1] =	stream.indirect.scatter.add.f32 [tilespmem:s8], [sflag:$0x1], $0x20, s2, s8, $0xb8;
	[tilespmem:$0xCF08] =	vst v63  }
0xd5: {  	_ =	swait.ge [sflag:s5], $0x7D00  }
0xd6: {  	[sflag:s5] =	ssyncset.done $0x0  }
0xd7: {  	[sflag:s5] =	ssyncadd.s32 $0xFFFF8300  }
0xd8: {  	[tilespmem:s2], [sflag:$0x1] =	stream.linear.gather [hbm4b:s6+s2], $0x3E8, $0x38;
	[tilespmem:$0xCF08] =	vst v63  }
0xd9: {  	_ =	swait.ge [sflag:s5], $0x3E8  }
0xda: {  	[sflag:s5] =	ssyncset.done $0x0  }
0xdb: {  	[sflag:s5] =	ssyncadd.s32 $0xFFFFFC18  }
0xdc: {  	[tilespmem:s8], [sflag:$0x1] =	stream.linear.gather [hbm4b:s7+s2], $0x7D00, $0x38;
	[tilespmem:$0xCF08] =	vst v63  }
0xdd: {  	_ =	swait.ge [sflag:s5], $0x7D00  }
0xde: {  	[sflag:s5] =	ssyncset.done $0x0  }
0xdf: {  	[sflag:s5] =	ssyncadd.s32 $0xFFFF8300  }
0xe0: {  	[spmem:s1] =	stream.indirect.scatter.add.f32 [tilespmem:s8], [sflag:$0x1], $0x20, s2, s8, $0xb8;
	[tilespmem:$0xCF08] =	vst v63  }
0xe1: {  	_ =	swait.ge [sflag:s5], $0x7D00  }
0xe2: {  	[sflag:s5] =	ssyncset.done $0x0  }
0xe3: {  	[sflag:s5] =	ssyncadd.s32 $0xFFFF8300  }
0xe4: {  	[bflag:$0x0] =	sbarrier.arrive $0xFFFF  }
0xe5: {  	[hbm:s3], [sflag:s20] =	dma.local @!p0 [spmem:s4], $0x9C40  }
0xe6: {  	_ =	swait.ge @!p0 [sflag:s19], $0x9C40  }
0xe7: {  	[sflag:s19] =	ssyncset.done @!p0 $0x0  }
0xe8: {  	[sflag:s19] =	ssyncadd.s32 @!p0 $0xFFFF63C0  }
0xe9: {  	_ =	sfence.sel $0x180000  }
0xea: {  	[bflag:$0x0] =	sbarrier.arrive $0xFFFF  }
0xeb: {  	_ =	strace $0x90000050  }
0xec: {  	s0 =	sadd.s32 @!p0 $0x100000, s0;
	[bflag:$0x2] =	sbarrier.arrive $0xFFFF  }
0xed: {  	[sflag:s0] =	ssyncadd.tile.s32 @!p0 $0x1;
	_ =	shalt  }
.Lfunc_end2:
_tile_overlayer_lowered:
.L_overlay_start_2:
0xee: {  	(tag) =	ssettag $0x2  }
0xef: {  	s0 =	rddreg [dreg:$0x0];
	s2 =	stileid.u32  }
0xf0: {  	s1 =	rddreg [dreg:$0x1];
	p0 =	sne.s32 s2, $0x0  }
0xf1: {  	s3 =	rddreg [dreg:$0x2];
	[bflag:$0x3] =	sbarrier.arrive $0xFFFF;
	s2 =	simm.s32 @!p0 $0x1C01  }
0xf2: {  	[timem:s3], [sflag:s2] =	dma.local @!p0 [hbm:s0], s1  }
0xf3: {  	s0 =	simm.s32 @!p0 $0x1  }
0xf4: {  	_ =	swait.ge @!p0 [sflag:s0], s1  }
0xf5: {  	s1 =	ssub.s32 @!p0 $0x0, s1;
	[sflag:s0] =	ssyncset.done @!p0 $0x0  }
0xf6: {  	[sflag:s0] =	ssyncadd.s32 @!p0 s1  }
0xf7: {  	[bflag:$0x3] =	sbarrier.arrive $0xFFFF  }
0xf8: {  	_ =	shalt  }

// kernel: kernel.9.cloned.1.call-start
scs
__scs_entry_jumppad:
0x0: {  	(pc) =	sbr.rel $0x88, $3  }
0x1: {  	(tag) =	ssettag $0x0;
	lr =	simm.s32 $0x1  }
0x2: {  	[smem:$0x3F92] =	sst lr;
	_ =	strace $0xD0000000  }
0x3: {  	_ = 	snop  }
0x4: {  	_ = 	snop  }
0x5: {  	_ = 	snop  }
0x6: {  	_ = 	snop  }
0x7: {  	_ = 	snop  }
__scs_overlays_trampoline_lowered:
0x8: {  	[smem:$0x3FA1] =	sst s0  }
0x9: {  	[smem:$0x3FA2] =	sst s1  }
0xa: {  	[smem:$0x3FA3] =	sst s2  }
0xb: {  	[smem:$0x3FA4] =	sst s3  }
0xc: {  	[smem:$0x3FA5] =	sst s4  }
0xd: {  	[smem:$0x3FA6] =	sst s5  }
0xe: {  	[smem:$0x3FA7] =	sst s6  }
0xf: {  	[smem:$0x3FA8] =	sst s7  }
0x10: {  	[smem:$0x3FA9] =	sst s8  }
0x11: {  	[smem:$0x3FAA] =	sst s9;
	s0 =	simm.s32 @!p0 $0x0  }
0x12: {  	s1 =	sld [smem:$0x3F90];
	s0 =	simm.s32 @p0 $0x1  }
0x13: {  	[smem:$0x3FAB] =	sst s0;
	s0 =	simm.s32 @!p1 $0x0  }
0x14: {  	s2 =	sld [smem:$0x3F8F];
	s0 =	simm.s32 @p1 $0x1  }
0x15: {  	[smem:$0x3FAC] =	sst s0;
	s0 =	simm.s32 @!p2 $0x0  }
0x16: {  	s3 =	sld [smem:$0x3FDB];
	s0 =	simm.s32 @p2 $0x1  }
0x17: {  	s4 =	simm.s32 $0x1BF5;
	[smem:$0x3FAE] =	sst s0  }
0x18: {  	s0 =	sld [smem:$0x3F91];
	_ =	swait.ge [sflag:s4], $0x0  }
0x19: {  	s7 =	sld [smem:$0x3F92]  }
0x1a: {  	s8 =	sadd.s32 $0xFFFFE003, lr  }
0x1b: {  	s9 =	sadd.s32 $0xFFFFFEF7, lr;
	s5 =	simm.s32 $0xFFFFFFFF;
	p2 =	slt.u32 s8, $0xFFFFF086  }
0x1c: {  	p1 =	slt.u32 s9, $0xF7A;
	s5 =	simm.s32 @!p2 $0x0  }
0x1d: {  	s5 =	simm.s32 @p1 $0x1;
	p0 =	seq.s32 s7, s2  }
0x1e: {  	s7 =	smul.u32 @!p0 $0xF7A, s2;
	p2 =	seq.s32 @!p0 s5, $0x0  }
0x1f: {  	s9 =	smul.u32 $0xF7A, s1;
	s8 =	simm.s32 @!p0 $0x1BF5;
	p2 =	por !p2, p0  }
0x20: {  	[sflag:s8] =	ssyncset.s32 @!p0 $0xFFFFF086;
	s6 =	sadd.s32 @!p0 s3, s7;
	s7 =	simm.s32 @!p0 $0x108  }
0x21: {  	s3 =	sadd.s32 s3, s9;
	s6 =	sadd.s32 @!p0 $0x88, s6;
	s7 =	simm.s32 @p2 $0x1082  }
0x22: {  	[simem:s7], [sflag:s8] =	dma.local @!p0 [hbm:s6], $0xF7A  }
0x23: {  	s9 =	sor.u32 $0xD0000000, s2;
	s6 =	simm.s32 $0x108;
	_ =	swait.ge @!p0 [sflag:s8], $0x0  }
0x24: {  	s3 =	sadd.s32 $0x88, s3;
	s6 =	simm.s32 @!p1 $0x1082;
	[sflag:s4] =	ssyncset.s32 $0xFFFFF086  }
0x25: {  	[simem:s6], [sflag:s4] =	dma.local [hbm:s3], $0xF7A  }
0x26: {  	[smem:$0x3F92] =	sst s1;
	(tag) =	ssettag s2;
	_ =	strace s9  }
0x27: {  	s1 =	sld [smem:$0x3FA2]  }
0x28: {  	s2 =	sld [smem:$0x3FA3]  }
0x29: {  	s4 =	sld [smem:$0x3FA5]  }
0x2a: {  	p0 =	seq.s32 s5, $0x0;
	s5 =	sld [smem:$0x3FA6]  }
0x2b: {  	s6 =	sld [smem:$0x3FA7]  }
0x2c: {  	s7 =	sld [smem:$0x3FA8]  }
0x2d: {  	s3 =	simm.s32 $0x108;
	s8 =	sld [smem:$0x3FA9]  }
0x2e: {  	s3 =	simm.s32 @!p0 $0x1082;
	s9 =	sld [smem:$0x3FAA]  }
0x2f: {  	lr =	sadd.s32 s0, s3;
	s0 =	sld [smem:$0x3FA1]  }
0x30: {  	s3 =	sld [smem:$0x3FA4]  }
0x31: {  	[smem:$0x3FAD] =	sst s10  }
0x32: {  	s10 =	sld [smem:$0x3FAB];
	_ =	sdelay $0x3  }
0x33: {  	p0 =	seq.s32 s10, $0x1;
	s10 =	sld [smem:$0x3FAD];
	_ =	sdelay $0x3  }
0x34: {  	[smem:$0x3FAD] =	sst s10  }
0x35: {  	s10 =	sld [smem:$0x3FAC];
	_ =	sdelay $0x3  }
0x36: {  	p1 =	seq.s32 s10, $0x1;
	s10 =	sld [smem:$0x3FAD];
	_ =	sdelay $0x3  }
0x37: {  	[smem:$0x3FAD] =	sst s10  }
0x38: {  	s10 =	sld [smem:$0x3FAE]  }
0x39: {  	_ = 	snop;
	(pc) =	sbr.ind lr, $3  }
0x3a: {  	_ = 	snop  }
0x3b: {  	_ = 	snop  }
0x3c: {  	p2 =	seq.s32 s10, $0x1;
	s10 =	sld [smem:$0x3FAD]  }
0x3d: {  	_ =	shalt  }
0x3e: {  	_ =	shalt  }
0x3f: {  	_ =	shalt  }
0x40: {  	_ =	shalt  }
0x41: {  	_ =	shalt  }
0x42: {  	_ =	shalt  }
0x43: {  	_ =	shalt  }
0x44: {  	_ =	shalt  }
0x45: {  	_ =	shalt  }
0x46: {  	_ =	shalt  }
0x47: {  	_ =	shalt  }
0x48: {  	_ =	shalt  }
0x49: {  	_ =	shalt  }
0x4a: {  	_ =	shalt  }
0x4b: {  	_ =	shalt  }
0x4c: {  	_ =	shalt  }
0x4d: {  	_ =	shalt  }
0x4e: {  	_ =	shalt  }
0x4f: {  	_ =	shalt  }
0x50: {  	_ =	shalt  }
0x51: {  	_ =	shalt  }
0x52: {  	_ =	shalt  }
0x53: {  	_ =	shalt  }
0x54: {  	_ =	shalt  }
0x55: {  	_ =	shalt  }
0x56: {  	_ =	shalt  }
0x57: {  	_ =	shalt  }
0x58: {  	_ =	shalt  }
0x59: {  	_ =	shalt  }
0x5a: {  	_ =	shalt  }
0x5b: {  	_ =	shalt  }
0x5c: {  	_ =	shalt  }
0x5d: {  	_ =	shalt  }
0x5e: {  	_ =	shalt  }
0x5f: {  	_ =	shalt  }
0x60: {  	_ =	shalt  }
0x61: {  	_ =	shalt  }
0x62: {  	_ =	shalt  }
0x63: {  	_ =	shalt  }
0x64: {  	_ =	shalt  }
0x65: {  	_ =	shalt  }
0x66: {  	_ =	shalt  }
0x67: {  	_ =	shalt  }
0x68: {  	_ =	shalt  }
0x69: {  	_ =	shalt  }
0x6a: {  	_ =	shalt  }
0x6b: {  	_ =	shalt  }
0x6c: {  	_ =	shalt  }
0x6d: {  	_ =	shalt  }
0x6e: {  	_ =	shalt  }
0x6f: {  	_ =	shalt  }
0x70: {  	_ =	shalt  }
0x71: {  	_ =	shalt  }
0x72: {  	_ =	shalt  }
0x73: {  	_ =	shalt  }
0x74: {  	_ =	shalt  }
0x75: {  	_ =	shalt  }
0x76: {  	_ =	shalt  }
0x77: {  	_ =	shalt  }
0x78: {  	_ =	shalt  }
0x79: {  	_ =	shalt  }
0x7a: {  	_ =	shalt  }
0x7b: {  	_ =	shalt  }
0x7c: {  	_ =	shalt  }
0x7d: {  	_ =	shalt  }
0x7e: {  	_ =	shalt  }
0x7f: {  	_ =	shalt  }
0x80: {  	_ =	shalt  }
0x81: {  	_ =	shalt  }
0x82: {  	_ =	shalt  }
0x83: {  	_ =	shalt  }
0x84: {  	_ =	shalt  }
0x85: {  	_ =	shalt  }
0x86: {  	_ =	shalt  }
0x87: {  	_ =	shalt  }
.Lfunc_end0:
.L_simem_size_0:
called_computation_lowered:
.L_overlay_start_0:
0x88: {  	s2 =	sld [smem:$0x3FD9]  }
0x89: {  	s3 =	sld [smem:$0x3FFE];
	_ =	sdelay $0x1  }
0x8a: {  	s1 =	srdreg.scid  }
0x8b: {  	s0 =	sand.u32 $0x1, s1  }
0x8c: {  	s16 =	sshll.u32 s0, $0xA;
	s2 =	sadd.s32 s3, s2  }
0x8d: {  	s2 =	sadd.s32 s2, s16  }
0x8e: {  	[smem:$0x3FB9] =	sst s2  }
0x8f: {  	_ = 	snop  }
0x90: {  	(tm) =	ssettm $0x1  }
0x91: {  	s17 =	sld [smem:$0x3FFB];
	_ =	sdelay $0x3  }
0x92: {  	_ =	strace s17  }
0x93: {  	s2 =	sld [smem:$0x3FFC];
	_ =	sdelay $0x3  }
0x94: {  	_ =	strace s2  }
0x95: {  	s2 =	sld [smem:$0x3FFD];
	_ =	sdelay $0x3  }
0x96: {  	_ =	strace s2  }
0x97: {  	_ =	strace $0x8FFFFFFF  }
0x98: {  	s18 =	sld [smem:$0x3FDB];
	_ =	sdelay $0x1  }
0x99: {  	s19 =	simm.s32 $_scs_section_size  }
0x9a: {  	s4 =	simm.s32 $_size__tile_overlayer_lowered;
	s5 =	simm.s32 $_tile_overlayer_lowered  }
0x9b: {  	s22 =	simm.s32 $0x1BFF;
	s21 =	sshll.u32 s5, $0x1;
	s2 =	sadd.s32 s19, s18  }
0x9c: {  	s6 =	simm.s32 $0x0;
	s20 =	sshll.u32 s4, $0x1;
	s4 =	sadd.s32 s21, s2  }
0x9d: {  	[timem:s6], [sflag:s22] =	dma.local [hbm:s4], s20  }
0x9e: {  	_ =	swait.ge [sflag:s22], s20  }
0x9f: {  	s3 =	ssub.s32 $0x0, s20;
	[sflag:s22] =	ssyncset.done $0x0  }
0xa0: {  	[sflag:s22] =	ssyncadd.s32 s3;
	_ =	sdelay $0x1  }
0xa1: {  	s23 =	simm.s32 $0x1B8B  }
0xa2: {  	_ =	swait.ge [sflag:s23], $0x1  }
0xa3: {  	[sflag:s23] =	ssyncset.done $0x0  }
0xa4: {  	s25 =	simm.s32 $0x1B8E;
	s24 =	sld [smem:$0x3FFE];
	[sflag:s23] =	ssyncadd.s32 $0xFFFFFFFF  }
0xa5: {  	s26 =	simm.s32 $execute0_lowered;
	[smem:$0x3FD2] =	sst s25  }
0xa6: {  	s4 =	sshll.u32 s26, $0x1;
	_ =	strace $0x80000046;
	[dreg:$0x1] =	wrdreg $0xFFFFFFFF  }
0xa7: {  	s28 =	simm.s32 $_size_execute0_lowered;
	s2 =	sadd.s32 s2, s4;
	[dreg:$0x0] =	wrdreg $0x0  }
0xa8: {  	s4 =	sshll.u32 s28, $0x1;
	[dreg:$0x2] =	wrdreg s2  }
0xa9: {  	[dreg:$0x3] =	wrdreg s4  }
0xaa: {  	[dreg:$0x4] =	wrdreg $0xC0  }
0xab: {  	_ =	task [dreg:s6], $0x5FFFF  }
0xac: {  	[dreg:$0x1] =	wrdreg $0xFFFFFFFF  }
0xad: {  	[dreg:$0x0] =	wrdreg $0x60  }
0xae: {  	[dreg:$0x2] =	wrdreg s24  }
0xaf: {  	[dreg:$0x3] =	wrdreg $0x9  }
0xb0: {  	_ =	task.clear_ibuf [dreg:s6], $0x4FFFF;
	_ =	strace $0x90000046  }
0xb1: {  	s29 =	simm.s32 $0x9;
	_ =	strace $0x80000048  }
0xb2: {  	_ =	swait.ge [sflag:s29], $0x1  }
0xb3: {  	[sflag:s29] =	ssyncadd.s32 $0xFFFFFFFF  }
0xb4: {  	_ =	strace $0x90000048  }
0xb5: {  	_ =	sfence  }
0xb6: {  	s30 =	sld [smem:$0x0];
	_ =	sdelay $0x2  }
0xb7: {  	s31 =	sshll.u32 s1, $0xD;
	s1 =	sshrl.u32 s1, $0x2  }
0xb8: {  	s3 =	sand.u32 $0x4000, s31;
	s1 =	sadd.s32 s1, s30  }
0xb9: {  	s0 =	sor.u32 s3, s0;
	s1 =	sshll.u32 s1, $0x11  }
0xba: {  	s0 =	sor.u32 s1, s0  }
0xbb: {  	s0 =	sadd.s32 $0x8F2B, s0  }
0xbc: {  	[sflag:s0] =	ssyncadd.remote.s32 $0x1  }
0xbd: {  	_ =	sfence.sel $0xFFFF  }
0xbe: {  	[dreg:$0x0] =	wrdreg $0xFFFFFFFF;
	(pc) =	sbr.abs _section_cstart, $3  }
0xbf: {  	[dreg:$0x1] =	wrdreg $0xFFFFFFFF  }
0xc0: {  	_ =	task.clear_ibuf [dreg:s6], $0x2FFFF;
	_ =	strace $0x9FFFFFFF  }
0xc1: {  	(tm) =	ssettm $0x7FFFFFFF  }
tec
execute0_lowered:
.L_overlay_start_1:
0x0: {  	(tag) =	ssettag $0x1  }
0x1: {  	s0 =	rddreg [dreg:$0x0]  }
0x2: {  	s2 =	simm.s32 $0x0;
	s1 =	srdreg.scid;
	s5 =	stileid.u32  }
0x3: {  	s28 =	simm.s32 $0x320;
	s29 =	simm.s32 $0x6720;
	s30 =	simm.s32 $0xCB20  }
0x4: {  	s31 =	simm.s32 $0xD7A0;
	[smem:$0x7FF] =	sst s2;
	s3 =	sadd.s32 $0x12C00, s0  }
0x5: {  	s1 =	sand.u32 $0x1, s1;
	s6 =	sshll.u32 s5, $0x1;
	s4 =	sadd.s32 $0x3C00, s0  }
0x6: {  	s15 =	sadd.s32 $0xDC00, s0;
	s22 =	sadd.s32 $0x8C00, s0;
	s9 =	sadd.s32 $0xC2A00, s0  }
0x7: {  	s10 =	sadd.s32 $0x74800, s0;
	s0 =	sadd.s32 $0x26600, s0;
	s13 =	smul.u32 $0x2710, s5  }
0x8: {  	s20 =	smul.u32 $0x27100, s5;
	_ =	strace $0x80000047;
	s8 =	ssub.s32 $0x2, s1  }
0x9: {  	s7 =	sor.u32 s1, s6;
	s14 =	smul.u32 $0x1388, s1;
	s11 =	sshrl.u32 s8, $0x1  }
0xa: {  	[dreg:$0x2] =	wrdreg s22;
	s7 =	smul.u32 $0x1388, s7;
	s8 =	ssub.s32 s8, s11  }
0xb: {  	s16 =	sadd.s32 s14, s13;
	s13 =	simm.s32 $0x4;
	s14 =	simm.s32 $0x2  }
0xc: {  	s23 =	sshrl.u32 s7, $0x3;
	s24 =	sadd.s32 $0xC8, s7;
	s7 =	sadd.s32 $0x12C0, s7  }
0xd: {  	s17 =	sadd.s32 $0x258, s16;
	s8 =	smax.u32 s8, $0x1;
	s21 =	sshll.u32 s16, $0x1  }
0xe: {  	s12 =	sadd.s32 s15, s23;
	s11 =	sadd.s32 s22, s23;
	s26 =	sshll.u32 s7, $0x4  }
0xf: {  	s7 =	sshll.u32 s7, $0x1;
	s19 =	sshrl.u32 s17, $0x3;
	[dreg:$0xb] =	wrdreg s8  }
0x10: {  	s8 =	sadd.s32 s20, s9;
	s23 =	smul.u32 $0x4E20, s5;
	[dreg:$0x3] =	wrdreg s12  }
0x11: {  	s12 =	sshrl.u32 s24, $0x3;
	[dreg:$0x4] =	wrdreg s11;
	s11 =	sadd.s32 s9, s26  }
0x12: {  	s18 =	sadd.s32 s10, s7;
	s7 =	sadd.s32 s0, s7;
	[dreg:$0x7] =	wrdreg s11  }
0x13: {  	s6 =	sadd.s32 s19, s22;
	s9 =	simm.s32 $0x40;
	[dreg:$0x9] =	wrdreg s18  }
0x14: {  	s25 =	sadd.s32 s15, s12;
	s12 =	sadd.s32 s22, s12;
	[dreg:$0xa] =	wrdreg s7  }
0x15: {  	[dreg:$0xc] =	wrdreg s6;
	s6 =	smov.u32 s15;
	s22 =	smul.u32 $0x13880, s1  }
0x16: {  	s7 =	sadd.s32 s19, s15;
	s1 =	smul.u32 $0x2710, s1;
	[dreg:$0x5] =	wrdreg s25  }
0x17: {  	s26 =	sadd.s32 s23, s10;
	[dreg:$0x6] =	wrdreg s12;
	s12 =	sadd.s32 $0x8, s11  }
0x18: {  	[dreg:$0xd] =	wrdreg s7;
	s7 =	sadd.s32 $0x190, s21;
	s25 =	sadd.s32 $0x190, s16  }
0x19: {  	s11 =	simm.s32 $0x0;
	[dreg:$0x8] =	wrdreg s12;
	s8 =	sadd.s32 s22, s8  }
0x1a: {  	s18 =	sadd.s32 s7, s10;
	s19 =	sadd.s32 s7, s0;
	s0 =	sadd.s32 s23, s0  }
.Ltmp0:
0x1b: {  	[dreg:$0xf] =	wrdreg s25;
	s23 =	sadd.s32 s1, s26;
	(pc) =	sbr.rel .LBB2_1-.Ltmp0, $4  }
0x1c: {  	s25 =	simm.s32 $0x3;
	s26 =	simm.s32 $0xC8;
	s7 =	simm.s32 $0x9920  }
0x1d: {  	s10 =	simm.s32 $0x80;
	s12 =	simm.s32 $0x5;
	s24 =	sadd.s32 $0xC88, s8  }
0x1e: {  	s22 =	sadd.s32 s1, s0;
	s0 =	simm.s32 $0x258;
	s1 =	simm.s32 $0x3520  }
0x1f: {  	s8 =	simm.s32 $0x1;
	[dreg:$0xe] =	wrdreg s24;
	s24 =	simm.s32 $0x190  }
.LBB2_4:
0x20: {  	_ =	swait.ge [sflag:s8], $0x3200  }
0x21: {  	[sflag:s8] =	ssyncset.done $0x0  }
0x22: {  	[sflag:s8] =	ssyncadd.s32 $0xFFFFCE00  }
0x23: {  	_ =	swait.ge [sflag:s8], $0x3200  }
0x24: {  	[sflag:s8] =	ssyncset.done $0x0  }
0x25: {  	s5 =	rddreg [dreg:$0x7];
	[sflag:s8] =	ssyncadd.s32 $0xFFFFCE00  }
0x26: {  	[hbm4b:s5+s9] =	stream.strided.scatter [tilespmem:s28], [sflag:$0x5], $0x3200, s10, s9, $0x38;
	[tilespmem:$0xE420] =	vst v63  }
0x27: {  	_ =	swait.ge [sflag:s12], $0x3200  }
0x28: {  	[sflag:s12] =	ssyncset.done $0x0  }
0x29: {  	s16 =	rddreg [dreg:$0x8];
	[sflag:s12] =	ssyncadd.s32 $0xFFFFCE00  }
0x2a: {  	[hbm4b:s16+s9] =	stream.strided.scatter [tilespmem:s29], [sflag:$0x5], $0x3200, s10, s9, $0x38;
	[tilespmem:$0xE420] =	vst v63  }
0x2b: {  	_ =	swait.ge [sflag:s12], $0x3200  }
0x2c: {  	[sflag:s12] =	ssyncset.done $0x0  }
0x2d: {  	[sflag:s12] =	ssyncadd.s32 $0xFFFFCE00  }
0x2e: {  	_ =	swait.ge [sflag:s13], $0xC80  }
0x2f: {  	[sflag:s13] =	ssyncset.done $0x0  }
0x30: {  	[sflag:s13] =	ssyncadd.s32 $0xFFFFF380  }
0x31: {  	_ =	swait.ge [sflag:s13], $0xC80  }
0x32: {  	[sflag:s13] =	ssyncset.done $0x0  }
0x33: {  	s17 =	rddreg [dreg:$0x9];
	[sflag:s13] =	ssyncadd.s32 $0xFFFFF380  }
0x34: {  	[hbm4b:s17+s2] =	stream.linear.scatter [tilespmem:s30], [sflag:$0x5], $0xC80, $0x38;
	[tilespmem:$0xE420] =	vst v63  }
0x35: {  	_ =	swait.ge [sflag:s12], $0xC80  }
0x36: {  	[sflag:s12] =	ssyncset.done $0x0  }
0x37: {  	s20 =	rddreg [dreg:$0xa];
	[sflag:s12] =	ssyncadd.s32 $0xFFFFF380  }
0x38: {  	[hbm4b:s20+s2] =	stream.linear.scatter [tilespmem:s31], [sflag:$0x5], $0xC80, $0x38;
	[tilespmem:$0xE420] =	vst v63  }
0x39: {  	_ =	swait.ge [sflag:s12], $0xC80  }
0x3a: {  	s11 =	rddreg [dreg:$0x10]  }
0x3b: {  	s21 =	rddreg [dreg:$0xb];
	s11 =	sadd.s32 $0x1, s11  }
0x3c: {  	p0 =	sne.s32 s11, s21  }
.Ltmp1:
0x3d: {  	_ = 	snop;
	(pc) =	sbr.rel @!p0 .LBB2_5-.Ltmp1, $3  }
0x3e: {  	_ =	sdelay $0x1  }
0x3f: {  	[sflag:s12] =	ssyncset.done $0x0  }
0x40: {  	[sflag:s12] =	ssyncadd.s32 $0xFFFFF380  }
.LBB2_1:
0x41: {  	[dreg:$0x10] =	wrdreg s11  }
0x42: {  	s5 =	rddreg [dreg:$0x3]  }
0x43: {  	[tilespmem:s2], [sflag:$0x3] =	stream.linear.gather [hbm4b:s5+s2], $0xC8, $0x38;
	[tilespmem:$0xE420] =	vst v63  }
0x44: {  	s17 =	rddreg [dreg:$0x4]  }
0x45: {  	[tilespmem:s24], [sflag:$0x3] =	stream.linear.gather [hbm4b:s17+s2], $0xC8, $0x38;
	[tilespmem:$0xE420] =	vst v63  }
0x46: {  	_ =	swait.ge [sflag:s25], $0xC8  }
0x47: {  	[sflag:s25] =	ssyncset.done $0x0  }
0x48: {  	[sflag:s25] =	ssyncadd.s32 $0xFFFFFF38  }
0x49: {  	_ =	swait.ge [sflag:s25], $0xC8  }
0x4a: {  	[sflag:s25] =	ssyncset.done $0x0  }
0x4b: {  	[sflag:s25] =	ssyncadd.s32 $0xFFFFFF38  }
0x4c: {  	[tilespmem:s28], [sflag:$0x1] =	stream.indirect.gather [hbm4b:s3+s26], $0x40, s2, s26, $0xb8;
	[tilespmem:$0xE420] =	vst v63  }
0x4d: {  	s20 =	rddreg [dreg:$0x5]  }
0x4e: {  	[tilespmem:s29], [sflag:$0x1] =	stream.indirect.gather [hbm4b:s3+s26], $0x40, s24, s26, $0xb8;
	[tilespmem:$0xE420] =	vst v63  }
0x4f: {  	s21 =	rddreg [dreg:$0x6]  }
0x50: {  	[tilespmem:s30], [sflag:$0x4] =	stream.indirect.gather [hbm4b:s4+s26], $0x10, s2, s26, $0xb8;
	[tilespmem:$0xE420] =	vst v63  }
0x51: {  	s16 =	rddreg [dreg:$0xd]  }
0x52: {  	[tilespmem:s31], [sflag:$0x4] =	stream.indirect.gather [hbm4b:s4+s26], $0x10, s24, s26, $0xb8;
	[tilespmem:$0xE420] =	vst v63  }
0x53: {  	s15 =	rddreg [dreg:$0xc]  }
0x54: {  	[tilespmem:s26], [sflag:$0x3] =	stream.linear.gather [hbm4b:s20+s2], $0xC8, $0x38;
	[tilespmem:$0xE420] =	vst v63  }
0x55: {  	s20 =	rddreg [dreg:$0xe]  }
0x56: {  	[tilespmem:s0], [sflag:$0x3] =	stream.linear.gather [hbm4b:s21+s2], $0xC8, $0x38;
	[tilespmem:$0xE420] =	vst v63  }
0x57: {  	s17 =	simm.s32 $0x0;
	s21 =	rddreg [dreg:$0xf]  }
.LBB2_2:
0x58: {  	_ =	swait.ge [sflag:s25], $0xC8  }
0x59: {  	[sflag:s25] =	ssyncset.done $0x0  }
0x5a: {  	[sflag:s25] =	ssyncadd.s32 $0xFFFFFF38  }
0x5b: {  	_ =	swait.ge [sflag:s25], $0xC8  }
0x5c: {  	[sflag:s25] =	ssyncset.done $0x0  }
0x5d: {  	[sflag:s25] =	ssyncadd.s32 $0xFFFFFF38  }
0x5e: {  	[tilespmem:s1], [sflag:$0x2] =	stream.indirect.gather [hbm4b:s3+s26], $0x40, s26, s26, $0xb8;
	[tilespmem:$0xE420] =	vst v63  }
0x5f: {  	_ = 	snop  }
0x60: {  	[tilespmem:s7], [sflag:$0x2] =	stream.indirect.gather [hbm4b:s3+s26], $0x40, s0, s26, $0xb8;
	[tilespmem:$0xE420] =	vst v63  }
0x61: {  	_ =	swait.ge [sflag:s8], $0x3200  }
0x62: {  	[sflag:s8] =	ssyncset.done $0x0  }
0x63: {  	[sflag:s8] =	ssyncadd.s32 $0xFFFFCE00  }
0x64: {  	_ =	swait.ge [sflag:s8], $0x3200  }
0x65: {  	[sflag:s8] =	ssyncset.done $0x0  }
0x66: {  	s11 =	sadd.s32 $0xFFFFF378, s20;
	[sflag:s8] =	ssyncadd.s32 $0xFFFFCE00  }
0x67: {  	[hbm4b:s11+s9] =	stream.strided.scatter [tilespmem:s28], [sflag:$0x5], $0x3200, s10, s9, $0x38;
	[tilespmem:$0xE420] =	vst v63  }
0x68: {  	_ =	swait.ge [sflag:s12], $0x3200  }
0x69: {  	[sflag:s12] =	ssyncset.done $0x0  }
0x6a: {  	s5 =	sadd.s32 $0xFFFFF380, s20;
	[sflag:s12] =	ssyncadd.s32 $0xFFFFCE00  }
0x6b: {  	[hbm4b:s5+s9] =	stream.strided.scatter [tilespmem:s29], [sflag:$0x5], $0x3200, s10, s9, $0x38;
	[tilespmem:$0xE420] =	vst v63  }
0x6c: {  	_ =	swait.ge [sflag:s12], $0x3200  }
0x6d: {  	[sflag:s12] =	ssyncset.done $0x0  }
0x6e: {  	[sflag:s12] =	ssyncadd.s32 $0xFFFFCE00  }
0x6f: {  	_ =	swait.ge [sflag:s13], $0xC80  }
0x70: {  	[sflag:s13] =	ssyncset.done $0x0  }
0x71: {  	[sflag:s13] =	ssyncadd.s32 $0xFFFFF380  }
0x72: {  	_ =	swait.ge [sflag:s13], $0xC80  }
0x73: {  	[sflag:s13] =	ssyncset.done $0x0  }
0x74: {  	s5 =	sadd.s32 s17, s23;
	[sflag:s13] =	ssyncadd.s32 $0xFFFFF380  }
0x75: {  	[hbm4b:s5+s2] =	stream.linear.scatter [tilespmem:s30], [sflag:$0x5], $0xC80, $0x38;
	[tilespmem:$0xE420] =	vst v63  }
0x76: {  	_ =	swait.ge [sflag:s12], $0xC80  }
0x77: {  	[sflag:s12] =	ssyncset.done $0x0  }
0x78: {  	s5 =	sadd.s32 s17, s22;
	[sflag:s12] =	ssyncadd.s32 $0xFFFFF380  }
0x79: {  	[hbm4b:s5+s2] =	stream.linear.scatter [tilespmem:s31], [sflag:$0x5], $0xC80, $0x38;
	[tilespmem:$0xE420] =	vst v63  }
0x7a: {  	_ =	swait.ge [sflag:s12], $0xC80  }
0x7b: {  	[sflag:s12] =	ssyncset.done $0x0  }
0x7c: {  	[sflag:s12] =	ssyncadd.s32 $0xFFFFF380  }
0x7d: {  	[tilespmem:s30], [sflag:$0x4] =	stream.indirect.gather [hbm4b:s4+s26], $0x10, s26, s26, $0xb8;
	[tilespmem:$0xE420] =	vst v63  }
0x7e: {  	s11 =	sshrl.u32 s21, $0x3  }
0x7f: {  	[tilespmem:s31], [sflag:$0x4] =	stream.indirect.gather [hbm4b:s4+s26], $0x10, s0, s26, $0xb8;
	[tilespmem:$0xE420] =	vst v63  }
0x80: {  	s5 =	sadd.s32 s6, s11  }
0x81: {  	[tilespmem:s2], [sflag:$0x3] =	stream.linear.gather [hbm4b:s5+s2], $0xC8, $0x38;
	[tilespmem:$0xE420] =	vst v63  }
0x82: {  	s5 =	rddreg [dreg:$0x2]  }
0x83: {  	s5 =	sadd.s32 s5, s11  }
0x84: {  	[tilespmem:s24], [sflag:$0x3] =	stream.linear.gather [hbm4b:s5+s2], $0xC8, $0x38;
	[tilespmem:$0xE420] =	vst v63  }
0x85: {  	_ =	swait.ge [sflag:s25], $0xC8  }
0x86: {  	[sflag:s25] =	ssyncset.done $0x0  }
0x87: {  	[sflag:s25] =	ssyncadd.s32 $0xFFFFFF38  }
0x88: {  	_ =	swait.ge [sflag:s25], $0xC8  }
0x89: {  	[sflag:s25] =	ssyncset.done $0x0  }
0x8a: {  	[sflag:s25] =	ssyncadd.s32 $0xFFFFFF38  }
0x8b: {  	[tilespmem:s28], [sflag:$0x1] =	stream.indirect.gather [hbm4b:s3+s26], $0x40, s2, s26, $0xb8;
	[tilespmem:$0xE420] =	vst v63  }
0x8c: {  	_ = 	snop  }
0x8d: {  	[tilespmem:s29], [sflag:$0x1] =	stream.indirect.gather [hbm4b:s3+s26], $0x40, s24, s26, $0xb8;
	[tilespmem:$0xE420] =	vst v63  }
0x8e: {  	_ =	swait.ge [sflag:s14], $0x3200  }
0x8f: {  	[sflag:s14] =	ssyncset.done $0x0  }
0x90: {  	[sflag:s14] =	ssyncadd.s32 $0xFFFFCE00  }
0x91: {  	_ =	swait.ge [sflag:s14], $0x3200  }
0x92: {  	[sflag:s14] =	ssyncset.done $0x0  }
0x93: {  	s11 =	sadd.s32 $0xFFFFFFF8, s20;
	[sflag:s14] =	ssyncadd.s32 $0xFFFFCE00  }
0x94: {  	[hbm4b:s11+s9] =	stream.strided.scatter [tilespmem:s1], [sflag:$0x5], $0x3200, s10, s9, $0x38;
	[tilespmem:$0xE420] =	vst v63  }
0x95: {  	_ =	swait.ge [sflag:s12], $0x3200  }
0x96: {  	[sflag:s12] =	ssyncset.done $0x0  }
0x97: {  	[sflag:s12] =	ssyncadd.s32 $0xFFFFCE00  }
0x98: {  	[hbm4b:s20+s9] =	stream.strided.scatter [tilespmem:s7], [sflag:$0x5], $0x3200, s10, s9, $0x38;
	[tilespmem:$0xE420] =	vst v63  }
0x99: {  	_ =	swait.ge [sflag:s12], $0x3200  }
0x9a: {  	[sflag:s12] =	ssyncset.done $0x0  }
0x9b: {  	[sflag:s12] =	ssyncadd.s32 $0xFFFFCE00  }
0x9c: {  	_ =	swait.ge [sflag:s13], $0xC80  }
0x9d: {  	[sflag:s13] =	ssyncset.done $0x0  }
0x9e: {  	[sflag:s13] =	ssyncadd.s32 $0xFFFFF380  }
0x9f: {  	_ =	swait.ge [sflag:s13], $0xC80  }
0xa0: {  	[sflag:s13] =	ssyncset.done $0x0  }
0xa1: {  	s11 =	sadd.s32 s17, s18;
	[sflag:s13] =	ssyncadd.s32 $0xFFFFF380  }
0xa2: {  	[hbm4b:s11+s2] =	stream.linear.scatter [tilespmem:s30], [sflag:$0x5], $0xC80, $0x38;
	[tilespmem:$0xE420] =	vst v63  }
0xa3: {  	_ =	swait.ge [sflag:s12], $0xC80  }
0xa4: {  	[sflag:s12] =	ssyncset.done $0x0  }
0xa5: {  	s11 =	sadd.s32 s17, s19;
	[sflag:s12] =	ssyncadd.s32 $0xFFFFF380  }
0xa6: {  	[hbm4b:s11+s2] =	stream.linear.scatter [tilespmem:s31], [sflag:$0x5], $0xC80, $0x38;
	[tilespmem:$0xE420] =	vst v63  }
0xa7: {  	p0 =	seq.s32 s17, $0x2260;
	_ =	swait.ge [sflag:s12], $0xC80  }
.Ltmp2:
0xa8: {  	[sflag:s12] =	ssyncset.done $0x0;
	(pc) =	sbr.rel @p0 .LBB2_4-.Ltmp2, $4  }
0xa9: {  	[sflag:s12] =	ssyncadd.s32 $0xFFFFF380  }
0xaa: {  	[tilespmem:s30], [sflag:$0x4] =	stream.indirect.gather [hbm4b:s4+s26], $0x10, s2, s26, $0xb8;
	[tilespmem:$0xE420] =	vst v63  }
0xab: {  	_ = 	snop  }
0xac: {  	[tilespmem:s31], [sflag:$0x4] =	stream.indirect.gather [hbm4b:s4+s26], $0x10, s24, s26, $0xb8;
	[tilespmem:$0xE420] =	vst v63  }
.Ltmp3:
0xad: {  	(pc) =	sbr.rel .LBB2_2-.Ltmp3, $4  }
0xae: {  	[tilespmem:s26], [sflag:$0x3] =	stream.linear.gather [hbm4b:s16+s2], $0xC8, $0x38;
	[tilespmem:$0xE420] =	vst v63  }
0xaf: {  	s16 =	sadd.s32 $0x32, s16;
	s17 =	sadd.s32 $0x320, s17  }
0xb0: {  	[tilespmem:s0], [sflag:$0x3] =	stream.linear.gather [hbm4b:s15+s2], $0xC8, $0x38;
	[tilespmem:$0xE420] =	vst v63  }
0xb1: {  	s20 =	sadd.s32 $0x1900, s20;
	s21 =	sadd.s32 $0x190, s21;
	s15 =	sadd.s32 $0x32, s15  }
.LBB2_5:
0xb2: {  	_ =	sfence.sel $0x180000  }
0xb3: {  	[bflag:$0x0] =	sbarrier.arrive $0xFFFF  }
0xb4: {  	_ =	strace $0x90000047  }
0xb5: {  	s0 =	stileid.u32;
	[bflag:$0x2] =	sbarrier.arrive $0xFFFF  }
0xb6: {  	p0 =	sne.s32 s0, $0x0;
	s0 =	rddreg [dreg:$0x1]  }
0xb7: {  	s0 =	sadd.s32 @!p0 $0x100000, s0  }
0xb8: {  	[sflag:s0] =	ssyncadd.tile.s32 @!p0 $0x1;
	_ =	shalt  }
.Lfunc_end2:
_tile_overlayer_lowered:
.L_overlay_start_2:
0xb9: {  	(tag) =	ssettag $0x2  }
0xba: {  	s0 =	rddreg [dreg:$0x0];
	s2 =	stileid.u32  }
0xbb: {  	s1 =	rddreg [dreg:$0x1];
	p0 =	sne.s32 s2, $0x0  }
0xbc: {  	s3 =	rddreg [dreg:$0x2];
	[bflag:$0x3] =	sbarrier.arrive $0xFFFF;
	s2 =	simm.s32 @!p0 $0x1C05  }
0xbd: {  	[timem:s3], [sflag:s2] =	dma.local @!p0 [hbm:s0], s1  }
0xbe: {  	s0 =	simm.s32 @!p0 $0x5  }
0xbf: {  	_ =	swait.ge @!p0 [sflag:s0], s1  }
0xc0: {  	s1 =	ssub.s32 @!p0 $0x0, s1;
	[sflag:s0] =	ssyncset.done @!p0 $0x0  }
0xc1: {  	[sflag:s0] =	ssyncadd.s32 @!p0 s1  }
0xc2: {  	[bflag:$0x3] =	sbarrier.arrive $0xFFFF  }
0xc3: {  	_ =	shalt  }

</sc_bundles>
